<compile_context>
chip_gen: v7x
topology: tpu7x:2x2x1
jax: 0.10.2.dev20260603
libtpu: 0.0.44.dev20260713+nightly
codegen_flags: <defaults>
</compile_context>

<pallas_src>
import jax
import jax.numpy as jnp
from jax import lax
from jax.experimental import pallas as pl
from jax.experimental.pallas import tpu as pltpu
from jax.experimental.pallas import tpu_sc as plsc

HID = 64
NH = 8
CH = HID // NH
N = 50000
E = 800000
NBLK = 400
W72 = HID + NH

HALF = 25088
NPAD = 2 * HALF
SENT = HALF
ACCR = HALF + 8
NSUB = 16
EPT = E // NSUB
CHUNK = 1000
NCHUNK = EPT // CHUNK
G = 128
CAPC = 1024
OUTR = HALF // NSUB


def _ln(x, g, b, eps=1e-5):
    mu = x.mean(-1, keepdims=True)
    var = ((x - mu) ** 2).mean(-1, keepdims=True)
    return (x - mu) * lax.rsqrt(var + eps) * g + b



def _pre_from(xn_like, w, asrc, adst, rw):
    xw = xn_like @ w
    x3 = xw.reshape(NBLK, NH, CH)
    a_s = (x3 * asrc[None]).sum(-1)
    a_d = (x3 * adst[None]).sum(-1)
    tbl = jnp.concatenate([xw, a_s], axis=-1)
    asad = jnp.concatenate([a_s, a_d], axis=-1)
    res = xn_like @ rw
    return tbl, asad, res


def _fc_pre_body(ps_ref, pf_ref, pb_ref, fg_ref, fb_ref, fw_ref, fbias_ref,
                 lg_ref, lb_ref, w_ref, asrc_ref, adst_ref, rw_ref,
                 tbl_ref, asad_ref, res_ref):
    cat = jnp.concatenate([ps_ref[...], pf_ref[...], pb_ref[...]], axis=-1)
    h = _ln(cat, fg_ref[...], fb_ref[...])
    x = h @ fw_ref[...] + fbias_ref[...]
    xn = _ln(x, lg_ref[...], lb_ref[...])
    tbl, asad, res = _pre_from(xn, w_ref[...], asrc_ref[...], adst_ref[...],
                               rw_ref[...])
    tbl_ref[...] = tbl
    asad_ref[...] = asad
    res_ref[...] = res


def _fc_pre(ps, pf, pb, fg, fb, fw, fbias, lg, lb, w, a_src, a_dst, res_w):
    blk = lambda c: pl.BlockSpec((NBLK, c), lambda i: (i, 0))
    full = lambda shape: pl.BlockSpec(shape, lambda i: tuple(0 for _ in shape))
    return pl.pallas_call(
        _fc_pre_body,
        grid=(N // NBLK,),
        in_specs=[blk(HID), blk(HID), blk(HID),
                  full((3 * HID,)), full((3 * HID,)), full((3 * HID, HID)),
                  full((HID,)), full((HID,)), full((HID,)), full((HID, HID)),
                  full((NH, CH)), full((NH, CH)), full((HID, HID))],
        out_specs=(blk(W72), blk(2 * NH), blk(HID)),
        out_shape=(jax.ShapeDtypeStruct((N, W72), jnp.float32),
                   jax.ShapeDtypeStruct((N, 2 * NH), jnp.float32),
                   jax.ShapeDtypeStruct((N, HID), jnp.float32)),
    )(ps, pf, pb, fg, fb, fw, fbias, lg, lb, w, a_src, a_dst, res_w)


def _fin_u(accden, tbl, asad, res, bias):
    rep = jnp.kron(jnp.eye(NH, dtype=jnp.float32),
                   jnp.ones((1, CH), jnp.float32))
    a = asad[:, :NH] + asad[:, NH:]
    a = jnp.where(a >= 0, a, 0.2 * a)
    exs = jnp.exp(a)
    den = (accden[:, HID:] + exs) @ rep
    acc = accden[:, :HID] + tbl[:, :HID] * (exs @ rep)
    return acc / den + res + bias


def _fin_pre_body(accden_ref, tbl1_ref, asad1_ref, res1_ref, bias1_ref,
                  lg_ref, lb_ref, w_ref, asrc_ref, adst_ref, rw_ref,
                  tbl_ref, asad_ref, res_ref):
    u1 = _fin_u(accden_ref[...], tbl1_ref[...], asad1_ref[...], res1_ref[...],
                bias1_ref[...])
    xn = _ln(u1, lg_ref[...], lb_ref[...])
    tbl, asad, res = _pre_from(xn, w_ref[...], asrc_ref[...], adst_ref[...],
                               rw_ref[...])
    tbl_ref[...] = tbl
    asad_ref[...] = asad
    res_ref[...] = res


def _fin_pre(accden, tbl1, asad1, res1, bias1, lg, lb, w, a_src, a_dst,
             res_w):
    blk = lambda c: pl.BlockSpec((NBLK, c), lambda i: (i, 0))
    full = lambda shape: pl.BlockSpec(shape, lambda i: tuple(0 for _ in shape))
    return pl.pallas_call(
        _fin_pre_body,
        grid=(N // NBLK,),
        in_specs=[blk(W72), blk(W72), blk(2 * NH), blk(HID), full((HID,)),
                  full((HID,)), full((HID,)), full((HID, HID)),
                  full((NH, CH)), full((NH, CH)), full((HID, HID))],
        out_specs=(blk(W72), blk(2 * NH), blk(HID)),
        out_shape=(jax.ShapeDtypeStruct((N, W72), jnp.float32),
                   jax.ShapeDtypeStruct((N, 2 * NH), jnp.float32),
                   jax.ShapeDtypeStruct((N, HID), jnp.float32)),
    )(accden, tbl1, asad1, res1, bias1, lg, lb, w, a_src, a_dst, res_w)


def _fin_body(accden_ref, tbl_ref, asad_ref, res_ref, bias_ref, o_ref):
    o_ref[...] = _fin_u(accden_ref[...], tbl_ref[...], asad_ref[...],
                        res_ref[...], bias_ref[...])


def _finalize(accden, tbl, asad, res, bias):
    blk = lambda c: pl.BlockSpec((NBLK, c), lambda i: (i, 0))
    full = lambda shape: pl.BlockSpec(shape, lambda i: tuple(0 for _ in shape))
    return pl.pallas_call(
        _fin_body,
        grid=(N // NBLK,),
        in_specs=[blk(W72), blk(W72), blk(2 * NH), blk(HID), full((HID,))],
        out_specs=pl.BlockSpec((NBLK, HID), lambda i: (i, 0)),
        out_shape=jax.ShapeDtypeStruct((N, HID), jnp.float32),
    )(accden, tbl, asad, res, bias)



def _edge_body(src_hbm, dst_hbm, tbl_hbm, asad_hbm, z72_hbm,
               accden_hbm,
               accden_sh, sbuf, dbuf, csrc, cdl, slb, gdb, dlb,
               xwr, drows, sems):
    c = lax.axis_index("c")
    s = lax.axis_index("s")
    base = c * HALF
    i32 = jnp.int32
    iota = lax.broadcasted_iota(i32, (16,), 0)
    lane8 = iota & 7
    half_i = iota >> 3

    r0 = s * OUTR
    pltpu.sync_copy(z72_hbm, accden_sh.at[pl.ds(r0, OUTR)])

    @pl.when(s == NSUB - 1)
    def _zero_sentinel():
        pltpu.sync_copy(z72_hbm.at[pl.ds(0, 8)], accden_sh.at[pl.ds(HALF, 8)])

    def _pre_src(i, carry):
        csrc[pl.ds(i * 16, 16)] = jnp.zeros((16,), i32)
        return carry
    lax.fori_loop(0, CAPC // 16, _pre_src, 0)

    plsc.subcore_barrier()

    def _chunk(k, carry):
        e0 = s * EPT + k * CHUNK
        pltpu.sync_copy(src_hbm.at[pl.ds(e0, CHUNK)], sbuf.at[pl.ds(0, CHUNK)])
        pltpu.sync_copy(dst_hbm.at[pl.ds(e0, CHUNK)], dbuf.at[pl.ds(0, CHUNK)])

        def _pre(i, carry2):
            cdl[pl.ds(i * 16, 16)] = jnp.full((16,), SENT, i32)
            return carry2
        lax.fori_loop(0, CAPC // 16, _pre, 0)

        def _filt(i, cnt):
            d = dbuf[pl.ds(i * 16, 16)]
            dl = d - base
            m = (dl >= 0) & (dl < HALF) & (i * 16 + iota < CHUNK)
            sv = sbuf[pl.ds(i * 16, 16)]
            csum = plsc.cumsum(m.astype(i32))
            pos = cnt + csum - 1
            plsc.store_scatter(cdl, [pos], dl, mask=m)
            plsc.store_scatter(csrc, [pos], sv, mask=m)
            return cnt + jnp.max(csum)
        cnt = lax.fori_loop(0, (CHUNK + 15) // 16, _filt, i32(0))

        nb = (cnt + 63) >> 6

        def _stage_fire(b, h):
            xh = xwr.at[pl.ds(h * 64, 64)]
            dh = drows.at[pl.ds(h * 64, 64)]

            def _cp(j, carry4):
                dv = cdl[pl.ds(b * 64 + j * 16, 16)]
                dlb[h, pl.ds(j * 16, 16)] = dv
                gdb[h, pl.ds(j * 16, 16)] = dv + base
                slb[h, pl.ds(j * 16, 16)] = csrc[pl.ds(b * 64 + j * 16, 16)]
                return carry4
            lax.fori_loop(0, 4, _cp, 0)
            pltpu.async_copy(tbl_hbm.at[slb.at[h]], xh, sems[h])
            pltpu.async_copy(asad_hbm.at[gdb.at[h]], dh, sems[h])

        def _work(h):
            xh = xwr.at[pl.ds(h * 64, 64)]
            dh = drows.at[pl.ds(h * 64, 64)]
            pltpu.make_async_copy(tbl_hbm.at[slb.at[h]], xh, sems[h]).wait()
            pltpu.make_async_copy(asad_hbm.at[gdb.at[h]], dh, sems[h]).wait()

            @plsc.parallel_loop(0, 32, unroll=4)
            def _pair(j):
                ra = h * 64 + 2 * j
                r2 = ra + half_i
                a_s2 = plsc.load_gather(xwr, [r2, HID + lane8])
                a_d2 = plsc.load_gather(drows, [r2, lane8 + 8])
                a = a_s2 + a_d2
                a = jnp.where(a >= 0, a, 0.2 * a)
                e2 = jnp.exp(a)
                plsc.store_scatter(xwr, [r2, HID + lane8], e2)
                for q in range(4):
                    exa = e2[2 * q + half_i]
                    exv = e2[8 + 2 * q + half_i]
                    xa = xwr[ra, pl.ds(q * 16, 16)]
                    xb = xwr[ra + 1, pl.ds(q * 16, 16)]
                    xwr[ra, pl.ds(q * 16, 16)] = xa * exa
                    xwr[ra + 1, pl.ds(q * 16, 16)] = xb * exv

            pltpu.sync_copy(xh, accden_sh.at[dlb.at[h]], add=True)

        @pl.when(nb > 0)
        def _prologue0():
            _stage_fire(i32(0), 0)

        @pl.when(nb > 1)
        def _prologue1():
            _stage_fire(i32(1), 1)

        def _istep(i, carry3):
            b0 = 2 * i

            @pl.when(b0 < nb)
            def _h0():
                _work(0)

                @pl.when(b0 + 2 < nb)
                def _():
                    _stage_fire(b0 + 2, 0)

            @pl.when(b0 + 1 < nb)
            def _h1():
                _work(1)

                @pl.when(b0 + 3 < nb)
                def _():
                    _stage_fire(b0 + 3, 1)
            return carry3
        lax.fori_loop(0, (nb + 1) >> 1, _istep, 0)
        return carry
    lax.fori_loop(0, NCHUNK, _chunk, 0)

    plsc.subcore_barrier()

    pltpu.sync_copy(accden_sh.at[pl.ds(r0, OUTR)],
                    accden_hbm.at[pl.ds(base + r0, OUTR)])


def _edge_call(src, dst, tbl, asad, z72):
    f32 = jnp.float32
    mesh = plsc.VectorSubcoreMesh(core_axis_name="c", subcore_axis_name="s")
    return pl.kernel(
        _edge_body,
        jax.ShapeDtypeStruct((NPAD, W72), f32),
        mesh=mesh,
        compiler_params=pltpu.CompilerParams(needs_layout_passes=False,
                                             use_tc_tiling_on_sc=False),
        scratch_types=[
            pltpu.VMEM_SHARED((ACCR, W72), f32),
            pltpu.VMEM((CHUNK + 8,), jnp.int32),
            pltpu.VMEM((CHUNK + 8,), jnp.int32),
            pltpu.VMEM((CAPC,), jnp.int32),
            pltpu.VMEM((CAPC,), jnp.int32),
            pltpu.VMEM((2, 64), jnp.int32),
            pltpu.VMEM((2, 64), jnp.int32),
            pltpu.VMEM((2, 64), jnp.int32),
            pltpu.VMEM((G, W72), f32),
            pltpu.VMEM((G, 2 * NH), f32),
            (pltpu.SemaphoreType.DMA, pltpu.SemaphoreType.DMA),
        ],
    )(src, dst, tbl, asad, z72)



def kernel(u_proj, ps_proj, pf_proj, pb_proj, edge_index, fc_ln_g, fc_ln_b,
           fc_W, fc_b, ln_p_g, ln_p_b, W_p, att_src_p, att_dst_p, res_p,
           bias_p, ln_u_g, ln_u_b, W_u, att_src_u, att_dst_u, res_u, bias_u):
    src = edge_index[0].astype(jnp.int32)
    dst = edge_index[1].astype(jnp.int32)
    z72 = jnp.zeros((OUTR, W72), jnp.float32)
    tbl1, asad1, res1 = _fc_pre(ps_proj, pf_proj, pb_proj, fc_ln_g, fc_ln_b,
                                fc_W, fc_b, ln_p_g, ln_p_b, W_p, att_src_p,
                                att_dst_p, res_p)
    accden1 = _edge_call(src, dst, tbl1, asad1, z72)
    tbl2, asad2, res2 = _fin_pre(accden1, tbl1, asad1, res1, bias_p,
                                 ln_u_g, ln_u_b, W_u, att_src_u, att_dst_u,
                                 res_u)
    accden2 = _edge_call(src, dst, tbl2, asad2, z72)
    out = _finalize(accden2, tbl2, asad2, res2, bias_u)
    return out.reshape(u_proj.shape)

# --- scband reference (transcript-rebuilt; emitter-appended) ---
"""Pipeline reference for scband-alegrid-update-51685636440549 (READ-ONLY COPY).

The authoritative reference and input builder live on the scoring server;
editing this copy changes nothing except your own understanding.
"""

import jax, jax.numpy as jnp
import numpy as np

HID = 64
NH = 8
CH = HID // NH
N = 50000
E = 800000


def setup_inputs(seed: int = 0) -> dict:
    key = jax.random.key(seed)
    ks = jax.random.split(key, 24)
    inp = {}
    inp['u_proj'] = jax.random.normal(ks[0], (N, HID), jnp.float32)
    inp['ps_proj'] = jax.random.normal(ks[1], (N, HID), jnp.float32)
    inp['pf_proj'] = jax.random.normal(ks[2], (N, HID), jnp.float32)
    inp['pb_proj'] = jax.random.normal(ks[3], (N, HID), jnp.float32)
    inp['edge_index'] = jax.random.randint(ks[4], (2, E), 0, N, jnp.int32).astype(jnp.int64)
    # fc: LayerNorm(3*HID) + Linear(3*HID, HID)
    inp['fc_ln_g'] = jnp.ones((3 * HID,), jnp.float32)
    inp['fc_ln_b'] = jnp.zeros((3 * HID,), jnp.float32)
    inp['fc_W'] = jax.random.normal(ks[5], (3 * HID, HID), jnp.float32) * 0.05
    inp['fc_b'] = jnp.zeros((HID,), jnp.float32)
    # ln_p + GATConv p (W, att_src, att_dst, residual linear, bias)
    inp['ln_p_g'] = jnp.ones((HID,), jnp.float32)
    inp['ln_p_b'] = jnp.zeros((HID,), jnp.float32)
    inp['W_p'] = jax.random.normal(ks[6], (HID, NH * CH), jnp.float32) * 0.1
    inp['att_src_p'] = jax.random.normal(ks[7], (NH, CH), jnp.float32) * 0.1
    inp['att_dst_p'] = jax.random.normal(ks[8], (NH, CH), jnp.float32) * 0.1
    inp['res_p'] = jax.random.normal(ks[9], (HID, NH * CH), jnp.float32) * 0.1
    inp['bias_p'] = jnp.zeros((NH * CH,), jnp.float32)
    # ln_u + GATConv u
    inp['ln_u_g'] = jnp.ones((HID,), jnp.float32)
    inp['ln_u_b'] = jnp.zeros((HID,), jnp.float32)
    inp['W_u'] = jax.random.normal(ks[10], (HID, NH * CH), jnp.float32) * 0.1
    inp['att_src_u'] = jax.random.normal(ks[11], (NH, CH), jnp.float32) * 0.1
    inp['att_dst_u'] = jax.random.normal(ks[12], (NH, CH), jnp.float32) * 0.1
    inp['res_u'] = jax.random.normal(ks[13], (HID, NH * CH), jnp.float32) * 0.1
    inp['bias_u'] = jnp.zeros((NH * CH,), jnp.float32)
    return inp


def layer_norm(x, g, b, eps=1e-5):
    mu = x.mean(-1, keepdims=True)
    var = ((x - mu) ** 2).mean(-1, keepdims=True)
    return (x - mu) / jnp.sqrt(var + eps) * g + b


def gat_conv(x, src, dst, W, a_src, a_dst, res_W, bias):
    # PyG GATConv with self-loops already appended to (src, dst); residual=True.
    n = x.shape[0]
    xw = (x @ W).reshape(n, NH, CH)
    alpha_src = (xw * a_src[None, :, :]).sum(-1)  # [n, NH]
    alpha_dst = (xw * a_dst[None, :, :]).sum(-1)  # [n, NH]
    alpha = jax.nn.leaky_relu(alpha_src[src] + alpha_dst[dst], 0.2)  # [E+, NH]
    amax = jax.lax.stop_gradient(jax.ops.segment_max(alpha, dst, num_segments=n))
    ex = jnp.exp(alpha - amax[dst])
    den = jax.ops.segment_sum(ex, dst, num_segments=n)
    w = ex / (den[dst] + 1e-16)
    out = jax.ops.segment_sum(xw[src] * w[:, :, None], dst, num_segments=n)
    out = out.reshape(n, NH * CH)
    return out + x @ res_W + bias


def reference(u_proj, ps_proj, pf_proj, pb_proj, edge_index, fc_ln_g, fc_ln_b, fc_W, fc_b, ln_p_g, ln_p_b, W_p, att_src_p, att_dst_p, res_p, bias_p, ln_u_g, ln_u_b, W_u, att_src_u, att_dst_u, res_u, bias_u):
    n = u_proj.shape[0]
    loop = jnp.arange(n, dtype=edge_index.dtype)
    src = jnp.concatenate([edge_index[0], loop])
    dst = jnp.concatenate([edge_index[1], loop])
    cat = jnp.concatenate([ps_proj, pf_proj, pb_proj], axis=-1)
    p = layer_norm(cat, fc_ln_g, fc_ln_b) @ fc_W + fc_b
    p = p.reshape(-1, HID)
    u1 = gat_conv(layer_norm(p, ln_p_g, ln_p_b), src, dst, W_p, att_src_p, att_dst_p, res_p, bias_p)
    out = gat_conv(layer_norm(u1, ln_u_g, ln_u_b), src, dst, W_u, att_src_u, att_dst_u, res_u, bias_u)
    return out.reshape(u_proj.shape)

if __name__ == "__main__":
    import jax
    _d = setup_inputs()
    print(jax.jit(kernel)(*tuple(_d.values())))

</pallas_src>

<mosaic_0001>
#map = affine_map<(d0, d1) -> (0)>
#map1 = affine_map<(d0, d1) -> (0, 0)>
module attributes {stable_mosaic.version = 14 : i64} {
  func.func @_edge_body(%arg0: i32, %arg1: i32, %arg2: memref<800000xi32, #tpu.memory_space<hbm>>, %arg3: memref<800000xi32, #tpu.memory_space<hbm>>, %arg4: memref<50000x72xf32, #tpu.memory_space<hbm>>, %arg5: memref<50000x16xf32, #tpu.memory_space<hbm>>, %arg6: memref<1568x72xf32, #tpu.memory_space<hbm>>, %arg7: memref<50176x72xf32, #tpu.memory_space<hbm>>, %arg8: memref<25096x72xf32, #tpu.memory_space<vmem_shared>>, %arg9: memref<1008xi32, #tpu.memory_space<vmem>>, %arg10: memref<1008xi32, #tpu.memory_space<vmem>>, %arg11: memref<1024xi32, #tpu.memory_space<vmem>>, %arg12: memref<1024xi32, #tpu.memory_space<vmem>>, %arg13: memref<2x64xi32, #tpu.memory_space<vmem>>, %arg14: memref<2x64xi32, #tpu.memory_space<vmem>>, %arg15: memref<2x64xi32, #tpu.memory_space<vmem>>, %arg16: memref<128x72xf32, #tpu.memory_space<vmem>>, %arg17: memref<128x16xf32, #tpu.memory_space<vmem>>, %arg18: memref<!tpu.dma_semaphore, #tpu.memory_space<semaphore_mem>>, %arg19: memref<!tpu.dma_semaphore, #tpu.memory_space<semaphore_mem>>) attributes {dimension_semantics = [#tpu.dimension_semantics<core_parallel>, #tpu.dimension_semantics<subcore_parallel>], iteration_bounds = array<i64: 2, 16>, scalar_prefetch = 0 : i64, scratch_operands = 12 : i64, tpu.core_type = #tpu.core_type<sc_vector_subcore>, window_params = [{transform_indices = #map}, {transform_indices = #map}, {transform_indices = #map1}, {transform_indices = #map1}, {transform_indices = #map1}, {transform_indices = #map1}]} {
    %mul3A = arith.constant 25088 : i32
    %mul3A_0 = arith.muli %arg0, %mul3A : i32
    %iota3A = tpu.iota {dimensions = array<i32: 0>} : vector<16xi32>
    %and3A = arith.constant 7 : i32
    %and3A_1 = vector.broadcast %and3A : i32 to vector<16xi32>
    %and3A_2 = arith.andi %iota3A, %and3A_1 : vector<16xi32>
    %shift_right_arithmetic3A = arith.constant 3 : i32
    %shift_right_arithmetic3A_3 = vector.broadcast %shift_right_arithmetic3A : i32 to vector<16xi32>
    %shift_right_arithmetic3A_4 = arith.shrsi %iota3A, %shift_right_arithmetic3A_3 : vector<16xi32>
    %mul3A_5 = arith.constant 1568 : i32
    %mul3A_6 = arith.muli %arg1, %mul3A_5 : i32
    "tpu.region"() ({
      %run_scoped3A = tpu.sem_alloc : memref<!tpu.dma_semaphore, #tpu.memory_space<semaphore_mem>>
      %dma_start3A = arith.constant 0 : i32
      %dma_start3A_21 = tpu.memref_slice %arg8[%mul3A_6, %dma_start3A] : memref<25096x72xf32, #tpu.memory_space<vmem_shared>> -> memref<1568x72xf32, #tpu.memory_space<vmem_shared>>
      tpu.enqueue_dma source(%arg6 : memref<1568x72xf32, #tpu.memory_space<hbm>>) target(%dma_start3A_21 : memref<1568x72xf32, #tpu.memory_space<vmem_shared>>) target_semaphore(%run_scoped3A : memref<!tpu.dma_semaphore, #tpu.memory_space<semaphore_mem>>)
      %dma_wait3A = arith.constant 0 : i32
      %dma_wait3A_22 = tpu.memref_slice %arg8[%mul3A_6, %dma_wait3A] : memref<25096x72xf32, #tpu.memory_space<vmem_shared>> -> memref<1568x72xf32, #tpu.memory_space<vmem_shared>>
      tpu.wait_dma2 semaphore(%run_scoped3A : memref<!tpu.dma_semaphore, #tpu.memory_space<semaphore_mem>>) src(%arg6 : memref<1568x72xf32, #tpu.memory_space<hbm>>) dst(%dma_wait3A_22 : memref<1568x72xf32, #tpu.memory_space<vmem_shared>>)
      tpu.yield
    }) : () -> ()
    %eq3A = arith.constant 15 : i32
    %eq3A_7 = arith.cmpi eq, %arg1, %eq3A : i32
    %convert_element_type3A = arith.extui %eq3A_7 : i1 to i32
    %cond3A = arith.constant 0 : i32
    %cond3A_8 = arith.cmpi ne, %convert_element_type3A, %cond3A : i32
    scf.if %cond3A_8 {
      "tpu.region"() ({
        %run_scoped3A = tpu.sem_alloc : memref<!tpu.dma_semaphore, #tpu.memory_space<semaphore_mem>>
        %dma_start3A = arith.constant 25088 : i32
        %dma_start3A_21 = arith.constant 0 : i32
        %dma_start3A_22 = tpu.memref_slice %arg8[%dma_start3A, %dma_start3A_21] : memref<25096x72xf32, #tpu.memory_space<vmem_shared>> -> memref<8x72xf32, #tpu.memory_space<vmem_shared>>
        %dma_start3A_23 = arith.constant 0 : i32
        %dma_start3A_24 = arith.constant 0 : i32
        %dma_start3A_25 = tpu.memref_slice %arg6[%dma_start3A_23, %dma_start3A_24] : memref<1568x72xf32, #tpu.memory_space<hbm>> -> memref<8x72xf32, #tpu.memory_space<hbm>>
        tpu.enqueue_dma source(%dma_start3A_25 : memref<8x72xf32, #tpu.memory_space<hbm>>) target(%dma_start3A_22 : memref<8x72xf32, #tpu.memory_space<vmem_shared>>) target_semaphore(%run_scoped3A : memref<!tpu.dma_semaphore, #tpu.memory_space<semaphore_mem>>)
        %dma_wait3A = arith.constant 25088 : i32
        %dma_wait3A_26 = arith.constant 0 : i32
        %dma_wait3A_27 = tpu.memref_slice %arg8[%dma_wait3A, %dma_wait3A_26] : memref<25096x72xf32, #tpu.memory_space<vmem_shared>> -> memref<8x72xf32, #tpu.memory_space<vmem_shared>>
        %dma_wait3A_28 = arith.constant 0 : i32
        %dma_wait3A_29 = arith.constant 0 : i32
        %dma_wait3A_30 = tpu.memref_slice %arg6[%dma_wait3A_28, %dma_wait3A_29] : memref<1568x72xf32, #tpu.memory_space<hbm>> -> memref<8x72xf32, #tpu.memory_space<hbm>>
        tpu.wait_dma2 semaphore(%run_scoped3A : memref<!tpu.dma_semaphore, #tpu.memory_space<semaphore_mem>>) src(%dma_wait3A_30 : memref<8x72xf32, #tpu.memory_space<hbm>>) dst(%dma_wait3A_27 : memref<8x72xf32, #tpu.memory_space<vmem_shared>>)
        tpu.yield
      }) : () -> ()
    } else {
    }
    %scan3A = arith.constant 0 : i32
    %scan3A_9 = arith.constant 0 : i32
    %scan3A_10 = arith.constant 64 : i32
    %scan3A_11 = arith.addi %scan3A_9, %scan3A_10 : i32
    %scan3A_12 = arith.constant 1 : i32
    scf.for %scan3A_21 = %scan3A_9 to %scan3A_11 step %scan3A_12  : i32 {
      %broadcast_in_dim3A = arith.constant 0 : i32
      %broadcast_in_dim3A_22 = vector.broadcast %broadcast_in_dim3A : i32 to vector<16xi32>
      %mul3A_23 = arith.constant 16 : i32
      %mul3A_24 = arith.muli %scan3A_21, %mul3A_23 : i32
      %swap3A = arith.index_cast %mul3A_24 : i32 to index
      %swap3A_25 = tpu.vector_load %arg11[%swap3A] {strides = array<i32>} : memref<1024xi32, #tpu.memory_space<vmem>>, vector<16xi32>,
      tpu.vector_store %arg11[%swap3A], %broadcast_in_dim3A_22 {strides = array<i32>} : memref<1024xi32, #tpu.memory_space<vmem>>, vector<16xi32>,
    }
    %scan3A_13 = arith.constant 64 : i32
    %barrier3A = arith.constant 0 : index
    tpu.barrier barrier_id(%barrier3A)
    %scan3A_14 = arith.constant 0 : i32
    %scan3A_15 = arith.constant 0 : i32
    %scan3A_16 = arith.constant 50 : i32
    %scan3A_17 = arith.addi %scan3A_15, %scan3A_16 : i32
    %scan3A_18 = arith.constant 1 : i32
    scf.for %scan3A_21 = %scan3A_15 to %scan3A_17 step %scan3A_18  : i32 {
      %mul3A_22 = arith.constant 50000 : i32
      %mul3A_23 = arith.muli %arg1, %mul3A_22 : i32
      %mul3A_24 = arith.constant 1000 : i32
      %mul3A_25 = arith.muli %scan3A_21, %mul3A_24 : i32
      %add3A_26 = arith.addi %mul3A_23, %mul3A_25 : i32
      "tpu.region"() ({
        %run_scoped3A = tpu.sem_alloc : memref<!tpu.dma_semaphore, #tpu.memory_space<semaphore_mem>>
        %dma_start3A = arith.constant 0 : i32
        %dma_start3A_66 = tpu.memref_slice %arg9[%dma_start3A] : memref<1008xi32, #tpu.memory_space<vmem>> -> memref<1000xi32, #tpu.memory_space<vmem>>
        %dma_start3A_67 = tpu.memref_slice %arg2[%add3A_26] : memref<800000xi32, #tpu.memory_space<hbm>> -> memref<1000xi32, #tpu.memory_space<hbm>>
        %dma_start3A_68 = arith.constant 0 : i32
        %dma_start3A_69 = tpu.memref_slice %arg9[%dma_start3A_68] : memref<1008xi32, #tpu.memory_space<vmem>> -> memref<1000xi32, #tpu.memory_space<vmem>>
        %dma_start3A_70 = tpu.memref_slice %arg2[%add3A_26] : memref<800000xi32, #tpu.memory_space<hbm>> -> memref<1000xi32, #tpu.memory_space<hbm>>
        tpu.enqueue_dma source(%dma_start3A_70 : memref<1000xi32, #tpu.memory_space<hbm>>) target(%dma_start3A_69 : memref<1000xi32, #tpu.memory_space<vmem>>) target_semaphore(%run_scoped3A : memref<!tpu.dma_semaphore, #tpu.memory_space<semaphore_mem>>)
        %dma_wait3A = arith.constant 0 : i32
        %dma_wait3A_71 = tpu.memref_slice %arg9[%dma_wait3A] : memref<1008xi32, #tpu.memory_space<vmem>> -> memref<1000xi32, #tpu.memory_space<vmem>>
        %dma_wait3A_72 = tpu.memref_slice %arg2[%add3A_26] : memref<800000xi32, #tpu.memory_space<hbm>> -> memref<1000xi32, #tpu.memory_space<hbm>>
        %dma_wait3A_73 = arith.constant 0 : i32
        %dma_wait3A_74 = tpu.memref_slice %arg9[%dma_wait3A_73] : memref<1008xi32, #tpu.memory_space<vmem>> -> memref<1000xi32, #tpu.memory_space<vmem>>
        %dma_wait3A_75 = tpu.memref_slice %arg2[%add3A_26] : memref<800000xi32, #tpu.memory_space<hbm>> -> memref<1000xi32, #tpu.memory_space<hbm>>
        tpu.wait_dma2 semaphore(%run_scoped3A : memref<!tpu.dma_semaphore, #tpu.memory_space<semaphore_mem>>) src(%dma_wait3A_75 : memref<1000xi32, #tpu.memory_space<hbm>>) dst(%dma_wait3A_74 : memref<1000xi32, #tpu.memory_space<vmem>>)
        tpu.yield
      }) : () -> ()
      "tpu.region"() ({
        %run_scoped3A = tpu.sem_alloc : memref<!tpu.dma_semaphore, #tpu.memory_space<semaphore_mem>>
        %dma_start3A = arith.constant 0 : i32
        %dma_start3A_66 = tpu.memref_slice %arg10[%dma_start3A] : memref<1008xi32, #tpu.memory_space<vmem>> -> memref<1000xi32, #tpu.memory_space<vmem>>
        %dma_start3A_67 = tpu.memref_slice %arg3[%add3A_26] : memref<800000xi32, #tpu.memory_space<hbm>> -> memref<1000xi32, #tpu.memory_space<hbm>>
        %dma_start3A_68 = arith.constant 0 : i32
        %dma_start3A_69 = tpu.memref_slice %arg10[%dma_start3A_68] : memref<1008xi32, #tpu.memory_space<vmem>> -> memref<1000xi32, #tpu.memory_space<vmem>>
        %dma_start3A_70 = tpu.memref_slice %arg3[%add3A_26] : memref<800000xi32, #tpu.memory_space<hbm>> -> memref<1000xi32, #tpu.memory_space<hbm>>
        tpu.enqueue_dma source(%dma_start3A_70 : memref<1000xi32, #tpu.memory_space<hbm>>) target(%dma_start3A_69 : memref<1000xi32, #tpu.memory_space<vmem>>) target_semaphore(%run_scoped3A : memref<!tpu.dma_semaphore, #tpu.memory_space<semaphore_mem>>)
        %dma_wait3A = arith.constant 0 : i32
        %dma_wait3A_71 = tpu.memref_slice %arg10[%dma_wait3A] : memref<1008xi32, #tpu.memory_space<vmem>> -> memref<1000xi32, #tpu.memory_space<vmem>>
        %dma_wait3A_72 = tpu.memref_slice %arg3[%add3A_26] : memref<800000xi32, #tpu.memory_space<hbm>> -> memref<1000xi32, #tpu.memory_space<hbm>>
        %dma_wait3A_73 = arith.constant 0 : i32
        %dma_wait3A_74 = tpu.memref_slice %arg10[%dma_wait3A_73] : memref<1008xi32, #tpu.memory_space<vmem>> -> memref<1000xi32, #tpu.memory_space<vmem>>
        %dma_wait3A_75 = tpu.memref_slice %arg3[%add3A_26] : memref<800000xi32, #tpu.memory_space<hbm>> -> memref<1000xi32, #tpu.memory_space<hbm>>
        tpu.wait_dma2 semaphore(%run_scoped3A : memref<!tpu.dma_semaphore, #tpu.memory_space<semaphore_mem>>) src(%dma_wait3A_75 : memref<1000xi32, #tpu.memory_space<hbm>>) dst(%dma_wait3A_74 : memref<1000xi32, #tpu.memory_space<vmem>>)
        tpu.yield
      }) : () -> ()
      %scan3A_27 = arith.constant 0 : i32
      %scan3A_28 = arith.constant 0 : i32
      %scan3A_29 = arith.constant 64 : i32
      %scan3A_30 = arith.addi %scan3A_28, %scan3A_29 : i32
      %scan3A_31 = arith.constant 1 : i32
      scf.for %scan3A_66 = %scan3A_28 to %scan3A_30 step %scan3A_31  : i32 {
        %broadcast_in_dim3A = arith.constant 25088 : i32
        %broadcast_in_dim3A_67 = vector.broadcast %broadcast_in_dim3A : i32 to vector<16xi32>
        %mul3A_68 = arith.constant 16 : i32
        %mul3A_69 = arith.muli %scan3A_66, %mul3A_68 : i32
        %swap3A = arith.index_cast %mul3A_69 : i32 to index
        %swap3A_70 = tpu.vector_load %arg12[%swap3A] {strides = array<i32>} : memref<1024xi32, #tpu.memory_space<vmem>>, vector<16xi32>,
        tpu.vector_store %arg12[%swap3A], %broadcast_in_dim3A_67 {strides = array<i32>} : memref<1024xi32, #tpu.memory_space<vmem>>, vector<16xi32>,
      }
      %scan3A_32 = arith.constant 64 : i32
      %scan3A_33 = arith.constant 0 : i32
      %scan3A_34 = arith.constant 0 : i32
      %scan3A_35 = arith.constant 63 : i32
      %scan3A_36 = arith.addi %scan3A_34, %scan3A_35 : i32
      %scan3A_37 = arith.constant 1 : i32
      %scan3A_38 = scf.for %scan3A_66 = %scan3A_34 to %scan3A_36 step %scan3A_37 iter_args(%scan3A_67 = %scan3A_33) -> (i32)  : i32 {
        %mul3A_68 = arith.constant 16 : i32
        %mul3A_69 = arith.muli %scan3A_66, %mul3A_68 : i32
        %get3A = arith.index_cast %mul3A_69 : i32 to index
        %get3A_70 = tpu.vector_load %arg10[%get3A] {strides = array<i32>} : memref<1008xi32, #tpu.memory_space<vmem>>, vector<16xi32>,
        %sub3A = vector.broadcast %mul3A_0 : i32 to vector<16xi32>
        %sub3A_71 = arith.subi %get3A_70, %sub3A : vector<16xi32>
        %ge3A = arith.constant 0 : i32
        %ge3A_72 = vector.broadcast %ge3A : i32 to vector<16xi32>
        %ge3A_73 = arith.cmpi sge, %sub3A_71, %ge3A_72 : vector<16xi32>
        %lt3A = arith.constant 25088 : i32
        %lt3A_74 = vector.broadcast %lt3A : i32 to vector<16xi32>
        %lt3A_75 = arith.cmpi slt, %sub3A_71, %lt3A_74 : vector<16xi32>
        %and3A_76 = arith.andi %ge3A_73, %lt3A_75 : vector<16xi1>
        %mul3A_77 = arith.constant 16 : i32
        %mul3A_78 = arith.muli %scan3A_66, %mul3A_77 : i32
        %add3A_79 = vector.broadcast %mul3A_78 : i32 to vector<16xi32>
        %add3A_80 = arith.addi %add3A_79, %iota3A : vector<16xi32>
        %lt3A_81 = arith.constant 1000 : i32
        %lt3A_82 = vector.broadcast %lt3A_81 : i32 to vector<16xi32>
        %lt3A_83 = arith.cmpi slt, %add3A_80, %lt3A_82 : vector<16xi32>
        %and3A_84 = arith.andi %and3A_76, %lt3A_83 : vector<16xi1>
        %mul3A_85 = arith.constant 16 : i32
        %mul3A_86 = arith.muli %scan3A_66, %mul3A_85 : i32
        %get3A_87 = arith.index_cast %mul3A_86 : i32 to index
        %get3A_88 = tpu.vector_load %arg9[%get3A_87] {strides = array<i32>} : memref<1008xi32, #tpu.memory_space<vmem>>, vector<16xi32>,
        %convert_element_type3A_89 = arith.extui %and3A_84 : vector<16xi1> to vector<16xi32>
        %broadcast_in_dim3A = arith.constant true
        %broadcast_in_dim3A_90 = vector.broadcast %broadcast_in_dim3A : i1 to vector<16xi1>
        %masked_cumsum3A = tpu.scan <sum>, %convert_element_type3A_89 masked %broadcast_in_dim3A_90 : vector<16xi32>, vector<16xi1> -> vector<16xi32>
        %add3A_91 = vector.broadcast %scan3A_67 : i32 to vector<16xi32>
        %add3A_92 = arith.addi %add3A_91, %masked_cumsum3A : vector<16xi32>
        %sub3A_93 = arith.constant 1 : i32
        %sub3A_94 = vector.broadcast %sub3A_93 : i32 to vector<16xi32>
        %sub3A_95 = arith.subi %add3A_92, %sub3A_94 : vector<16xi32>
        tpu.vector_store_idx %arg12[%sub3A_95], %sub3A_71 masked %and3A_84 : memref<1024xi32, #tpu.memory_space<vmem>>[vector<16xi32>], vector<16xi32>, vector<16xi1>
        tpu.vector_store_idx %arg11[%sub3A_95], %get3A_88 masked %and3A_84 : memref<1024xi32, #tpu.memory_space<vmem>>[vector<16xi32>], vector<16xi32>, vector<16xi1>
        %reduce_max3A = arith.constant true
        %reduce_max3A_96 = vector.broadcast %reduce_max3A : i1 to vector<16xi1>
        %reduce_max3A_97 = arith.constant -2147483648 : i32
        %reduce_max3A_98 = vector.broadcast %reduce_max3A_97 : i32 to vector<16xi32>
        %reduce_max3A_99 = arith.xori %masked_cumsum3A, %reduce_max3A_98 : vector<16xi32>
        %reduce_max3A_100 = tpu.scan <max>, %reduce_max3A_99 masked %reduce_max3A_96 : vector<16xi32>, vector<16xi1> -> vector<16xi32>
        %reduce_max3A_101 = arith.xori %reduce_max3A_100, %reduce_max3A_98 : vector<16xi32>
        %reduce_max3A_102 = vector.extract %reduce_max3A_101[15] : i32 from vector<16xi32>
        %add3A_103 = arith.addi %scan3A_67, %reduce_max3A_102 : i32
        scf.yield %add3A_103 : i32
      }
      %scan3A_39 = arith.constant 63 : i32
      %add3A_40 = arith.constant 63 : i32
      %add3A_41 = arith.addi %scan3A_38, %add3A_40 : i32
      %shift_right_arithmetic3A_42 = arith.constant 6 : i32
      %shift_right_arithmetic3A_43 = arith.shrsi %add3A_41, %shift_right_arithmetic3A_42 : i32
      %gt3A = arith.constant 0 : i32
      %gt3A_44 = arith.cmpi sgt, %shift_right_arithmetic3A_43, %gt3A : i32
      %convert_element_type3A_45 = arith.extui %gt3A_44 : i1 to i32
      %cond3A_46 = arith.constant 0 : i32
      %cond3A_47 = arith.cmpi ne, %convert_element_type3A_45, %cond3A_46 : i32
      scf.if %cond3A_47 {
        %scan3A_66 = arith.constant 0 : i32
        %scan3A_67 = arith.constant 0 : i32
        %scan3A_68 = arith.constant 0 : i32
        %scan3A_69 = arith.constant 4 : i32
        %scan3A_70 = arith.addi %scan3A_68, %scan3A_69 : i32
        %scan3A_71 = arith.constant 1 : i32
        scf.for %scan3A_92 = %scan3A_68 to %scan3A_70 step %scan3A_71  : i32 {
          %mul3A_93 = arith.constant 64 : i32
          %mul3A_94 = arith.muli %scan3A_67, %mul3A_93 : i32
          %mul3A_95 = arith.constant 16 : i32
          %mul3A_96 = arith.muli %scan3A_92, %mul3A_95 : i32
          %add3A_97 = arith.addi %mul3A_94, %mul3A_96 : i32
          %get3A = arith.index_cast %add3A_97 : i32 to index
          %get3A_98 = tpu.vector_load %arg12[%get3A] {strides = array<i32>} : memref<1024xi32, #tpu.memory_space<vmem>>, vector<16xi32>,
          %mul3A_99 = arith.constant 16 : i32
          %mul3A_100 = arith.muli %scan3A_92, %mul3A_99 : i32
          %swap3A = arith.constant 0 : i32
          %swap3A_101 = arith.index_cast %swap3A : i32 to index
          %swap3A_102 = arith.index_cast %mul3A_100 : i32 to index
          %swap3A_103 = tpu.vector_load %arg15[%swap3A_101, %swap3A_102] {strides = array<i32>} : memref<2x64xi32, #tpu.memory_space<vmem>>, vector<16xi32>,
          tpu.vector_store %arg15[%swap3A_101, %swap3A_102], %get3A_98 {strides = array<i32>} : memref<2x64xi32, #tpu.memory_space<vmem>>, vector<16xi32>,
          %add3A_104 = vector.broadcast %mul3A_0 : i32 to vector<16xi32>
          %add3A_105 = arith.addi %get3A_98, %add3A_104 : vector<16xi32>
          %mul3A_106 = arith.constant 16 : i32
          %mul3A_107 = arith.muli %scan3A_92, %mul3A_106 : i32
          %swap3A_108 = arith.constant 0 : i32
          %swap3A_109 = arith.index_cast %swap3A_108 : i32 to index
          %swap3A_110 = arith.index_cast %mul3A_107 : i32 to index
          %swap3A_111 = tpu.vector_load %arg14[%swap3A_109, %swap3A_110] {strides = array<i32>} : memref<2x64xi32, #tpu.memory_space<vmem>>, vector<16xi32>,
          tpu.vector_store %arg14[%swap3A_109, %swap3A_110], %add3A_105 {strides = array<i32>} : memref<2x64xi32, #tpu.memory_space<vmem>>, vector<16xi32>,
          %mul3A_112 = arith.constant 64 : i32
          %mul3A_113 = arith.muli %scan3A_67, %mul3A_112 : i32
          %mul3A_114 = arith.constant 16 : i32
          %mul3A_115 = arith.muli %scan3A_92, %mul3A_114 : i32
          %add3A_116 = arith.addi %mul3A_113, %mul3A_115 : i32
          %get3A_117 = arith.index_cast %add3A_116 : i32 to index
          %get3A_118 = tpu.vector_load %arg11[%get3A_117] {strides = array<i32>} : memref<1024xi32, #tpu.memory_space<vmem>>, vector<16xi32>,
          %mul3A_119 = arith.constant 16 : i32
          %mul3A_120 = arith.muli %scan3A_92, %mul3A_119 : i32
          %swap3A_121 = arith.constant 0 : i32
          %swap3A_122 = arith.index_cast %swap3A_121 : i32 to index
          %swap3A_123 = arith.index_cast %mul3A_120 : i32 to index
          %swap3A_124 = tpu.vector_load %arg13[%swap3A_122, %swap3A_123] {strides = array<i32>} : memref<2x64xi32, #tpu.memory_space<vmem>>, vector<16xi32>,
          tpu.vector_store %arg13[%swap3A_122, %swap3A_123], %get3A_118 {strides = array<i32>} : memref<2x64xi32, #tpu.memory_space<vmem>>, vector<16xi32>,
        }
        %scan3A_72 = arith.constant 4 : i32
        %dma_start3A = arith.constant 0 : i32
        %dma_start3A_73 = arith.constant 0 : i32
        %dma_start3A_74 = arith.constant 0 : i32
        %dma_start3A_75 = tpu.memref_slice %arg16[%dma_start3A_73, %dma_start3A_74] : memref<128x72xf32, #tpu.memory_space<vmem>> -> memref<64x72xf32, #tpu.memory_space<vmem>>
        %dma_start3A_76 = arith.constant 0 : i32
        %dma_start3A_77 = tpu.memref_slice %arg13[%dma_start3A, %dma_start3A_76] : memref<2x64xi32, #tpu.memory_space<vmem>> -> memref<1x64xi32, #tpu.memory_space<vmem>>
        %dma_start3A_78 = tpu.memref_squeeze %dma_start3A_77 : memref<1x64xi32, #tpu.memory_space<vmem>> -> memref<64xi32, #tpu.memory_space<vmem>>
        %dma_start3A_79 = arith.constant 0 : i32
        %dma_start3A_80 = arith.constant 0 : i32
        %dma_start3A_81 = tpu.memref_slice %arg4[%dma_start3A_79, %dma_start3A_80] : memref<50000x72xf32, #tpu.memory_space<hbm>> -> memref<50000x72xf32, #tpu.memory_space<hbm>>
        tpu.enqueue_indirect_dma source(%dma_start3A_81 : memref<50000x72xf32, #tpu.memory_space<hbm>>) target(%dma_start3A_75 : memref<64x72xf32, #tpu.memory_space<vmem>>) offsets(%dma_start3A_78 : memref<64xi32, #tpu.memory_space<vmem>>) semaphore(%arg18 : memref<!tpu.dma_semaphore, #tpu.memory_space<semaphore_mem>>)
        %dma_start3A_82 = arith.constant 0 : i32
        %dma_start3A_83 = arith.constant 0 : i32
        %dma_start3A_84 = arith.constant 0 : i32
        %dma_start3A_85 = tpu.memref_slice %arg17[%dma_start3A_83, %dma_start3A_84] : memref<128x16xf32, #tpu.memory_space<vmem>> -> memref<64x16xf32, #tpu.memory_space<vmem>>
        %dma_start3A_86 = arith.constant 0 : i32
        %dma_start3A_87 = tpu.memref_slice %arg14[%dma_start3A_82, %dma_start3A_86] : memref<2x64xi32, #tpu.memory_space<vmem>> -> memref<1x64xi32, #tpu.memory_space<vmem>>
        %dma_start3A_88 = tpu.memref_squeeze %dma_start3A_87 : memref<1x64xi32, #tpu.memory_space<vmem>> -> memref<64xi32, #tpu.memory_space<vmem>>
        %dma_start3A_89 = arith.constant 0 : i32
        %dma_start3A_90 = arith.constant 0 : i32
        %dma_start3A_91 = tpu.memref_slice %arg5[%dma_start3A_89, %dma_start3A_90] : memref<50000x16xf32, #tpu.memory_space<hbm>> -> memref<50000x16xf32, #tpu.memory_space<hbm>>
        tpu.enqueue_indirect_dma source(%dma_start3A_91 : memref<50000x16xf32, #tpu.memory_space<hbm>>) target(%dma_start3A_85 : memref<64x16xf32, #tpu.memory_space<vmem>>) offsets(%dma_start3A_88 : memref<64xi32, #tpu.memory_space<vmem>>) semaphore(%arg18 : memref<!tpu.dma_semaphore, #tpu.memory_space<semaphore_mem>>)
      } else {
      }
      %gt3A_48 = arith.constant 1 : i32
      %gt3A_49 = arith.cmpi sgt, %shift_right_arithmetic3A_43, %gt3A_48 : i32
      %convert_element_type3A_50 = arith.extui %gt3A_49 : i1 to i32
      %cond3A_51 = arith.constant 0 : i32
      %cond3A_52 = arith.cmpi ne, %convert_element_type3A_50, %cond3A_51 : i32
      scf.if %cond3A_52 {
        %scan3A_66 = arith.constant 0 : i32
        %scan3A_67 = arith.constant 1 : i32
        %scan3A_68 = arith.constant 0 : i32
        %scan3A_69 = arith.constant 4 : i32
        %scan3A_70 = arith.addi %scan3A_68, %scan3A_69 : i32
        %scan3A_71 = arith.constant 1 : i32
        scf.for %scan3A_92 = %scan3A_68 to %scan3A_70 step %scan3A_71  : i32 {
          %mul3A_93 = arith.constant 64 : i32
          %mul3A_94 = arith.muli %scan3A_67, %mul3A_93 : i32
          %mul3A_95 = arith.constant 16 : i32
          %mul3A_96 = arith.muli %scan3A_92, %mul3A_95 : i32
          %add3A_97 = arith.addi %mul3A_94, %mul3A_96 : i32
          %get3A = arith.index_cast %add3A_97 : i32 to index
          %get3A_98 = tpu.vector_load %arg12[%get3A] {strides = array<i32>} : memref<1024xi32, #tpu.memory_space<vmem>>, vector<16xi32>,
          %mul3A_99 = arith.constant 16 : i32
          %mul3A_100 = arith.muli %scan3A_92, %mul3A_99 : i32
          %swap3A = arith.constant 1 : i32
          %swap3A_101 = arith.index_cast %swap3A : i32 to index
          %swap3A_102 = arith.index_cast %mul3A_100 : i32 to index
          %swap3A_103 = tpu.vector_load %arg15[%swap3A_101, %swap3A_102] {strides = array<i32>} : memref<2x64xi32, #tpu.memory_space<vmem>>, vector<16xi32>,
          tpu.vector_store %arg15[%swap3A_101, %swap3A_102], %get3A_98 {strides = array<i32>} : memref<2x64xi32, #tpu.memory_space<vmem>>, vector<16xi32>,
          %add3A_104 = vector.broadcast %mul3A_0 : i32 to vector<16xi32>
          %add3A_105 = arith.addi %get3A_98, %add3A_104 : vector<16xi32>
          %mul3A_106 = arith.constant 16 : i32
          %mul3A_107 = arith.muli %scan3A_92, %mul3A_106 : i32
          %swap3A_108 = arith.constant 1 : i32
          %swap3A_109 = arith.index_cast %swap3A_108 : i32 to index
          %swap3A_110 = arith.index_cast %mul3A_107 : i32 to index
          %swap3A_111 = tpu.vector_load %arg14[%swap3A_109, %swap3A_110] {strides = array<i32>} : memref<2x64xi32, #tpu.memory_space<vmem>>, vector<16xi32>,
          tpu.vector_store %arg14[%swap3A_109, %swap3A_110], %add3A_105 {strides = array<i32>} : memref<2x64xi32, #tpu.memory_space<vmem>>, vector<16xi32>,
          %mul3A_112 = arith.constant 64 : i32
          %mul3A_113 = arith.muli %scan3A_67, %mul3A_112 : i32
          %mul3A_114 = arith.constant 16 : i32
          %mul3A_115 = arith.muli %scan3A_92, %mul3A_114 : i32
          %add3A_116 = arith.addi %mul3A_113, %mul3A_115 : i32
          %get3A_117 = arith.index_cast %add3A_116 : i32 to index
          %get3A_118 = tpu.vector_load %arg11[%get3A_117] {strides = array<i32>} : memref<1024xi32, #tpu.memory_space<vmem>>, vector<16xi32>,
          %mul3A_119 = arith.constant 16 : i32
          %mul3A_120 = arith.muli %scan3A_92, %mul3A_119 : i32
          %swap3A_121 = arith.constant 1 : i32
          %swap3A_122 = arith.index_cast %swap3A_121 : i32 to index
          %swap3A_123 = arith.index_cast %mul3A_120 : i32 to index
          %swap3A_124 = tpu.vector_load %arg13[%swap3A_122, %swap3A_123] {strides = array<i32>} : memref<2x64xi32, #tpu.memory_space<vmem>>, vector<16xi32>,
          tpu.vector_store %arg13[%swap3A_122, %swap3A_123], %get3A_118 {strides = array<i32>} : memref<2x64xi32, #tpu.memory_space<vmem>>, vector<16xi32>,
        }
        %scan3A_72 = arith.constant 4 : i32
        %dma_start3A = arith.constant 1 : i32
        %dma_start3A_73 = arith.constant 64 : i32
        %dma_start3A_74 = arith.constant 0 : i32
        %dma_start3A_75 = tpu.memref_slice %arg16[%dma_start3A_73, %dma_start3A_74] : memref<128x72xf32, #tpu.memory_space<vmem>> -> memref<64x72xf32, #tpu.memory_space<vmem>>
        %dma_start3A_76 = arith.constant 0 : i32
        %dma_start3A_77 = tpu.memref_slice %arg13[%dma_start3A, %dma_start3A_76] : memref<2x64xi32, #tpu.memory_space<vmem>> -> memref<1x64xi32, #tpu.memory_space<vmem>>
        %dma_start3A_78 = tpu.memref_squeeze %dma_start3A_77 : memref<1x64xi32, #tpu.memory_space<vmem>> -> memref<64xi32, #tpu.memory_space<vmem>>
        %dma_start3A_79 = arith.constant 0 : i32
        %dma_start3A_80 = arith.constant 0 : i32
        %dma_start3A_81 = tpu.memref_slice %arg4[%dma_start3A_79, %dma_start3A_80] : memref<50000x72xf32, #tpu.memory_space<hbm>> -> memref<50000x72xf32, #tpu.memory_space<hbm>>
        tpu.enqueue_indirect_dma source(%dma_start3A_81 : memref<50000x72xf32, #tpu.memory_space<hbm>>) target(%dma_start3A_75 : memref<64x72xf32, #tpu.memory_space<vmem>>) offsets(%dma_start3A_78 : memref<64xi32, #tpu.memory_space<vmem>>) semaphore(%arg19 : memref<!tpu.dma_semaphore, #tpu.memory_space<semaphore_mem>>)
        %dma_start3A_82 = arith.constant 1 : i32
        %dma_start3A_83 = arith.constant 64 : i32
        %dma_start3A_84 = arith.constant 0 : i32
        %dma_start3A_85 = tpu.memref_slice %arg17[%dma_start3A_83, %dma_start3A_84] : memref<128x16xf32, #tpu.memory_space<vmem>> -> memref<64x16xf32, #tpu.memory_space<vmem>>
        %dma_start3A_86 = arith.constant 0 : i32
        %dma_start3A_87 = tpu.memref_slice %arg14[%dma_start3A_82, %dma_start3A_86] : memref<2x64xi32, #tpu.memory_space<vmem>> -> memref<1x64xi32, #tpu.memory_space<vmem>>
        %dma_start3A_88 = tpu.memref_squeeze %dma_start3A_87 : memref<1x64xi32, #tpu.memory_space<vmem>> -> memref<64xi32, #tpu.memory_space<vmem>>
        %dma_start3A_89 = arith.constant 0 : i32
        %dma_start3A_90 = arith.constant 0 : i32
        %dma_start3A_91 = tpu.memref_slice %arg5[%dma_start3A_89, %dma_start3A_90] : memref<50000x16xf32, #tpu.memory_space<hbm>> -> memref<50000x16xf32, #tpu.memory_space<hbm>>
        tpu.enqueue_indirect_dma source(%dma_start3A_91 : memref<50000x16xf32, #tpu.memory_space<hbm>>) target(%dma_start3A_85 : memref<64x16xf32, #tpu.memory_space<vmem>>) offsets(%dma_start3A_88 : memref<64xi32, #tpu.memory_space<vmem>>) semaphore(%arg19 : memref<!tpu.dma_semaphore, #tpu.memory_space<semaphore_mem>>)
      } else {
      }
      %add3A_53 = arith.constant 1 : i32
      %add3A_54 = arith.addi %shift_right_arithmetic3A_43, %add3A_53 : i32
      %shift_right_arithmetic3A_55 = arith.constant 1 : i32
      %shift_right_arithmetic3A_56 = arith.shrsi %add3A_54, %shift_right_arithmetic3A_55 : i32
      %while3A = arith.constant 0 : i32
      %while3A_57 = arith.constant 0 : i32
      %while3A_58 = arith.subi %shift_right_arithmetic3A_56, %while3A_57 : i32
      %while3A_59 = arith.addi %while3A_57, %while3A_58 : i32
      %while3A_60 = arith.constant 1 : i32
      %while3A_61 = arith.divsi %while3A_58, %while3A_60 : i32
      %while3A_62 = arith.muli %while3A_61, %while3A_60 : i32
      %while3A_63 = arith.addi %while3A_57, %while3A_62 : i32
      %while3A_64 = arith.constant 1 : i32
      scf.for %while3A_66 = %while3A_57 to %while3A_63 step %while3A_64  : i32 {
        %mul3A_67 = arith.constant 2 : i32
        %mul3A_68 = arith.muli %mul3A_67, %while3A_66 : i32
        %lt3A = arith.cmpi slt, %mul3A_68, %shift_right_arithmetic3A_43 : i32
        %convert_element_type3A_69 = arith.extui %lt3A : i1 to i32
        %cond3A_70 = arith.constant 0 : i32
        %cond3A_71 = arith.cmpi ne, %convert_element_type3A_69, %cond3A_70 : i32
        scf.if %cond3A_71 {
          %dma_wait3A = arith.constant 0 : i32
          %dma_wait3A_78 = arith.constant 0 : i32
          %dma_wait3A_79 = arith.constant 0 : i32
          %dma_wait3A_80 = tpu.memref_slice %arg16[%dma_wait3A_78, %dma_wait3A_79] : memref<128x72xf32, #tpu.memory_space<vmem>> -> memref<64x72xf32, #tpu.memory_space<vmem>>
          %dma_wait3A_81 = arith.constant 0 : i32
          %dma_wait3A_82 = tpu.memref_slice %arg13[%dma_wait3A, %dma_wait3A_81] : memref<2x64xi32, #tpu.memory_space<vmem>> -> memref<1x64xi32, #tpu.memory_space<vmem>>
          %dma_wait3A_83 = tpu.memref_squeeze %dma_wait3A_82 : memref<1x64xi32, #tpu.memory_space<vmem>> -> memref<64xi32, #tpu.memory_space<vmem>>
          %dma_wait3A_84 = arith.constant 0 : i32
          %dma_wait3A_85 = arith.constant 0 : i32
          %dma_wait3A_86 = tpu.memref_slice %arg4[%dma_wait3A_84, %dma_wait3A_85] : memref<50000x72xf32, #tpu.memory_space<hbm>> -> memref<50000x72xf32, #tpu.memory_space<hbm>>
          tpu.wait_indirect_dma semaphore(%arg18 : memref<!tpu.dma_semaphore, #tpu.memory_space<semaphore_mem>>) src(%dma_wait3A_86 : memref<50000x72xf32, #tpu.memory_space<hbm>>) dst(%dma_wait3A_80 : memref<64x72xf32, #tpu.memory_space<vmem>>)
          %dma_wait3A_87 = arith.constant 0 : i32
          %dma_wait3A_88 = arith.constant 0 : i32
          %dma_wait3A_89 = arith.constant 0 : i32
          %dma_wait3A_90 = tpu.memref_slice %arg17[%dma_wait3A_88, %dma_wait3A_89] : memref<128x16xf32, #tpu.memory_space<vmem>> -> memref<64x16xf32, #tpu.memory_space<vmem>>
          %dma_wait3A_91 = arith.constant 0 : i32
          %dma_wait3A_92 = tpu.memref_slice %arg14[%dma_wait3A_87, %dma_wait3A_91] : memref<2x64xi32, #tpu.memory_space<vmem>> -> memref<1x64xi32, #tpu.memory_space<vmem>>
          %dma_wait3A_93 = tpu.memref_squeeze %dma_wait3A_92 : memref<1x64xi32, #tpu.memory_space<vmem>> -> memref<64xi32, #tpu.memory_space<vmem>>
          %dma_wait3A_94 = arith.constant 0 : i32
          %dma_wait3A_95 = arith.constant 0 : i32
          %dma_wait3A_96 = tpu.memref_slice %arg5[%dma_wait3A_94, %dma_wait3A_95] : memref<50000x16xf32, #tpu.memory_space<hbm>> -> memref<50000x16xf32, #tpu.memory_space<hbm>>
          tpu.wait_indirect_dma semaphore(%arg18 : memref<!tpu.dma_semaphore, #tpu.memory_space<semaphore_mem>>) src(%dma_wait3A_96 : memref<50000x16xf32, #tpu.memory_space<hbm>>) dst(%dma_wait3A_90 : memref<64x16xf32, #tpu.memory_space<vmem>>)
          %parallel_loop3A = arith.constant 0 : i32
          %parallel_loop3A_97 = arith.constant 32 : i32
          %parallel_loop3A_98 = arith.constant 1 : i32
          scf.for %parallel_loop3A_105 = %parallel_loop3A to %parallel_loop3A_97 step %parallel_loop3A_98  : i32 {
            %parallel_loop3A_106 = arith.constant 2 : i32
            %parallel_loop3A_107 = arith.muli %parallel_loop3A_106, %parallel_loop3A_105 : i32
            %parallel_loop3A_108 = arith.constant 0 : i32
            %parallel_loop3A_109 = arith.addi %parallel_loop3A_108, %parallel_loop3A_107 : i32
            %parallel_loop3A_110 = vector.broadcast %parallel_loop3A_109 : i32 to vector<16xi32>
            %parallel_loop3A_111 = arith.addi %parallel_loop3A_110, %shift_right_arithmetic3A_4 : vector<16xi32>
            %parallel_loop3A_112 = arith.constant 64 : i32
            %parallel_loop3A_113 = vector.broadcast %parallel_loop3A_112 : i32 to vector<16xi32>
            %parallel_loop3A_114 = arith.addi %parallel_loop3A_113, %and3A_2 : vector<16xi32>
            %parallel_loop3A_115 = tpu.vector_load_idx %arg16[%parallel_loop3A_111, %parallel_loop3A_114] : memref<128x72xf32, #tpu.memory_space<vmem>>[vector<16xi32>, vector<16xi32>], vector<16xf32>,
            %parallel_loop3A_116 = arith.constant 8 : i32
            %parallel_loop3A_117 = vector.broadcast %parallel_loop3A_116 : i32 to vector<16xi32>
            %parallel_loop3A_118 = arith.addi %and3A_2, %parallel_loop3A_117 : vector<16xi32>
            %parallel_loop3A_119 = tpu.vector_load_idx %arg17[%parallel_loop3A_111, %parallel_loop3A_118] : memref<128x16xf32, #tpu.memory_space<vmem>>[vector<16xi32>, vector<16xi32>], vector<16xf32>,
            %parallel_loop3A_120 = arith.addf %parallel_loop3A_115, %parallel_loop3A_119 : vector<16xf32>
            %parallel_loop3A_121 = arith.constant 0.000000e+00 : f32
            %parallel_loop3A_122 = vector.broadcast %parallel_loop3A_121 : f32 to vector<16xf32>
            %parallel_loop3A_123 = arith.cmpf oge, %parallel_loop3A_120, %parallel_loop3A_122 : vector<16xf32>
            %parallel_loop3A_124 = arith.constant 2.000000e-01 : f32
            %parallel_loop3A_125 = vector.broadcast %parallel_loop3A_124 : f32 to vector<16xf32>
            %parallel_loop3A_126 = arith.mulf %parallel_loop3A_125, %parallel_loop3A_120 : vector<16xf32>
            %parallel_loop3A_127 = arith.select %parallel_loop3A_123, %parallel_loop3A_120, %parallel_loop3A_126 : vector<16xi1>, vector<16xf32>
            %parallel_loop3A_128 = math.exp %parallel_loop3A_127 : vector<16xf32>
            %parallel_loop3A_129 = arith.constant 64 : i32
            %parallel_loop3A_130 = vector.broadcast %parallel_loop3A_129 : i32 to vector<16xi32>
            %parallel_loop3A_131 = arith.addi %parallel_loop3A_130, %and3A_2 : vector<16xi32>
            tpu.vector_store_idx %arg16[%parallel_loop3A_111, %parallel_loop3A_131], %parallel_loop3A_128 : memref<128x72xf32, #tpu.memory_space<vmem>>[vector<16xi32>, vector<16xi32>], vector<16xf32>,
            %parallel_loop3A_132 = arith.constant 0 : i32
            %parallel_loop3A_133 = vector.broadcast %parallel_loop3A_132 : i32 to vector<16xi32>
            %parallel_loop3A_134 = arith.addi %parallel_loop3A_133, %shift_right_arithmetic3A_4 : vector<16xi32>
            %parallel_loop3A_135 = arith.constant 0 : i32
            %parallel_loop3A_136 = vector.broadcast %parallel_loop3A_135 : i32 to vector<16xi32>
            %parallel_loop3A_137 = arith.cmpi slt, %parallel_loop3A_134, %parallel_loop3A_136 : vector<16xi32>
            %parallel_loop3A_138 = arith.constant 16 : i32
            %parallel_loop3A_139 = vector.broadcast %parallel_loop3A_138 : i32 to vector<16xi32>
            %parallel_loop3A_140 = arith.addi %parallel_loop3A_134, %parallel_loop3A_139 : vector<16xi32>
            %parallel_loop3A_141 = arith.select %parallel_loop3A_137, %parallel_loop3A_140, %parallel_loop3A_134 : vector<16xi1>, vector<16xi32>
            %parallel_loop3A_142 = vector.shape_cast %parallel_loop3A_141 : vector<16xi32> to vector<16x1xi32>
            %parallel_loop3A_143 = vector.shape_cast %parallel_loop3A_142 : vector<16x1xi32> to vector<16xi32>
            %parallel_loop3A_144 = tpu.dynamic_gather %parallel_loop3A_128[%parallel_loop3A_143] in [0] : vector<16xf32>, vector<16xi32> -> vector<16xf32>
            %parallel_loop3A_145 = arith.constant 8 : i32
            %parallel_loop3A_146 = vector.broadcast %parallel_loop3A_145 : i32 to vector<16xi32>
            %parallel_loop3A_147 = arith.addi %parallel_loop3A_146, %shift_right_arithmetic3A_4 : vector<16xi32>
            %parallel_loop3A_148 = arith.constant 0 : i32
            %parallel_loop3A_149 = vector.broadcast %parallel_loop3A_148 : i32 to vector<16xi32>
            %parallel_loop3A_150 = arith.cmpi slt, %parallel_loop3A_147, %parallel_loop3A_149 : vector<16xi32>
            %parallel_loop3A_151 = arith.constant 16 : i32
            %parallel_loop3A_152 = vector.broadcast %parallel_loop3A_151 : i32 to vector<16xi32>
            %parallel_loop3A_153 = arith.addi %parallel_loop3A_147, %parallel_loop3A_152 : vector<16xi32>
            %parallel_loop3A_154 = arith.select %parallel_loop3A_150, %parallel_loop3A_153, %parallel_loop3A_147 : vector<16xi1>, vector<16xi32>
            %parallel_loop3A_155 = vector.shape_cast %parallel_loop3A_154 : vector<16xi32> to vector<16x1xi32>
            %parallel_loop3A_156 = vector.shape_cast %parallel_loop3A_155 : vector<16x1xi32> to vector<16xi32>
            %parallel_loop3A_157 = tpu.dynamic_gather %parallel_loop3A_128[%parallel_loop3A_156] in [0] : vector<16xf32>, vector<16xi32> -> vector<16xf32>
            %parallel_loop3A_158 = arith.index_cast %parallel_loop3A_109 : i32 to index
            %parallel_loop3A_159 = arith.constant 0 : index
            %parallel_loop3A_160 = tpu.vector_load %arg16[%parallel_loop3A_158, %parallel_loop3A_159] {strides = array<i32>} : memref<128x72xf32, #tpu.memory_space<vmem>>, vector<16xf32>,
            %parallel_loop3A_161 = arith.constant 1 : i32
            %parallel_loop3A_162 = arith.addi %parallel_loop3A_109, %parallel_loop3A_161 : i32
            %parallel_loop3A_163 = arith.index_cast %parallel_loop3A_162 : i32 to index
            %parallel_loop3A_164 = arith.constant 0 : index
            %parallel_loop3A_165 = tpu.vector_load %arg16[%parallel_loop3A_163, %parallel_loop3A_164] {strides = array<i32>} : memref<128x72xf32, #tpu.memory_space<vmem>>, vector<16xf32>,
            %parallel_loop3A_166 = arith.mulf %parallel_loop3A_160, %parallel_loop3A_144 : vector<16xf32>
            %parallel_loop3A_167 = arith.index_cast %parallel_loop3A_109 : i32 to index
            %parallel_loop3A_168 = arith.constant 0 : index
            %parallel_loop3A_169 = tpu.vector_load %arg16[%parallel_loop3A_167, %parallel_loop3A_168] {strides = array<i32>} : memref<128x72xf32, #tpu.memory_space<vmem>>, vector<16xf32>,
            tpu.vector_store %arg16[%parallel_loop3A_167, %parallel_loop3A_168], %parallel_loop3A_166 {strides = array<i32>} : memref<128x72xf32, #tpu.memory_space<vmem>>, vector<16xf32>,
            %parallel_loop3A_170 = arith.mulf %parallel_loop3A_165, %parallel_loop3A_157 : vector<16xf32>
            %parallel_loop3A_171 = arith.constant 1 : i32
            %parallel_loop3A_172 = arith.addi %parallel_loop3A_109, %parallel_loop3A_171 : i32
            %parallel_loop3A_173 = arith.index_cast %parallel_loop3A_172 : i32 to index
            %parallel_loop3A_174 = arith.constant 0 : index
            %parallel_loop3A_175 = tpu.vector_load %arg16[%parallel_loop3A_173, %parallel_loop3A_174] {strides = array<i32>} : memref<128x72xf32, #tpu.memory_space<vmem>>, vector<16xf32>,
            tpu.vector_store %arg16[%parallel_loop3A_173, %parallel_loop3A_174], %parallel_loop3A_170 {strides = array<i32>} : memref<128x72xf32, #tpu.memory_space<vmem>>, vector<16xf32>,
            %parallel_loop3A_176 = arith.constant 2 : i32
            %parallel_loop3A_177 = vector.broadcast %parallel_loop3A_176 : i32 to vector<16xi32>
            %parallel_loop3A_178 = arith.addi %parallel_loop3A_177, %shift_right_arithmetic3A_4 : vector<16xi32>
            %parallel_loop3A_179 = arith.constant 0 : i32
            %parallel_loop3A_180 = vector.broadcast %parallel_loop3A_179 : i32 to vector<16xi32>
            %parallel_loop3A_181 = arith.cmpi slt, %parallel_loop3A_178, %parallel_loop3A_180 : vector<16xi32>
            %parallel_loop3A_182 = arith.constant 16 : i32
            %parallel_loop3A_183 = vector.broadcast %parallel_loop3A_182 : i32 to vector<16xi32>
            %parallel_loop3A_184 = arith.addi %parallel_loop3A_178, %parallel_loop3A_183 : vector<16xi32>
            %parallel_loop3A_185 = arith.select %parallel_loop3A_181, %parallel_loop3A_184, %parallel_loop3A_178 : vector<16xi1>, vector<16xi32>
            %parallel_loop3A_186 = vector.shape_cast %parallel_loop3A_185 : vector<16xi32> to vector<16x1xi32>
            %parallel_loop3A_187 = vector.shape_cast %parallel_loop3A_186 : vector<16x1xi32> to vector<16xi32>
            %parallel_loop3A_188 = tpu.dynamic_gather %parallel_loop3A_128[%parallel_loop3A_187] in [0] : vector<16xf32>, vector<16xi32> -> vector<16xf32>
            %parallel_loop3A_189 = arith.constant 10 : i32
            %parallel_loop3A_190 = vector.broadcast %parallel_loop3A_189 : i32 to vector<16xi32>
            %parallel_loop3A_191 = arith.addi %parallel_loop3A_190, %shift_right_arithmetic3A_4 : vector<16xi32>
            %parallel_loop3A_192 = arith.constant 0 : i32
            %parallel_loop3A_193 = vector.broadcast %parallel_loop3A_192 : i32 to vector<16xi32>
            %parallel_loop3A_194 = arith.cmpi slt, %parallel_loop3A_191, %parallel_loop3A_193 : vector<16xi32>
            %parallel_loop3A_195 = arith.constant 16 : i32
            %parallel_loop3A_196 = vector.broadcast %parallel_loop3A_195 : i32 to vector<16xi32>
            %parallel_loop3A_197 = arith.addi %parallel_loop3A_191, %parallel_loop3A_196 : vector<16xi32>
            %parallel_loop3A_198 = arith.select %parallel_loop3A_194, %parallel_loop3A_197, %parallel_loop3A_191 : vector<16xi1>, vector<16xi32>
            %parallel_loop3A_199 = vector.shape_cast %parallel_loop3A_198 : vector<16xi32> to vector<16x1xi32>
            %parallel_loop3A_200 = vector.shape_cast %parallel_loop3A_199 : vector<16x1xi32> to vector<16xi32>
            %parallel_loop3A_201 = tpu.dynamic_gather %parallel_loop3A_128[%parallel_loop3A_200] in [0] : vector<16xf32>, vector<16xi32> -> vector<16xf32>
            %parallel_loop3A_202 = arith.index_cast %parallel_loop3A_109 : i32 to index
            %parallel_loop3A_203 = arith.constant 16 : index
            %parallel_loop3A_204 = tpu.vector_load %arg16[%parallel_loop3A_202, %parallel_loop3A_203] {strides = array<i32>} : memref<128x72xf32, #tpu.memory_space<vmem>>, vector<16xf32>,
            %parallel_loop3A_205 = arith.constant 1 : i32
            %parallel_loop3A_206 = arith.addi %parallel_loop3A_109, %parallel_loop3A_205 : i32
            %parallel_loop3A_207 = arith.index_cast %parallel_loop3A_206 : i32 to index
            %parallel_loop3A_208 = arith.constant 16 : index
            %parallel_loop3A_209 = tpu.vector_load %arg16[%parallel_loop3A_207, %parallel_loop3A_208] {strides = array<i32>} : memref<128x72xf32, #tpu.memory_space<vmem>>, vector<16xf32>,
            %parallel_loop3A_210 = arith.mulf %parallel_loop3A_204, %parallel_loop3A_188 : vector<16xf32>
            %parallel_loop3A_211 = arith.index_cast %parallel_loop3A_109 : i32 to index
            %parallel_loop3A_212 = arith.constant 16 : index
            %parallel_loop3A_213 = tpu.vector_load %arg16[%parallel_loop3A_211, %parallel_loop3A_212] {strides = array<i32>} : memref<128x72xf32, #tpu.memory_space<vmem>>, vector<16xf32>,
            tpu.vector_store %arg16[%parallel_loop3A_211, %parallel_loop3A_212], %parallel_loop3A_210 {strides = array<i32>} : memref<128x72xf32, #tpu.memory_space<vmem>>, vector<16xf32>,
            %parallel_loop3A_214 = arith.mulf %parallel_loop3A_209, %parallel_loop3A_201 : vector<16xf32>
            %parallel_loop3A_215 = arith.constant 1 : i32
            %parallel_loop3A_216 = arith.addi %parallel_loop3A_109, %parallel_loop3A_215 : i32
            %parallel_loop3A_217 = arith.index_cast %parallel_loop3A_216 : i32 to index
            %parallel_loop3A_218 = arith.constant 16 : index
            %parallel_loop3A_219 = tpu.vector_load %arg16[%parallel_loop3A_217, %parallel_loop3A_218] {strides = array<i32>} : memref<128x72xf32, #tpu.memory_space<vmem>>, vector<16xf32>,
            tpu.vector_store %arg16[%parallel_loop3A_217, %parallel_loop3A_218], %parallel_loop3A_214 {strides = array<i32>} : memref<128x72xf32, #tpu.memory_space<vmem>>, vector<16xf32>,
            %parallel_loop3A_220 = arith.constant 4 : i32
            %parallel_loop3A_221 = vector.broadcast %parallel_loop3A_220 : i32 to vector<16xi32>
            %parallel_loop3A_222 = arith.addi %parallel_loop3A_221, %shift_right_arithmetic3A_4 : vector<16xi32>
            %parallel_loop3A_223 = arith.constant 0 : i32
            %parallel_loop3A_224 = vector.broadcast %parallel_loop3A_223 : i32 to vector<16xi32>
            %parallel_loop3A_225 = arith.cmpi slt, %parallel_loop3A_222, %parallel_loop3A_224 : vector<16xi32>
            %parallel_loop3A_226 = arith.constant 16 : i32
            %parallel_loop3A_227 = vector.broadcast %parallel_loop3A_226 : i32 to vector<16xi32>
            %parallel_loop3A_228 = arith.addi %parallel_loop3A_222, %parallel_loop3A_227 : vector<16xi32>
            %parallel_loop3A_229 = arith.select %parallel_loop3A_225, %parallel_loop3A_228, %parallel_loop3A_222 : vector<16xi1>, vector<16xi32>
            %parallel_loop3A_230 = vector.shape_cast %parallel_loop3A_229 : vector<16xi32> to vector<16x1xi32>
            %parallel_loop3A_231 = vector.shape_cast %parallel_loop3A_230 : vector<16x1xi32> to vector<16xi32>
            %parallel_loop3A_232 = tpu.dynamic_gather %parallel_loop3A_128[%parallel_loop3A_231] in [0] : vector<16xf32>, vector<16xi32> -> vector<16xf32>
            %parallel_loop3A_233 = arith.constant 12 : i32
            %parallel_loop3A_234 = vector.broadcast %parallel_loop3A_233 : i32 to vector<16xi32>
            %parallel_loop3A_235 = arith.addi %parallel_loop3A_234, %shift_right_arithmetic3A_4 : vector<16xi32>
            %parallel_loop3A_236 = arith.constant 0 : i32
            %parallel_loop3A_237 = vector.broadcast %parallel_loop3A_236 : i32 to vector<16xi32>
            %parallel_loop3A_238 = arith.cmpi slt, %parallel_loop3A_235, %parallel_loop3A_237 : vector<16xi32>
            %parallel_loop3A_239 = arith.constant 16 : i32
            %parallel_loop3A_240 = vector.broadcast %parallel_loop3A_239 : i32 to vector<16xi32>
            %parallel_loop3A_241 = arith.addi %parallel_loop3A_235, %parallel_loop3A_240 : vector<16xi32>
            %parallel_loop3A_242 = arith.select %parallel_loop3A_238, %parallel_loop3A_241, %parallel_loop3A_235 : vector<16xi1>, vector<16xi32>
            %parallel_loop3A_243 = vector.shape_cast %parallel_loop3A_242 : vector<16xi32> to vector<16x1xi32>
            %parallel_loop3A_244 = vector.shape_cast %parallel_loop3A_243 : vector<16x1xi32> to vector<16xi32>
            %parallel_loop3A_245 = tpu.dynamic_gather %parallel_loop3A_128[%parallel_loop3A_244] in [0] : vector<16xf32>, vector<16xi32> -> vector<16xf32>
            %parallel_loop3A_246 = arith.index_cast %parallel_loop3A_109 : i32 to index
            %parallel_loop3A_247 = arith.constant 32 : index
            %parallel_loop3A_248 = tpu.vector_load %arg16[%parallel_loop3A_246, %parallel_loop3A_247] {strides = array<i32>} : memref<128x72xf32, #tpu.memory_space<vmem>>, vector<16xf32>,
            %parallel_loop3A_249 = arith.constant 1 : i32
            %parallel_loop3A_250 = arith.addi %parallel_loop3A_109, %parallel_loop3A_249 : i32
            %parallel_loop3A_251 = arith.index_cast %parallel_loop3A_250 : i32 to index
            %parallel_loop3A_252 = arith.constant 32 : index
            %parallel_loop3A_253 = tpu.vector_load %arg16[%parallel_loop3A_251, %parallel_loop3A_252] {strides = array<i32>} : memref<128x72xf32, #tpu.memory_space<vmem>>, vector<16xf32>,
            %parallel_loop3A_254 = arith.mulf %parallel_loop3A_248, %parallel_loop3A_232 : vector<16xf32>
            %parallel_loop3A_255 = arith.index_cast %parallel_loop3A_109 : i32 to index
            %parallel_loop3A_256 = arith.constant 32 : index
            %parallel_loop3A_257 = tpu.vector_load %arg16[%parallel_loop3A_255, %parallel_loop3A_256] {strides = array<i32>} : memref<128x72xf32, #tpu.memory_space<vmem>>, vector<16xf32>,
            tpu.vector_store %arg16[%parallel_loop3A_255, %parallel_loop3A_256], %parallel_loop3A_254 {strides = array<i32>} : memref<128x72xf32, #tpu.memory_space<vmem>>, vector<16xf32>,
            %parallel_loop3A_258 = arith.mulf %parallel_loop3A_253, %parallel_loop3A_245 : vector<16xf32>
            %parallel_loop3A_259 = arith.constant 1 : i32
            %parallel_loop3A_260 = arith.addi %parallel_loop3A_109, %parallel_loop3A_259 : i32
            %parallel_loop3A_261 = arith.index_cast %parallel_loop3A_260 : i32 to index
            %parallel_loop3A_262 = arith.constant 32 : index
            %parallel_loop3A_263 = tpu.vector_load %arg16[%parallel_loop3A_261, %parallel_loop3A_262] {strides = array<i32>} : memref<128x72xf32, #tpu.memory_space<vmem>>, vector<16xf32>,
            tpu.vector_store %arg16[%parallel_loop3A_261, %parallel_loop3A_262], %parallel_loop3A_258 {strides = array<i32>} : memref<128x72xf32, #tpu.memory_space<vmem>>, vector<16xf32>,
            %parallel_loop3A_264 = arith.constant 6 : i32
            %parallel_loop3A_265 = vector.broadcast %parallel_loop3A_264 : i32 to vector<16xi32>
            %parallel_loop3A_266 = arith.addi %parallel_loop3A_265, %shift_right_arithmetic3A_4 : vector<16xi32>
            %parallel_loop3A_267 = arith.constant 0 : i32
            %parallel_loop3A_268 = vector.broadcast %parallel_loop3A_267 : i32 to vector<16xi32>
            %parallel_loop3A_269 = arith.cmpi slt, %parallel_loop3A_266, %parallel_loop3A_268 : vector<16xi32>
            %parallel_loop3A_270 = arith.constant 16 : i32
            %parallel_loop3A_271 = vector.broadcast %parallel_loop3A_270 : i32 to vector<16xi32>
            %parallel_loop3A_272 = arith.addi %parallel_loop3A_266, %parallel_loop3A_271 : vector<16xi32>
            %parallel_loop3A_273 = arith.select %parallel_loop3A_269, %parallel_loop3A_272, %parallel_loop3A_266 : vector<16xi1>, vector<16xi32>
            %parallel_loop3A_274 = vector.shape_cast %parallel_loop3A_273 : vector<16xi32> to vector<16x1xi32>
            %parallel_loop3A_275 = vector.shape_cast %parallel_loop3A_274 : vector<16x1xi32> to vector<16xi32>
            %parallel_loop3A_276 = tpu.dynamic_gather %parallel_loop3A_128[%parallel_loop3A_275] in [0] : vector<16xf32>, vector<16xi32> -> vector<16xf32>
            %parallel_loop3A_277 = arith.constant 14 : i32
            %parallel_loop3A_278 = vector.broadcast %parallel_loop3A_277 : i32 to vector<16xi32>
            %parallel_loop3A_279 = arith.addi %parallel_loop3A_278, %shift_right_arithmetic3A_4 : vector<16xi32>
            %parallel_loop3A_280 = arith.constant 0 : i32
            %parallel_loop3A_281 = vector.broadcast %parallel_loop3A_280 : i32 to vector<16xi32>
            %parallel_loop3A_282 = arith.cmpi slt, %parallel_loop3A_279, %parallel_loop3A_281 : vector<16xi32>
            %parallel_loop3A_283 = arith.constant 16 : i32
            %parallel_loop3A_284 = vector.broadcast %parallel_loop3A_283 : i32 to vector<16xi32>
            %parallel_loop3A_285 = arith.addi %parallel_loop3A_279, %parallel_loop3A_284 : vector<16xi32>
            %parallel_loop3A_286 = arith.select %parallel_loop3A_282, %parallel_loop3A_285, %parallel_loop3A_279 : vector<16xi1>, vector<16xi32>
            %parallel_loop3A_287 = vector.shape_cast %parallel_loop3A_286 : vector<16xi32> to vector<16x1xi32>
            %parallel_loop3A_288 = vector.shape_cast %parallel_loop3A_287 : vector<16x1xi32> to vector<16xi32>
            %parallel_loop3A_289 = tpu.dynamic_gather %parallel_loop3A_128[%parallel_loop3A_288] in [0] : vector<16xf32>, vector<16xi32> -> vector<16xf32>
            %parallel_loop3A_290 = arith.index_cast %parallel_loop3A_109 : i32 to index
            %parallel_loop3A_291 = arith.constant 48 : index
            %parallel_loop3A_292 = tpu.vector_load %arg16[%parallel_loop3A_290, %parallel_loop3A_291] {strides = array<i32>} : memref<128x72xf32, #tpu.memory_space<vmem>>, vector<16xf32>,
            %parallel_loop3A_293 = arith.constant 1 : i32
            %parallel_loop3A_294 = arith.addi %parallel_loop3A_109, %parallel_loop3A_293 : i32
            %parallel_loop3A_295 = arith.index_cast %parallel_loop3A_294 : i32 to index
            %parallel_loop3A_296 = arith.constant 48 : index
            %parallel_loop3A_297 = tpu.vector_load %arg16[%parallel_loop3A_295, %parallel_loop3A_296] {strides = array<i32>} : memref<128x72xf32, #tpu.memory_space<vmem>>, vector<16xf32>,
            %parallel_loop3A_298 = arith.mulf %parallel_loop3A_292, %parallel_loop3A_276 : vector<16xf32>
            %parallel_loop3A_299 = arith.index_cast %parallel_loop3A_109 : i32 to index
            %parallel_loop3A_300 = arith.constant 48 : index
            %parallel_loop3A_301 = tpu.vector_load %arg16[%parallel_loop3A_299, %parallel_loop3A_300] {strides = array<i32>} : memref<128x72xf32, #tpu.memory_space<vmem>>, vector<16xf32>,
            tpu.vector_store %arg16[%parallel_loop3A_299, %parallel_loop3A_300], %parallel_loop3A_298 {strides = array<i32>} : memref<128x72xf32, #tpu.memory_space<vmem>>, vector<16xf32>,
            %parallel_loop3A_302 = arith.mulf %parallel_loop3A_297, %parallel_loop3A_289 : vector<16xf32>
            %parallel_loop3A_303 = arith.constant 1 : i32
            %parallel_loop3A_304 = arith.addi %parallel_loop3A_109, %parallel_loop3A_303 : i32
            %parallel_loop3A_305 = arith.index_cast %parallel_loop3A_304 : i32 to index
            %parallel_loop3A_306 = arith.constant 48 : index
            %parallel_loop3A_307 = tpu.vector_load %arg16[%parallel_loop3A_305, %parallel_loop3A_306] {strides = array<i32>} : memref<128x72xf32, #tpu.memory_space<vmem>>, vector<16xf32>,
            tpu.vector_store %arg16[%parallel_loop3A_305, %parallel_loop3A_306], %parallel_loop3A_302 {strides = array<i32>} : memref<128x72xf32, #tpu.memory_space<vmem>>, vector<16xf32>,
          } {sc.loop_unroll_factor = 4 : i64, sc.parallel_access}
          %run_scoped3A = arith.constant 0 : i32
          "tpu.region"() ({
            %run_scoped3A_105 = tpu.sem_alloc : memref<!tpu.dma_semaphore, #tpu.memory_space<semaphore_mem>>
            %dma_start3A = arith.constant 0 : i32
            %dma_start3A_106 = arith.constant 0 : i32
            %dma_start3A_107 = tpu.memref_slice %arg16[%dma_start3A, %dma_start3A_106] : memref<128x72xf32, #tpu.memory_space<vmem>> -> memref<64x72xf32, #tpu.memory_space<vmem>>
            %dma_start3A_108 = arith.constant 0 : i32
            %dma_start3A_109 = tpu.memref_slice %arg15[%run_scoped3A, %dma_start3A_108] : memref<2x64xi32, #tpu.memory_space<vmem>> -> memref<1x64xi32, #tpu.memory_space<vmem>>
            %dma_start3A_110 = tpu.memref_squeeze %dma_start3A_109 : memref<1x64xi32, #tpu.memory_space<vmem>> -> memref<64xi32, #tpu.memory_space<vmem>>
            %dma_start3A_111 = arith.constant 0 : i32
            %dma_start3A_112 = arith.constant 0 : i32
            %dma_start3A_113 = tpu.memref_slice %arg8[%dma_start3A_111, %dma_start3A_112] : memref<25096x72xf32, #tpu.memory_space<vmem_shared>> -> memref<25096x72xf32, #tpu.memory_space<vmem_shared>>
            tpu.enqueue_indirect_dma source(%dma_start3A_107 : memref<64x72xf32, #tpu.memory_space<vmem>>) target(%dma_start3A_113 : memref<25096x72xf32, #tpu.memory_space<vmem_shared>>) offsets(%dma_start3A_110 : memref<64xi32, #tpu.memory_space<vmem>>) semaphore(%run_scoped3A_105 : memref<!tpu.dma_semaphore, #tpu.memory_space<semaphore_mem>>) {add = true}
            %dma_wait3A_114 = arith.constant 0 : i32
            %dma_wait3A_115 = arith.constant 0 : i32
            %dma_wait3A_116 = tpu.memref_slice %arg16[%dma_wait3A_114, %dma_wait3A_115] : memref<128x72xf32, #tpu.memory_space<vmem>> -> memref<64x72xf32, #tpu.memory_space<vmem>>
            %dma_wait3A_117 = arith.constant 0 : i32
            %dma_wait3A_118 = tpu.memref_slice %arg15[%run_scoped3A, %dma_wait3A_117] : memref<2x64xi32, #tpu.memory_space<vmem>> -> memref<1x64xi32, #tpu.memory_space<vmem>>
            %dma_wait3A_119 = tpu.memref_squeeze %dma_wait3A_118 : memref<1x64xi32, #tpu.memory_space<vmem>> -> memref<64xi32, #tpu.memory_space<vmem>>
            %dma_wait3A_120 = arith.constant 0 : i32
            %dma_wait3A_121 = arith.constant 0 : i32
            %dma_wait3A_122 = tpu.memref_slice %arg8[%dma_wait3A_120, %dma_wait3A_121] : memref<25096x72xf32, #tpu.memory_space<vmem_shared>> -> memref<25096x72xf32, #tpu.memory_space<vmem_shared>>
            tpu.wait_indirect_dma semaphore(%run_scoped3A_105 : memref<!tpu.dma_semaphore, #tpu.memory_space<semaphore_mem>>) src(%dma_wait3A_116 : memref<64x72xf32, #tpu.memory_space<vmem>>) dst(%dma_wait3A_122 : memref<25096x72xf32, #tpu.memory_space<vmem_shared>>)
            tpu.yield
          }) : () -> ()
          %add3A_99 = arith.constant 2 : i32
          %add3A_100 = arith.addi %mul3A_68, %add3A_99 : i32
          %lt3A_101 = arith.cmpi slt, %add3A_100, %shift_right_arithmetic3A_43 : i32
          %convert_element_type3A_102 = arith.extui %lt3A_101 : i1 to i32
          %cond3A_103 = arith.constant 0 : i32
          %cond3A_104 = arith.cmpi ne, %convert_element_type3A_102, %cond3A_103 : i32
          scf.if %cond3A_104 {
            %add3A_105 = arith.constant 2 : i32
            %add3A_106 = arith.addi %mul3A_68, %add3A_105 : i32
            %scan3A_107 = arith.constant 0 : i32
            %scan3A_108 = arith.constant 0 : i32
            %scan3A_109 = arith.constant 4 : i32
            %scan3A_110 = arith.addi %scan3A_108, %scan3A_109 : i32
            %scan3A_111 = arith.constant 1 : i32
            scf.for %scan3A_132 = %scan3A_108 to %scan3A_110 step %scan3A_111  : i32 {
              %mul3A_133 = arith.constant 64 : i32
              %mul3A_134 = arith.muli %add3A_106, %mul3A_133 : i32
              %mul3A_135 = arith.constant 16 : i32
              %mul3A_136 = arith.muli %scan3A_132, %mul3A_135 : i32
              %add3A_137 = arith.addi %mul3A_134, %mul3A_136 : i32
              %get3A = arith.index_cast %add3A_137 : i32 to index
              %get3A_138 = tpu.vector_load %arg12[%get3A] {strides = array<i32>} : memref<1024xi32, #tpu.memory_space<vmem>>, vector<16xi32>,
              %mul3A_139 = arith.constant 16 : i32
              %mul3A_140 = arith.muli %scan3A_132, %mul3A_139 : i32
              %swap3A = arith.constant 0 : i32
              %swap3A_141 = arith.index_cast %swap3A : i32 to index
              %swap3A_142 = arith.index_cast %mul3A_140 : i32 to index
              %swap3A_143 = tpu.vector_load %arg15[%swap3A_141, %swap3A_142] {strides = array<i32>} : memref<2x64xi32, #tpu.memory_space<vmem>>, vector<16xi32>,
              tpu.vector_store %arg15[%swap3A_141, %swap3A_142], %get3A_138 {strides = array<i32>} : memref<2x64xi32, #tpu.memory_space<vmem>>, vector<16xi32>,
              %add3A_144 = vector.broadcast %mul3A_0 : i32 to vector<16xi32>
              %add3A_145 = arith.addi %get3A_138, %add3A_144 : vector<16xi32>
              %mul3A_146 = arith.constant 16 : i32
              %mul3A_147 = arith.muli %scan3A_132, %mul3A_146 : i32
              %swap3A_148 = arith.constant 0 : i32
              %swap3A_149 = arith.index_cast %swap3A_148 : i32 to index
              %swap3A_150 = arith.index_cast %mul3A_147 : i32 to index
              %swap3A_151 = tpu.vector_load %arg14[%swap3A_149, %swap3A_150] {strides = array<i32>} : memref<2x64xi32, #tpu.memory_space<vmem>>, vector<16xi32>,
              tpu.vector_store %arg14[%swap3A_149, %swap3A_150], %add3A_145 {strides = array<i32>} : memref<2x64xi32, #tpu.memory_space<vmem>>, vector<16xi32>,
              %mul3A_152 = arith.constant 64 : i32
              %mul3A_153 = arith.muli %add3A_106, %mul3A_152 : i32
              %mul3A_154 = arith.constant 16 : i32
              %mul3A_155 = arith.muli %scan3A_132, %mul3A_154 : i32
              %add3A_156 = arith.addi %mul3A_153, %mul3A_155 : i32
              %get3A_157 = arith.index_cast %add3A_156 : i32 to index
              %get3A_158 = tpu.vector_load %arg11[%get3A_157] {strides = array<i32>} : memref<1024xi32, #tpu.memory_space<vmem>>, vector<16xi32>,
              %mul3A_159 = arith.constant 16 : i32
              %mul3A_160 = arith.muli %scan3A_132, %mul3A_159 : i32
              %swap3A_161 = arith.constant 0 : i32
              %swap3A_162 = arith.index_cast %swap3A_161 : i32 to index
              %swap3A_163 = arith.index_cast %mul3A_160 : i32 to index
              %swap3A_164 = tpu.vector_load %arg13[%swap3A_162, %swap3A_163] {strides = array<i32>} : memref<2x64xi32, #tpu.memory_space<vmem>>, vector<16xi32>,
              tpu.vector_store %arg13[%swap3A_162, %swap3A_163], %get3A_158 {strides = array<i32>} : memref<2x64xi32, #tpu.memory_space<vmem>>, vector<16xi32>,
            }
            %scan3A_112 = arith.constant 4 : i32
            %dma_start3A = arith.constant 0 : i32
            %dma_start3A_113 = arith.constant 0 : i32
            %dma_start3A_114 = arith.constant 0 : i32
            %dma_start3A_115 = tpu.memref_slice %arg16[%dma_start3A_113, %dma_start3A_114] : memref<128x72xf32, #tpu.memory_space<vmem>> -> memref<64x72xf32, #tpu.memory_space<vmem>>
            %dma_start3A_116 = arith.constant 0 : i32
            %dma_start3A_117 = tpu.memref_slice %arg13[%dma_start3A, %dma_start3A_116] : memref<2x64xi32, #tpu.memory_space<vmem>> -> memref<1x64xi32, #tpu.memory_space<vmem>>
            %dma_start3A_118 = tpu.memref_squeeze %dma_start3A_117 : memref<1x64xi32, #tpu.memory_space<vmem>> -> memref<64xi32, #tpu.memory_space<vmem>>
            %dma_start3A_119 = arith.constant 0 : i32
            %dma_start3A_120 = arith.constant 0 : i32
            %dma_start3A_121 = tpu.memref_slice %arg4[%dma_start3A_119, %dma_start3A_120] : memref<50000x72xf32, #tpu.memory_space<hbm>> -> memref<50000x72xf32, #tpu.memory_space<hbm>>
            tpu.enqueue_indirect_dma source(%dma_start3A_121 : memref<50000x72xf32, #tpu.memory_space<hbm>>) target(%dma_start3A_115 : memref<64x72xf32, #tpu.memory_space<vmem>>) offsets(%dma_start3A_118 : memref<64xi32, #tpu.memory_space<vmem>>) semaphore(%arg18 : memref<!tpu.dma_semaphore, #tpu.memory_space<semaphore_mem>>)
            %dma_start3A_122 = arith.constant 0 : i32
            %dma_start3A_123 = arith.constant 0 : i32
            %dma_start3A_124 = arith.constant 0 : i32
            %dma_start3A_125 = tpu.memref_slice %arg17[%dma_start3A_123, %dma_start3A_124] : memref<128x16xf32, #tpu.memory_space<vmem>> -> memref<64x16xf32, #tpu.memory_space<vmem>>
            %dma_start3A_126 = arith.constant 0 : i32
            %dma_start3A_127 = tpu.memref_slice %arg14[%dma_start3A_122, %dma_start3A_126] : memref<2x64xi32, #tpu.memory_space<vmem>> -> memref<1x64xi32, #tpu.memory_space<vmem>>
            %dma_start3A_128 = tpu.memref_squeeze %dma_start3A_127 : memref<1x64xi32, #tpu.memory_space<vmem>> -> memref<64xi32, #tpu.memory_space<vmem>>
            %dma_start3A_129 = arith.constant 0 : i32
            %dma_start3A_130 = arith.constant 0 : i32
            %dma_start3A_131 = tpu.memref_slice %arg5[%dma_start3A_129, %dma_start3A_130] : memref<50000x16xf32, #tpu.memory_space<hbm>> -> memref<50000x16xf32, #tpu.memory_space<hbm>>
            tpu.enqueue_indirect_dma source(%dma_start3A_131 : memref<50000x16xf32, #tpu.memory_space<hbm>>) target(%dma_start3A_125 : memref<64x16xf32, #tpu.memory_space<vmem>>) offsets(%dma_start3A_128 : memref<64xi32, #tpu.memory_space<vmem>>) semaphore(%arg18 : memref<!tpu.dma_semaphore, #tpu.memory_space<semaphore_mem>>)
          } else {
          }
        } else {
        }
        %add3A_72 = arith.constant 1 : i32
        %add3A_73 = arith.addi %mul3A_68, %add3A_72 : i32
        %lt3A_74 = arith.cmpi slt, %add3A_73, %shift_right_arithmetic3A_43 : i32
        %convert_element_type3A_75 = arith.extui %lt3A_74 : i1 to i32
        %cond3A_76 = arith.constant 0 : i32
        %cond3A_77 = arith.cmpi ne, %convert_element_type3A_75, %cond3A_76 : i32
        scf.if %cond3A_77 {
          %dma_wait3A = arith.constant 1 : i32
          %dma_wait3A_78 = arith.constant 64 : i32
          %dma_wait3A_79 = arith.constant 0 : i32
          %dma_wait3A_80 = tpu.memref_slice %arg16[%dma_wait3A_78, %dma_wait3A_79] : memref<128x72xf32, #tpu.memory_space<vmem>> -> memref<64x72xf32, #tpu.memory_space<vmem>>
          %dma_wait3A_81 = arith.constant 0 : i32
          %dma_wait3A_82 = tpu.memref_slice %arg13[%dma_wait3A, %dma_wait3A_81] : memref<2x64xi32, #tpu.memory_space<vmem>> -> memref<1x64xi32, #tpu.memory_space<vmem>>
          %dma_wait3A_83 = tpu.memref_squeeze %dma_wait3A_82 : memref<1x64xi32, #tpu.memory_space<vmem>> -> memref<64xi32, #tpu.memory_space<vmem>>
          %dma_wait3A_84 = arith.constant 0 : i32
          %dma_wait3A_85 = arith.constant 0 : i32
          %dma_wait3A_86 = tpu.memref_slice %arg4[%dma_wait3A_84, %dma_wait3A_85] : memref<50000x72xf32, #tpu.memory_space<hbm>> -> memref<50000x72xf32, #tpu.memory_space<hbm>>
          tpu.wait_indirect_dma semaphore(%arg19 : memref<!tpu.dma_semaphore, #tpu.memory_space<semaphore_mem>>) src(%dma_wait3A_86 : memref<50000x72xf32, #tpu.memory_space<hbm>>) dst(%dma_wait3A_80 : memref<64x72xf32, #tpu.memory_space<vmem>>)
          %dma_wait3A_87 = arith.constant 1 : i32
          %dma_wait3A_88 = arith.constant 64 : i32
          %dma_wait3A_89 = arith.constant 0 : i32
          %dma_wait3A_90 = tpu.memref_slice %arg17[%dma_wait3A_88, %dma_wait3A_89] : memref<128x16xf32, #tpu.memory_space<vmem>> -> memref<64x16xf32, #tpu.memory_space<vmem>>
          %dma_wait3A_91 = arith.constant 0 : i32
          %dma_wait3A_92 = tpu.memref_slice %arg14[%dma_wait3A_87, %dma_wait3A_91] : memref<2x64xi32, #tpu.memory_space<vmem>> -> memref<1x64xi32, #tpu.memory_space<vmem>>
          %dma_wait3A_93 = tpu.memref_squeeze %dma_wait3A_92 : memref<1x64xi32, #tpu.memory_space<vmem>> -> memref<64xi32, #tpu.memory_space<vmem>>
          %dma_wait3A_94 = arith.constant 0 : i32
          %dma_wait3A_95 = arith.constant 0 : i32
          %dma_wait3A_96 = tpu.memref_slice %arg5[%dma_wait3A_94, %dma_wait3A_95] : memref<50000x16xf32, #tpu.memory_space<hbm>> -> memref<50000x16xf32, #tpu.memory_space<hbm>>
          tpu.wait_indirect_dma semaphore(%arg19 : memref<!tpu.dma_semaphore, #tpu.memory_space<semaphore_mem>>) src(%dma_wait3A_96 : memref<50000x16xf32, #tpu.memory_space<hbm>>) dst(%dma_wait3A_90 : memref<64x16xf32, #tpu.memory_space<vmem>>)
          %parallel_loop3A = arith.constant 0 : i32
          %parallel_loop3A_97 = arith.constant 32 : i32
          %parallel_loop3A_98 = arith.constant 1 : i32
          scf.for %parallel_loop3A_105 = %parallel_loop3A to %parallel_loop3A_97 step %parallel_loop3A_98  : i32 {
            %parallel_loop3A_106 = arith.constant 2 : i32
            %parallel_loop3A_107 = arith.muli %parallel_loop3A_106, %parallel_loop3A_105 : i32
            %parallel_loop3A_108 = arith.constant 64 : i32
            %parallel_loop3A_109 = arith.addi %parallel_loop3A_108, %parallel_loop3A_107 : i32
            %parallel_loop3A_110 = vector.broadcast %parallel_loop3A_109 : i32 to vector<16xi32>
            %parallel_loop3A_111 = arith.addi %parallel_loop3A_110, %shift_right_arithmetic3A_4 : vector<16xi32>
            %parallel_loop3A_112 = arith.constant 64 : i32
            %parallel_loop3A_113 = vector.broadcast %parallel_loop3A_112 : i32 to vector<16xi32>
            %parallel_loop3A_114 = arith.addi %parallel_loop3A_113, %and3A_2 : vector<16xi32>
            %parallel_loop3A_115 = tpu.vector_load_idx %arg16[%parallel_loop3A_111, %parallel_loop3A_114] : memref<128x72xf32, #tpu.memory_space<vmem>>[vector<16xi32>, vector<16xi32>], vector<16xf32>,
            %parallel_loop3A_116 = arith.constant 8 : i32
            %parallel_loop3A_117 = vector.broadcast %parallel_loop3A_116 : i32 to vector<16xi32>
            %parallel_loop3A_118 = arith.addi %and3A_2, %parallel_loop3A_117 : vector<16xi32>
            %parallel_loop3A_119 = tpu.vector_load_idx %arg17[%parallel_loop3A_111, %parallel_loop3A_118] : memref<128x16xf32, #tpu.memory_space<vmem>>[vector<16xi32>, vector<16xi32>], vector<16xf32>,
            %parallel_loop3A_120 = arith.addf %parallel_loop3A_115, %parallel_loop3A_119 : vector<16xf32>
            %parallel_loop3A_121 = arith.constant 0.000000e+00 : f32
            %parallel_loop3A_122 = vector.broadcast %parallel_loop3A_121 : f32 to vector<16xf32>
            %parallel_loop3A_123 = arith.cmpf oge, %parallel_loop3A_120, %parallel_loop3A_122 : vector<16xf32>
            %parallel_loop3A_124 = arith.constant 2.000000e-01 : f32
            %parallel_loop3A_125 = vector.broadcast %parallel_loop3A_124 : f32 to vector<16xf32>
            %parallel_loop3A_126 = arith.mulf %parallel_loop3A_125, %parallel_loop3A_120 : vector<16xf32>
            %parallel_loop3A_127 = arith.select %parallel_loop3A_123, %parallel_loop3A_120, %parallel_loop3A_126 : vector<16xi1>, vector<16xf32>
            %parallel_loop3A_128 = math.exp %parallel_loop3A_127 : vector<16xf32>
            %parallel_loop3A_129 = arith.constant 64 : i32
            %parallel_loop3A_130 = vector.broadcast %parallel_loop3A_129 : i32 to vector<16xi32>
            %parallel_loop3A_131 = arith.addi %parallel_loop3A_130, %and3A_2 : vector<16xi32>
            tpu.vector_store_idx %arg16[%parallel_loop3A_111, %parallel_loop3A_131], %parallel_loop3A_128 : memref<128x72xf32, #tpu.memory_space<vmem>>[vector<16xi32>, vector<16xi32>], vector<16xf32>,
            %parallel_loop3A_132 = arith.constant 0 : i32
            %parallel_loop3A_133 = vector.broadcast %parallel_loop3A_132 : i32 to vector<16xi32>
            %parallel_loop3A_134 = arith.addi %parallel_loop3A_133, %shift_right_arithmetic3A_4 : vector<16xi32>
            %parallel_loop3A_135 = arith.constant 0 : i32
            %parallel_loop3A_136 = vector.broadcast %parallel_loop3A_135 : i32 to vector<16xi32>
            %parallel_loop3A_137 = arith.cmpi slt, %parallel_loop3A_134, %parallel_loop3A_136 : vector<16xi32>
            %parallel_loop3A_138 = arith.constant 16 : i32
            %parallel_loop3A_139 = vector.broadcast %parallel_loop3A_138 : i32 to vector<16xi32>
            %parallel_loop3A_140 = arith.addi %parallel_loop3A_134, %parallel_loop3A_139 : vector<16xi32>
            %parallel_loop3A_141 = arith.select %parallel_loop3A_137, %parallel_loop3A_140, %parallel_loop3A_134 : vector<16xi1>, vector<16xi32>
            %parallel_loop3A_142 = vector.shape_cast %parallel_loop3A_141 : vector<16xi32> to vector<16x1xi32>
            %parallel_loop3A_143 = vector.shape_cast %parallel_loop3A_142 : vector<16x1xi32> to vector<16xi32>
            %parallel_loop3A_144 = tpu.dynamic_gather %parallel_loop3A_128[%parallel_loop3A_143] in [0] : vector<16xf32>, vector<16xi32> -> vector<16xf32>
            %parallel_loop3A_145 = arith.constant 8 : i32
            %parallel_loop3A_146 = vector.broadcast %parallel_loop3A_145 : i32 to vector<16xi32>
            %parallel_loop3A_147 = arith.addi %parallel_loop3A_146, %shift_right_arithmetic3A_4 : vector<16xi32>
            %parallel_loop3A_148 = arith.constant 0 : i32
            %parallel_loop3A_149 = vector.broadcast %parallel_loop3A_148 : i32 to vector<16xi32>
            %parallel_loop3A_150 = arith.cmpi slt, %parallel_loop3A_147, %parallel_loop3A_149 : vector<16xi32>
            %parallel_loop3A_151 = arith.constant 16 : i32
            %parallel_loop3A_152 = vector.broadcast %parallel_loop3A_151 : i32 to vector<16xi32>
            %parallel_loop3A_153 = arith.addi %parallel_loop3A_147, %parallel_loop3A_152 : vector<16xi32>
            %parallel_loop3A_154 = arith.select %parallel_loop3A_150, %parallel_loop3A_153, %parallel_loop3A_147 : vector<16xi1>, vector<16xi32>
            %parallel_loop3A_155 = vector.shape_cast %parallel_loop3A_154 : vector<16xi32> to vector<16x1xi32>
            %parallel_loop3A_156 = vector.shape_cast %parallel_loop3A_155 : vector<16x1xi32> to vector<16xi32>
            %parallel_loop3A_157 = tpu.dynamic_gather %parallel_loop3A_128[%parallel_loop3A_156] in [0] : vector<16xf32>, vector<16xi32> -> vector<16xf32>
            %parallel_loop3A_158 = arith.index_cast %parallel_loop3A_109 : i32 to index
            %parallel_loop3A_159 = arith.constant 0 : index
            %parallel_loop3A_160 = tpu.vector_load %arg16[%parallel_loop3A_158, %parallel_loop3A_159] {strides = array<i32>} : memref<128x72xf32, #tpu.memory_space<vmem>>, vector<16xf32>,
            %parallel_loop3A_161 = arith.constant 1 : i32
            %parallel_loop3A_162 = arith.addi %parallel_loop3A_109, %parallel_loop3A_161 : i32
            %parallel_loop3A_163 = arith.index_cast %parallel_loop3A_162 : i32 to index
            %parallel_loop3A_164 = arith.constant 0 : index
            %parallel_loop3A_165 = tpu.vector_load %arg16[%parallel_loop3A_163, %parallel_loop3A_164] {strides = array<i32>} : memref<128x72xf32, #tpu.memory_space<vmem>>, vector<16xf32>,
            %parallel_loop3A_166 = arith.mulf %parallel_loop3A_160, %parallel_loop3A_144 : vector<16xf32>
            %parallel_loop3A_167 = arith.index_cast %parallel_loop3A_109 : i32 to index
            %parallel_loop3A_168 = arith.constant 0 : index
            %parallel_loop3A_169 = tpu.vector_load %arg16[%parallel_loop3A_167, %parallel_loop3A_168] {strides = array<i32>} : memref<128x72xf32, #tpu.memory_space<vmem>>, vector<16xf32>,
            tpu.vector_store %arg16[%parallel_loop3A_167, %parallel_loop3A_168], %parallel_loop3A_166 {strides = array<i32>} : memref<128x72xf32, #tpu.memory_space<vmem>>, vector<16xf32>,
            %parallel_loop3A_170 = arith.mulf %parallel_loop3A_165, %parallel_loop3A_157 : vector<16xf32>
            %parallel_loop3A_171 = arith.constant 1 : i32
            %parallel_loop3A_172 = arith.addi %parallel_loop3A_109, %parallel_loop3A_171 : i32
            %parallel_loop3A_173 = arith.index_cast %parallel_loop3A_172 : i32 to index
            %parallel_loop3A_174 = arith.constant 0 : index
            %parallel_loop3A_175 = tpu.vector_load %arg16[%parallel_loop3A_173, %parallel_loop3A_174] {strides = array<i32>} : memref<128x72xf32, #tpu.memory_space<vmem>>, vector<16xf32>,
            tpu.vector_store %arg16[%parallel_loop3A_173, %parallel_loop3A_174], %parallel_loop3A_170 {strides = array<i32>} : memref<128x72xf32, #tpu.memory_space<vmem>>, vector<16xf32>,
            %parallel_loop3A_176 = arith.constant 2 : i32
            %parallel_loop3A_177 = vector.broadcast %parallel_loop3A_176 : i32 to vector<16xi32>
            %parallel_loop3A_178 = arith.addi %parallel_loop3A_177, %shift_right_arithmetic3A_4 : vector<16xi32>
            %parallel_loop3A_179 = arith.constant 0 : i32
            %parallel_loop3A_180 = vector.broadcast %parallel_loop3A_179 : i32 to vector<16xi32>
            %parallel_loop3A_181 = arith.cmpi slt, %parallel_loop3A_178, %parallel_loop3A_180 : vector<16xi32>
            %parallel_loop3A_182 = arith.constant 16 : i32
            %parallel_loop3A_183 = vector.broadcast %parallel_loop3A_182 : i32 to vector<16xi32>
            %parallel_loop3A_184 = arith.addi %parallel_loop3A_178, %parallel_loop3A_183 : vector<16xi32>
            %parallel_loop3A_185 = arith.select %parallel_loop3A_181, %parallel_loop3A_184, %parallel_loop3A_178 : vector<16xi1>, vector<16xi32>
            %parallel_loop3A_186 = vector.shape_cast %parallel_loop3A_185 : vector<16xi32> to vector<16x1xi32>
            %parallel_loop3A_187 = vector.shape_cast %parallel_loop3A_186 : vector<16x1xi32> to vector<16xi32>
            %parallel_loop3A_188 = tpu.dynamic_gather %parallel_loop3A_128[%parallel_loop3A_187] in [0] : vector<16xf32>, vector<16xi32> -> vector<16xf32>
            %parallel_loop3A_189 = arith.constant 10 : i32
            %parallel_loop3A_190 = vector.broadcast %parallel_loop3A_189 : i32 to vector<16xi32>
            %parallel_loop3A_191 = arith.addi %parallel_loop3A_190, %shift_right_arithmetic3A_4 : vector<16xi32>
            %parallel_loop3A_192 = arith.constant 0 : i32
            %parallel_loop3A_193 = vector.broadcast %parallel_loop3A_192 : i32 to vector<16xi32>
            %parallel_loop3A_194 = arith.cmpi slt, %parallel_loop3A_191, %parallel_loop3A_193 : vector<16xi32>
            %parallel_loop3A_195 = arith.constant 16 : i32
            %parallel_loop3A_196 = vector.broadcast %parallel_loop3A_195 : i32 to vector<16xi32>
            %parallel_loop3A_197 = arith.addi %parallel_loop3A_191, %parallel_loop3A_196 : vector<16xi32>
            %parallel_loop3A_198 = arith.select %parallel_loop3A_194, %parallel_loop3A_197, %parallel_loop3A_191 : vector<16xi1>, vector<16xi32>
            %parallel_loop3A_199 = vector.shape_cast %parallel_loop3A_198 : vector<16xi32> to vector<16x1xi32>
            %parallel_loop3A_200 = vector.shape_cast %parallel_loop3A_199 : vector<16x1xi32> to vector<16xi32>
            %parallel_loop3A_201 = tpu.dynamic_gather %parallel_loop3A_128[%parallel_loop3A_200] in [0] : vector<16xf32>, vector<16xi32> -> vector<16xf32>
            %parallel_loop3A_202 = arith.index_cast %parallel_loop3A_109 : i32 to index
            %parallel_loop3A_203 = arith.constant 16 : index
            %parallel_loop3A_204 = tpu.vector_load %arg16[%parallel_loop3A_202, %parallel_loop3A_203] {strides = array<i32>} : memref<128x72xf32, #tpu.memory_space<vmem>>, vector<16xf32>,
            %parallel_loop3A_205 = arith.constant 1 : i32
            %parallel_loop3A_206 = arith.addi %parallel_loop3A_109, %parallel_loop3A_205 : i32
            %parallel_loop3A_207 = arith.index_cast %parallel_loop3A_206 : i32 to index
            %parallel_loop3A_208 = arith.constant 16 : index
            %parallel_loop3A_209 = tpu.vector_load %arg16[%parallel_loop3A_207, %parallel_loop3A_208] {strides = array<i32>} : memref<128x72xf32, #tpu.memory_space<vmem>>, vector<16xf32>,
            %parallel_loop3A_210 = arith.mulf %parallel_loop3A_204, %parallel_loop3A_188 : vector<16xf32>
            %parallel_loop3A_211 = arith.index_cast %parallel_loop3A_109 : i32 to index
            %parallel_loop3A_212 = arith.constant 16 : index
            %parallel_loop3A_213 = tpu.vector_load %arg16[%parallel_loop3A_211, %parallel_loop3A_212] {strides = array<i32>} : memref<128x72xf32, #tpu.memory_space<vmem>>, vector<16xf32>,
            tpu.vector_store %arg16[%parallel_loop3A_211, %parallel_loop3A_212], %parallel_loop3A_210 {strides = array<i32>} : memref<128x72xf32, #tpu.memory_space<vmem>>, vector<16xf32>,
            %parallel_loop3A_214 = arith.mulf %parallel_loop3A_209, %parallel_loop3A_201 : vector<16xf32>
            %parallel_loop3A_215 = arith.constant 1 : i32
            %parallel_loop3A_216 = arith.addi %parallel_loop3A_109, %parallel_loop3A_215 : i32
            %parallel_loop3A_217 = arith.index_cast %parallel_loop3A_216 : i32 to index
            %parallel_loop3A_218 = arith.constant 16 : index
            %parallel_loop3A_219 = tpu.vector_load %arg16[%parallel_loop3A_217, %parallel_loop3A_218] {strides = array<i32>} : memref<128x72xf32, #tpu.memory_space<vmem>>, vector<16xf32>,
            tpu.vector_store %arg16[%parallel_loop3A_217, %parallel_loop3A_218], %parallel_loop3A_214 {strides = array<i32>} : memref<128x72xf32, #tpu.memory_space<vmem>>, vector<16xf32>,
            %parallel_loop3A_220 = arith.constant 4 : i32
            %parallel_loop3A_221 = vector.broadcast %parallel_loop3A_220 : i32 to vector<16xi32>
            %parallel_loop3A_222 = arith.addi %parallel_loop3A_221, %shift_right_arithmetic3A_4 : vector<16xi32>
            %parallel_loop3A_223 = arith.constant 0 : i32
            %parallel_loop3A_224 = vector.broadcast %parallel_loop3A_223 : i32 to vector<16xi32>
            %parallel_loop3A_225 = arith.cmpi slt, %parallel_loop3A_222, %parallel_loop3A_224 : vector<16xi32>
            %parallel_loop3A_226 = arith.constant 16 : i32
            %parallel_loop3A_227 = vector.broadcast %parallel_loop3A_226 : i32 to vector<16xi32>
            %parallel_loop3A_228 = arith.addi %parallel_loop3A_222, %parallel_loop3A_227 : vector<16xi32>
            %parallel_loop3A_229 = arith.select %parallel_loop3A_225, %parallel_loop3A_228, %parallel_loop3A_222 : vector<16xi1>, vector<16xi32>
            %parallel_loop3A_230 = vector.shape_cast %parallel_loop3A_229 : vector<16xi32> to vector<16x1xi32>
            %parallel_loop3A_231 = vector.shape_cast %parallel_loop3A_230 : vector<16x1xi32> to vector<16xi32>
            %parallel_loop3A_232 = tpu.dynamic_gather %parallel_loop3A_128[%parallel_loop3A_231] in [0] : vector<16xf32>, vector<16xi32> -> vector<16xf32>
            %parallel_loop3A_233 = arith.constant 12 : i32
            %parallel_loop3A_234 = vector.broadcast %parallel_loop3A_233 : i32 to vector<16xi32>
            %parallel_loop3A_235 = arith.addi %parallel_loop3A_234, %shift_right_arithmetic3A_4 : vector<16xi32>
            %parallel_loop3A_236 = arith.constant 0 : i32
            %parallel_loop3A_237 = vector.broadcast %parallel_loop3A_236 : i32 to vector<16xi32>
            %parallel_loop3A_238 = arith.cmpi slt, %parallel_loop3A_235, %parallel_loop3A_237 : vector<16xi32>
            %parallel_loop3A_239 = arith.constant 16 : i32
            %parallel_loop3A_240 = vector.broadcast %parallel_loop3A_239 : i32 to vector<16xi32>
            %parallel_loop3A_241 = arith.addi %parallel_loop3A_235, %parallel_loop3A_240 : vector<16xi32>
            %parallel_loop3A_242 = arith.select %parallel_loop3A_238, %parallel_loop3A_241, %parallel_loop3A_235 : vector<16xi1>, vector<16xi32>
            %parallel_loop3A_243 = vector.shape_cast %parallel_loop3A_242 : vector<16xi32> to vector<16x1xi32>
            %parallel_loop3A_244 = vector.shape_cast %parallel_loop3A_243 : vector<16x1xi32> to vector<16xi32>
            %parallel_loop3A_245 = tpu.dynamic_gather %parallel_loop3A_128[%parallel_loop3A_244] in [0] : vector<16xf32>, vector<16xi32> -> vector<16xf32>
            %parallel_loop3A_246 = arith.index_cast %parallel_loop3A_109 : i32 to index
            %parallel_loop3A_247 = arith.constant 32 : index
            %parallel_loop3A_248 = tpu.vector_load %arg16[%parallel_loop3A_246, %parallel_loop3A_247] {strides = array<i32>} : memref<128x72xf32, #tpu.memory_space<vmem>>, vector<16xf32>,
            %parallel_loop3A_249 = arith.constant 1 : i32
            %parallel_loop3A_250 = arith.addi %parallel_loop3A_109, %parallel_loop3A_249 : i32
            %parallel_loop3A_251 = arith.index_cast %parallel_loop3A_250 : i32 to index
            %parallel_loop3A_252 = arith.constant 32 : index
            %parallel_loop3A_253 = tpu.vector_load %arg16[%parallel_loop3A_251, %parallel_loop3A_252] {strides = array<i32>} : memref<128x72xf32, #tpu.memory_space<vmem>>, vector<16xf32>,
            %parallel_loop3A_254 = arith.mulf %parallel_loop3A_248, %parallel_loop3A_232 : vector<16xf32>
            %parallel_loop3A_255 = arith.index_cast %parallel_loop3A_109 : i32 to index
            %parallel_loop3A_256 = arith.constant 32 : index
            %parallel_loop3A_257 = tpu.vector_load %arg16[%parallel_loop3A_255, %parallel_loop3A_256] {strides = array<i32>} : memref<128x72xf32, #tpu.memory_space<vmem>>, vector<16xf32>,
            tpu.vector_store %arg16[%parallel_loop3A_255, %parallel_loop3A_256], %parallel_loop3A_254 {strides = array<i32>} : memref<128x72xf32, #tpu.memory_space<vmem>>, vector<16xf32>,
            %parallel_loop3A_258 = arith.mulf %parallel_loop3A_253, %parallel_loop3A_245 : vector<16xf32>
            %parallel_loop3A_259 = arith.constant 1 : i32
            %parallel_loop3A_260 = arith.addi %parallel_loop3A_109, %parallel_loop3A_259 : i32
            %parallel_loop3A_261 = arith.index_cast %parallel_loop3A_260 : i32 to index
            %parallel_loop3A_262 = arith.constant 32 : index
            %parallel_loop3A_263 = tpu.vector_load %arg16[%parallel_loop3A_261, %parallel_loop3A_262] {strides = array<i32>} : memref<128x72xf32, #tpu.memory_space<vmem>>, vector<16xf32>,
            tpu.vector_store %arg16[%parallel_loop3A_261, %parallel_loop3A_262], %parallel_loop3A_258 {strides = array<i32>} : memref<128x72xf32, #tpu.memory_space<vmem>>, vector<16xf32>,
            %parallel_loop3A_264 = arith.constant 6 : i32
            %parallel_loop3A_265 = vector.broadcast %parallel_loop3A_264 : i32 to vector<16xi32>
            %parallel_loop3A_266 = arith.addi %parallel_loop3A_265, %shift_right_arithmetic3A_4 : vector<16xi32>
            %parallel_loop3A_267 = arith.constant 0 : i32
            %parallel_loop3A_268 = vector.broadcast %parallel_loop3A_267 : i32 to vector<16xi32>
            %parallel_loop3A_269 = arith.cmpi slt, %parallel_loop3A_266, %parallel_loop3A_268 : vector<16xi32>
            %parallel_loop3A_270 = arith.constant 16 : i32
            %parallel_loop3A_271 = vector.broadcast %parallel_loop3A_270 : i32 to vector<16xi32>
            %parallel_loop3A_272 = arith.addi %parallel_loop3A_266, %parallel_loop3A_271 : vector<16xi32>
            %parallel_loop3A_273 = arith.select %parallel_loop3A_269, %parallel_loop3A_272, %parallel_loop3A_266 : vector<16xi1>, vector<16xi32>
            %parallel_loop3A_274 = vector.shape_cast %parallel_loop3A_273 : vector<16xi32> to vector<16x1xi32>
            %parallel_loop3A_275 = vector.shape_cast %parallel_loop3A_274 : vector<16x1xi32> to vector<16xi32>
            %parallel_loop3A_276 = tpu.dynamic_gather %parallel_loop3A_128[%parallel_loop3A_275] in [0] : vector<16xf32>, vector<16xi32> -> vector<16xf32>
            %parallel_loop3A_277 = arith.constant 14 : i32
            %parallel_loop3A_278 = vector.broadcast %parallel_loop3A_277 : i32 to vector<16xi32>
            %parallel_loop3A_279 = arith.addi %parallel_loop3A_278, %shift_right_arithmetic3A_4 : vector<16xi32>
            %parallel_loop3A_280 = arith.constant 0 : i32
            %parallel_loop3A_281 = vector.broadcast %parallel_loop3A_280 : i32 to vector<16xi32>
            %parallel_loop3A_282 = arith.cmpi slt, %parallel_loop3A_279, %parallel_loop3A_281 : vector<16xi32>
            %parallel_loop3A_283 = arith.constant 16 : i32
            %parallel_loop3A_284 = vector.broadcast %parallel_loop3A_283 : i32 to vector<16xi32>
            %parallel_loop3A_285 = arith.addi %parallel_loop3A_279, %parallel_loop3A_284 : vector<16xi32>
            %parallel_loop3A_286 = arith.select %parallel_loop3A_282, %parallel_loop3A_285, %parallel_loop3A_279 : vector<16xi1>, vector<16xi32>
            %parallel_loop3A_287 = vector.shape_cast %parallel_loop3A_286 : vector<16xi32> to vector<16x1xi32>
            %parallel_loop3A_288 = vector.shape_cast %parallel_loop3A_287 : vector<16x1xi32> to vector<16xi32>
            %parallel_loop3A_289 = tpu.dynamic_gather %parallel_loop3A_128[%parallel_loop3A_288] in [0] : vector<16xf32>, vector<16xi32> -> vector<16xf32>
            %parallel_loop3A_290 = arith.index_cast %parallel_loop3A_109 : i32 to index
            %parallel_loop3A_291 = arith.constant 48 : index
            %parallel_loop3A_292 = tpu.vector_load %arg16[%parallel_loop3A_290, %parallel_loop3A_291] {strides = array<i32>} : memref<128x72xf32, #tpu.memory_space<vmem>>, vector<16xf32>,
            %parallel_loop3A_293 = arith.constant 1 : i32
            %parallel_loop3A_294 = arith.addi %parallel_loop3A_109, %parallel_loop3A_293 : i32
            %parallel_loop3A_295 = arith.index_cast %parallel_loop3A_294 : i32 to index
            %parallel_loop3A_296 = arith.constant 48 : index
            %parallel_loop3A_297 = tpu.vector_load %arg16[%parallel_loop3A_295, %parallel_loop3A_296] {strides = array<i32>} : memref<128x72xf32, #tpu.memory_space<vmem>>, vector<16xf32>,
            %parallel_loop3A_298 = arith.mulf %parallel_loop3A_292, %parallel_loop3A_276 : vector<16xf32>
            %parallel_loop3A_299 = arith.index_cast %parallel_loop3A_109 : i32 to index
            %parallel_loop3A_300 = arith.constant 48 : index
            %parallel_loop3A_301 = tpu.vector_load %arg16[%parallel_loop3A_299, %parallel_loop3A_300] {strides = array<i32>} : memref<128x72xf32, #tpu.memory_space<vmem>>, vector<16xf32>,
            tpu.vector_store %arg16[%parallel_loop3A_299, %parallel_loop3A_300], %parallel_loop3A_298 {strides = array<i32>} : memref<128x72xf32, #tpu.memory_space<vmem>>, vector<16xf32>,
            %parallel_loop3A_302 = arith.mulf %parallel_loop3A_297, %parallel_loop3A_289 : vector<16xf32>
            %parallel_loop3A_303 = arith.constant 1 : i32
            %parallel_loop3A_304 = arith.addi %parallel_loop3A_109, %parallel_loop3A_303 : i32
            %parallel_loop3A_305 = arith.index_cast %parallel_loop3A_304 : i32 to index
            %parallel_loop3A_306 = arith.constant 48 : index
            %parallel_loop3A_307 = tpu.vector_load %arg16[%parallel_loop3A_305, %parallel_loop3A_306] {strides = array<i32>} : memref<128x72xf32, #tpu.memory_space<vmem>>, vector<16xf32>,
            tpu.vector_store %arg16[%parallel_loop3A_305, %parallel_loop3A_306], %parallel_loop3A_302 {strides = array<i32>} : memref<128x72xf32, #tpu.memory_space<vmem>>, vector<16xf32>,
          } {sc.loop_unroll_factor = 4 : i64, sc.parallel_access}
          %run_scoped3A = arith.constant 1 : i32
          "tpu.region"() ({
            %run_scoped3A_105 = tpu.sem_alloc : memref<!tpu.dma_semaphore, #tpu.memory_space<semaphore_mem>>
            %dma_start3A = arith.constant 64 : i32
            %dma_start3A_106 = arith.constant 0 : i32
            %dma_start3A_107 = tpu.memref_slice %arg16[%dma_start3A, %dma_start3A_106] : memref<128x72xf32, #tpu.memory_space<vmem>> -> memref<64x72xf32, #tpu.memory_space<vmem>>
            %dma_start3A_108 = arith.constant 0 : i32
            %dma_start3A_109 = tpu.memref_slice %arg15[%run_scoped3A, %dma_start3A_108] : memref<2x64xi32, #tpu.memory_space<vmem>> -> memref<1x64xi32, #tpu.memory_space<vmem>>
            %dma_start3A_110 = tpu.memref_squeeze %dma_start3A_109 : memref<1x64xi32, #tpu.memory_space<vmem>> -> memref<64xi32, #tpu.memory_space<vmem>>
            %dma_start3A_111 = arith.constant 0 : i32
            %dma_start3A_112 = arith.constant 0 : i32
            %dma_start3A_113 = tpu.memref_slice %arg8[%dma_start3A_111, %dma_start3A_112] : memref<25096x72xf32, #tpu.memory_space<vmem_shared>> -> memref<25096x72xf32, #tpu.memory_space<vmem_shared>>
            tpu.enqueue_indirect_dma source(%dma_start3A_107 : memref<64x72xf32, #tpu.memory_space<vmem>>) target(%dma_start3A_113 : memref<25096x72xf32, #tpu.memory_space<vmem_shared>>) offsets(%dma_start3A_110 : memref<64xi32, #tpu.memory_space<vmem>>) semaphore(%run_scoped3A_105 : memref<!tpu.dma_semaphore, #tpu.memory_space<semaphore_mem>>) {add = true}
            %dma_wait3A_114 = arith.constant 64 : i32
            %dma_wait3A_115 = arith.constant 0 : i32
            %dma_wait3A_116 = tpu.memref_slice %arg16[%dma_wait3A_114, %dma_wait3A_115] : memref<128x72xf32, #tpu.memory_space<vmem>> -> memref<64x72xf32, #tpu.memory_space<vmem>>
            %dma_wait3A_117 = arith.constant 0 : i32
            %dma_wait3A_118 = tpu.memref_slice %arg15[%run_scoped3A, %dma_wait3A_117] : memref<2x64xi32, #tpu.memory_space<vmem>> -> memref<1x64xi32, #tpu.memory_space<vmem>>
            %dma_wait3A_119 = tpu.memref_squeeze %dma_wait3A_118 : memref<1x64xi32, #tpu.memory_space<vmem>> -> memref<64xi32, #tpu.memory_space<vmem>>
            %dma_wait3A_120 = arith.constant 0 : i32
            %dma_wait3A_121 = arith.constant 0 : i32
            %dma_wait3A_122 = tpu.memref_slice %arg8[%dma_wait3A_120, %dma_wait3A_121] : memref<25096x72xf32, #tpu.memory_space<vmem_shared>> -> memref<25096x72xf32, #tpu.memory_space<vmem_shared>>
            tpu.wait_indirect_dma semaphore(%run_scoped3A_105 : memref<!tpu.dma_semaphore, #tpu.memory_space<semaphore_mem>>) src(%dma_wait3A_116 : memref<64x72xf32, #tpu.memory_space<vmem>>) dst(%dma_wait3A_122 : memref<25096x72xf32, #tpu.memory_space<vmem_shared>>)
            tpu.yield
          }) : () -> ()
          %add3A_99 = arith.constant 3 : i32
          %add3A_100 = arith.addi %mul3A_68, %add3A_99 : i32
          %lt3A_101 = arith.cmpi slt, %add3A_100, %shift_right_arithmetic3A_43 : i32
          %convert_element_type3A_102 = arith.extui %lt3A_101 : i1 to i32
          %cond3A_103 = arith.constant 0 : i32
          %cond3A_104 = arith.cmpi ne, %convert_element_type3A_102, %cond3A_103 : i32
          scf.if %cond3A_104 {
            %add3A_105 = arith.constant 3 : i32
            %add3A_106 = arith.addi %mul3A_68, %add3A_105 : i32
            %scan3A_107 = arith.constant 0 : i32
            %scan3A_108 = arith.constant 0 : i32
            %scan3A_109 = arith.constant 4 : i32
            %scan3A_110 = arith.addi %scan3A_108, %scan3A_109 : i32
            %scan3A_111 = arith.constant 1 : i32
            scf.for %scan3A_132 = %scan3A_108 to %scan3A_110 step %scan3A_111  : i32 {
              %mul3A_133 = arith.constant 64 : i32
              %mul3A_134 = arith.muli %add3A_106, %mul3A_133 : i32
              %mul3A_135 = arith.constant 16 : i32
              %mul3A_136 = arith.muli %scan3A_132, %mul3A_135 : i32
              %add3A_137 = arith.addi %mul3A_134, %mul3A_136 : i32
              %get3A = arith.index_cast %add3A_137 : i32 to index
              %get3A_138 = tpu.vector_load %arg12[%get3A] {strides = array<i32>} : memref<1024xi32, #tpu.memory_space<vmem>>, vector<16xi32>,
              %mul3A_139 = arith.constant 16 : i32
              %mul3A_140 = arith.muli %scan3A_132, %mul3A_139 : i32
              %swap3A = arith.constant 1 : i32
              %swap3A_141 = arith.index_cast %swap3A : i32 to index
              %swap3A_142 = arith.index_cast %mul3A_140 : i32 to index
              %swap3A_143 = tpu.vector_load %arg15[%swap3A_141, %swap3A_142] {strides = array<i32>} : memref<2x64xi32, #tpu.memory_space<vmem>>, vector<16xi32>,
              tpu.vector_store %arg15[%swap3A_141, %swap3A_142], %get3A_138 {strides = array<i32>} : memref<2x64xi32, #tpu.memory_space<vmem>>, vector<16xi32>,
              %add3A_144 = vector.broadcast %mul3A_0 : i32 to vector<16xi32>
              %add3A_145 = arith.addi %get3A_138, %add3A_144 : vector<16xi32>
              %mul3A_146 = arith.constant 16 : i32
              %mul3A_147 = arith.muli %scan3A_132, %mul3A_146 : i32
              %swap3A_148 = arith.constant 1 : i32
              %swap3A_149 = arith.index_cast %swap3A_148 : i32 to index
              %swap3A_150 = arith.index_cast %mul3A_147 : i32 to index
              %swap3A_151 = tpu.vector_load %arg14[%swap3A_149, %swap3A_150] {strides = array<i32>} : memref<2x64xi32, #tpu.memory_space<vmem>>, vector<16xi32>,
              tpu.vector_store %arg14[%swap3A_149, %swap3A_150], %add3A_145 {strides = array<i32>} : memref<2x64xi32, #tpu.memory_space<vmem>>, vector<16xi32>,
              %mul3A_152 = arith.constant 64 : i32
              %mul3A_153 = arith.muli %add3A_106, %mul3A_152 : i32
              %mul3A_154 = arith.constant 16 : i32
              %mul3A_155 = arith.muli %scan3A_132, %mul3A_154 : i32
              %add3A_156 = arith.addi %mul3A_153, %mul3A_155 : i32
              %get3A_157 = arith.index_cast %add3A_156 : i32 to index
              %get3A_158 = tpu.vector_load %arg11[%get3A_157] {strides = array<i32>} : memref<1024xi32, #tpu.memory_space<vmem>>, vector<16xi32>,
              %mul3A_159 = arith.constant 16 : i32
              %mul3A_160 = arith.muli %scan3A_132, %mul3A_159 : i32
              %swap3A_161 = arith.constant 1 : i32
              %swap3A_162 = arith.index_cast %swap3A_161 : i32 to index
              %swap3A_163 = arith.index_cast %mul3A_160 : i32 to index
              %swap3A_164 = tpu.vector_load %arg13[%swap3A_162, %swap3A_163] {strides = array<i32>} : memref<2x64xi32, #tpu.memory_space<vmem>>, vector<16xi32>,
              tpu.vector_store %arg13[%swap3A_162, %swap3A_163], %get3A_158 {strides = array<i32>} : memref<2x64xi32, #tpu.memory_space<vmem>>, vector<16xi32>,
            }
            %scan3A_112 = arith.constant 4 : i32
            %dma_start3A = arith.constant 1 : i32
            %dma_start3A_113 = arith.constant 64 : i32
            %dma_start3A_114 = arith.constant 0 : i32
            %dma_start3A_115 = tpu.memref_slice %arg16[%dma_start3A_113, %dma_start3A_114] : memref<128x72xf32, #tpu.memory_space<vmem>> -> memref<64x72xf32, #tpu.memory_space<vmem>>
            %dma_start3A_116 = arith.constant 0 : i32
            %dma_start3A_117 = tpu.memref_slice %arg13[%dma_start3A, %dma_start3A_116] : memref<2x64xi32, #tpu.memory_space<vmem>> -> memref<1x64xi32, #tpu.memory_space<vmem>>
            %dma_start3A_118 = tpu.memref_squeeze %dma_start3A_117 : memref<1x64xi32, #tpu.memory_space<vmem>> -> memref<64xi32, #tpu.memory_space<vmem>>
            %dma_start3A_119 = arith.constant 0 : i32
            %dma_start3A_120 = arith.constant 0 : i32
            %dma_start3A_121 = tpu.memref_slice %arg4[%dma_start3A_119, %dma_start3A_120] : memref<50000x72xf32, #tpu.memory_space<hbm>> -> memref<50000x72xf32, #tpu.memory_space<hbm>>
            tpu.enqueue_indirect_dma source(%dma_start3A_121 : memref<50000x72xf32, #tpu.memory_space<hbm>>) target(%dma_start3A_115 : memref<64x72xf32, #tpu.memory_space<vmem>>) offsets(%dma_start3A_118 : memref<64xi32, #tpu.memory_space<vmem>>) semaphore(%arg19 : memref<!tpu.dma_semaphore, #tpu.memory_space<semaphore_mem>>)
            %dma_start3A_122 = arith.constant 1 : i32
            %dma_start3A_123 = arith.constant 64 : i32
            %dma_start3A_124 = arith.constant 0 : i32
            %dma_start3A_125 = tpu.memref_slice %arg17[%dma_start3A_123, %dma_start3A_124] : memref<128x16xf32, #tpu.memory_space<vmem>> -> memref<64x16xf32, #tpu.memory_space<vmem>>
            %dma_start3A_126 = arith.constant 0 : i32
            %dma_start3A_127 = tpu.memref_slice %arg14[%dma_start3A_122, %dma_start3A_126] : memref<2x64xi32, #tpu.memory_space<vmem>> -> memref<1x64xi32, #tpu.memory_space<vmem>>
            %dma_start3A_128 = tpu.memref_squeeze %dma_start3A_127 : memref<1x64xi32, #tpu.memory_space<vmem>> -> memref<64xi32, #tpu.memory_space<vmem>>
            %dma_start3A_129 = arith.constant 0 : i32
            %dma_start3A_130 = arith.constant 0 : i32
            %dma_start3A_131 = tpu.memref_slice %arg5[%dma_start3A_129, %dma_start3A_130] : memref<50000x16xf32, #tpu.memory_space<hbm>> -> memref<50000x16xf32, #tpu.memory_space<hbm>>
            tpu.enqueue_indirect_dma source(%dma_start3A_131 : memref<50000x16xf32, #tpu.memory_space<hbm>>) target(%dma_start3A_125 : memref<64x16xf32, #tpu.memory_space<vmem>>) offsets(%dma_start3A_128 : memref<64xi32, #tpu.memory_space<vmem>>) semaphore(%arg19 : memref<!tpu.dma_semaphore, #tpu.memory_space<semaphore_mem>>)
          } else {
          }
        } else {
        }
      }
      %while3A_65 = arith.constant 1 : i32
      scf.for %while3A_66 = %while3A_63 to %while3A_59 step %while3A_65  : i32 {
        %mul3A_67 = arith.constant 2 : i32
        %mul3A_68 = arith.muli %mul3A_67, %while3A_66 : i32
        %lt3A = arith.cmpi slt, %mul3A_68, %shift_right_arithmetic3A_43 : i32
        %convert_element_type3A_69 = arith.extui %lt3A : i1 to i32
        %cond3A_70 = arith.constant 0 : i32
        %cond3A_71 = arith.cmpi ne, %convert_element_type3A_69, %cond3A_70 : i32
        scf.if %cond3A_71 {
          %dma_wait3A = arith.constant 0 : i32
          %dma_wait3A_78 = arith.constant 0 : i32
          %dma_wait3A_79 = arith.constant 0 : i32
          %dma_wait3A_80 = tpu.memref_slice %arg16[%dma_wait3A_78, %dma_wait3A_79] : memref<128x72xf32, #tpu.memory_space<vmem>> -> memref<64x72xf32, #tpu.memory_space<vmem>>
          %dma_wait3A_81 = arith.constant 0 : i32
          %dma_wait3A_82 = tpu.memref_slice %arg13[%dma_wait3A, %dma_wait3A_81] : memref<2x64xi32, #tpu.memory_space<vmem>> -> memref<1x64xi32, #tpu.memory_space<vmem>>
          %dma_wait3A_83 = tpu.memref_squeeze %dma_wait3A_82 : memref<1x64xi32, #tpu.memory_space<vmem>> -> memref<64xi32, #tpu.memory_space<vmem>>
          %dma_wait3A_84 = arith.constant 0 : i32
          %dma_wait3A_85 = arith.constant 0 : i32
          %dma_wait3A_86 = tpu.memref_slice %arg4[%dma_wait3A_84, %dma_wait3A_85] : memref<50000x72xf32, #tpu.memory_space<hbm>> -> memref<50000x72xf32, #tpu.memory_space<hbm>>
          tpu.wait_indirect_dma semaphore(%arg18 : memref<!tpu.dma_semaphore, #tpu.memory_space<semaphore_mem>>) src(%dma_wait3A_86 : memref<50000x72xf32, #tpu.memory_space<hbm>>) dst(%dma_wait3A_80 : memref<64x72xf32, #tpu.memory_space<vmem>>)
          %dma_wait3A_87 = arith.constant 0 : i32
          %dma_wait3A_88 = arith.constant 0 : i32
          %dma_wait3A_89 = arith.constant 0 : i32
          %dma_wait3A_90 = tpu.memref_slice %arg17[%dma_wait3A_88, %dma_wait3A_89] : memref<128x16xf32, #tpu.memory_space<vmem>> -> memref<64x16xf32, #tpu.memory_space<vmem>>
          %dma_wait3A_91 = arith.constant 0 : i32
          %dma_wait3A_92 = tpu.memref_slice %arg14[%dma_wait3A_87, %dma_wait3A_91] : memref<2x64xi32, #tpu.memory_space<vmem>> -> memref<1x64xi32, #tpu.memory_space<vmem>>
          %dma_wait3A_93 = tpu.memref_squeeze %dma_wait3A_92 : memref<1x64xi32, #tpu.memory_space<vmem>> -> memref<64xi32, #tpu.memory_space<vmem>>
          %dma_wait3A_94 = arith.constant 0 : i32
          %dma_wait3A_95 = arith.constant 0 : i32
          %dma_wait3A_96 = tpu.memref_slice %arg5[%dma_wait3A_94, %dma_wait3A_95] : memref<50000x16xf32, #tpu.memory_space<hbm>> -> memref<50000x16xf32, #tpu.memory_space<hbm>>
          tpu.wait_indirect_dma semaphore(%arg18 : memref<!tpu.dma_semaphore, #tpu.memory_space<semaphore_mem>>) src(%dma_wait3A_96 : memref<50000x16xf32, #tpu.memory_space<hbm>>) dst(%dma_wait3A_90 : memref<64x16xf32, #tpu.memory_space<vmem>>)
          %parallel_loop3A = arith.constant 0 : i32
          %parallel_loop3A_97 = arith.constant 32 : i32
          %parallel_loop3A_98 = arith.constant 1 : i32
          scf.for %parallel_loop3A_105 = %parallel_loop3A to %parallel_loop3A_97 step %parallel_loop3A_98  : i32 {
            %parallel_loop3A_106 = arith.constant 2 : i32
            %parallel_loop3A_107 = arith.muli %parallel_loop3A_106, %parallel_loop3A_105 : i32
            %parallel_loop3A_108 = arith.constant 0 : i32
            %parallel_loop3A_109 = arith.addi %parallel_loop3A_108, %parallel_loop3A_107 : i32
            %parallel_loop3A_110 = vector.broadcast %parallel_loop3A_109 : i32 to vector<16xi32>
            %parallel_loop3A_111 = arith.addi %parallel_loop3A_110, %shift_right_arithmetic3A_4 : vector<16xi32>
            %parallel_loop3A_112 = arith.constant 64 : i32
            %parallel_loop3A_113 = vector.broadcast %parallel_loop3A_112 : i32 to vector<16xi32>
            %parallel_loop3A_114 = arith.addi %parallel_loop3A_113, %and3A_2 : vector<16xi32>
            %parallel_loop3A_115 = tpu.vector_load_idx %arg16[%parallel_loop3A_111, %parallel_loop3A_114] : memref<128x72xf32, #tpu.memory_space<vmem>>[vector<16xi32>, vector<16xi32>], vector<16xf32>,
            %parallel_loop3A_116 = arith.constant 8 : i32
            %parallel_loop3A_117 = vector.broadcast %parallel_loop3A_116 : i32 to vector<16xi32>
            %parallel_loop3A_118 = arith.addi %and3A_2, %parallel_loop3A_117 : vector<16xi32>
            %parallel_loop3A_119 = tpu.vector_load_idx %arg17[%parallel_loop3A_111, %parallel_loop3A_118] : memref<128x16xf32, #tpu.memory_space<vmem>>[vector<16xi32>, vector<16xi32>], vector<16xf32>,
            %parallel_loop3A_120 = arith.addf %parallel_loop3A_115, %parallel_loop3A_119 : vector<16xf32>
            %parallel_loop3A_121 = arith.constant 0.000000e+00 : f32
            %parallel_loop3A_122 = vector.broadcast %parallel_loop3A_121 : f32 to vector<16xf32>
            %parallel_loop3A_123 = arith.cmpf oge, %parallel_loop3A_120, %parallel_loop3A_122 : vector<16xf32>
            %parallel_loop3A_124 = arith.constant 2.000000e-01 : f32
            %parallel_loop3A_125 = vector.broadcast %parallel_loop3A_124 : f32 to vector<16xf32>
            %parallel_loop3A_126 = arith.mulf %parallel_loop3A_125, %parallel_loop3A_120 : vector<16xf32>
            %parallel_loop3A_127 = arith.select %parallel_loop3A_123, %parallel_loop3A_120, %parallel_loop3A_126 : vector<16xi1>, vector<16xf32>
            %parallel_loop3A_128 = math.exp %parallel_loop3A_127 : vector<16xf32>
            %parallel_loop3A_129 = arith.constant 64 : i32
            %parallel_loop3A_130 = vector.broadcast %parallel_loop3A_129 : i32 to vector<16xi32>
            %parallel_loop3A_131 = arith.addi %parallel_loop3A_130, %and3A_2 : vector<16xi32>
            tpu.vector_store_idx %arg16[%parallel_loop3A_111, %parallel_loop3A_131], %parallel_loop3A_128 : memref<128x72xf32, #tpu.memory_space<vmem>>[vector<16xi32>, vector<16xi32>], vector<16xf32>,
            %parallel_loop3A_132 = arith.constant 0 : i32
            %parallel_loop3A_133 = vector.broadcast %parallel_loop3A_132 : i32 to vector<16xi32>
            %parallel_loop3A_134 = arith.addi %parallel_loop3A_133, %shift_right_arithmetic3A_4 : vector<16xi32>
            %parallel_loop3A_135 = arith.constant 0 : i32
            %parallel_loop3A_136 = vector.broadcast %parallel_loop3A_135 : i32 to vector<16xi32>
            %parallel_loop3A_137 = arith.cmpi slt, %parallel_loop3A_134, %parallel_loop3A_136 : vector<16xi32>
            %parallel_loop3A_138 = arith.constant 16 : i32
            %parallel_loop3A_139 = vector.broadcast %parallel_loop3A_138 : i32 to vector<16xi32>
            %parallel_loop3A_140 = arith.addi %parallel_loop3A_134, %parallel_loop3A_139 : vector<16xi32>
            %parallel_loop3A_141 = arith.select %parallel_loop3A_137, %parallel_loop3A_140, %parallel_loop3A_134 : vector<16xi1>, vector<16xi32>
            %parallel_loop3A_142 = vector.shape_cast %parallel_loop3A_141 : vector<16xi32> to vector<16x1xi32>
            %parallel_loop3A_143 = vector.shape_cast %parallel_loop3A_142 : vector<16x1xi32> to vector<16xi32>
            %parallel_loop3A_144 = tpu.dynamic_gather %parallel_loop3A_128[%parallel_loop3A_143] in [0] : vector<16xf32>, vector<16xi32> -> vector<16xf32>
            %parallel_loop3A_145 = arith.constant 8 : i32
            %parallel_loop3A_146 = vector.broadcast %parallel_loop3A_145 : i32 to vector<16xi32>
            %parallel_loop3A_147 = arith.addi %parallel_loop3A_146, %shift_right_arithmetic3A_4 : vector<16xi32>
            %parallel_loop3A_148 = arith.constant 0 : i32
            %parallel_loop3A_149 = vector.broadcast %parallel_loop3A_148 : i32 to vector<16xi32>
            %parallel_loop3A_150 = arith.cmpi slt, %parallel_loop3A_147, %parallel_loop3A_149 : vector<16xi32>
            %parallel_loop3A_151 = arith.constant 16 : i32
            %parallel_loop3A_152 = vector.broadcast %parallel_loop3A_151 : i32 to vector<16xi32>
            %parallel_loop3A_153 = arith.addi %parallel_loop3A_147, %parallel_loop3A_152 : vector<16xi32>
            %parallel_loop3A_154 = arith.select %parallel_loop3A_150, %parallel_loop3A_153, %parallel_loop3A_147 : vector<16xi1>, vector<16xi32>
            %parallel_loop3A_155 = vector.shape_cast %parallel_loop3A_154 : vector<16xi32> to vector<16x1xi32>
            %parallel_loop3A_156 = vector.shape_cast %parallel_loop3A_155 : vector<16x1xi32> to vector<16xi32>
            %parallel_loop3A_157 = tpu.dynamic_gather %parallel_loop3A_128[%parallel_loop3A_156] in [0] : vector<16xf32>, vector<16xi32> -> vector<16xf32>
            %parallel_loop3A_158 = arith.index_cast %parallel_loop3A_109 : i32 to index
            %parallel_loop3A_159 = arith.constant 0 : index
            %parallel_loop3A_160 = tpu.vector_load %arg16[%parallel_loop3A_158, %parallel_loop3A_159] {strides = array<i32>} : memref<128x72xf32, #tpu.memory_space<vmem>>, vector<16xf32>,
            %parallel_loop3A_161 = arith.constant 1 : i32
            %parallel_loop3A_162 = arith.addi %parallel_loop3A_109, %parallel_loop3A_161 : i32
            %parallel_loop3A_163 = arith.index_cast %parallel_loop3A_162 : i32 to index
            %parallel_loop3A_164 = arith.constant 0 : index
            %parallel_loop3A_165 = tpu.vector_load %arg16[%parallel_loop3A_163, %parallel_loop3A_164] {strides = array<i32>} : memref<128x72xf32, #tpu.memory_space<vmem>>, vector<16xf32>,
            %parallel_loop3A_166 = arith.mulf %parallel_loop3A_160, %parallel_loop3A_144 : vector<16xf32>
            %parallel_loop3A_167 = arith.index_cast %parallel_loop3A_109 : i32 to index
            %parallel_loop3A_168 = arith.constant 0 : index
            %parallel_loop3A_169 = tpu.vector_load %arg16[%parallel_loop3A_167, %parallel_loop3A_168] {strides = array<i32>} : memref<128x72xf32, #tpu.memory_space<vmem>>, vector<16xf32>,
            tpu.vector_store %arg16[%parallel_loop3A_167, %parallel_loop3A_168], %parallel_loop3A_166 {strides = array<i32>} : memref<128x72xf32, #tpu.memory_space<vmem>>, vector<16xf32>,
            %parallel_loop3A_170 = arith.mulf %parallel_loop3A_165, %parallel_loop3A_157 : vector<16xf32>
            %parallel_loop3A_171 = arith.constant 1 : i32
            %parallel_loop3A_172 = arith.addi %parallel_loop3A_109, %parallel_loop3A_171 : i32
            %parallel_loop3A_173 = arith.index_cast %parallel_loop3A_172 : i32 to index
            %parallel_loop3A_174 = arith.constant 0 : index
            %parallel_loop3A_175 = tpu.vector_load %arg16[%parallel_loop3A_173, %parallel_loop3A_174] {strides = array<i32>} : memref<128x72xf32, #tpu.memory_space<vmem>>, vector<16xf32>,
            tpu.vector_store %arg16[%parallel_loop3A_173, %parallel_loop3A_174], %parallel_loop3A_170 {strides = array<i32>} : memref<128x72xf32, #tpu.memory_space<vmem>>, vector<16xf32>,
            %parallel_loop3A_176 = arith.constant 2 : i32
            %parallel_loop3A_177 = vector.broadcast %parallel_loop3A_176 : i32 to vector<16xi32>
            %parallel_loop3A_178 = arith.addi %parallel_loop3A_177, %shift_right_arithmetic3A_4 : vector<16xi32>
            %parallel_loop3A_179 = arith.constant 0 : i32
            %parallel_loop3A_180 = vector.broadcast %parallel_loop3A_179 : i32 to vector<16xi32>
            %parallel_loop3A_181 = arith.cmpi slt, %parallel_loop3A_178, %parallel_loop3A_180 : vector<16xi32>
            %parallel_loop3A_182 = arith.constant 16 : i32
            %parallel_loop3A_183 = vector.broadcast %parallel_loop3A_182 : i32 to vector<16xi32>
            %parallel_loop3A_184 = arith.addi %parallel_loop3A_178, %parallel_loop3A_183 : vector<16xi32>
            %parallel_loop3A_185 = arith.select %parallel_loop3A_181, %parallel_loop3A_184, %parallel_loop3A_178 : vector<16xi1>, vector<16xi32>
            %parallel_loop3A_186 = vector.shape_cast %parallel_loop3A_185 : vector<16xi32> to vector<16x1xi32>
            %parallel_loop3A_187 = vector.shape_cast %parallel_loop3A_186 : vector<16x1xi32> to vector<16xi32>
            %parallel_loop3A_188 = tpu.dynamic_gather %parallel_loop3A_128[%parallel_loop3A_187] in [0] : vector<16xf32>, vector<16xi32> -> vector<16xf32>
            %parallel_loop3A_189 = arith.constant 10 : i32
            %parallel_loop3A_190 = vector.broadcast %parallel_loop3A_189 : i32 to vector<16xi32>
            %parallel_loop3A_191 = arith.addi %parallel_loop3A_190, %shift_right_arithmetic3A_4 : vector<16xi32>
            %parallel_loop3A_192 = arith.constant 0 : i32
            %parallel_loop3A_193 = vector.broadcast %parallel_loop3A_192 : i32 to vector<16xi32>
            %parallel_loop3A_194 = arith.cmpi slt, %parallel_loop3A_191, %parallel_loop3A_193 : vector<16xi32>
            %parallel_loop3A_195 = arith.constant 16 : i32
            %parallel_loop3A_196 = vector.broadcast %parallel_loop3A_195 : i32 to vector<16xi32>
            %parallel_loop3A_197 = arith.addi %parallel_loop3A_191, %parallel_loop3A_196 : vector<16xi32>
            %parallel_loop3A_198 = arith.select %parallel_loop3A_194, %parallel_loop3A_197, %parallel_loop3A_191 : vector<16xi1>, vector<16xi32>
            %parallel_loop3A_199 = vector.shape_cast %parallel_loop3A_198 : vector<16xi32> to vector<16x1xi32>
            %parallel_loop3A_200 = vector.shape_cast %parallel_loop3A_199 : vector<16x1xi32> to vector<16xi32>
            %parallel_loop3A_201 = tpu.dynamic_gather %parallel_loop3A_128[%parallel_loop3A_200] in [0] : vector<16xf32>, vector<16xi32> -> vector<16xf32>
            %parallel_loop3A_202 = arith.index_cast %parallel_loop3A_109 : i32 to index
            %parallel_loop3A_203 = arith.constant 16 : index
            %parallel_loop3A_204 = tpu.vector_load %arg16[%parallel_loop3A_202, %parallel_loop3A_203] {strides = array<i32>} : memref<128x72xf32, #tpu.memory_space<vmem>>, vector<16xf32>,
            %parallel_loop3A_205 = arith.constant 1 : i32
            %parallel_loop3A_206 = arith.addi %parallel_loop3A_109, %parallel_loop3A_205 : i32
            %parallel_loop3A_207 = arith.index_cast %parallel_loop3A_206 : i32 to index
            %parallel_loop3A_208 = arith.constant 16 : index
            %parallel_loop3A_209 = tpu.vector_load %arg16[%parallel_loop3A_207, %parallel_loop3A_208] {strides = array<i32>} : memref<128x72xf32, #tpu.memory_space<vmem>>, vector<16xf32>,
            %parallel_loop3A_210 = arith.mulf %parallel_loop3A_204, %parallel_loop3A_188 : vector<16xf32>
            %parallel_loop3A_211 = arith.index_cast %parallel_loop3A_109 : i32 to index
            %parallel_loop3A_212 = arith.constant 16 : index
            %parallel_loop3A_213 = tpu.vector_load %arg16[%parallel_loop3A_211, %parallel_loop3A_212] {strides = array<i32>} : memref<128x72xf32, #tpu.memory_space<vmem>>, vector<16xf32>,
            tpu.vector_store %arg16[%parallel_loop3A_211, %parallel_loop3A_212], %parallel_loop3A_210 {strides = array<i32>} : memref<128x72xf32, #tpu.memory_space<vmem>>, vector<16xf32>,
            %parallel_loop3A_214 = arith.mulf %parallel_loop3A_209, %parallel_loop3A_201 : vector<16xf32>
            %parallel_loop3A_215 = arith.constant 1 : i32
            %parallel_loop3A_216 = arith.addi %parallel_loop3A_109, %parallel_loop3A_215 : i32
            %parallel_loop3A_217 = arith.index_cast %parallel_loop3A_216 : i32 to index
            %parallel_loop3A_218 = arith.constant 16 : index
            %parallel_loop3A_219 = tpu.vector_load %arg16[%parallel_loop3A_217, %parallel_loop3A_218] {strides = array<i32>} : memref<128x72xf32, #tpu.memory_space<vmem>>, vector<16xf32>,
            tpu.vector_store %arg16[%parallel_loop3A_217, %parallel_loop3A_218], %parallel_loop3A_214 {strides = array<i32>} : memref<128x72xf32, #tpu.memory_space<vmem>>, vector<16xf32>,
            %parallel_loop3A_220 = arith.constant 4 : i32
            %parallel_loop3A_221 = vector.broadcast %parallel_loop3A_220 : i32 to vector<16xi32>
            %parallel_loop3A_222 = arith.addi %parallel_loop3A_221, %shift_right_arithmetic3A_4 : vector<16xi32>
            %parallel_loop3A_223 = arith.constant 0 : i32
            %parallel_loop3A_224 = vector.broadcast %parallel_loop3A_223 : i32 to vector<16xi32>
            %parallel_loop3A_225 = arith.cmpi slt, %parallel_loop3A_222, %parallel_loop3A_224 : vector<16xi32>
            %parallel_loop3A_226 = arith.constant 16 : i32
            %parallel_loop3A_227 = vector.broadcast %parallel_loop3A_226 : i32 to vector<16xi32>
            %parallel_loop3A_228 = arith.addi %parallel_loop3A_222, %parallel_loop3A_227 : vector<16xi32>
            %parallel_loop3A_229 = arith.select %parallel_loop3A_225, %parallel_loop3A_228, %parallel_loop3A_222 : vector<16xi1>, vector<16xi32>
            %parallel_loop3A_230 = vector.shape_cast %parallel_loop3A_229 : vector<16xi32> to vector<16x1xi32>
            %parallel_loop3A_231 = vector.shape_cast %parallel_loop3A_230 : vector<16x1xi32> to vector<16xi32>
            %parallel_loop3A_232 = tpu.dynamic_gather %parallel_loop3A_128[%parallel_loop3A_231] in [0] : vector<16xf32>, vector<16xi32> -> vector<16xf32>
            %parallel_loop3A_233 = arith.constant 12 : i32
            %parallel_loop3A_234 = vector.broadcast %parallel_loop3A_233 : i32 to vector<16xi32>
            %parallel_loop3A_235 = arith.addi %parallel_loop3A_234, %shift_right_arithmetic3A_4 : vector<16xi32>
            %parallel_loop3A_236 = arith.constant 0 : i32
            %parallel_loop3A_237 = vector.broadcast %parallel_loop3A_236 : i32 to vector<16xi32>
            %parallel_loop3A_238 = arith.cmpi slt, %parallel_loop3A_235, %parallel_loop3A_237 : vector<16xi32>
            %parallel_loop3A_239 = arith.constant 16 : i32
            %parallel_loop3A_240 = vector.broadcast %parallel_loop3A_239 : i32 to vector<16xi32>
            %parallel_loop3A_241 = arith.addi %parallel_loop3A_235, %parallel_loop3A_240 : vector<16xi32>
            %parallel_loop3A_242 = arith.select %parallel_loop3A_238, %parallel_loop3A_241, %parallel_loop3A_235 : vector<16xi1>, vector<16xi32>
            %parallel_loop3A_243 = vector.shape_cast %parallel_loop3A_242 : vector<16xi32> to vector<16x1xi32>
            %parallel_loop3A_244 = vector.shape_cast %parallel_loop3A_243 : vector<16x1xi32> to vector<16xi32>
            %parallel_loop3A_245 = tpu.dynamic_gather %parallel_loop3A_128[%parallel_loop3A_244] in [0] : vector<16xf32>, vector<16xi32> -> vector<16xf32>
            %parallel_loop3A_246 = arith.index_cast %parallel_loop3A_109 : i32 to index
            %parallel_loop3A_247 = arith.constant 32 : index
            %parallel_loop3A_248 = tpu.vector_load %arg16[%parallel_loop3A_246, %parallel_loop3A_247] {strides = array<i32>} : memref<128x72xf32, #tpu.memory_space<vmem>>, vector<16xf32>,
            %parallel_loop3A_249 = arith.constant 1 : i32
            %parallel_loop3A_250 = arith.addi %parallel_loop3A_109, %parallel_loop3A_249 : i32
            %parallel_loop3A_251 = arith.index_cast %parallel_loop3A_250 : i32 to index
            %parallel_loop3A_252 = arith.constant 32 : index
            %parallel_loop3A_253 = tpu.vector_load %arg16[%parallel_loop3A_251, %parallel_loop3A_252] {strides = array<i32>} : memref<128x72xf32, #tpu.memory_space<vmem>>, vector<16xf32>,
            %parallel_loop3A_254 = arith.mulf %parallel_loop3A_248, %parallel_loop3A_232 : vector<16xf32>
            %parallel_loop3A_255 = arith.index_cast %parallel_loop3A_109 : i32 to index
            %parallel_loop3A_256 = arith.constant 32 : index
            %parallel_loop3A_257 = tpu.vector_load %arg16[%parallel_loop3A_255, %parallel_loop3A_256] {strides = array<i32>} : memref<128x72xf32, #tpu.memory_space<vmem>>, vector<16xf32>,
            tpu.vector_store %arg16[%parallel_loop3A_255, %parallel_loop3A_256], %parallel_loop3A_254 {strides = array<i32>} : memref<128x72xf32, #tpu.memory_space<vmem>>, vector<16xf32>,
            %parallel_loop3A_258 = arith.mulf %parallel_loop3A_253, %parallel_loop3A_245 : vector<16xf32>
            %parallel_loop3A_259 = arith.constant 1 : i32
            %parallel_loop3A_260 = arith.addi %parallel_loop3A_109, %parallel_loop3A_259 : i32
            %parallel_loop3A_261 = arith.index_cast %parallel_loop3A_260 : i32 to index
            %parallel_loop3A_262 = arith.constant 32 : index
            %parallel_loop3A_263 = tpu.vector_load %arg16[%parallel_loop3A_261, %parallel_loop3A_262] {strides = array<i32>} : memref<128x72xf32, #tpu.memory_space<vmem>>, vector<16xf32>,
            tpu.vector_store %arg16[%parallel_loop3A_261, %parallel_loop3A_262], %parallel_loop3A_258 {strides = array<i32>} : memref<128x72xf32, #tpu.memory_space<vmem>>, vector<16xf32>,
            %parallel_loop3A_264 = arith.constant 6 : i32
            %parallel_loop3A_265 = vector.broadcast %parallel_loop3A_264 : i32 to vector<16xi32>
            %parallel_loop3A_266 = arith.addi %parallel_loop3A_265, %shift_right_arithmetic3A_4 : vector<16xi32>
            %parallel_loop3A_267 = arith.constant 0 : i32
            %parallel_loop3A_268 = vector.broadcast %parallel_loop3A_267 : i32 to vector<16xi32>
            %parallel_loop3A_269 = arith.cmpi slt, %parallel_loop3A_266, %parallel_loop3A_268 : vector<16xi32>
            %parallel_loop3A_270 = arith.constant 16 : i32
            %parallel_loop3A_271 = vector.broadcast %parallel_loop3A_270 : i32 to vector<16xi32>
            %parallel_loop3A_272 = arith.addi %parallel_loop3A_266, %parallel_loop3A_271 : vector<16xi32>
            %parallel_loop3A_273 = arith.select %parallel_loop3A_269, %parallel_loop3A_272, %parallel_loop3A_266 : vector<16xi1>, vector<16xi32>
            %parallel_loop3A_274 = vector.shape_cast %parallel_loop3A_273 : vector<16xi32> to vector<16x1xi32>
            %parallel_loop3A_275 = vector.shape_cast %parallel_loop3A_274 : vector<16x1xi32> to vector<16xi32>
            %parallel_loop3A_276 = tpu.dynamic_gather %parallel_loop3A_128[%parallel_loop3A_275] in [0] : vector<16xf32>, vector<16xi32> -> vector<16xf32>
            %parallel_loop3A_277 = arith.constant 14 : i32
            %parallel_loop3A_278 = vector.broadcast %parallel_loop3A_277 : i32 to vector<16xi32>
            %parallel_loop3A_279 = arith.addi %parallel_loop3A_278, %shift_right_arithmetic3A_4 : vector<16xi32>
            %parallel_loop3A_280 = arith.constant 0 : i32
            %parallel_loop3A_281 = vector.broadcast %parallel_loop3A_280 : i32 to vector<16xi32>
            %parallel_loop3A_282 = arith.cmpi slt, %parallel_loop3A_279, %parallel_loop3A_281 : vector<16xi32>
            %parallel_loop3A_283 = arith.constant 16 : i32
            %parallel_loop3A_284 = vector.broadcast %parallel_loop3A_283 : i32 to vector<16xi32>
            %parallel_loop3A_285 = arith.addi %parallel_loop3A_279, %parallel_loop3A_284 : vector<16xi32>
            %parallel_loop3A_286 = arith.select %parallel_loop3A_282, %parallel_loop3A_285, %parallel_loop3A_279 : vector<16xi1>, vector<16xi32>
            %parallel_loop3A_287 = vector.shape_cast %parallel_loop3A_286 : vector<16xi32> to vector<16x1xi32>
            %parallel_loop3A_288 = vector.shape_cast %parallel_loop3A_287 : vector<16x1xi32> to vector<16xi32>
            %parallel_loop3A_289 = tpu.dynamic_gather %parallel_loop3A_128[%parallel_loop3A_288] in [0] : vector<16xf32>, vector<16xi32> -> vector<16xf32>
            %parallel_loop3A_290 = arith.index_cast %parallel_loop3A_109 : i32 to index
            %parallel_loop3A_291 = arith.constant 48 : index
            %parallel_loop3A_292 = tpu.vector_load %arg16[%parallel_loop3A_290, %parallel_loop3A_291] {strides = array<i32>} : memref<128x72xf32, #tpu.memory_space<vmem>>, vector<16xf32>,
            %parallel_loop3A_293 = arith.constant 1 : i32
            %parallel_loop3A_294 = arith.addi %parallel_loop3A_109, %parallel_loop3A_293 : i32
            %parallel_loop3A_295 = arith.index_cast %parallel_loop3A_294 : i32 to index
            %parallel_loop3A_296 = arith.constant 48 : index
            %parallel_loop3A_297 = tpu.vector_load %arg16[%parallel_loop3A_295, %parallel_loop3A_296] {strides = array<i32>} : memref<128x72xf32, #tpu.memory_space<vmem>>, vector<16xf32>,
            %parallel_loop3A_298 = arith.mulf %parallel_loop3A_292, %parallel_loop3A_276 : vector<16xf32>
            %parallel_loop3A_299 = arith.index_cast %parallel_loop3A_109 : i32 to index
            %parallel_loop3A_300 = arith.constant 48 : index
            %parallel_loop3A_301 = tpu.vector_load %arg16[%parallel_loop3A_299, %parallel_loop3A_300] {strides = array<i32>} : memref<128x72xf32, #tpu.memory_space<vmem>>, vector<16xf32>,
            tpu.vector_store %arg16[%parallel_loop3A_299, %parallel_loop3A_300], %parallel_loop3A_298 {strides = array<i32>} : memref<128x72xf32, #tpu.memory_space<vmem>>, vector<16xf32>,
            %parallel_loop3A_302 = arith.mulf %parallel_loop3A_297, %parallel_loop3A_289 : vector<16xf32>
            %parallel_loop3A_303 = arith.constant 1 : i32
            %parallel_loop3A_304 = arith.addi %parallel_loop3A_109, %parallel_loop3A_303 : i32
            %parallel_loop3A_305 = arith.index_cast %parallel_loop3A_304 : i32 to index
            %parallel_loop3A_306 = arith.constant 48 : index
            %parallel_loop3A_307 = tpu.vector_load %arg16[%parallel_loop3A_305, %parallel_loop3A_306] {strides = array<i32>} : memref<128x72xf32, #tpu.memory_space<vmem>>, vector<16xf32>,
            tpu.vector_store %arg16[%parallel_loop3A_305, %parallel_loop3A_306], %parallel_loop3A_302 {strides = array<i32>} : memref<128x72xf32, #tpu.memory_space<vmem>>, vector<16xf32>,
          } {sc.loop_unroll_factor = 4 : i64, sc.parallel_access}
          %run_scoped3A = arith.constant 0 : i32
          "tpu.region"() ({
            %run_scoped3A_105 = tpu.sem_alloc : memref<!tpu.dma_semaphore, #tpu.memory_space<semaphore_mem>>
            %dma_start3A = arith.constant 0 : i32
            %dma_start3A_106 = arith.constant 0 : i32
            %dma_start3A_107 = tpu.memref_slice %arg16[%dma_start3A, %dma_start3A_106] : memref<128x72xf32, #tpu.memory_space<vmem>> -> memref<64x72xf32, #tpu.memory_space<vmem>>
            %dma_start3A_108 = arith.constant 0 : i32
            %dma_start3A_109 = tpu.memref_slice %arg15[%run_scoped3A, %dma_start3A_108] : memref<2x64xi32, #tpu.memory_space<vmem>> -> memref<1x64xi32, #tpu.memory_space<vmem>>
            %dma_start3A_110 = tpu.memref_squeeze %dma_start3A_109 : memref<1x64xi32, #tpu.memory_space<vmem>> -> memref<64xi32, #tpu.memory_space<vmem>>
            %dma_start3A_111 = arith.constant 0 : i32
            %dma_start3A_112 = arith.constant 0 : i32
            %dma_start3A_113 = tpu.memref_slice %arg8[%dma_start3A_111, %dma_start3A_112] : memref<25096x72xf32, #tpu.memory_space<vmem_shared>> -> memref<25096x72xf32, #tpu.memory_space<vmem_shared>>
            tpu.enqueue_indirect_dma source(%dma_start3A_107 : memref<64x72xf32, #tpu.memory_space<vmem>>) target(%dma_start3A_113 : memref<25096x72xf32, #tpu.memory_space<vmem_shared>>) offsets(%dma_start3A_110 : memref<64xi32, #tpu.memory_space<vmem>>) semaphore(%run_scoped3A_105 : memref<!tpu.dma_semaphore, #tpu.memory_space<semaphore_mem>>) {add = true}
            %dma_wait3A_114 = arith.constant 0 : i32
            %dma_wait3A_115 = arith.constant 0 : i32
            %dma_wait3A_116 = tpu.memref_slice %arg16[%dma_wait3A_114, %dma_wait3A_115] : memref<128x72xf32, #tpu.memory_space<vmem>> -> memref<64x72xf32, #tpu.memory_space<vmem>>
            %dma_wait3A_117 = arith.constant 0 : i32
            %dma_wait3A_118 = tpu.memref_slice %arg15[%run_scoped3A, %dma_wait3A_117] : memref<2x64xi32, #tpu.memory_space<vmem>> -> memref<1x64xi32, #tpu.memory_space<vmem>>
            %dma_wait3A_119 = tpu.memref_squeeze %dma_wait3A_118 : memref<1x64xi32, #tpu.memory_space<vmem>> -> memref<64xi32, #tpu.memory_space<vmem>>
            %dma_wait3A_120 = arith.constant 0 : i32
            %dma_wait3A_121 = arith.constant 0 : i32
            %dma_wait3A_122 = tpu.memref_slice %arg8[%dma_wait3A_120, %dma_wait3A_121] : memref<25096x72xf32, #tpu.memory_space<vmem_shared>> -> memref<25096x72xf32, #tpu.memory_space<vmem_shared>>
            tpu.wait_indirect_dma semaphore(%run_scoped3A_105 : memref<!tpu.dma_semaphore, #tpu.memory_space<semaphore_mem>>) src(%dma_wait3A_116 : memref<64x72xf32, #tpu.memory_space<vmem>>) dst(%dma_wait3A_122 : memref<25096x72xf32, #tpu.memory_space<vmem_shared>>)
            tpu.yield
          }) : () -> ()
          %add3A_99 = arith.constant 2 : i32
          %add3A_100 = arith.addi %mul3A_68, %add3A_99 : i32
          %lt3A_101 = arith.cmpi slt, %add3A_100, %shift_right_arithmetic3A_43 : i32
          %convert_element_type3A_102 = arith.extui %lt3A_101 : i1 to i32
          %cond3A_103 = arith.constant 0 : i32
          %cond3A_104 = arith.cmpi ne, %convert_element_type3A_102, %cond3A_103 : i32
          scf.if %cond3A_104 {
            %add3A_105 = arith.constant 2 : i32
            %add3A_106 = arith.addi %mul3A_68, %add3A_105 : i32
            %scan3A_107 = arith.constant 0 : i32
            %scan3A_108 = arith.constant 0 : i32
            %scan3A_109 = arith.constant 4 : i32
            %scan3A_110 = arith.addi %scan3A_108, %scan3A_109 : i32
            %scan3A_111 = arith.constant 1 : i32
            scf.for %scan3A_132 = %scan3A_108 to %scan3A_110 step %scan3A_111  : i32 {
              %mul3A_133 = arith.constant 64 : i32
              %mul3A_134 = arith.muli %add3A_106, %mul3A_133 : i32
              %mul3A_135 = arith.constant 16 : i32
              %mul3A_136 = arith.muli %scan3A_132, %mul3A_135 : i32
              %add3A_137 = arith.addi %mul3A_134, %mul3A_136 : i32
              %get3A = arith.index_cast %add3A_137 : i32 to index
              %get3A_138 = tpu.vector_load %arg12[%get3A] {strides = array<i32>} : memref<1024xi32, #tpu.memory_space<vmem>>, vector<16xi32>,
              %mul3A_139 = arith.constant 16 : i32
              %mul3A_140 = arith.muli %scan3A_132, %mul3A_139 : i32
              %swap3A = arith.constant 0 : i32
              %swap3A_141 = arith.index_cast %swap3A : i32 to index
              %swap3A_142 = arith.index_cast %mul3A_140 : i32 to index
              %swap3A_143 = tpu.vector_load %arg15[%swap3A_141, %swap3A_142] {strides = array<i32>} : memref<2x64xi32, #tpu.memory_space<vmem>>, vector<16xi32>,
              tpu.vector_store %arg15[%swap3A_141, %swap3A_142], %get3A_138 {strides = array<i32>} : memref<2x64xi32, #tpu.memory_space<vmem>>, vector<16xi32>,
              %add3A_144 = vector.broadcast %mul3A_0 : i32 to vector<16xi32>
              %add3A_145 = arith.addi %get3A_138, %add3A_144 : vector<16xi32>
              %mul3A_146 = arith.constant 16 : i32
              %mul3A_147 = arith.muli %scan3A_132, %mul3A_146 : i32
              %swap3A_148 = arith.constant 0 : i32
              %swap3A_149 = arith.index_cast %swap3A_148 : i32 to index
              %swap3A_150 = arith.index_cast %mul3A_147 : i32 to index
              %swap3A_151 = tpu.vector_load %arg14[%swap3A_149, %swap3A_150] {strides = array<i32>} : memref<2x64xi32, #tpu.memory_space<vmem>>, vector<16xi32>,
              tpu.vector_store %arg14[%swap3A_149, %swap3A_150], %add3A_145 {strides = array<i32>} : memref<2x64xi32, #tpu.memory_space<vmem>>, vector<16xi32>,
              %mul3A_152 = arith.constant 64 : i32
              %mul3A_153 = arith.muli %add3A_106, %mul3A_152 : i32
              %mul3A_154 = arith.constant 16 : i32
              %mul3A_155 = arith.muli %scan3A_132, %mul3A_154 : i32
              %add3A_156 = arith.addi %mul3A_153, %mul3A_155 : i32
              %get3A_157 = arith.index_cast %add3A_156 : i32 to index
              %get3A_158 = tpu.vector_load %arg11[%get3A_157] {strides = array<i32>} : memref<1024xi32, #tpu.memory_space<vmem>>, vector<16xi32>,
              %mul3A_159 = arith.constant 16 : i32
              %mul3A_160 = arith.muli %scan3A_132, %mul3A_159 : i32
              %swap3A_161 = arith.constant 0 : i32
              %swap3A_162 = arith.index_cast %swap3A_161 : i32 to index
              %swap3A_163 = arith.index_cast %mul3A_160 : i32 to index
              %swap3A_164 = tpu.vector_load %arg13[%swap3A_162, %swap3A_163] {strides = array<i32>} : memref<2x64xi32, #tpu.memory_space<vmem>>, vector<16xi32>,
              tpu.vector_store %arg13[%swap3A_162, %swap3A_163], %get3A_158 {strides = array<i32>} : memref<2x64xi32, #tpu.memory_space<vmem>>, vector<16xi32>,
            }
            %scan3A_112 = arith.constant 4 : i32
            %dma_start3A = arith.constant 0 : i32
            %dma_start3A_113 = arith.constant 0 : i32
            %dma_start3A_114 = arith.constant 0 : i32
            %dma_start3A_115 = tpu.memref_slice %arg16[%dma_start3A_113, %dma_start3A_114] : memref<128x72xf32, #tpu.memory_space<vmem>> -> memref<64x72xf32, #tpu.memory_space<vmem>>
            %dma_start3A_116 = arith.constant 0 : i32
            %dma_start3A_117 = tpu.memref_slice %arg13[%dma_start3A, %dma_start3A_116] : memref<2x64xi32, #tpu.memory_space<vmem>> -> memref<1x64xi32, #tpu.memory_space<vmem>>
            %dma_start3A_118 = tpu.memref_squeeze %dma_start3A_117 : memref<1x64xi32, #tpu.memory_space<vmem>> -> memref<64xi32, #tpu.memory_space<vmem>>
            %dma_start3A_119 = arith.constant 0 : i32
            %dma_start3A_120 = arith.constant 0 : i32
            %dma_start3A_121 = tpu.memref_slice %arg4[%dma_start3A_119, %dma_start3A_120] : memref<50000x72xf32, #tpu.memory_space<hbm>> -> memref<50000x72xf32, #tpu.memory_space<hbm>>
            tpu.enqueue_indirect_dma source(%dma_start3A_121 : memref<50000x72xf32, #tpu.memory_space<hbm>>) target(%dma_start3A_115 : memref<64x72xf32, #tpu.memory_space<vmem>>) offsets(%dma_start3A_118 : memref<64xi32, #tpu.memory_space<vmem>>) semaphore(%arg18 : memref<!tpu.dma_semaphore, #tpu.memory_space<semaphore_mem>>)
            %dma_start3A_122 = arith.constant 0 : i32
            %dma_start3A_123 = arith.constant 0 : i32
            %dma_start3A_124 = arith.constant 0 : i32
            %dma_start3A_125 = tpu.memref_slice %arg17[%dma_start3A_123, %dma_start3A_124] : memref<128x16xf32, #tpu.memory_space<vmem>> -> memref<64x16xf32, #tpu.memory_space<vmem>>
            %dma_start3A_126 = arith.constant 0 : i32
            %dma_start3A_127 = tpu.memref_slice %arg14[%dma_start3A_122, %dma_start3A_126] : memref<2x64xi32, #tpu.memory_space<vmem>> -> memref<1x64xi32, #tpu.memory_space<vmem>>
            %dma_start3A_128 = tpu.memref_squeeze %dma_start3A_127 : memref<1x64xi32, #tpu.memory_space<vmem>> -> memref<64xi32, #tpu.memory_space<vmem>>
            %dma_start3A_129 = arith.constant 0 : i32
            %dma_start3A_130 = arith.constant 0 : i32
            %dma_start3A_131 = tpu.memref_slice %arg5[%dma_start3A_129, %dma_start3A_130] : memref<50000x16xf32, #tpu.memory_space<hbm>> -> memref<50000x16xf32, #tpu.memory_space<hbm>>
            tpu.enqueue_indirect_dma source(%dma_start3A_131 : memref<50000x16xf32, #tpu.memory_space<hbm>>) target(%dma_start3A_125 : memref<64x16xf32, #tpu.memory_space<vmem>>) offsets(%dma_start3A_128 : memref<64xi32, #tpu.memory_space<vmem>>) semaphore(%arg18 : memref<!tpu.dma_semaphore, #tpu.memory_space<semaphore_mem>>)
          } else {
          }
        } else {
        }
        %add3A_72 = arith.constant 1 : i32
        %add3A_73 = arith.addi %mul3A_68, %add3A_72 : i32
        %lt3A_74 = arith.cmpi slt, %add3A_73, %shift_right_arithmetic3A_43 : i32
        %convert_element_type3A_75 = arith.extui %lt3A_74 : i1 to i32
        %cond3A_76 = arith.constant 0 : i32
        %cond3A_77 = arith.cmpi ne, %convert_element_type3A_75, %cond3A_76 : i32
        scf.if %cond3A_77 {
          %dma_wait3A = arith.constant 1 : i32
          %dma_wait3A_78 = arith.constant 64 : i32
          %dma_wait3A_79 = arith.constant 0 : i32
          %dma_wait3A_80 = tpu.memref_slice %arg16[%dma_wait3A_78, %dma_wait3A_79] : memref<128x72xf32, #tpu.memory_space<vmem>> -> memref<64x72xf32, #tpu.memory_space<vmem>>
          %dma_wait3A_81 = arith.constant 0 : i32
          %dma_wait3A_82 = tpu.memref_slice %arg13[%dma_wait3A, %dma_wait3A_81] : memref<2x64xi32, #tpu.memory_space<vmem>> -> memref<1x64xi32, #tpu.memory_space<vmem>>
          %dma_wait3A_83 = tpu.memref_squeeze %dma_wait3A_82 : memref<1x64xi32, #tpu.memory_space<vmem>> -> memref<64xi32, #tpu.memory_space<vmem>>
          %dma_wait3A_84 = arith.constant 0 : i32
          %dma_wait3A_85 = arith.constant 0 : i32
          %dma_wait3A_86 = tpu.memref_slice %arg4[%dma_wait3A_84, %dma_wait3A_85] : memref<50000x72xf32, #tpu.memory_space<hbm>> -> memref<50000x72xf32, #tpu.memory_space<hbm>>
          tpu.wait_indirect_dma semaphore(%arg19 : memref<!tpu.dma_semaphore, #tpu.memory_space<semaphore_mem>>) src(%dma_wait3A_86 : memref<50000x72xf32, #tpu.memory_space<hbm>>) dst(%dma_wait3A_80 : memref<64x72xf32, #tpu.memory_space<vmem>>)
          %dma_wait3A_87 = arith.constant 1 : i32
          %dma_wait3A_88 = arith.constant 64 : i32
          %dma_wait3A_89 = arith.constant 0 : i32
          %dma_wait3A_90 = tpu.memref_slice %arg17[%dma_wait3A_88, %dma_wait3A_89] : memref<128x16xf32, #tpu.memory_space<vmem>> -> memref<64x16xf32, #tpu.memory_space<vmem>>
          %dma_wait3A_91 = arith.constant 0 : i32
          %dma_wait3A_92 = tpu.memref_slice %arg14[%dma_wait3A_87, %dma_wait3A_91] : memref<2x64xi32, #tpu.memory_space<vmem>> -> memref<1x64xi32, #tpu.memory_space<vmem>>
          %dma_wait3A_93 = tpu.memref_squeeze %dma_wait3A_92 : memref<1x64xi32, #tpu.memory_space<vmem>> -> memref<64xi32, #tpu.memory_space<vmem>>
          %dma_wait3A_94 = arith.constant 0 : i32
          %dma_wait3A_95 = arith.constant 0 : i32
          %dma_wait3A_96 = tpu.memref_slice %arg5[%dma_wait3A_94, %dma_wait3A_95] : memref<50000x16xf32, #tpu.memory_space<hbm>> -> memref<50000x16xf32, #tpu.memory_space<hbm>>
          tpu.wait_indirect_dma semaphore(%arg19 : memref<!tpu.dma_semaphore, #tpu.memory_space<semaphore_mem>>) src(%dma_wait3A_96 : memref<50000x16xf32, #tpu.memory_space<hbm>>) dst(%dma_wait3A_90 : memref<64x16xf32, #tpu.memory_space<vmem>>)
          %parallel_loop3A = arith.constant 0 : i32
          %parallel_loop3A_97 = arith.constant 32 : i32
          %parallel_loop3A_98 = arith.constant 1 : i32
          scf.for %parallel_loop3A_105 = %parallel_loop3A to %parallel_loop3A_97 step %parallel_loop3A_98  : i32 {
            %parallel_loop3A_106 = arith.constant 2 : i32
            %parallel_loop3A_107 = arith.muli %parallel_loop3A_106, %parallel_loop3A_105 : i32
            %parallel_loop3A_108 = arith.constant 64 : i32
            %parallel_loop3A_109 = arith.addi %parallel_loop3A_108, %parallel_loop3A_107 : i32
            %parallel_loop3A_110 = vector.broadcast %parallel_loop3A_109 : i32 to vector<16xi32>
            %parallel_loop3A_111 = arith.addi %parallel_loop3A_110, %shift_right_arithmetic3A_4 : vector<16xi32>
            %parallel_loop3A_112 = arith.constant 64 : i32
            %parallel_loop3A_113 = vector.broadcast %parallel_loop3A_112 : i32 to vector<16xi32>
            %parallel_loop3A_114 = arith.addi %parallel_loop3A_113, %and3A_2 : vector<16xi32>
            %parallel_loop3A_115 = tpu.vector_load_idx %arg16[%parallel_loop3A_111, %parallel_loop3A_114] : memref<128x72xf32, #tpu.memory_space<vmem>>[vector<16xi32>, vector<16xi32>], vector<16xf32>,
            %parallel_loop3A_116 = arith.constant 8 : i32
            %parallel_loop3A_117 = vector.broadcast %parallel_loop3A_116 : i32 to vector<16xi32>
            %parallel_loop3A_118 = arith.addi %and3A_2, %parallel_loop3A_117 : vector<16xi32>
            %parallel_loop3A_119 = tpu.vector_load_idx %arg17[%parallel_loop3A_111, %parallel_loop3A_118] : memref<128x16xf32, #tpu.memory_space<vmem>>[vector<16xi32>, vector<16xi32>], vector<16xf32>,
            %parallel_loop3A_120 = arith.addf %parallel_loop3A_115, %parallel_loop3A_119 : vector<16xf32>
            %parallel_loop3A_121 = arith.constant 0.000000e+00 : f32
            %parallel_loop3A_122 = vector.broadcast %parallel_loop3A_121 : f32 to vector<16xf32>
            %parallel_loop3A_123 = arith.cmpf oge, %parallel_loop3A_120, %parallel_loop3A_122 : vector<16xf32>
            %parallel_loop3A_124 = arith.constant 2.000000e-01 : f32
            %parallel_loop3A_125 = vector.broadcast %parallel_loop3A_124 : f32 to vector<16xf32>
            %parallel_loop3A_126 = arith.mulf %parallel_loop3A_125, %parallel_loop3A_120 : vector<16xf32>
            %parallel_loop3A_127 = arith.select %parallel_loop3A_123, %parallel_loop3A_120, %parallel_loop3A_126 : vector<16xi1>, vector<16xf32>
            %parallel_loop3A_128 = math.exp %parallel_loop3A_127 : vector<16xf32>
            %parallel_loop3A_129 = arith.constant 64 : i32
            %parallel_loop3A_130 = vector.broadcast %parallel_loop3A_129 : i32 to vector<16xi32>
            %parallel_loop3A_131 = arith.addi %parallel_loop3A_130, %and3A_2 : vector<16xi32>
            tpu.vector_store_idx %arg16[%parallel_loop3A_111, %parallel_loop3A_131], %parallel_loop3A_128 : memref<128x72xf32, #tpu.memory_space<vmem>>[vector<16xi32>, vector<16xi32>], vector<16xf32>,
            %parallel_loop3A_132 = arith.constant 0 : i32
            %parallel_loop3A_133 = vector.broadcast %parallel_loop3A_132 : i32 to vector<16xi32>
            %parallel_loop3A_134 = arith.addi %parallel_loop3A_133, %shift_right_arithmetic3A_4 : vector<16xi32>
            %parallel_loop3A_135 = arith.constant 0 : i32
            %parallel_loop3A_136 = vector.broadcast %parallel_loop3A_135 : i32 to vector<16xi32>
            %parallel_loop3A_137 = arith.cmpi slt, %parallel_loop3A_134, %parallel_loop3A_136 : vector<16xi32>
            %parallel_loop3A_138 = arith.constant 16 : i32
            %parallel_loop3A_139 = vector.broadcast %parallel_loop3A_138 : i32 to vector<16xi32>
            %parallel_loop3A_140 = arith.addi %parallel_loop3A_134, %parallel_loop3A_139 : vector<16xi32>
            %parallel_loop3A_141 = arith.select %parallel_loop3A_137, %parallel_loop3A_140, %parallel_loop3A_134 : vector<16xi1>, vector<16xi32>
            %parallel_loop3A_142 = vector.shape_cast %parallel_loop3A_141 : vector<16xi32> to vector<16x1xi32>
            %parallel_loop3A_143 = vector.shape_cast %parallel_loop3A_142 : vector<16x1xi32> to vector<16xi32>
            %parallel_loop3A_144 = tpu.dynamic_gather %parallel_loop3A_128[%parallel_loop3A_143] in [0] : vector<16xf32>, vector<16xi32> -> vector<16xf32>
            %parallel_loop3A_145 = arith.constant 8 : i32
            %parallel_loop3A_146 = vector.broadcast %parallel_loop3A_145 : i32 to vector<16xi32>
            %parallel_loop3A_147 = arith.addi %parallel_loop3A_146, %shift_right_arithmetic3A_4 : vector<16xi32>
            %parallel_loop3A_148 = arith.constant 0 : i32
            %parallel_loop3A_149 = vector.broadcast %parallel_loop3A_148 : i32 to vector<16xi32>
            %parallel_loop3A_150 = arith.cmpi slt, %parallel_loop3A_147, %parallel_loop3A_149 : vector<16xi32>
            %parallel_loop3A_151 = arith.constant 16 : i32
            %parallel_loop3A_152 = vector.broadcast %parallel_loop3A_151 : i32 to vector<16xi32>
            %parallel_loop3A_153 = arith.addi %parallel_loop3A_147, %parallel_loop3A_152 : vector<16xi32>
            %parallel_loop3A_154 = arith.select %parallel_loop3A_150, %parallel_loop3A_153, %parallel_loop3A_147 : vector<16xi1>, vector<16xi32>
            %parallel_loop3A_155 = vector.shape_cast %parallel_loop3A_154 : vector<16xi32> to vector<16x1xi32>
            %parallel_loop3A_156 = vector.shape_cast %parallel_loop3A_155 : vector<16x1xi32> to vector<16xi32>
            %parallel_loop3A_157 = tpu.dynamic_gather %parallel_loop3A_128[%parallel_loop3A_156] in [0] : vector<16xf32>, vector<16xi32> -> vector<16xf32>
            %parallel_loop3A_158 = arith.index_cast %parallel_loop3A_109 : i32 to index
            %parallel_loop3A_159 = arith.constant 0 : index
            %parallel_loop3A_160 = tpu.vector_load %arg16[%parallel_loop3A_158, %parallel_loop3A_159] {strides = array<i32>} : memref<128x72xf32, #tpu.memory_space<vmem>>, vector<16xf32>,
            %parallel_loop3A_161 = arith.constant 1 : i32
            %parallel_loop3A_162 = arith.addi %parallel_loop3A_109, %parallel_loop3A_161 : i32
            %parallel_loop3A_163 = arith.index_cast %parallel_loop3A_162 : i32 to index
            %parallel_loop3A_164 = arith.constant 0 : index
            %parallel_loop3A_165 = tpu.vector_load %arg16[%parallel_loop3A_163, %parallel_loop3A_164] {strides = array<i32>} : memref<128x72xf32, #tpu.memory_space<vmem>>, vector<16xf32>,
            %parallel_loop3A_166 = arith.mulf %parallel_loop3A_160, %parallel_loop3A_144 : vector<16xf32>
            %parallel_loop3A_167 = arith.index_cast %parallel_loop3A_109 : i32 to index
            %parallel_loop3A_168 = arith.constant 0 : index
            %parallel_loop3A_169 = tpu.vector_load %arg16[%parallel_loop3A_167, %parallel_loop3A_168] {strides = array<i32>} : memref<128x72xf32, #tpu.memory_space<vmem>>, vector<16xf32>,
            tpu.vector_store %arg16[%parallel_loop3A_167, %parallel_loop3A_168], %parallel_loop3A_166 {strides = array<i32>} : memref<128x72xf32, #tpu.memory_space<vmem>>, vector<16xf32>,
            %parallel_loop3A_170 = arith.mulf %parallel_loop3A_165, %parallel_loop3A_157 : vector<16xf32>
            %parallel_loop3A_171 = arith.constant 1 : i32
            %parallel_loop3A_172 = arith.addi %parallel_loop3A_109, %parallel_loop3A_171 : i32
            %parallel_loop3A_173 = arith.index_cast %parallel_loop3A_172 : i32 to index
            %parallel_loop3A_174 = arith.constant 0 : index
            %parallel_loop3A_175 = tpu.vector_load %arg16[%parallel_loop3A_173, %parallel_loop3A_174] {strides = array<i32>} : memref<128x72xf32, #tpu.memory_space<vmem>>, vector<16xf32>,
            tpu.vector_store %arg16[%parallel_loop3A_173, %parallel_loop3A_174], %parallel_loop3A_170 {strides = array<i32>} : memref<128x72xf32, #tpu.memory_space<vmem>>, vector<16xf32>,
            %parallel_loop3A_176 = arith.constant 2 : i32
            %parallel_loop3A_177 = vector.broadcast %parallel_loop3A_176 : i32 to vector<16xi32>
            %parallel_loop3A_178 = arith.addi %parallel_loop3A_177, %shift_right_arithmetic3A_4 : vector<16xi32>
            %parallel_loop3A_179 = arith.constant 0 : i32
            %parallel_loop3A_180 = vector.broadcast %parallel_loop3A_179 : i32 to vector<16xi32>
            %parallel_loop3A_181 = arith.cmpi slt, %parallel_loop3A_178, %parallel_loop3A_180 : vector<16xi32>
            %parallel_loop3A_182 = arith.constant 16 : i32
            %parallel_loop3A_183 = vector.broadcast %parallel_loop3A_182 : i32 to vector<16xi32>
            %parallel_loop3A_184 = arith.addi %parallel_loop3A_178, %parallel_loop3A_183 : vector<16xi32>
            %parallel_loop3A_185 = arith.select %parallel_loop3A_181, %parallel_loop3A_184, %parallel_loop3A_178 : vector<16xi1>, vector<16xi32>
            %parallel_loop3A_186 = vector.shape_cast %parallel_loop3A_185 : vector<16xi32> to vector<16x1xi32>
            %parallel_loop3A_187 = vector.shape_cast %parallel_loop3A_186 : vector<16x1xi32> to vector<16xi32>
            %parallel_loop3A_188 = tpu.dynamic_gather %parallel_loop3A_128[%parallel_loop3A_187] in [0] : vector<16xf32>, vector<16xi32> -> vector<16xf32>
            %parallel_loop3A_189 = arith.constant 10 : i32
            %parallel_loop3A_190 = vector.broadcast %parallel_loop3A_189 : i32 to vector<16xi32>
            %parallel_loop3A_191 = arith.addi %parallel_loop3A_190, %shift_right_arithmetic3A_4 : vector<16xi32>
            %parallel_loop3A_192 = arith.constant 0 : i32
            %parallel_loop3A_193 = vector.broadcast %parallel_loop3A_192 : i32 to vector<16xi32>
            %parallel_loop3A_194 = arith.cmpi slt, %parallel_loop3A_191, %parallel_loop3A_193 : vector<16xi32>
            %parallel_loop3A_195 = arith.constant 16 : i32
            %parallel_loop3A_196 = vector.broadcast %parallel_loop3A_195 : i32 to vector<16xi32>
            %parallel_loop3A_197 = arith.addi %parallel_loop3A_191, %parallel_loop3A_196 : vector<16xi32>
            %parallel_loop3A_198 = arith.select %parallel_loop3A_194, %parallel_loop3A_197, %parallel_loop3A_191 : vector<16xi1>, vector<16xi32>
            %parallel_loop3A_199 = vector.shape_cast %parallel_loop3A_198 : vector<16xi32> to vector<16x1xi32>
            %parallel_loop3A_200 = vector.shape_cast %parallel_loop3A_199 : vector<16x1xi32> to vector<16xi32>
            %parallel_loop3A_201 = tpu.dynamic_gather %parallel_loop3A_128[%parallel_loop3A_200] in [0] : vector<16xf32>, vector<16xi32> -> vector<16xf32>
            %parallel_loop3A_202 = arith.index_cast %parallel_loop3A_109 : i32 to index
            %parallel_loop3A_203 = arith.constant 16 : index
            %parallel_loop3A_204 = tpu.vector_load %arg16[%parallel_loop3A_202, %parallel_loop3A_203] {strides = array<i32>} : memref<128x72xf32, #tpu.memory_space<vmem>>, vector<16xf32>,
            %parallel_loop3A_205 = arith.constant 1 : i32
            %parallel_loop3A_206 = arith.addi %parallel_loop3A_109, %parallel_loop3A_205 : i32
            %parallel_loop3A_207 = arith.index_cast %parallel_loop3A_206 : i32 to index
            %parallel_loop3A_208 = arith.constant 16 : index
            %parallel_loop3A_209 = tpu.vector_load %arg16[%parallel_loop3A_207, %parallel_loop3A_208] {strides = array<i32>} : memref<128x72xf32, #tpu.memory_space<vmem>>, vector<16xf32>,
            %parallel_loop3A_210 = arith.mulf %parallel_loop3A_204, %parallel_loop3A_188 : vector<16xf32>
            %parallel_loop3A_211 = arith.index_cast %parallel_loop3A_109 : i32 to index
            %parallel_loop3A_212 = arith.constant 16 : index
            %parallel_loop3A_213 = tpu.vector_load %arg16[%parallel_loop3A_211, %parallel_loop3A_212] {strides = array<i32>} : memref<128x72xf32, #tpu.memory_space<vmem>>, vector<16xf32>,
            tpu.vector_store %arg16[%parallel_loop3A_211, %parallel_loop3A_212], %parallel_loop3A_210 {strides = array<i32>} : memref<128x72xf32, #tpu.memory_space<vmem>>, vector<16xf32>,
            %parallel_loop3A_214 = arith.mulf %parallel_loop3A_209, %parallel_loop3A_201 : vector<16xf32>
            %parallel_loop3A_215 = arith.constant 1 : i32
            %parallel_loop3A_216 = arith.addi %parallel_loop3A_109, %parallel_loop3A_215 : i32
            %parallel_loop3A_217 = arith.index_cast %parallel_loop3A_216 : i32 to index
            %parallel_loop3A_218 = arith.constant 16 : index
            %parallel_loop3A_219 = tpu.vector_load %arg16[%parallel_loop3A_217, %parallel_loop3A_218] {strides = array<i32>} : memref<128x72xf32, #tpu.memory_space<vmem>>, vector<16xf32>,
            tpu.vector_store %arg16[%parallel_loop3A_217, %parallel_loop3A_218], %parallel_loop3A_214 {strides = array<i32>} : memref<128x72xf32, #tpu.memory_space<vmem>>, vector<16xf32>,
            %parallel_loop3A_220 = arith.constant 4 : i32
            %parallel_loop3A_221 = vector.broadcast %parallel_loop3A_220 : i32 to vector<16xi32>
            %parallel_loop3A_222 = arith.addi %parallel_loop3A_221, %shift_right_arithmetic3A_4 : vector<16xi32>
            %parallel_loop3A_223 = arith.constant 0 : i32
            %parallel_loop3A_224 = vector.broadcast %parallel_loop3A_223 : i32 to vector<16xi32>
            %parallel_loop3A_225 = arith.cmpi slt, %parallel_loop3A_222, %parallel_loop3A_224 : vector<16xi32>
            %parallel_loop3A_226 = arith.constant 16 : i32
            %parallel_loop3A_227 = vector.broadcast %parallel_loop3A_226 : i32 to vector<16xi32>
            %parallel_loop3A_228 = arith.addi %parallel_loop3A_222, %parallel_loop3A_227 : vector<16xi32>
            %parallel_loop3A_229 = arith.select %parallel_loop3A_225, %parallel_loop3A_228, %parallel_loop3A_222 : vector<16xi1>, vector<16xi32>
            %parallel_loop3A_230 = vector.shape_cast %parallel_loop3A_229 : vector<16xi32> to vector<16x1xi32>
            %parallel_loop3A_231 = vector.shape_cast %parallel_loop3A_230 : vector<16x1xi32> to vector<16xi32>
            %parallel_loop3A_232 = tpu.dynamic_gather %parallel_loop3A_128[%parallel_loop3A_231] in [0] : vector<16xf32>, vector<16xi32> -> vector<16xf32>
            %parallel_loop3A_233 = arith.constant 12 : i32
            %parallel_loop3A_234 = vector.broadcast %parallel_loop3A_233 : i32 to vector<16xi32>
            %parallel_loop3A_235 = arith.addi %parallel_loop3A_234, %shift_right_arithmetic3A_4 : vector<16xi32>
            %parallel_loop3A_236 = arith.constant 0 : i32
            %parallel_loop3A_237 = vector.broadcast %parallel_loop3A_236 : i32 to vector<16xi32>
            %parallel_loop3A_238 = arith.cmpi slt, %parallel_loop3A_235, %parallel_loop3A_237 : vector<16xi32>
            %parallel_loop3A_239 = arith.constant 16 : i32
            %parallel_loop3A_240 = vector.broadcast %parallel_loop3A_239 : i32 to vector<16xi32>
            %parallel_loop3A_241 = arith.addi %parallel_loop3A_235, %parallel_loop3A_240 : vector<16xi32>
            %parallel_loop3A_242 = arith.select %parallel_loop3A_238, %parallel_loop3A_241, %parallel_loop3A_235 : vector<16xi1>, vector<16xi32>
            %parallel_loop3A_243 = vector.shape_cast %parallel_loop3A_242 : vector<16xi32> to vector<16x1xi32>
            %parallel_loop3A_244 = vector.shape_cast %parallel_loop3A_243 : vector<16x1xi32> to vector<16xi32>
            %parallel_loop3A_245 = tpu.dynamic_gather %parallel_loop3A_128[%parallel_loop3A_244] in [0] : vector<16xf32>, vector<16xi32> -> vector<16xf32>
            %parallel_loop3A_246 = arith.index_cast %parallel_loop3A_109 : i32 to index
            %parallel_loop3A_247 = arith.constant 32 : index
            %parallel_loop3A_248 = tpu.vector_load %arg16[%parallel_loop3A_246, %parallel_loop3A_247] {strides = array<i32>} : memref<128x72xf32, #tpu.memory_space<vmem>>, vector<16xf32>,
            %parallel_loop3A_249 = arith.constant 1 : i32
            %parallel_loop3A_250 = arith.addi %parallel_loop3A_109, %parallel_loop3A_249 : i32
            %parallel_loop3A_251 = arith.index_cast %parallel_loop3A_250 : i32 to index
            %parallel_loop3A_252 = arith.constant 32 : index
            %parallel_loop3A_253 = tpu.vector_load %arg16[%parallel_loop3A_251, %parallel_loop3A_252] {strides = array<i32>} : memref<128x72xf32, #tpu.memory_space<vmem>>, vector<16xf32>,
            %parallel_loop3A_254 = arith.mulf %parallel_loop3A_248, %parallel_loop3A_232 : vector<16xf32>
            %parallel_loop3A_255 = arith.index_cast %parallel_loop3A_109 : i32 to index
            %parallel_loop3A_256 = arith.constant 32 : index
            %parallel_loop3A_257 = tpu.vector_load %arg16[%parallel_loop3A_255, %parallel_loop3A_256] {strides = array<i32>} : memref<128x72xf32, #tpu.memory_space<vmem>>, vector<16xf32>,
            tpu.vector_store %arg16[%parallel_loop3A_255, %parallel_loop3A_256], %parallel_loop3A_254 {strides = array<i32>} : memref<128x72xf32, #tpu.memory_space<vmem>>, vector<16xf32>,
            %parallel_loop3A_258 = arith.mulf %parallel_loop3A_253, %parallel_loop3A_245 : vector<16xf32>
            %parallel_loop3A_259 = arith.constant 1 : i32
            %parallel_loop3A_260 = arith.addi %parallel_loop3A_109, %parallel_loop3A_259 : i32
            %parallel_loop3A_261 = arith.index_cast %parallel_loop3A_260 : i32 to index
            %parallel_loop3A_262 = arith.constant 32 : index
            %parallel_loop3A_263 = tpu.vector_load %arg16[%parallel_loop3A_261, %parallel_loop3A_262] {strides = array<i32>} : memref<128x72xf32, #tpu.memory_space<vmem>>, vector<16xf32>,
            tpu.vector_store %arg16[%parallel_loop3A_261, %parallel_loop3A_262], %parallel_loop3A_258 {strides = array<i32>} : memref<128x72xf32, #tpu.memory_space<vmem>>, vector<16xf32>,
            %parallel_loop3A_264 = arith.constant 6 : i32
            %parallel_loop3A_265 = vector.broadcast %parallel_loop3A_264 : i32 to vector<16xi32>
            %parallel_loop3A_266 = arith.addi %parallel_loop3A_265, %shift_right_arithmetic3A_4 : vector<16xi32>
            %parallel_loop3A_267 = arith.constant 0 : i32
            %parallel_loop3A_268 = vector.broadcast %parallel_loop3A_267 : i32 to vector<16xi32>
            %parallel_loop3A_269 = arith.cmpi slt, %parallel_loop3A_266, %parallel_loop3A_268 : vector<16xi32>
            %parallel_loop3A_270 = arith.constant 16 : i32
            %parallel_loop3A_271 = vector.broadcast %parallel_loop3A_270 : i32 to vector<16xi32>
            %parallel_loop3A_272 = arith.addi %parallel_loop3A_266, %parallel_loop3A_271 : vector<16xi32>
            %parallel_loop3A_273 = arith.select %parallel_loop3A_269, %parallel_loop3A_272, %parallel_loop3A_266 : vector<16xi1>, vector<16xi32>
            %parallel_loop3A_274 = vector.shape_cast %parallel_loop3A_273 : vector<16xi32> to vector<16x1xi32>
            %parallel_loop3A_275 = vector.shape_cast %parallel_loop3A_274 : vector<16x1xi32> to vector<16xi32>
            %parallel_loop3A_276 = tpu.dynamic_gather %parallel_loop3A_128[%parallel_loop3A_275] in [0] : vector<16xf32>, vector<16xi32> -> vector<16xf32>
            %parallel_loop3A_277 = arith.constant 14 : i32
            %parallel_loop3A_278 = vector.broadcast %parallel_loop3A_277 : i32 to vector<16xi32>
            %parallel_loop3A_279 = arith.addi %parallel_loop3A_278, %shift_right_arithmetic3A_4 : vector<16xi32>
            %parallel_loop3A_280 = arith.constant 0 : i32
            %parallel_loop3A_281 = vector.broadcast %parallel_loop3A_280 : i32 to vector<16xi32>
            %parallel_loop3A_282 = arith.cmpi slt, %parallel_loop3A_279, %parallel_loop3A_281 : vector<16xi32>
            %parallel_loop3A_283 = arith.constant 16 : i32
            %parallel_loop3A_284 = vector.broadcast %parallel_loop3A_283 : i32 to vector<16xi32>
            %parallel_loop3A_285 = arith.addi %parallel_loop3A_279, %parallel_loop3A_284 : vector<16xi32>
            %parallel_loop3A_286 = arith.select %parallel_loop3A_282, %parallel_loop3A_285, %parallel_loop3A_279 : vector<16xi1>, vector<16xi32>
            %parallel_loop3A_287 = vector.shape_cast %parallel_loop3A_286 : vector<16xi32> to vector<16x1xi32>
            %parallel_loop3A_288 = vector.shape_cast %parallel_loop3A_287 : vector<16x1xi32> to vector<16xi32>
            %parallel_loop3A_289 = tpu.dynamic_gather %parallel_loop3A_128[%parallel_loop3A_288] in [0] : vector<16xf32>, vector<16xi32> -> vector<16xf32>
            %parallel_loop3A_290 = arith.index_cast %parallel_loop3A_109 : i32 to index
            %parallel_loop3A_291 = arith.constant 48 : index
            %parallel_loop3A_292 = tpu.vector_load %arg16[%parallel_loop3A_290, %parallel_loop3A_291] {strides = array<i32>} : memref<128x72xf32, #tpu.memory_space<vmem>>, vector<16xf32>,
            %parallel_loop3A_293 = arith.constant 1 : i32
            %parallel_loop3A_294 = arith.addi %parallel_loop3A_109, %parallel_loop3A_293 : i32
            %parallel_loop3A_295 = arith.index_cast %parallel_loop3A_294 : i32 to index
            %parallel_loop3A_296 = arith.constant 48 : index
            %parallel_loop3A_297 = tpu.vector_load %arg16[%parallel_loop3A_295, %parallel_loop3A_296] {strides = array<i32>} : memref<128x72xf32, #tpu.memory_space<vmem>>, vector<16xf32>,
            %parallel_loop3A_298 = arith.mulf %parallel_loop3A_292, %parallel_loop3A_276 : vector<16xf32>
            %parallel_loop3A_299 = arith.index_cast %parallel_loop3A_109 : i32 to index
            %parallel_loop3A_300 = arith.constant 48 : index
            %parallel_loop3A_301 = tpu.vector_load %arg16[%parallel_loop3A_299, %parallel_loop3A_300] {strides = array<i32>} : memref<128x72xf32, #tpu.memory_space<vmem>>, vector<16xf32>,
            tpu.vector_store %arg16[%parallel_loop3A_299, %parallel_loop3A_300], %parallel_loop3A_298 {strides = array<i32>} : memref<128x72xf32, #tpu.memory_space<vmem>>, vector<16xf32>,
            %parallel_loop3A_302 = arith.mulf %parallel_loop3A_297, %parallel_loop3A_289 : vector<16xf32>
            %parallel_loop3A_303 = arith.constant 1 : i32
            %parallel_loop3A_304 = arith.addi %parallel_loop3A_109, %parallel_loop3A_303 : i32
            %parallel_loop3A_305 = arith.index_cast %parallel_loop3A_304 : i32 to index
            %parallel_loop3A_306 = arith.constant 48 : index
            %parallel_loop3A_307 = tpu.vector_load %arg16[%parallel_loop3A_305, %parallel_loop3A_306] {strides = array<i32>} : memref<128x72xf32, #tpu.memory_space<vmem>>, vector<16xf32>,
            tpu.vector_store %arg16[%parallel_loop3A_305, %parallel_loop3A_306], %parallel_loop3A_302 {strides = array<i32>} : memref<128x72xf32, #tpu.memory_space<vmem>>, vector<16xf32>,
          } {sc.loop_unroll_factor = 4 : i64, sc.parallel_access}
          %run_scoped3A = arith.constant 1 : i32
          "tpu.region"() ({
            %run_scoped3A_105 = tpu.sem_alloc : memref<!tpu.dma_semaphore, #tpu.memory_space<semaphore_mem>>
            %dma_start3A = arith.constant 64 : i32
            %dma_start3A_106 = arith.constant 0 : i32
            %dma_start3A_107 = tpu.memref_slice %arg16[%dma_start3A, %dma_start3A_106] : memref<128x72xf32, #tpu.memory_space<vmem>> -> memref<64x72xf32, #tpu.memory_space<vmem>>
            %dma_start3A_108 = arith.constant 0 : i32
            %dma_start3A_109 = tpu.memref_slice %arg15[%run_scoped3A, %dma_start3A_108] : memref<2x64xi32, #tpu.memory_space<vmem>> -> memref<1x64xi32, #tpu.memory_space<vmem>>
            %dma_start3A_110 = tpu.memref_squeeze %dma_start3A_109 : memref<1x64xi32, #tpu.memory_space<vmem>> -> memref<64xi32, #tpu.memory_space<vmem>>
            %dma_start3A_111 = arith.constant 0 : i32
            %dma_start3A_112 = arith.constant 0 : i32
            %dma_start3A_113 = tpu.memref_slice %arg8[%dma_start3A_111, %dma_start3A_112] : memref<25096x72xf32, #tpu.memory_space<vmem_shared>> -> memref<25096x72xf32, #tpu.memory_space<vmem_shared>>
            tpu.enqueue_indirect_dma source(%dma_start3A_107 : memref<64x72xf32, #tpu.memory_space<vmem>>) target(%dma_start3A_113 : memref<25096x72xf32, #tpu.memory_space<vmem_shared>>) offsets(%dma_start3A_110 : memref<64xi32, #tpu.memory_space<vmem>>) semaphore(%run_scoped3A_105 : memref<!tpu.dma_semaphore, #tpu.memory_space<semaphore_mem>>) {add = true}
            %dma_wait3A_114 = arith.constant 64 : i32
            %dma_wait3A_115 = arith.constant 0 : i32
            %dma_wait3A_116 = tpu.memref_slice %arg16[%dma_wait3A_114, %dma_wait3A_115] : memref<128x72xf32, #tpu.memory_space<vmem>> -> memref<64x72xf32, #tpu.memory_space<vmem>>
            %dma_wait3A_117 = arith.constant 0 : i32
            %dma_wait3A_118 = tpu.memref_slice %arg15[%run_scoped3A, %dma_wait3A_117] : memref<2x64xi32, #tpu.memory_space<vmem>> -> memref<1x64xi32, #tpu.memory_space<vmem>>
            %dma_wait3A_119 = tpu.memref_squeeze %dma_wait3A_118 : memref<1x64xi32, #tpu.memory_space<vmem>> -> memref<64xi32, #tpu.memory_space<vmem>>
            %dma_wait3A_120 = arith.constant 0 : i32
            %dma_wait3A_121 = arith.constant 0 : i32
            %dma_wait3A_122 = tpu.memref_slice %arg8[%dma_wait3A_120, %dma_wait3A_121] : memref<25096x72xf32, #tpu.memory_space<vmem_shared>> -> memref<25096x72xf32, #tpu.memory_space<vmem_shared>>
            tpu.wait_indirect_dma semaphore(%run_scoped3A_105 : memref<!tpu.dma_semaphore, #tpu.memory_space<semaphore_mem>>) src(%dma_wait3A_116 : memref<64x72xf32, #tpu.memory_space<vmem>>) dst(%dma_wait3A_122 : memref<25096x72xf32, #tpu.memory_space<vmem_shared>>)
            tpu.yield
          }) : () -> ()
          %add3A_99 = arith.constant 3 : i32
          %add3A_100 = arith.addi %mul3A_68, %add3A_99 : i32
          %lt3A_101 = arith.cmpi slt, %add3A_100, %shift_right_arithmetic3A_43 : i32
          %convert_element_type3A_102 = arith.extui %lt3A_101 : i1 to i32
          %cond3A_103 = arith.constant 0 : i32
          %cond3A_104 = arith.cmpi ne, %convert_element_type3A_102, %cond3A_103 : i32
          scf.if %cond3A_104 {
            %add3A_105 = arith.constant 3 : i32
            %add3A_106 = arith.addi %mul3A_68, %add3A_105 : i32
            %scan3A_107 = arith.constant 0 : i32
            %scan3A_108 = arith.constant 0 : i32
            %scan3A_109 = arith.constant 4 : i32
            %scan3A_110 = arith.addi %scan3A_108, %scan3A_109 : i32
            %scan3A_111 = arith.constant 1 : i32
            scf.for %scan3A_132 = %scan3A_108 to %scan3A_110 step %scan3A_111  : i32 {
              %mul3A_133 = arith.constant 64 : i32
              %mul3A_134 = arith.muli %add3A_106, %mul3A_133 : i32
              %mul3A_135 = arith.constant 16 : i32
              %mul3A_136 = arith.muli %scan3A_132, %mul3A_135 : i32
              %add3A_137 = arith.addi %mul3A_134, %mul3A_136 : i32
              %get3A = arith.index_cast %add3A_137 : i32 to index
              %get3A_138 = tpu.vector_load %arg12[%get3A] {strides = array<i32>} : memref<1024xi32, #tpu.memory_space<vmem>>, vector<16xi32>,
              %mul3A_139 = arith.constant 16 : i32
              %mul3A_140 = arith.muli %scan3A_132, %mul3A_139 : i32
              %swap3A = arith.constant 1 : i32
              %swap3A_141 = arith.index_cast %swap3A : i32 to index
              %swap3A_142 = arith.index_cast %mul3A_140 : i32 to index
              %swap3A_143 = tpu.vector_load %arg15[%swap3A_141, %swap3A_142] {strides = array<i32>} : memref<2x64xi32, #tpu.memory_space<vmem>>, vector<16xi32>,
              tpu.vector_store %arg15[%swap3A_141, %swap3A_142], %get3A_138 {strides = array<i32>} : memref<2x64xi32, #tpu.memory_space<vmem>>, vector<16xi32>,
              %add3A_144 = vector.broadcast %mul3A_0 : i32 to vector<16xi32>
              %add3A_145 = arith.addi %get3A_138, %add3A_144 : vector<16xi32>
              %mul3A_146 = arith.constant 16 : i32
              %mul3A_147 = arith.muli %scan3A_132, %mul3A_146 : i32
              %swap3A_148 = arith.constant 1 : i32
              %swap3A_149 = arith.index_cast %swap3A_148 : i32 to index
              %swap3A_150 = arith.index_cast %mul3A_147 : i32 to index
              %swap3A_151 = tpu.vector_load %arg14[%swap3A_149, %swap3A_150] {strides = array<i32>} : memref<2x64xi32, #tpu.memory_space<vmem>>, vector<16xi32>,
              tpu.vector_store %arg14[%swap3A_149, %swap3A_150], %add3A_145 {strides = array<i32>} : memref<2x64xi32, #tpu.memory_space<vmem>>, vector<16xi32>,
              %mul3A_152 = arith.constant 64 : i32
              %mul3A_153 = arith.muli %add3A_106, %mul3A_152 : i32
              %mul3A_154 = arith.constant 16 : i32
              %mul3A_155 = arith.muli %scan3A_132, %mul3A_154 : i32
              %add3A_156 = arith.addi %mul3A_153, %mul3A_155 : i32
              %get3A_157 = arith.index_cast %add3A_156 : i32 to index
              %get3A_158 = tpu.vector_load %arg11[%get3A_157] {strides = array<i32>} : memref<1024xi32, #tpu.memory_space<vmem>>, vector<16xi32>,
              %mul3A_159 = arith.constant 16 : i32
              %mul3A_160 = arith.muli %scan3A_132, %mul3A_159 : i32
              %swap3A_161 = arith.constant 1 : i32
              %swap3A_162 = arith.index_cast %swap3A_161 : i32 to index
              %swap3A_163 = arith.index_cast %mul3A_160 : i32 to index
              %swap3A_164 = tpu.vector_load %arg13[%swap3A_162, %swap3A_163] {strides = array<i32>} : memref<2x64xi32, #tpu.memory_space<vmem>>, vector<16xi32>,
              tpu.vector_store %arg13[%swap3A_162, %swap3A_163], %get3A_158 {strides = array<i32>} : memref<2x64xi32, #tpu.memory_space<vmem>>, vector<16xi32>,
            }
            %scan3A_112 = arith.constant 4 : i32
            %dma_start3A = arith.constant 1 : i32
            %dma_start3A_113 = arith.constant 64 : i32
            %dma_start3A_114 = arith.constant 0 : i32
            %dma_start3A_115 = tpu.memref_slice %arg16[%dma_start3A_113, %dma_start3A_114] : memref<128x72xf32, #tpu.memory_space<vmem>> -> memref<64x72xf32, #tpu.memory_space<vmem>>
            %dma_start3A_116 = arith.constant 0 : i32
            %dma_start3A_117 = tpu.memref_slice %arg13[%dma_start3A, %dma_start3A_116] : memref<2x64xi32, #tpu.memory_space<vmem>> -> memref<1x64xi32, #tpu.memory_space<vmem>>
            %dma_start3A_118 = tpu.memref_squeeze %dma_start3A_117 : memref<1x64xi32, #tpu.memory_space<vmem>> -> memref<64xi32, #tpu.memory_space<vmem>>
            %dma_start3A_119 = arith.constant 0 : i32
            %dma_start3A_120 = arith.constant 0 : i32
            %dma_start3A_121 = tpu.memref_slice %arg4[%dma_start3A_119, %dma_start3A_120] : memref<50000x72xf32, #tpu.memory_space<hbm>> -> memref<50000x72xf32, #tpu.memory_space<hbm>>
            tpu.enqueue_indirect_dma source(%dma_start3A_121 : memref<50000x72xf32, #tpu.memory_space<hbm>>) target(%dma_start3A_115 : memref<64x72xf32, #tpu.memory_space<vmem>>) offsets(%dma_start3A_118 : memref<64xi32, #tpu.memory_space<vmem>>) semaphore(%arg19 : memref<!tpu.dma_semaphore, #tpu.memory_space<semaphore_mem>>)
            %dma_start3A_122 = arith.constant 1 : i32
            %dma_start3A_123 = arith.constant 64 : i32
            %dma_start3A_124 = arith.constant 0 : i32
            %dma_start3A_125 = tpu.memref_slice %arg17[%dma_start3A_123, %dma_start3A_124] : memref<128x16xf32, #tpu.memory_space<vmem>> -> memref<64x16xf32, #tpu.memory_space<vmem>>
            %dma_start3A_126 = arith.constant 0 : i32
            %dma_start3A_127 = tpu.memref_slice %arg14[%dma_start3A_122, %dma_start3A_126] : memref<2x64xi32, #tpu.memory_space<vmem>> -> memref<1x64xi32, #tpu.memory_space<vmem>>
            %dma_start3A_128 = tpu.memref_squeeze %dma_start3A_127 : memref<1x64xi32, #tpu.memory_space<vmem>> -> memref<64xi32, #tpu.memory_space<vmem>>
            %dma_start3A_129 = arith.constant 0 : i32
            %dma_start3A_130 = arith.constant 0 : i32
            %dma_start3A_131 = tpu.memref_slice %arg5[%dma_start3A_129, %dma_start3A_130] : memref<50000x16xf32, #tpu.memory_space<hbm>> -> memref<50000x16xf32, #tpu.memory_space<hbm>>
            tpu.enqueue_indirect_dma source(%dma_start3A_131 : memref<50000x16xf32, #tpu.memory_space<hbm>>) target(%dma_start3A_125 : memref<64x16xf32, #tpu.memory_space<vmem>>) offsets(%dma_start3A_128 : memref<64xi32, #tpu.memory_space<vmem>>) semaphore(%arg19 : memref<!tpu.dma_semaphore, #tpu.memory_space<semaphore_mem>>)
          } else {
          }
        } else {
        }
      }
    }
    %scan3A_19 = arith.constant 50 : i32
    %barrier3A_20 = arith.constant 0 : index
    tpu.barrier barrier_id(%barrier3A_20)
    %add3A = arith.addi %mul3A_0, %mul3A_6 : i32
    "tpu.region"() ({
      %run_scoped3A = tpu.sem_alloc : memref<!tpu.dma_semaphore, #tpu.memory_space<semaphore_mem>>
      %dma_start3A = arith.constant 0 : i32
      %dma_start3A_21 = tpu.memref_slice %arg7[%add3A, %dma_start3A] : memref<50176x72xf32, #tpu.memory_space<hbm>> -> memref<1568x72xf32, #tpu.memory_space<hbm>>
      %dma_start3A_22 = arith.constant 0 : i32
      %dma_start3A_23 = tpu.memref_slice %arg8[%mul3A_6, %dma_start3A_22] : memref<25096x72xf32, #tpu.memory_space<vmem_shared>> -> memref<1568x72xf32, #tpu.memory_space<vmem_shared>>
      tpu.enqueue_dma source(%dma_start3A_23 : memref<1568x72xf32, #tpu.memory_space<vmem_shared>>) target(%dma_start3A_21 : memref<1568x72xf32, #tpu.memory_space<hbm>>) target_semaphore(%run_scoped3A : memref<!tpu.dma_semaphore, #tpu.memory_space<semaphore_mem>>)
      %dma_wait3A = arith.constant 0 : i32
      %dma_wait3A_24 = tpu.memref_slice %arg7[%add3A, %dma_wait3A] : memref<50176x72xf32, #tpu.memory_space<hbm>> -> memref<1568x72xf32, #tpu.memory_space<hbm>>
      %dma_wait3A_25 = arith.constant 0 : i32
      %dma_wait3A_26 = tpu.memref_slice %arg8[%mul3A_6, %dma_wait3A_25] : memref<25096x72xf32, #tpu.memory_space<vmem_shared>> -> memref<1568x72xf32, #tpu.memory_space<vmem_shared>>
      tpu.wait_dma2 semaphore(%run_scoped3A : memref<!tpu.dma_semaphore, #tpu.memory_space<semaphore_mem>>) src(%dma_wait3A_26 : memref<1568x72xf32, #tpu.memory_space<vmem_shared>>) dst(%dma_wait3A_24 : memref<1568x72xf32, #tpu.memory_space<hbm>>)
      tpu.yield
    }) : () -> ()
    return
  }
}

#map = affine_map<(d0, d1) -> (0)>
#map1 = affine_map<(d0, d1) -> (0, 0)>
module attributes {stable_mosaic.version = 14 : i64} {
  func.func @_edge_body(%arg0: i32, %arg1: i32, %arg2: memref<800000xi32, #tpu.memory_space<hbm>>, %arg3: memref<800000xi32, #tpu.memory_space<hbm>>, %arg4: memref<50000x72xf32, #tpu.memory_space<hbm>>, %arg5: memref<50000x16xf32, #tpu.memory_space<hbm>>, %arg6: memref<1568x72xf32, #tpu.memory_space<hbm>>, %arg7: memref<50176x72xf32, #tpu.memory_space<hbm>>, %arg8: memref<25096x72xf32, #tpu.memory_space<vmem_shared>>, %arg9: memref<1008xi32, #tpu.memory_space<vmem>>, %arg10: memref<1008xi32, #tpu.memory_space<vmem>>, %arg11: memref<1024xi32, #tpu.memory_space<vmem>>, %arg12: memref<1024xi32, #tpu.memory_space<vmem>>, %arg13: memref<2x64xi32, #tpu.memory_space<vmem>>, %arg14: memref<2x64xi32, #tpu.memory_space<vmem>>, %arg15: memref<2x64xi32, #tpu.memory_space<vmem>>, %arg16: memref<128x72xf32, #tpu.memory_space<vmem>>, %arg17: memref<128x16xf32, #tpu.memory_space<vmem>>, %arg18: memref<!tpu.dma_semaphore, #tpu.memory_space<semaphore_mem>>, %arg19: memref<!tpu.dma_semaphore, #tpu.memory_space<semaphore_mem>>) attributes {dimension_semantics = [#tpu.dimension_semantics<core_parallel>, #tpu.dimension_semantics<subcore_parallel>], iteration_bounds = array<i64: 2, 16>, scalar_prefetch = 0 : i64, scratch_operands = 12 : i64, tpu.core_type = #tpu.core_type<sc_vector_subcore>, window_params = [{transform_indices = #map}, {transform_indices = #map}, {transform_indices = #map1}, {transform_indices = #map1}, {transform_indices = #map1}, {transform_indices = #map1}]} {
    %mul3A = arith.constant 25088 : i32
    %mul3A_0 = arith.muli %arg0, %mul3A : i32
    %iota3A = tpu.iota {dimensions = array<i32: 0>} : vector<16xi32>
    %and3A = arith.constant 7 : i32
    %and3A_1 = vector.broadcast %and3A : i32 to vector<16xi32>
    %and3A_2 = arith.andi %iota3A, %and3A_1 : vector<16xi32>
    %shift_right_arithmetic3A = arith.constant 3 : i32
    %shift_right_arithmetic3A_3 = vector.broadcast %shift_right_arithmetic3A : i32 to vector<16xi32>
    %shift_right_arithmetic3A_4 = arith.shrsi %iota3A, %shift_right_arithmetic3A_3 : vector<16xi32>
    %mul3A_5 = arith.constant 1568 : i32
    %mul3A_6 = arith.muli %arg1, %mul3A_5 : i32
    "tpu.region"() ({
      %run_scoped3A = tpu.sem_alloc : memref<!tpu.dma_semaphore, #tpu.memory_space<semaphore_mem>>
      %dma_start3A = arith.constant 0 : i32
      %dma_start3A_21 = tpu.memref_slice %arg8[%mul3A_6, %dma_start3A] : memref<25096x72xf32, #tpu.memory_space<vmem_shared>> -> memref<1568x72xf32, #tpu.memory_space<vmem_shared>>
      tpu.enqueue_dma source(%arg6 : memref<1568x72xf32, #tpu.memory_space<hbm>>) target(%dma_start3A_21 : memref<1568x72xf32, #tpu.memory_space<vmem_shared>>) target_semaphore(%run_scoped3A : memref<!tpu.dma_semaphore, #tpu.memory_space<semaphore_mem>>)
      %dma_wait3A = arith.constant 0 : i32
      %dma_wait3A_22 = tpu.memref_slice %arg8[%mul3A_6, %dma_wait3A] : memref<25096x72xf32, #tpu.memory_space<vmem_shared>> -> memref<1568x72xf32, #tpu.memory_space<vmem_shared>>
      tpu.wait_dma2 semaphore(%run_scoped3A : memref<!tpu.dma_semaphore, #tpu.memory_space<semaphore_mem>>) src(%arg6 : memref<1568x72xf32, #tpu.memory_space<hbm>>) dst(%dma_wait3A_22 : memref<1568x72xf32, #tpu.memory_space<vmem_shared>>)
      tpu.yield
    }) : () -> ()
    %eq3A = arith.constant 15 : i32
    %eq3A_7 = arith.cmpi eq, %arg1, %eq3A : i32
    %convert_element_type3A = arith.extui %eq3A_7 : i1 to i32
    %cond3A = arith.constant 0 : i32
    %cond3A_8 = arith.cmpi ne, %convert_element_type3A, %cond3A : i32
    scf.if %cond3A_8 {
      "tpu.region"() ({
        %run_scoped3A = tpu.sem_alloc : memref<!tpu.dma_semaphore, #tpu.memory_space<semaphore_mem>>
        %dma_start3A = arith.constant 25088 : i32
        %dma_start3A_21 = arith.constant 0 : i32
        %dma_start3A_22 = tpu.memref_slice %arg8[%dma_start3A, %dma_start3A_21] : memref<25096x72xf32, #tpu.memory_space<vmem_shared>> -> memref<8x72xf32, #tpu.memory_space<vmem_shared>>
        %dma_start3A_23 = arith.constant 0 : i32
        %dma_start3A_24 = arith.constant 0 : i32
        %dma_start3A_25 = tpu.memref_slice %arg6[%dma_start3A_23, %dma_start3A_24] : memref<1568x72xf32, #tpu.memory_space<hbm>> -> memref<8x72xf32, #tpu.memory_space<hbm>>
        tpu.enqueue_dma source(%dma_start3A_25 : memref<8x72xf32, #tpu.memory_space<hbm>>) target(%dma_start3A_22 : memref<8x72xf32, #tpu.memory_space<vmem_shared>>) target_semaphore(%run_scoped3A : memref<!tpu.dma_semaphore, #tpu.memory_space<semaphore_mem>>)
        %dma_wait3A = arith.constant 25088 : i32
        %dma_wait3A_26 = arith.constant 0 : i32
        %dma_wait3A_27 = tpu.memref_slice %arg8[%dma_wait3A, %dma_wait3A_26] : memref<25096x72xf32, #tpu.memory_space<vmem_shared>> -> memref<8x72xf32, #tpu.memory_space<vmem_shared>>
        %dma_wait3A_28 = arith.constant 0 : i32
        %dma_wait3A_29 = arith.constant 0 : i32
        %dma_wait3A_30 = tpu.memref_slice %arg6[%dma_wait3A_28, %dma_wait3A_29] : memref<1568x72xf32, #tpu.memory_space<hbm>> -> memref<8x72xf32, #tpu.memory_space<hbm>>
        tpu.wait_dma2 semaphore(%run_scoped3A : memref<!tpu.dma_semaphore, #tpu.memory_space<semaphore_mem>>) src(%dma_wait3A_30 : memref<8x72xf32, #tpu.memory_space<hbm>>) dst(%dma_wait3A_27 : memref<8x72xf32, #tpu.memory_space<vmem_shared>>)
        tpu.yield
      }) : () -> ()
    } else {
    }
    %scan3A = arith.constant 0 : i32
    %scan3A_9 = arith.constant 0 : i32
    %scan3A_10 = arith.constant 64 : i32
    %scan3A_11 = arith.addi %scan3A_9, %scan3A_10 : i32
    %scan3A_12 = arith.constant 1 : i32
    scf.for %scan3A_21 = %scan3A_9 to %scan3A_11 step %scan3A_12  : i32 {
      %broadcast_in_dim3A = arith.constant 0 : i32
      %broadcast_in_dim3A_22 = vector.broadcast %broadcast_in_dim3A : i32 to vector<16xi32>
      %mul3A_23 = arith.constant 16 : i32
      %mul3A_24 = arith.muli %scan3A_21, %mul3A_23 : i32
      %swap3A = arith.index_cast %mul3A_24 : i32 to index
      %swap3A_25 = tpu.vector_load %arg11[%swap3A] {strides = array<i32>} : memref<1024xi32, #tpu.memory_space<vmem>>, vector<16xi32>,
      tpu.vector_store %arg11[%swap3A], %broadcast_in_dim3A_22 {strides = array<i32>} : memref<1024xi32, #tpu.memory_space<vmem>>, vector<16xi32>,
    }
    %scan3A_13 = arith.constant 64 : i32
    %barrier3A = arith.constant 0 : index
    tpu.barrier barrier_id(%barrier3A)
    %scan3A_14 = arith.constant 0 : i32
    %scan3A_15 = arith.constant 0 : i32
    %scan3A_16 = arith.constant 50 : i32
    %scan3A_17 = arith.addi %scan3A_15, %scan3A_16 : i32
    %scan3A_18 = arith.constant 1 : i32
    scf.for %scan3A_21 = %scan3A_15 to %scan3A_17 step %scan3A_18  : i32 {
      %mul3A_22 = arith.constant 50000 : i32
      %mul3A_23 = arith.muli %arg1, %mul3A_22 : i32
      %mul3A_24 = arith.constant 1000 : i32
      %mul3A_25 = arith.muli %scan3A_21, %mul3A_24 : i32
      %add3A_26 = arith.addi %mul3A_23, %mul3A_25 : i32
      "tpu.region"() ({
        %run_scoped3A = tpu.sem_alloc : memref<!tpu.dma_semaphore, #tpu.memory_space<semaphore_mem>>
        %dma_start3A = arith.constant 0 : i32
        %dma_start3A_66 = tpu.memref_slice %arg9[%dma_start3A] : memref<1008xi32, #tpu.memory_space<vmem>> -> memref<1000xi32, #tpu.memory_space<vmem>>
        %dma_start3A_67 = tpu.memref_slice %arg2[%add3A_26] : memref<800000xi32, #tpu.memory_space<hbm>> -> memref<1000xi32, #tpu.memory_space<hbm>>
        %dma_start3A_68 = arith.constant 0 : i32
        %dma_start3A_69 = tpu.memref_slice %arg9[%dma_start3A_68] : memref<1008xi32, #tpu.memory_space<vmem>> -> memref<1000xi32, #tpu.memory_space<vmem>>
        %dma_start3A_70 = tpu.memref_slice %arg2[%add3A_26] : memref<800000xi32, #tpu.memory_space<hbm>> -> memref<1000xi32, #tpu.memory_space<hbm>>
        tpu.enqueue_dma source(%dma_start3A_70 : memref<1000xi32, #tpu.memory_space<hbm>>) target(%dma_start3A_69 : memref<1000xi32, #tpu.memory_space<vmem>>) target_semaphore(%run_scoped3A : memref<!tpu.dma_semaphore, #tpu.memory_space<semaphore_mem>>)
        %dma_wait3A = arith.constant 0 : i32
        %dma_wait3A_71 = tpu.memref_slice %arg9[%dma_wait3A] : memref<1008xi32, #tpu.memory_space<vmem>> -> memref<1000xi32, #tpu.memory_space<vmem>>
        %dma_wait3A_72 = tpu.memref_slice %arg2[%add3A_26] : memref<800000xi32, #tpu.memory_space<hbm>> -> memref<1000xi32, #tpu.memory_space<hbm>>
        %dma_wait3A_73 = arith.constant 0 : i32
        %dma_wait3A_74 = tpu.memref_slice %arg9[%dma_wait3A_73] : memref<1008xi32, #tpu.memory_space<vmem>> -> memref<1000xi32, #tpu.memory_space<vmem>>
        %dma_wait3A_75 = tpu.memref_slice %arg2[%add3A_26] : memref<800000xi32, #tpu.memory_space<hbm>> -> memref<1000xi32, #tpu.memory_space<hbm>>
        tpu.wait_dma2 semaphore(%run_scoped3A : memref<!tpu.dma_semaphore, #tpu.memory_space<semaphore_mem>>) src(%dma_wait3A_75 : memref<1000xi32, #tpu.memory_space<hbm>>) dst(%dma_wait3A_74 : memref<1000xi32, #tpu.memory_space<vmem>>)
        tpu.yield
      }) : () -> ()
      "tpu.region"() ({
        %run_scoped3A = tpu.sem_alloc : memref<!tpu.dma_semaphore, #tpu.memory_space<semaphore_mem>>
        %dma_start3A = arith.constant 0 : i32
        %dma_start3A_66 = tpu.memref_slice %arg10[%dma_start3A] : memref<1008xi32, #tpu.memory_space<vmem>> -> memref<1000xi32, #tpu.memory_space<vmem>>
        %dma_start3A_67 = tpu.memref_slice %arg3[%add3A_26] : memref<800000xi32, #tpu.memory_space<hbm>> -> memref<1000xi32, #tpu.memory_space<hbm>>
        %dma_start3A_68 = arith.constant 0 : i32
        %dma_start3A_69 = tpu.memref_slice %arg10[%dma_start3A_68] : memref<1008xi32, #tpu.memory_space<vmem>> -> memref<1000xi32, #tpu.memory_space<vmem>>
        %dma_start3A_70 = tpu.memref_slice %arg3[%add3A_26] : memref<800000xi32, #tpu.memory_space<hbm>> -> memref<1000xi32, #tpu.memory_space<hbm>>
        tpu.enqueue_dma source(%dma_start3A_70 : memref<1000xi32, #tpu.memory_space<hbm>>) target(%dma_start3A_69 : memref<1000xi32, #tpu.memory_space<vmem>>) target_semaphore(%run_scoped3A : memref<!tpu.dma_semaphore, #tpu.memory_space<semaphore_mem>>)
        %dma_wait3A = arith.constant 0 : i32
        %dma_wait3A_71 = tpu.memref_slice %arg10[%dma_wait3A] : memref<1008xi32, #tpu.memory_space<vmem>> -> memref<1000xi32, #tpu.memory_space<vmem>>
        %dma_wait3A_72 = tpu.memref_slice %arg3[%add3A_26] : memref<800000xi32, #tpu.memory_space<hbm>> -> memref<1000xi32, #tpu.memory_space<hbm>>
        %dma_wait3A_73 = arith.constant 0 : i32
        %dma_wait3A_74 = tpu.memref_slice %arg10[%dma_wait3A_73] : memref<1008xi32, #tpu.memory_space<vmem>> -> memref<1000xi32, #tpu.memory_space<vmem>>
        %dma_wait3A_75 = tpu.memref_slice %arg3[%add3A_26] : memref<800000xi32, #tpu.memory_space<hbm>> -> memref<1000xi32, #tpu.memory_space<hbm>>
        tpu.wait_dma2 semaphore(%run_scoped3A : memref<!tpu.dma_semaphore, #tpu.memory_space<semaphore_mem>>) src(%dma_wait3A_75 : memref<1000xi32, #tpu.memory_space<hbm>>) dst(%dma_wait3A_74 : memref<1000xi32, #tpu.memory_space<vmem>>)
        tpu.yield
      }) : () -> ()
      %scan3A_27 = arith.constant 0 : i32
      %scan3A_28 = arith.constant 0 : i32
      %scan3A_29 = arith.constant 64 : i32
      %scan3A_30 = arith.addi %scan3A_28, %scan3A_29 : i32
      %scan3A_31 = arith.constant 1 : i32
      scf.for %scan3A_66 = %scan3A_28 to %scan3A_30 step %scan3A_31  : i32 {
        %broadcast_in_dim3A = arith.constant 25088 : i32
        %broadcast_in_dim3A_67 = vector.broadcast %broadcast_in_dim3A : i32 to vector<16xi32>
        %mul3A_68 = arith.constant 16 : i32
        %mul3A_69 = arith.muli %scan3A_66, %mul3A_68 : i32
        %swap3A = arith.index_cast %mul3A_69 : i32 to index
        %swap3A_70 = tpu.vector_load %arg12[%swap3A] {strides = array<i32>} : memref<1024xi32, #tpu.memory_space<vmem>>, vector<16xi32>,
        tpu.vector_store %arg12[%swap3A], %broadcast_in_dim3A_67 {strides = array<i32>} : memref<1024xi32, #tpu.memory_space<vmem>>, vector<16xi32>,
      }
      %scan3A_32 = arith.constant 64 : i32
      %scan3A_33 = arith.constant 0 : i32
      %scan3A_34 = arith.constant 0 : i32
      %scan3A_35 = arith.constant 63 : i32
      %scan3A_36 = arith.addi %scan3A_34, %scan3A_35 : i32
      %scan3A_37 = arith.constant 1 : i32
      %scan3A_38 = scf.for %scan3A_66 = %scan3A_34 to %scan3A_36 step %scan3A_37 iter_args(%scan3A_67 = %scan3A_33) -> (i32)  : i32 {
        %mul3A_68 = arith.constant 16 : i32
        %mul3A_69 = arith.muli %scan3A_66, %mul3A_68 : i32
        %get3A = arith.index_cast %mul3A_69 : i32 to index
        %get3A_70 = tpu.vector_load %arg10[%get3A] {strides = array<i32>} : memref<1008xi32, #tpu.memory_space<vmem>>, vector<16xi32>,
        %sub3A = vector.broadcast %mul3A_0 : i32 to vector<16xi32>
        %sub3A_71 = arith.subi %get3A_70, %sub3A : vector<16xi32>
        %ge3A = arith.constant 0 : i32
        %ge3A_72 = vector.broadcast %ge3A : i32 to vector<16xi32>
        %ge3A_73 = arith.cmpi sge, %sub3A_71, %ge3A_72 : vector<16xi32>
        %lt3A = arith.constant 25088 : i32
        %lt3A_74 = vector.broadcast %lt3A : i32 to vector<16xi32>
        %lt3A_75 = arith.cmpi slt, %sub3A_71, %lt3A_74 : vector<16xi32>
        %and3A_76 = arith.andi %ge3A_73, %lt3A_75 : vector<16xi1>
        %mul3A_77 = arith.constant 16 : i32
        %mul3A_78 = arith.muli %scan3A_66, %mul3A_77 : i32
        %add3A_79 = vector.broadcast %mul3A_78 : i32 to vector<16xi32>
        %add3A_80 = arith.addi %add3A_79, %iota3A : vector<16xi32>
        %lt3A_81 = arith.constant 1000 : i32
        %lt3A_82 = vector.broadcast %lt3A_81 : i32 to vector<16xi32>
        %lt3A_83 = arith.cmpi slt, %add3A_80, %lt3A_82 : vector<16xi32>
        %and3A_84 = arith.andi %and3A_76, %lt3A_83 : vector<16xi1>
        %mul3A_85 = arith.constant 16 : i32
        %mul3A_86 = arith.muli %scan3A_66, %mul3A_85 : i32
        %get3A_87 = arith.index_cast %mul3A_86 : i32 to index
        %get3A_88 = tpu.vector_load %arg9[%get3A_87] {strides = array<i32>} : memref<1008xi32, #tpu.memory_space<vmem>>, vector<16xi32>,
        %convert_element_type3A_89 = arith.extui %and3A_84 : vector<16xi1> to vector<16xi32>
        %broadcast_in_dim3A = arith.constant true
        %broadcast_in_dim3A_90 = vector.broadcast %broadcast_in_dim3A : i1 to vector<16xi1>
        %masked_cumsum3A = tpu.scan <sum>, %convert_element_type3A_89 masked %broadcast_in_dim3A_90 : vector<16xi32>, vector<16xi1> -> vector<16xi32>
        %add3A_91 = vector.broadcast %scan3A_67 : i32 to vector<16xi32>
        %add3A_92 = arith.addi %add3A_91, %masked_cumsum3A : vector<16xi32>
        %sub3A_93 = arith.constant 1 : i32
        %sub3A_94 = vector.broadcast %sub3A_93 : i32 to vector<16xi32>
        %sub3A_95 = arith.subi %add3A_92, %sub3A_94 : vector<16xi32>
        tpu.vector_store_idx %arg12[%sub3A_95], %sub3A_71 masked %and3A_84 : memref<1024xi32, #tpu.memory_space<vmem>>[vector<16xi32>], vector<16xi32>, vector<16xi1>
        tpu.vector_store_idx %arg11[%sub3A_95], %get3A_88 masked %and3A_84 : memref<1024xi32, #tpu.memory_space<vmem>>[vector<16xi32>], vector<16xi32>, vector<16xi1>
        %reduce_max3A = arith.constant true
        %reduce_max3A_96 = vector.broadcast %reduce_max3A : i1 to vector<16xi1>
        %reduce_max3A_97 = arith.constant -2147483648 : i32
        %reduce_max3A_98 = vector.broadcast %reduce_max3A_97 : i32 to vector<16xi32>
        %reduce_max3A_99 = arith.xori %masked_cumsum3A, %reduce_max3A_98 : vector<16xi32>
        %reduce_max3A_100 = tpu.scan <max>, %reduce_max3A_99 masked %reduce_max3A_96 : vector<16xi32>, vector<16xi1> -> vector<16xi32>
        %reduce_max3A_101 = arith.xori %reduce_max3A_100, %reduce_max3A_98 : vector<16xi32>
        %reduce_max3A_102 = vector.extract %reduce_max3A_101[15] : i32 from vector<16xi32>
        %add3A_103 = arith.addi %scan3A_67, %reduce_max3A_102 : i32
        scf.yield %add3A_103 : i32
      }
      %scan3A_39 = arith.constant 63 : i32
      %add3A_40 = arith.constant 63 : i32
      %add3A_41 = arith.addi %scan3A_38, %add3A_40 : i32
      %shift_right_arithmetic3A_42 = arith.constant 6 : i32
      %shift_right_arithmetic3A_43 = arith.shrsi %add3A_41, %shift_right_arithmetic3A_42 : i32
      %gt3A = arith.constant 0 : i32
      %gt3A_44 = arith.cmpi sgt, %shift_right_arithmetic3A_43, %gt3A : i32
      %convert_element_type3A_45 = arith.extui %gt3A_44 : i1 to i32
      %cond3A_46 = arith.constant 0 : i32
      %cond3A_47 = arith.cmpi ne, %convert_element_type3A_45, %cond3A_46 : i32
      scf.if %cond3A_47 {
        %scan3A_66 = arith.constant 0 : i32
        %scan3A_67 = arith.constant 0 : i32
        %scan3A_68 = arith.constant 0 : i32
        %scan3A_69 = arith.constant 4 : i32
        %scan3A_70 = arith.addi %scan3A_68, %scan3A_69 : i32
        %scan3A_71 = arith.constant 1 : i32
        scf.for %scan3A_92 = %scan3A_68 to %scan3A_70 step %scan3A_71  : i32 {
          %mul3A_93 = arith.constant 64 : i32
          %mul3A_94 = arith.muli %scan3A_67, %mul3A_93 : i32
          %mul3A_95 = arith.constant 16 : i32
          %mul3A_96 = arith.muli %scan3A_92, %mul3A_95 : i32
          %add3A_97 = arith.addi %mul3A_94, %mul3A_96 : i32
          %get3A = arith.index_cast %add3A_97 : i32 to index
          %get3A_98 = tpu.vector_load %arg12[%get3A] {strides = array<i32>} : memref<1024xi32, #tpu.memory_space<vmem>>, vector<16xi32>,
          %mul3A_99 = arith.constant 16 : i32
          %mul3A_100 = arith.muli %scan3A_92, %mul3A_99 : i32
          %swap3A = arith.constant 0 : i32
          %swap3A_101 = arith.index_cast %swap3A : i32 to index
          %swap3A_102 = arith.index_cast %mul3A_100 : i32 to index
          %swap3A_103 = tpu.vector_load %arg15[%swap3A_101, %swap3A_102] {strides = array<i32>} : memref<2x64xi32, #tpu.memory_space<vmem>>, vector<16xi32>,
          tpu.vector_store %arg15[%swap3A_101, %swap3A_102], %get3A_98 {strides = array<i32>} : memref<2x64xi32, #tpu.memory_space<vmem>>, vector<16xi32>,
          %add3A_104 = vector.broadcast %mul3A_0 : i32 to vector<16xi32>
          %add3A_105 = arith.addi %get3A_98, %add3A_104 : vector<16xi32>
          %mul3A_106 = arith.constant 16 : i32
          %mul3A_107 = arith.muli %scan3A_92, %mul3A_106 : i32
          %swap3A_108 = arith.constant 0 : i32
          %swap3A_109 = arith.index_cast %swap3A_108 : i32 to index
          %swap3A_110 = arith.index_cast %mul3A_107 : i32 to index
          %swap3A_111 = tpu.vector_load %arg14[%swap3A_109, %swap3A_110] {strides = array<i32>} : memref<2x64xi32, #tpu.memory_space<vmem>>, vector<16xi32>,
          tpu.vector_store %arg14[%swap3A_109, %swap3A_110], %add3A_105 {strides = array<i32>} : memref<2x64xi32, #tpu.memory_space<vmem>>, vector<16xi32>,
          %mul3A_112 = arith.constant 64 : i32
          %mul3A_113 = arith.muli %scan3A_67, %mul3A_112 : i32
          %mul3A_114 = arith.constant 16 : i32
          %mul3A_115 = arith.muli %scan3A_92, %mul3A_114 : i32
          %add3A_116 = arith.addi %mul3A_113, %mul3A_115 : i32
          %get3A_117 = arith.index_cast %add3A_116 : i32 to index
          %get3A_118 = tpu.vector_load %arg11[%get3A_117] {strides = array<i32>} : memref<1024xi32, #tpu.memory_space<vmem>>, vector<16xi32>,
          %mul3A_119 = arith.constant 16 : i32
          %mul3A_120 = arith.muli %scan3A_92, %mul3A_119 : i32
          %swap3A_121 = arith.constant 0 : i32
          %swap3A_122 = arith.index_cast %swap3A_121 : i32 to index
          %swap3A_123 = arith.index_cast %mul3A_120 : i32 to index
          %swap3A_124 = tpu.vector_load %arg13[%swap3A_122, %swap3A_123] {strides = array<i32>} : memref<2x64xi32, #tpu.memory_space<vmem>>, vector<16xi32>,
          tpu.vector_store %arg13[%swap3A_122, %swap3A_123], %get3A_118 {strides = array<i32>} : memref<2x64xi32, #tpu.memory_space<vmem>>, vector<16xi32>,
        }
        %scan3A_72 = arith.constant 4 : i32
        %dma_start3A = arith.constant 0 : i32
        %dma_start3A_73 = arith.constant 0 : i32
        %dma_start3A_74 = arith.constant 0 : i32
        %dma_start3A_75 = tpu.memref_slice %arg16[%dma_start3A_73, %dma_start3A_74] : memref<128x72xf32, #tpu.memory_space<vmem>> -> memref<64x72xf32, #tpu.memory_space<vmem>>
        %dma_start3A_76 = arith.constant 0 : i32
        %dma_start3A_77 = tpu.memref_slice %arg13[%dma_start3A, %dma_start3A_76] : memref<2x64xi32, #tpu.memory_space<vmem>> -> memref<1x64xi32, #tpu.memory_space<vmem>>
        %dma_start3A_78 = tpu.memref_squeeze %dma_start3A_77 : memref<1x64xi32, #tpu.memory_space<vmem>> -> memref<64xi32, #tpu.memory_space<vmem>>
        %dma_start3A_79 = arith.constant 0 : i32
        %dma_start3A_80 = arith.constant 0 : i32
        %dma_start3A_81 = tpu.memref_slice %arg4[%dma_start3A_79, %dma_start3A_80] : memref<50000x72xf32, #tpu.memory_space<hbm>> -> memref<50000x72xf32, #tpu.memory_space<hbm>>
        tpu.enqueue_indirect_dma source(%dma_start3A_81 : memref<50000x72xf32, #tpu.memory_space<hbm>>) target(%dma_start3A_75 : memref<64x72xf32, #tpu.memory_space<vmem>>) offsets(%dma_start3A_78 : memref<64xi32, #tpu.memory_space<vmem>>) semaphore(%arg18 : memref<!tpu.dma_semaphore, #tpu.memory_space<semaphore_mem>>)
        %dma_start3A_82 = arith.constant 0 : i32
        %dma_start3A_83 = arith.constant 0 : i32
        %dma_start3A_84 = arith.constant 0 : i32
        %dma_start3A_85 = tpu.memref_slice %arg17[%dma_start3A_83, %dma_start3A_84] : memref<128x16xf32, #tpu.memory_space<vmem>> -> memref<64x16xf32, #tpu.memory_space<vmem>>
        %dma_start3A_86 = arith.constant 0 : i32
        %dma_start3A_87 = tpu.memref_slice %arg14[%dma_start3A_82, %dma_start3A_86] : memref<2x64xi32, #tpu.memory_space<vmem>> -> memref<1x64xi32, #tpu.memory_space<vmem>>
        %dma_start3A_88 = tpu.memref_squeeze %dma_start3A_87 : memref<1x64xi32, #tpu.memory_space<vmem>> -> memref<64xi32, #tpu.memory_space<vmem>>
        %dma_start3A_89 = arith.constant 0 : i32
        %dma_start3A_90 = arith.constant 0 : i32
        %dma_start3A_91 = tpu.memref_slice %arg5[%dma_start3A_89, %dma_start3A_90] : memref<50000x16xf32, #tpu.memory_space<hbm>> -> memref<50000x16xf32, #tpu.memory_space<hbm>>
        tpu.enqueue_indirect_dma source(%dma_start3A_91 : memref<50000x16xf32, #tpu.memory_space<hbm>>) target(%dma_start3A_85 : memref<64x16xf32, #tpu.memory_space<vmem>>) offsets(%dma_start3A_88 : memref<64xi32, #tpu.memory_space<vmem>>) semaphore(%arg18 : memref<!tpu.dma_semaphore, #tpu.memory_space<semaphore_mem>>)
      } else {
      }
      %gt3A_48 = arith.constant 1 : i32
      %gt3A_49 = arith.cmpi sgt, %shift_right_arithmetic3A_43, %gt3A_48 : i32
      %convert_element_type3A_50 = arith.extui %gt3A_49 : i1 to i32
      %cond3A_51 = arith.constant 0 : i32
      %cond3A_52 = arith.cmpi ne, %convert_element_type3A_50, %cond3A_51 : i32
      scf.if %cond3A_52 {
        %scan3A_66 = arith.constant 0 : i32
        %scan3A_67 = arith.constant 1 : i32
        %scan3A_68 = arith.constant 0 : i32
        %scan3A_69 = arith.constant 4 : i32
        %scan3A_70 = arith.addi %scan3A_68, %scan3A_69 : i32
        %scan3A_71 = arith.constant 1 : i32
        scf.for %scan3A_92 = %scan3A_68 to %scan3A_70 step %scan3A_71  : i32 {
          %mul3A_93 = arith.constant 64 : i32
          %mul3A_94 = arith.muli %scan3A_67, %mul3A_93 : i32
          %mul3A_95 = arith.constant 16 : i32
          %mul3A_96 = arith.muli %scan3A_92, %mul3A_95 : i32
          %add3A_97 = arith.addi %mul3A_94, %mul3A_96 : i32
          %get3A = arith.index_cast %add3A_97 : i32 to index
          %get3A_98 = tpu.vector_load %arg12[%get3A] {strides = array<i32>} : memref<1024xi32, #tpu.memory_space<vmem>>, vector<16xi32>,
          %mul3A_99 = arith.constant 16 : i32
          %mul3A_100 = arith.muli %scan3A_92, %mul3A_99 : i32
          %swap3A = arith.constant 1 : i32
          %swap3A_101 = arith.index_cast %swap3A : i32 to index
          %swap3A_102 = arith.index_cast %mul3A_100 : i32 to index
          %swap3A_103 = tpu.vector_load %arg15[%swap3A_101, %swap3A_102] {strides = array<i32>} : memref<2x64xi32, #tpu.memory_space<vmem>>, vector<16xi32>,
          tpu.vector_store %arg15[%swap3A_101, %swap3A_102], %get3A_98 {strides = array<i32>} : memref<2x64xi32, #tpu.memory_space<vmem>>, vector<16xi32>,
          %add3A_104 = vector.broadcast %mul3A_0 : i32 to vector<16xi32>
          %add3A_105 = arith.addi %get3A_98, %add3A_104 : vector<16xi32>
          %mul3A_106 = arith.constant 16 : i32
          %mul3A_107 = arith.muli %scan3A_92, %mul3A_106 : i32
          %swap3A_108 = arith.constant 1 : i32
          %swap3A_109 = arith.index_cast %swap3A_108 : i32 to index
          %swap3A_110 = arith.index_cast %mul3A_107 : i32 to index
          %swap3A_111 = tpu.vector_load %arg14[%swap3A_109, %swap3A_110] {strides = array<i32>} : memref<2x64xi32, #tpu.memory_space<vmem>>, vector<16xi32>,
          tpu.vector_store %arg14[%swap3A_109, %swap3A_110], %add3A_105 {strides = array<i32>} : memref<2x64xi32, #tpu.memory_space<vmem>>, vector<16xi32>,
          %mul3A_112 = arith.constant 64 : i32
          %mul3A_113 = arith.muli %scan3A_67, %mul3A_112 : i32
          %mul3A_114 = arith.constant 16 : i32
          %mul3A_115 = arith.muli %scan3A_92, %mul3A_114 : i32
          %add3A_116 = arith.addi %mul3A_113, %mul3A_115 : i32
          %get3A_117 = arith.index_cast %add3A_116 : i32 to index
          %get3A_118 = tpu.vector_load %arg11[%get3A_117] {strides = array<i32>} : memref<1024xi32, #tpu.memory_space<vmem>>, vector<16xi32>,
          %mul3A_119 = arith.constant 16 : i32
          %mul3A_120 = arith.muli %scan3A_92, %mul3A_119 : i32
          %swap3A_121 = arith.constant 1 : i32
          %swap3A_122 = arith.index_cast %swap3A_121 : i32 to index
          %swap3A_123 = arith.index_cast %mul3A_120 : i32 to index
          %swap3A_124 = tpu.vector_load %arg13[%swap3A_122, %swap3A_123] {strides = array<i32>} : memref<2x64xi32, #tpu.memory_space<vmem>>, vector<16xi32>,
          tpu.vector_store %arg13[%swap3A_122, %swap3A_123], %get3A_118 {strides = array<i32>} : memref<2x64xi32, #tpu.memory_space<vmem>>, vector<16xi32>,
        }
        %scan3A_72 = arith.constant 4 : i32
        %dma_start3A = arith.constant 1 : i32
        %dma_start3A_73 = arith.constant 64 : i32
        %dma_start3A_74 = arith.constant 0 : i32
        %dma_start3A_75 = tpu.memref_slice %arg16[%dma_start3A_73, %dma_start3A_74] : memref<128x72xf32, #tpu.memory_space<vmem>> -> memref<64x72xf32, #tpu.memory_space<vmem>>
        %dma_start3A_76 = arith.constant 0 : i32
        %dma_start3A_77 = tpu.memref_slice %arg13[%dma_start3A, %dma_start3A_76] : memref<2x64xi32, #tpu.memory_space<vmem>> -> memref<1x64xi32, #tpu.memory_space<vmem>>
        %dma_start3A_78 = tpu.memref_squeeze %dma_start3A_77 : memref<1x64xi32, #tpu.memory_space<vmem>> -> memref<64xi32, #tpu.memory_space<vmem>>
        %dma_start3A_79 = arith.constant 0 : i32
        %dma_start3A_80 = arith.constant 0 : i32
        %dma_start3A_81 = tpu.memref_slice %arg4[%dma_start3A_79, %dma_start3A_80] : memref<50000x72xf32, #tpu.memory_space<hbm>> -> memref<50000x72xf32, #tpu.memory_space<hbm>>
        tpu.enqueue_indirect_dma source(%dma_start3A_81 : memref<50000x72xf32, #tpu.memory_space<hbm>>) target(%dma_start3A_75 : memref<64x72xf32, #tpu.memory_space<vmem>>) offsets(%dma_start3A_78 : memref<64xi32, #tpu.memory_space<vmem>>) semaphore(%arg19 : memref<!tpu.dma_semaphore, #tpu.memory_space<semaphore_mem>>)
        %dma_start3A_82 = arith.constant 1 : i32
        %dma_start3A_83 = arith.constant 64 : i32
        %dma_start3A_84 = arith.constant 0 : i32
        %dma_start3A_85 = tpu.memref_slice %arg17[%dma_start3A_83, %dma_start3A_84] : memref<128x16xf32, #tpu.memory_space<vmem>> -> memref<64x16xf32, #tpu.memory_space<vmem>>
        %dma_start3A_86 = arith.constant 0 : i32
        %dma_start3A_87 = tpu.memref_slice %arg14[%dma_start3A_82, %dma_start3A_86] : memref<2x64xi32, #tpu.memory_space<vmem>> -> memref<1x64xi32, #tpu.memory_space<vmem>>
        %dma_start3A_88 = tpu.memref_squeeze %dma_start3A_87 : memref<1x64xi32, #tpu.memory_space<vmem>> -> memref<64xi32, #tpu.memory_space<vmem>>
        %dma_start3A_89 = arith.constant 0 : i32
        %dma_start3A_90 = arith.constant 0 : i32
        %dma_start3A_91 = tpu.memref_slice %arg5[%dma_start3A_89, %dma_start3A_90] : memref<50000x16xf32, #tpu.memory_space<hbm>> -> memref<50000x16xf32, #tpu.memory_space<hbm>>
        tpu.enqueue_indirect_dma source(%dma_start3A_91 : memref<50000x16xf32, #tpu.memory_space<hbm>>) target(%dma_start3A_85 : memref<64x16xf32, #tpu.memory_space<vmem>>) offsets(%dma_start3A_88 : memref<64xi32, #tpu.memory_space<vmem>>) semaphore(%arg19 : memref<!tpu.dma_semaphore, #tpu.memory_space<semaphore_mem>>)
      } else {
      }
      %add3A_53 = arith.constant 1 : i32
      %add3A_54 = arith.addi %shift_right_arithmetic3A_43, %add3A_53 : i32
      %shift_right_arithmetic3A_55 = arith.constant 1 : i32
      %shift_right_arithmetic3A_56 = arith.shrsi %add3A_54, %shift_right_arithmetic3A_55 : i32
      %while3A = arith.constant 0 : i32
      %while3A_57 = arith.constant 0 : i32
      %while3A_58 = arith.subi %shift_right_arithmetic3A_56, %while3A_57 : i32
      %while3A_59 = arith.addi %while3A_57, %while3A_58 : i32
      %while3A_60 = arith.constant 1 : i32
      %while3A_61 = arith.divsi %while3A_58, %while3A_60 : i32
      %while3A_62 = arith.muli %while3A_61, %while3A_60 : i32
      %while3A_63 = arith.addi %while3A_57, %while3A_62 : i32
      %while3A_64 = arith.constant 1 : i32
      scf.for %while3A_66 = %while3A_57 to %while3A_63 step %while3A_64  : i32 {
        %mul3A_67 = arith.constant 2 : i32
        %mul3A_68 = arith.muli %mul3A_67, %while3A_66 : i32
        %lt3A = arith.cmpi slt, %mul3A_68, %shift_right_arithmetic3A_43 : i32
        %convert_element_type3A_69 = arith.extui %lt3A : i1 to i32
        %cond3A_70 = arith.constant 0 : i32
        %cond3A_71 = arith.cmpi ne, %convert_element_type3A_69, %cond3A_70 : i32
        scf.if %cond3A_71 {
          %dma_wait3A = arith.constant 0 : i32
          %dma_wait3A_78 = arith.constant 0 : i32
          %dma_wait3A_79 = arith.constant 0 : i32
          %dma_wait3A_80 = tpu.memref_slice %arg16[%dma_wait3A_78, %dma_wait3A_79] : memref<128x72xf32, #tpu.memory_space<vmem>> -> memref<64x72xf32, #tpu.memory_space<vmem>>
          %dma_wait3A_81 = arith.constant 0 : i32
          %dma_wait3A_82 = tpu.memref_slice %arg13[%dma_wait3A, %dma_wait3A_81] : memref<2x64xi32, #tpu.memory_space<vmem>> -> memref<1x64xi32, #tpu.memory_space<vmem>>
          %dma_wait3A_83 = tpu.memref_squeeze %dma_wait3A_82 : memref<1x64xi32, #tpu.memory_space<vmem>> -> memref<64xi32, #tpu.memory_space<vmem>>
          %dma_wait3A_84 = arith.constant 0 : i32
          %dma_wait3A_85 = arith.constant 0 : i32
          %dma_wait3A_86 = tpu.memref_slice %arg4[%dma_wait3A_84, %dma_wait3A_85] : memref<50000x72xf32, #tpu.memory_space<hbm>> -> memref<50000x72xf32, #tpu.memory_space<hbm>>
          tpu.wait_indirect_dma semaphore(%arg18 : memref<!tpu.dma_semaphore, #tpu.memory_space<semaphore_mem>>) src(%dma_wait3A_86 : memref<50000x72xf32, #tpu.memory_space<hbm>>) dst(%dma_wait3A_80 : memref<64x72xf32, #tpu.memory_space<vmem>>)
          %dma_wait3A_87 = arith.constant 0 : i32
          %dma_wait3A_88 = arith.constant 0 : i32
          %dma_wait3A_89 = arith.constant 0 : i32
          %dma_wait3A_90 = tpu.memref_slice %arg17[%dma_wait3A_88, %dma_wait3A_89] : memref<128x16xf32, #tpu.memory_space<vmem>> -> memref<64x16xf32, #tpu.memory_space<vmem>>
          %dma_wait3A_91 = arith.constant 0 : i32
          %dma_wait3A_92 = tpu.memref_slice %arg14[%dma_wait3A_87, %dma_wait3A_91] : memref<2x64xi32, #tpu.memory_space<vmem>> -> memref<1x64xi32, #tpu.memory_space<vmem>>
          %dma_wait3A_93 = tpu.memref_squeeze %dma_wait3A_92 : memref<1x64xi32, #tpu.memory_space<vmem>> -> memref<64xi32, #tpu.memory_space<vmem>>
          %dma_wait3A_94 = arith.constant 0 : i32
          %dma_wait3A_95 = arith.constant 0 : i32
          %dma_wait3A_96 = tpu.memref_slice %arg5[%dma_wait3A_94, %dma_wait3A_95] : memref<50000x16xf32, #tpu.memory_space<hbm>> -> memref<50000x16xf32, #tpu.memory_space<hbm>>
          tpu.wait_indirect_dma semaphore(%arg18 : memref<!tpu.dma_semaphore, #tpu.memory_space<semaphore_mem>>) src(%dma_wait3A_96 : memref<50000x16xf32, #tpu.memory_space<hbm>>) dst(%dma_wait3A_90 : memref<64x16xf32, #tpu.memory_space<vmem>>)
          %parallel_loop3A = arith.constant 0 : i32
          %parallel_loop3A_97 = arith.constant 32 : i32
          %parallel_loop3A_98 = arith.constant 1 : i32
          scf.for %parallel_loop3A_105 = %parallel_loop3A to %parallel_loop3A_97 step %parallel_loop3A_98  : i32 {
            %parallel_loop3A_106 = arith.constant 2 : i32
            %parallel_loop3A_107 = arith.muli %parallel_loop3A_106, %parallel_loop3A_105 : i32
            %parallel_loop3A_108 = arith.constant 0 : i32
            %parallel_loop3A_109 = arith.addi %parallel_loop3A_108, %parallel_loop3A_107 : i32
            %parallel_loop3A_110 = vector.broadcast %parallel_loop3A_109 : i32 to vector<16xi32>
            %parallel_loop3A_111 = arith.addi %parallel_loop3A_110, %shift_right_arithmetic3A_4 : vector<16xi32>
            %parallel_loop3A_112 = arith.constant 64 : i32
            %parallel_loop3A_113 = vector.broadcast %parallel_loop3A_112 : i32 to vector<16xi32>
            %parallel_loop3A_114 = arith.addi %parallel_loop3A_113, %and3A_2 : vector<16xi32>
            %parallel_loop3A_115 = tpu.vector_load_idx %arg16[%parallel_loop3A_111, %parallel_loop3A_114] : memref<128x72xf32, #tpu.memory_space<vmem>>[vector<16xi32>, vector<16xi32>], vector<16xf32>,
            %parallel_loop3A_116 = arith.constant 8 : i32
            %parallel_loop3A_117 = vector.broadcast %parallel_loop3A_116 : i32 to vector<16xi32>
            %parallel_loop3A_118 = arith.addi %and3A_2, %parallel_loop3A_117 : vector<16xi32>
            %parallel_loop3A_119 = tpu.vector_load_idx %arg17[%parallel_loop3A_111, %parallel_loop3A_118] : memref<128x16xf32, #tpu.memory_space<vmem>>[vector<16xi32>, vector<16xi32>], vector<16xf32>,
            %parallel_loop3A_120 = arith.addf %parallel_loop3A_115, %parallel_loop3A_119 : vector<16xf32>
            %parallel_loop3A_121 = arith.constant 0.000000e+00 : f32
            %parallel_loop3A_122 = vector.broadcast %parallel_loop3A_121 : f32 to vector<16xf32>
            %parallel_loop3A_123 = arith.cmpf oge, %parallel_loop3A_120, %parallel_loop3A_122 : vector<16xf32>
            %parallel_loop3A_124 = arith.constant 2.000000e-01 : f32
            %parallel_loop3A_125 = vector.broadcast %parallel_loop3A_124 : f32 to vector<16xf32>
            %parallel_loop3A_126 = arith.mulf %parallel_loop3A_125, %parallel_loop3A_120 : vector<16xf32>
            %parallel_loop3A_127 = arith.select %parallel_loop3A_123, %parallel_loop3A_120, %parallel_loop3A_126 : vector<16xi1>, vector<16xf32>
            %parallel_loop3A_128 = math.exp %parallel_loop3A_127 : vector<16xf32>
            %parallel_loop3A_129 = arith.constant 64 : i32
            %parallel_loop3A_130 = vector.broadcast %parallel_loop3A_129 : i32 to vector<16xi32>
            %parallel_loop3A_131 = arith.addi %parallel_loop3A_130, %and3A_2 : vector<16xi32>
            tpu.vector_store_idx %arg16[%parallel_loop3A_111, %parallel_loop3A_131], %parallel_loop3A_128 : memref<128x72xf32, #tpu.memory_space<vmem>>[vector<16xi32>, vector<16xi32>], vector<16xf32>,
            %parallel_loop3A_132 = arith.constant 0 : i32
            %parallel_loop3A_133 = vector.broadcast %parallel_loop3A_132 : i32 to vector<16xi32>
            %parallel_loop3A_134 = arith.addi %parallel_loop3A_133, %shift_right_arithmetic3A_4 : vector<16xi32>
            %parallel_loop3A_135 = arith.constant 0 : i32
            %parallel_loop3A_136 = vector.broadcast %parallel_loop3A_135 : i32 to vector<16xi32>
            %parallel_loop3A_137 = arith.cmpi slt, %parallel_loop3A_134, %parallel_loop3A_136 : vector<16xi32>
            %parallel_loop3A_138 = arith.constant 16 : i32
            %parallel_loop3A_139 = vector.broadcast %parallel_loop3A_138 : i32 to vector<16xi32>
            %parallel_loop3A_140 = arith.addi %parallel_loop3A_134, %parallel_loop3A_139 : vector<16xi32>
            %parallel_loop3A_141 = arith.select %parallel_loop3A_137, %parallel_loop3A_140, %parallel_loop3A_134 : vector<16xi1>, vector<16xi32>
            %parallel_loop3A_142 = vector.shape_cast %parallel_loop3A_141 : vector<16xi32> to vector<16x1xi32>
            %parallel_loop3A_143 = vector.shape_cast %parallel_loop3A_142 : vector<16x1xi32> to vector<16xi32>
            %parallel_loop3A_144 = tpu.dynamic_gather %parallel_loop3A_128[%parallel_loop3A_143] in [0] : vector<16xf32>, vector<16xi32> -> vector<16xf32>
            %parallel_loop3A_145 = arith.constant 8 : i32
            %parallel_loop3A_146 = vector.broadcast %parallel_loop3A_145 : i32 to vector<16xi32>
            %parallel_loop3A_147 = arith.addi %parallel_loop3A_146, %shift_right_arithmetic3A_4 : vector<16xi32>
            %parallel_loop3A_148 = arith.constant 0 : i32
            %parallel_loop3A_149 = vector.broadcast %parallel_loop3A_148 : i32 to vector<16xi32>
            %parallel_loop3A_150 = arith.cmpi slt, %parallel_loop3A_147, %parallel_loop3A_149 : vector<16xi32>
            %parallel_loop3A_151 = arith.constant 16 : i32
            %parallel_loop3A_152 = vector.broadcast %parallel_loop3A_151 : i32 to vector<16xi32>
            %parallel_loop3A_153 = arith.addi %parallel_loop3A_147, %parallel_loop3A_152 : vector<16xi32>
            %parallel_loop3A_154 = arith.select %parallel_loop3A_150, %parallel_loop3A_153, %parallel_loop3A_147 : vector<16xi1>, vector<16xi32>
            %parallel_loop3A_155 = vector.shape_cast %parallel_loop3A_154 : vector<16xi32> to vector<16x1xi32>
            %parallel_loop3A_156 = vector.shape_cast %parallel_loop3A_155 : vector<16x1xi32> to vector<16xi32>
            %parallel_loop3A_157 = tpu.dynamic_gather %parallel_loop3A_128[%parallel_loop3A_156] in [0] : vector<16xf32>, vector<16xi32> -> vector<16xf32>
            %parallel_loop3A_158 = arith.index_cast %parallel_loop3A_109 : i32 to index
            %parallel_loop3A_159 = arith.constant 0 : index
            %parallel_loop3A_160 = tpu.vector_load %arg16[%parallel_loop3A_158, %parallel_loop3A_159] {strides = array<i32>} : memref<128x72xf32, #tpu.memory_space<vmem>>, vector<16xf32>,
            %parallel_loop3A_161 = arith.constant 1 : i32
            %parallel_loop3A_162 = arith.addi %parallel_loop3A_109, %parallel_loop3A_161 : i32
            %parallel_loop3A_163 = arith.index_cast %parallel_loop3A_162 : i32 to index
            %parallel_loop3A_164 = arith.constant 0 : index
            %parallel_loop3A_165 = tpu.vector_load %arg16[%parallel_loop3A_163, %parallel_loop3A_164] {strides = array<i32>} : memref<128x72xf32, #tpu.memory_space<vmem>>, vector<16xf32>,
            %parallel_loop3A_166 = arith.mulf %parallel_loop3A_160, %parallel_loop3A_144 : vector<16xf32>
            %parallel_loop3A_167 = arith.index_cast %parallel_loop3A_109 : i32 to index
            %parallel_loop3A_168 = arith.constant 0 : index
            %parallel_loop3A_169 = tpu.vector_load %arg16[%parallel_loop3A_167, %parallel_loop3A_168] {strides = array<i32>} : memref<128x72xf32, #tpu.memory_space<vmem>>, vector<16xf32>,
            tpu.vector_store %arg16[%parallel_loop3A_167, %parallel_loop3A_168], %parallel_loop3A_166 {strides = array<i32>} : memref<128x72xf32, #tpu.memory_space<vmem>>, vector<16xf32>,
            %parallel_loop3A_170 = arith.mulf %parallel_loop3A_165, %parallel_loop3A_157 : vector<16xf32>
            %parallel_loop3A_171 = arith.constant 1 : i32
            %parallel_loop3A_172 = arith.addi %parallel_loop3A_109, %parallel_loop3A_171 : i32
            %parallel_loop3A_173 = arith.index_cast %parallel_loop3A_172 : i32 to index
            %parallel_loop3A_174 = arith.constant 0 : index
            %parallel_loop3A_175 = tpu.vector_load %arg16[%parallel_loop3A_173, %parallel_loop3A_174] {strides = array<i32>} : memref<128x72xf32, #tpu.memory_space<vmem>>, vector<16xf32>,
            tpu.vector_store %arg16[%parallel_loop3A_173, %parallel_loop3A_174], %parallel_loop3A_170 {strides = array<i32>} : memref<128x72xf32, #tpu.memory_space<vmem>>, vector<16xf32>,
            %parallel_loop3A_176 = arith.constant 2 : i32
            %parallel_loop3A_177 = vector.broadcast %parallel_loop3A_176 : i32 to vector<16xi32>
            %parallel_loop3A_178 = arith.addi %parallel_loop3A_177, %shift_right_arithmetic3A_4 : vector<16xi32>
            %parallel_loop3A_179 = arith.constant 0 : i32
            %parallel_loop3A_180 = vector.broadcast %parallel_loop3A_179 : i32 to vector<16xi32>
            %parallel_loop3A_181 = arith.cmpi slt, %parallel_loop3A_178, %parallel_loop3A_180 : vector<16xi32>
            %parallel_loop3A_182 = arith.constant 16 : i32
            %parallel_loop3A_183 = vector.broadcast %parallel_loop3A_182 : i32 to vector<16xi32>
            %parallel_loop3A_184 = arith.addi %parallel_loop3A_178, %parallel_loop3A_183 : vector<16xi32>
            %parallel_loop3A_185 = arith.select %parallel_loop3A_181, %parallel_loop3A_184, %parallel_loop3A_178 : vector<16xi1>, vector<16xi32>
            %parallel_loop3A_186 = vector.shape_cast %parallel_loop3A_185 : vector<16xi32> to vector<16x1xi32>
            %parallel_loop3A_187 = vector.shape_cast %parallel_loop3A_186 : vector<16x1xi32> to vector<16xi32>
            %parallel_loop3A_188 = tpu.dynamic_gather %parallel_loop3A_128[%parallel_loop3A_187] in [0] : vector<16xf32>, vector<16xi32> -> vector<16xf32>
            %parallel_loop3A_189 = arith.constant 10 : i32
            %parallel_loop3A_190 = vector.broadcast %parallel_loop3A_189 : i32 to vector<16xi32>
            %parallel_loop3A_191 = arith.addi %parallel_loop3A_190, %shift_right_arithmetic3A_4 : vector<16xi32>
            %parallel_loop3A_192 = arith.constant 0 : i32
            %parallel_loop3A_193 = vector.broadcast %parallel_loop3A_192 : i32 to vector<16xi32>
            %parallel_loop3A_194 = arith.cmpi slt, %parallel_loop3A_191, %parallel_loop3A_193 : vector<16xi32>
            %parallel_loop3A_195 = arith.constant 16 : i32
            %parallel_loop3A_196 = vector.broadcast %parallel_loop3A_195 : i32 to vector<16xi32>
            %parallel_loop3A_197 = arith.addi %parallel_loop3A_191, %parallel_loop3A_196 : vector<16xi32>
            %parallel_loop3A_198 = arith.select %parallel_loop3A_194, %parallel_loop3A_197, %parallel_loop3A_191 : vector<16xi1>, vector<16xi32>
            %parallel_loop3A_199 = vector.shape_cast %parallel_loop3A_198 : vector<16xi32> to vector<16x1xi32>
            %parallel_loop3A_200 = vector.shape_cast %parallel_loop3A_199 : vector<16x1xi32> to vector<16xi32>
            %parallel_loop3A_201 = tpu.dynamic_gather %parallel_loop3A_128[%parallel_loop3A_200] in [0] : vector<16xf32>, vector<16xi32> -> vector<16xf32>
            %parallel_loop3A_202 = arith.index_cast %parallel_loop3A_109 : i32 to index
            %parallel_loop3A_203 = arith.constant 16 : index
            %parallel_loop3A_204 = tpu.vector_load %arg16[%parallel_loop3A_202, %parallel_loop3A_203] {strides = array<i32>} : memref<128x72xf32, #tpu.memory_space<vmem>>, vector<16xf32>,
            %parallel_loop3A_205 = arith.constant 1 : i32
            %parallel_loop3A_206 = arith.addi %parallel_loop3A_109, %parallel_loop3A_205 : i32
            %parallel_loop3A_207 = arith.index_cast %parallel_loop3A_206 : i32 to index
            %parallel_loop3A_208 = arith.constant 16 : index
            %parallel_loop3A_209 = tpu.vector_load %arg16[%parallel_loop3A_207, %parallel_loop3A_208] {strides = array<i32>} : memref<128x72xf32, #tpu.memory_space<vmem>>, vector<16xf32>,
            %parallel_loop3A_210 = arith.mulf %parallel_loop3A_204, %parallel_loop3A_188 : vector<16xf32>
            %parallel_loop3A_211 = arith.index_cast %parallel_loop3A_109 : i32 to index
            %parallel_loop3A_212 = arith.constant 16 : index
            %parallel_loop3A_213 = tpu.vector_load %arg16[%parallel_loop3A_211, %parallel_loop3A_212] {strides = array<i32>} : memref<128x72xf32, #tpu.memory_space<vmem>>, vector<16xf32>,
            tpu.vector_store %arg16[%parallel_loop3A_211, %parallel_loop3A_212], %parallel_loop3A_210 {strides = array<i32>} : memref<128x72xf32, #tpu.memory_space<vmem>>, vector<16xf32>,
            %parallel_loop3A_214 = arith.mulf %parallel_loop3A_209, %parallel_loop3A_201 : vector<16xf32>
            %parallel_loop3A_215 = arith.constant 1 : i32
            %parallel_loop3A_216 = arith.addi %parallel_loop3A_109, %parallel_loop3A_215 : i32
            %parallel_loop3A_217 = arith.index_cast %parallel_loop3A_216 : i32 to index
            %parallel_loop3A_218 = arith.constant 16 : index
            %parallel_loop3A_219 = tpu.vector_load %arg16[%parallel_loop3A_217, %parallel_loop3A_218] {strides = array<i32>} : memref<128x72xf32, #tpu.memory_space<vmem>>, vector<16xf32>,
            tpu.vector_store %arg16[%parallel_loop3A_217, %parallel_loop3A_218], %parallel_loop3A_214 {strides = array<i32>} : memref<128x72xf32, #tpu.memory_space<vmem>>, vector<16xf32>,
            %parallel_loop3A_220 = arith.constant 4 : i32
            %parallel_loop3A_221 = vector.broadcast %parallel_loop3A_220 : i32 to vector<16xi32>
            %parallel_loop3A_222 = arith.addi %parallel_loop3A_221, %shift_right_arithmetic3A_4 : vector<16xi32>
            %parallel_loop3A_223 = arith.constant 0 : i32
            %parallel_loop3A_224 = vector.broadcast %parallel_loop3A_223 : i32 to vector<16xi32>
            %parallel_loop3A_225 = arith.cmpi slt, %parallel_loop3A_222, %parallel_loop3A_224 : vector<16xi32>
            %parallel_loop3A_226 = arith.constant 16 : i32
            %parallel_loop3A_227 = vector.broadcast %parallel_loop3A_226 : i32 to vector<16xi32>
            %parallel_loop3A_228 = arith.addi %parallel_loop3A_222, %parallel_loop3A_227 : vector<16xi32>
            %parallel_loop3A_229 = arith.select %parallel_loop3A_225, %parallel_loop3A_228, %parallel_loop3A_222 : vector<16xi1>, vector<16xi32>
            %parallel_loop3A_230 = vector.shape_cast %parallel_loop3A_229 : vector<16xi32> to vector<16x1xi32>
            %parallel_loop3A_231 = vector.shape_cast %parallel_loop3A_230 : vector<16x1xi32> to vector<16xi32>
            %parallel_loop3A_232 = tpu.dynamic_gather %parallel_loop3A_128[%parallel_loop3A_231] in [0] : vector<16xf32>, vector<16xi32> -> vector<16xf32>
            %parallel_loop3A_233 = arith.constant 12 : i32
            %parallel_loop3A_234 = vector.broadcast %parallel_loop3A_233 : i32 to vector<16xi32>
            %parallel_loop3A_235 = arith.addi %parallel_loop3A_234, %shift_right_arithmetic3A_4 : vector<16xi32>
            %parallel_loop3A_236 = arith.constant 0 : i32
            %parallel_loop3A_237 = vector.broadcast %parallel_loop3A_236 : i32 to vector<16xi32>
            %parallel_loop3A_238 = arith.cmpi slt, %parallel_loop3A_235, %parallel_loop3A_237 : vector<16xi32>
            %parallel_loop3A_239 = arith.constant 16 : i32
            %parallel_loop3A_240 = vector.broadcast %parallel_loop3A_239 : i32 to vector<16xi32>
            %parallel_loop3A_241 = arith.addi %parallel_loop3A_235, %parallel_loop3A_240 : vector<16xi32>
            %parallel_loop3A_242 = arith.select %parallel_loop3A_238, %parallel_loop3A_241, %parallel_loop3A_235 : vector<16xi1>, vector<16xi32>
            %parallel_loop3A_243 = vector.shape_cast %parallel_loop3A_242 : vector<16xi32> to vector<16x1xi32>
            %parallel_loop3A_244 = vector.shape_cast %parallel_loop3A_243 : vector<16x1xi32> to vector<16xi32>
            %parallel_loop3A_245 = tpu.dynamic_gather %parallel_loop3A_128[%parallel_loop3A_244] in [0] : vector<16xf32>, vector<16xi32> -> vector<16xf32>
            %parallel_loop3A_246 = arith.index_cast %parallel_loop3A_109 : i32 to index
            %parallel_loop3A_247 = arith.constant 32 : index
            %parallel_loop3A_248 = tpu.vector_load %arg16[%parallel_loop3A_246, %parallel_loop3A_247] {strides = array<i32>} : memref<128x72xf32, #tpu.memory_space<vmem>>, vector<16xf32>,
            %parallel_loop3A_249 = arith.constant 1 : i32
            %parallel_loop3A_250 = arith.addi %parallel_loop3A_109, %parallel_loop3A_249 : i32
            %parallel_loop3A_251 = arith.index_cast %parallel_loop3A_250 : i32 to index
            %parallel_loop3A_252 = arith.constant 32 : index
            %parallel_loop3A_253 = tpu.vector_load %arg16[%parallel_loop3A_251, %parallel_loop3A_252] {strides = array<i32>} : memref<128x72xf32, #tpu.memory_space<vmem>>, vector<16xf32>,
            %parallel_loop3A_254 = arith.mulf %parallel_loop3A_248, %parallel_loop3A_232 : vector<16xf32>
            %parallel_loop3A_255 = arith.index_cast %parallel_loop3A_109 : i32 to index
            %parallel_loop3A_256 = arith.constant 32 : index
            %parallel_loop3A_257 = tpu.vector_load %arg16[%parallel_loop3A_255, %parallel_loop3A_256] {strides = array<i32>} : memref<128x72xf32, #tpu.memory_space<vmem>>, vector<16xf32>,
            tpu.vector_store %arg16[%parallel_loop3A_255, %parallel_loop3A_256], %parallel_loop3A_254 {strides = array<i32>} : memref<128x72xf32, #tpu.memory_space<vmem>>, vector<16xf32>,
            %parallel_loop3A_258 = arith.mulf %parallel_loop3A_253, %parallel_loop3A_245 : vector<16xf32>
            %parallel_loop3A_259 = arith.constant 1 : i32
            %parallel_loop3A_260 = arith.addi %parallel_loop3A_109, %parallel_loop3A_259 : i32
            %parallel_loop3A_261 = arith.index_cast %parallel_loop3A_260 : i32 to index
            %parallel_loop3A_262 = arith.constant 32 : index
            %parallel_loop3A_263 = tpu.vector_load %arg16[%parallel_loop3A_261, %parallel_loop3A_262] {strides = array<i32>} : memref<128x72xf32, #tpu.memory_space<vmem>>, vector<16xf32>,
            tpu.vector_store %arg16[%parallel_loop3A_261, %parallel_loop3A_262], %parallel_loop3A_258 {strides = array<i32>} : memref<128x72xf32, #tpu.memory_space<vmem>>, vector<16xf32>,
            %parallel_loop3A_264 = arith.constant 6 : i32
            %parallel_loop3A_265 = vector.broadcast %parallel_loop3A_264 : i32 to vector<16xi32>
            %parallel_loop3A_266 = arith.addi %parallel_loop3A_265, %shift_right_arithmetic3A_4 : vector<16xi32>
            %parallel_loop3A_267 = arith.constant 0 : i32
            %parallel_loop3A_268 = vector.broadcast %parallel_loop3A_267 : i32 to vector<16xi32>
            %parallel_loop3A_269 = arith.cmpi slt, %parallel_loop3A_266, %parallel_loop3A_268 : vector<16xi32>
            %parallel_loop3A_270 = arith.constant 16 : i32
            %parallel_loop3A_271 = vector.broadcast %parallel_loop3A_270 : i32 to vector<16xi32>
            %parallel_loop3A_272 = arith.addi %parallel_loop3A_266, %parallel_loop3A_271 : vector<16xi32>
            %parallel_loop3A_273 = arith.select %parallel_loop3A_269, %parallel_loop3A_272, %parallel_loop3A_266 : vector<16xi1>, vector<16xi32>
            %parallel_loop3A_274 = vector.shape_cast %parallel_loop3A_273 : vector<16xi32> to vector<16x1xi32>
            %parallel_loop3A_275 = vector.shape_cast %parallel_loop3A_274 : vector<16x1xi32> to vector<16xi32>
            %parallel_loop3A_276 = tpu.dynamic_gather %parallel_loop3A_128[%parallel_loop3A_275] in [0] : vector<16xf32>, vector<16xi32> -> vector<16xf32>
            %parallel_loop3A_277 = arith.constant 14 : i32
            %parallel_loop3A_278 = vector.broadcast %parallel_loop3A_277 : i32 to vector<16xi32>
            %parallel_loop3A_279 = arith.addi %parallel_loop3A_278, %shift_right_arithmetic3A_4 : vector<16xi32>
            %parallel_loop3A_280 = arith.constant 0 : i32
            %parallel_loop3A_281 = vector.broadcast %parallel_loop3A_280 : i32 to vector<16xi32>
            %parallel_loop3A_282 = arith.cmpi slt, %parallel_loop3A_279, %parallel_loop3A_281 : vector<16xi32>
            %parallel_loop3A_283 = arith.constant 16 : i32
            %parallel_loop3A_284 = vector.broadcast %parallel_loop3A_283 : i32 to vector<16xi32>
            %parallel_loop3A_285 = arith.addi %parallel_loop3A_279, %parallel_loop3A_284 : vector<16xi32>
            %parallel_loop3A_286 = arith.select %parallel_loop3A_282, %parallel_loop3A_285, %parallel_loop3A_279 : vector<16xi1>, vector<16xi32>
            %parallel_loop3A_287 = vector.shape_cast %parallel_loop3A_286 : vector<16xi32> to vector<16x1xi32>
            %parallel_loop3A_288 = vector.shape_cast %parallel_loop3A_287 : vector<16x1xi32> to vector<16xi32>
            %parallel_loop3A_289 = tpu.dynamic_gather %parallel_loop3A_128[%parallel_loop3A_288] in [0] : vector<16xf32>, vector<16xi32> -> vector<16xf32>
            %parallel_loop3A_290 = arith.index_cast %parallel_loop3A_109 : i32 to index
            %parallel_loop3A_291 = arith.constant 48 : index
            %parallel_loop3A_292 = tpu.vector_load %arg16[%parallel_loop3A_290, %parallel_loop3A_291] {strides = array<i32>} : memref<128x72xf32, #tpu.memory_space<vmem>>, vector<16xf32>,
            %parallel_loop3A_293 = arith.constant 1 : i32
            %parallel_loop3A_294 = arith.addi %parallel_loop3A_109, %parallel_loop3A_293 : i32
            %parallel_loop3A_295 = arith.index_cast %parallel_loop3A_294 : i32 to index
            %parallel_loop3A_296 = arith.constant 48 : index
            %parallel_loop3A_297 = tpu.vector_load %arg16[%parallel_loop3A_295, %parallel_loop3A_296] {strides = array<i32>} : memref<128x72xf32, #tpu.memory_space<vmem>>, vector<16xf32>,
            %parallel_loop3A_298 = arith.mulf %parallel_loop3A_292, %parallel_loop3A_276 : vector<16xf32>
            %parallel_loop3A_299 = arith.index_cast %parallel_loop3A_109 : i32 to index
            %parallel_loop3A_300 = arith.constant 48 : index
            %parallel_loop3A_301 = tpu.vector_load %arg16[%parallel_loop3A_299, %parallel_loop3A_300] {strides = array<i32>} : memref<128x72xf32, #tpu.memory_space<vmem>>, vector<16xf32>,
            tpu.vector_store %arg16[%parallel_loop3A_299, %parallel_loop3A_300], %parallel_loop3A_298 {strides = array<i32>} : memref<128x72xf32, #tpu.memory_space<vmem>>, vector<16xf32>,
            %parallel_loop3A_302 = arith.mulf %parallel_loop3A_297, %parallel_loop3A_289 : vector<16xf32>
            %parallel_loop3A_303 = arith.constant 1 : i32
            %parallel_loop3A_304 = arith.addi %parallel_loop3A_109, %parallel_loop3A_303 : i32
            %parallel_loop3A_305 = arith.index_cast %parallel_loop3A_304 : i32 to index
            %parallel_loop3A_306 = arith.constant 48 : index
            %parallel_loop3A_307 = tpu.vector_load %arg16[%parallel_loop3A_305, %parallel_loop3A_306] {strides = array<i32>} : memref<128x72xf32, #tpu.memory_space<vmem>>, vector<16xf32>,
            tpu.vector_store %arg16[%parallel_loop3A_305, %parallel_loop3A_306], %parallel_loop3A_302 {strides = array<i32>} : memref<128x72xf32, #tpu.memory_space<vmem>>, vector<16xf32>,
          } {sc.loop_unroll_factor = 4 : i64, sc.parallel_access}
          %run_scoped3A = arith.constant 0 : i32
          "tpu.region"() ({
            %run_scoped3A_105 = tpu.sem_alloc : memref<!tpu.dma_semaphore, #tpu.memory_space<semaphore_mem>>
            %dma_start3A = arith.constant 0 : i32
            %dma_start3A_106 = arith.constant 0 : i32
            %dma_start3A_107 = tpu.memref_slice %arg16[%dma_start3A, %dma_start3A_106] : memref<128x72xf32, #tpu.memory_space<vmem>> -> memref<64x72xf32, #tpu.memory_space<vmem>>
            %dma_start3A_108 = arith.constant 0 : i32
            %dma_start3A_109 = tpu.memref_slice %arg15[%run_scoped3A, %dma_start3A_108] : memref<2x64xi32, #tpu.memory_space<vmem>> -> memref<1x64xi32, #tpu.memory_space<vmem>>
            %dma_start3A_110 = tpu.memref_squeeze %dma_start3A_109 : memref<1x64xi32, #tpu.memory_space<vmem>> -> memref<64xi32, #tpu.memory_space<vmem>>
            %dma_start3A_111 = arith.constant 0 : i32
            %dma_start3A_112 = arith.constant 0 : i32
            %dma_start3A_113 = tpu.memref_slice %arg8[%dma_start3A_111, %dma_start3A_112] : memref<25096x72xf32, #tpu.memory_space<vmem_shared>> -> memref<25096x72xf32, #tpu.memory_space<vmem_shared>>
            tpu.enqueue_indirect_dma source(%dma_start3A_107 : memref<64x72xf32, #tpu.memory_space<vmem>>) target(%dma_start3A_113 : memref<25096x72xf32, #tpu.memory_space<vmem_shared>>) offsets(%dma_start3A_110 : memref<64xi32, #tpu.memory_space<vmem>>) semaphore(%run_scoped3A_105 : memref<!tpu.dma_semaphore, #tpu.memory_space<semaphore_mem>>) {add = true}
            %dma_wait3A_114 = arith.constant 0 : i32
            %dma_wait3A_115 = arith.constant 0 : i32
            %dma_wait3A_116 = tpu.memref_slice %arg16[%dma_wait3A_114, %dma_wait3A_115] : memref<128x72xf32, #tpu.memory_space<vmem>> -> memref<64x72xf32, #tpu.memory_space<vmem>>
            %dma_wait3A_117 = arith.constant 0 : i32
            %dma_wait3A_118 = tpu.memref_slice %arg15[%run_scoped3A, %dma_wait3A_117] : memref<2x64xi32, #tpu.memory_space<vmem>> -> memref<1x64xi32, #tpu.memory_space<vmem>>
            %dma_wait3A_119 = tpu.memref_squeeze %dma_wait3A_118 : memref<1x64xi32, #tpu.memory_space<vmem>> -> memref<64xi32, #tpu.memory_space<vmem>>
            %dma_wait3A_120 = arith.constant 0 : i32
            %dma_wait3A_121 = arith.constant 0 : i32
            %dma_wait3A_122 = tpu.memref_slice %arg8[%dma_wait3A_120, %dma_wait3A_121] : memref<25096x72xf32, #tpu.memory_space<vmem_shared>> -> memref<25096x72xf32, #tpu.memory_space<vmem_shared>>
            tpu.wait_indirect_dma semaphore(%run_scoped3A_105 : memref<!tpu.dma_semaphore, #tpu.memory_space<semaphore_mem>>) src(%dma_wait3A_116 : memref<64x72xf32, #tpu.memory_space<vmem>>) dst(%dma_wait3A_122 : memref<25096x72xf32, #tpu.memory_space<vmem_shared>>)
            tpu.yield
          }) : () -> ()
          %add3A_99 = arith.constant 2 : i32
          %add3A_100 = arith.addi %mul3A_68, %add3A_99 : i32
          %lt3A_101 = arith.cmpi slt, %add3A_100, %shift_right_arithmetic3A_43 : i32
          %convert_element_type3A_102 = arith.extui %lt3A_101 : i1 to i32
          %cond3A_103 = arith.constant 0 : i32
          %cond3A_104 = arith.cmpi ne, %convert_element_type3A_102, %cond3A_103 : i32
          scf.if %cond3A_104 {
            %add3A_105 = arith.constant 2 : i32
            %add3A_106 = arith.addi %mul3A_68, %add3A_105 : i32
            %scan3A_107 = arith.constant 0 : i32
            %scan3A_108 = arith.constant 0 : i32
            %scan3A_109 = arith.constant 4 : i32
            %scan3A_110 = arith.addi %scan3A_108, %scan3A_109 : i32
            %scan3A_111 = arith.constant 1 : i32
            scf.for %scan3A_132 = %scan3A_108 to %scan3A_110 step %scan3A_111  : i32 {
              %mul3A_133 = arith.constant 64 : i32
              %mul3A_134 = arith.muli %add3A_106, %mul3A_133 : i32
              %mul3A_135 = arith.constant 16 : i32
              %mul3A_136 = arith.muli %scan3A_132, %mul3A_135 : i32
              %add3A_137 = arith.addi %mul3A_134, %mul3A_136 : i32
              %get3A = arith.index_cast %add3A_137 : i32 to index
              %get3A_138 = tpu.vector_load %arg12[%get3A] {strides = array<i32>} : memref<1024xi32, #tpu.memory_space<vmem>>, vector<16xi32>,
              %mul3A_139 = arith.constant 16 : i32
              %mul3A_140 = arith.muli %scan3A_132, %mul3A_139 : i32
              %swap3A = arith.constant 0 : i32
              %swap3A_141 = arith.index_cast %swap3A : i32 to index
              %swap3A_142 = arith.index_cast %mul3A_140 : i32 to index
              %swap3A_143 = tpu.vector_load %arg15[%swap3A_141, %swap3A_142] {strides = array<i32>} : memref<2x64xi32, #tpu.memory_space<vmem>>, vector<16xi32>,
              tpu.vector_store %arg15[%swap3A_141, %swap3A_142], %get3A_138 {strides = array<i32>} : memref<2x64xi32, #tpu.memory_space<vmem>>, vector<16xi32>,
              %add3A_144 = vector.broadcast %mul3A_0 : i32 to vector<16xi32>
              %add3A_145 = arith.addi %get3A_138, %add3A_144 : vector<16xi32>
              %mul3A_146 = arith.constant 16 : i32
              %mul3A_147 = arith.muli %scan3A_132, %mul3A_146 : i32
              %swap3A_148 = arith.constant 0 : i32
              %swap3A_149 = arith.index_cast %swap3A_148 : i32 to index
              %swap3A_150 = arith.index_cast %mul3A_147 : i32 to index
              %swap3A_151 = tpu.vector_load %arg14[%swap3A_149, %swap3A_150] {strides = array<i32>} : memref<2x64xi32, #tpu.memory_space<vmem>>, vector<16xi32>,
              tpu.vector_store %arg14[%swap3A_149, %swap3A_150], %add3A_145 {strides = array<i32>} : memref<2x64xi32, #tpu.memory_space<vmem>>, vector<16xi32>,
              %mul3A_152 = arith.constant 64 : i32
              %mul3A_153 = arith.muli %add3A_106, %mul3A_152 : i32
              %mul3A_154 = arith.constant 16 : i32
              %mul3A_155 = arith.muli %scan3A_132, %mul3A_154 : i32
              %add3A_156 = arith.addi %mul3A_153, %mul3A_155 : i32
              %get3A_157 = arith.index_cast %add3A_156 : i32 to index
              %get3A_158 = tpu.vector_load %arg11[%get3A_157] {strides = array<i32>} : memref<1024xi32, #tpu.memory_space<vmem>>, vector<16xi32>,
              %mul3A_159 = arith.constant 16 : i32
              %mul3A_160 = arith.muli %scan3A_132, %mul3A_159 : i32
              %swap3A_161 = arith.constant 0 : i32
              %swap3A_162 = arith.index_cast %swap3A_161 : i32 to index
              %swap3A_163 = arith.index_cast %mul3A_160 : i32 to index
              %swap3A_164 = tpu.vector_load %arg13[%swap3A_162, %swap3A_163] {strides = array<i32>} : memref<2x64xi32, #tpu.memory_space<vmem>>, vector<16xi32>,
              tpu.vector_store %arg13[%swap3A_162, %swap3A_163], %get3A_158 {strides = array<i32>} : memref<2x64xi32, #tpu.memory_space<vmem>>, vector<16xi32>,
            }
            %scan3A_112 = arith.constant 4 : i32
            %dma_start3A = arith.constant 0 : i32
            %dma_start3A_113 = arith.constant 0 : i32
            %dma_start3A_114 = arith.constant 0 : i32
            %dma_start3A_115 = tpu.memref_slice %arg16[%dma_start3A_113, %dma_start3A_114] : memref<128x72xf32, #tpu.memory_space<vmem>> -> memref<64x72xf32, #tpu.memory_space<vmem>>
            %dma_start3A_116 = arith.constant 0 : i32
            %dma_start3A_117 = tpu.memref_slice %arg13[%dma_start3A, %dma_start3A_116] : memref<2x64xi32, #tpu.memory_space<vmem>> -> memref<1x64xi32, #tpu.memory_space<vmem>>
            %dma_start3A_118 = tpu.memref_squeeze %dma_start3A_117 : memref<1x64xi32, #tpu.memory_space<vmem>> -> memref<64xi32, #tpu.memory_space<vmem>>
            %dma_start3A_119 = arith.constant 0 : i32
            %dma_start3A_120 = arith.constant 0 : i32
            %dma_start3A_121 = tpu.memref_slice %arg4[%dma_start3A_119, %dma_start3A_120] : memref<50000x72xf32, #tpu.memory_space<hbm>> -> memref<50000x72xf32, #tpu.memory_space<hbm>>
            tpu.enqueue_indirect_dma source(%dma_start3A_121 : memref<50000x72xf32, #tpu.memory_space<hbm>>) target(%dma_start3A_115 : memref<64x72xf32, #tpu.memory_space<vmem>>) offsets(%dma_start3A_118 : memref<64xi32, #tpu.memory_space<vmem>>) semaphore(%arg18 : memref<!tpu.dma_semaphore, #tpu.memory_space<semaphore_mem>>)
            %dma_start3A_122 = arith.constant 0 : i32
            %dma_start3A_123 = arith.constant 0 : i32
            %dma_start3A_124 = arith.constant 0 : i32
            %dma_start3A_125 = tpu.memref_slice %arg17[%dma_start3A_123, %dma_start3A_124] : memref<128x16xf32, #tpu.memory_space<vmem>> -> memref<64x16xf32, #tpu.memory_space<vmem>>
            %dma_start3A_126 = arith.constant 0 : i32
            %dma_start3A_127 = tpu.memref_slice %arg14[%dma_start3A_122, %dma_start3A_126] : memref<2x64xi32, #tpu.memory_space<vmem>> -> memref<1x64xi32, #tpu.memory_space<vmem>>
            %dma_start3A_128 = tpu.memref_squeeze %dma_start3A_127 : memref<1x64xi32, #tpu.memory_space<vmem>> -> memref<64xi32, #tpu.memory_space<vmem>>
            %dma_start3A_129 = arith.constant 0 : i32
            %dma_start3A_130 = arith.constant 0 : i32
            %dma_start3A_131 = tpu.memref_slice %arg5[%dma_start3A_129, %dma_start3A_130] : memref<50000x16xf32, #tpu.memory_space<hbm>> -> memref<50000x16xf32, #tpu.memory_space<hbm>>
            tpu.enqueue_indirect_dma source(%dma_start3A_131 : memref<50000x16xf32, #tpu.memory_space<hbm>>) target(%dma_start3A_125 : memref<64x16xf32, #tpu.memory_space<vmem>>) offsets(%dma_start3A_128 : memref<64xi32, #tpu.memory_space<vmem>>) semaphore(%arg18 : memref<!tpu.dma_semaphore, #tpu.memory_space<semaphore_mem>>)
          } else {
          }
        } else {
        }
        %add3A_72 = arith.constant 1 : i32
        %add3A_73 = arith.addi %mul3A_68, %add3A_72 : i32
        %lt3A_74 = arith.cmpi slt, %add3A_73, %shift_right_arithmetic3A_43 : i32
        %convert_element_type3A_75 = arith.extui %lt3A_74 : i1 to i32
        %cond3A_76 = arith.constant 0 : i32
        %cond3A_77 = arith.cmpi ne, %convert_element_type3A_75, %cond3A_76 : i32
        scf.if %cond3A_77 {
          %dma_wait3A = arith.constant 1 : i32
          %dma_wait3A_78 = arith.constant 64 : i32
          %dma_wait3A_79 = arith.constant 0 : i32
          %dma_wait3A_80 = tpu.memref_slice %arg16[%dma_wait3A_78, %dma_wait3A_79] : memref<128x72xf32, #tpu.memory_space<vmem>> -> memref<64x72xf32, #tpu.memory_space<vmem>>
          %dma_wait3A_81 = arith.constant 0 : i32
          %dma_wait3A_82 = tpu.memref_slice %arg13[%dma_wait3A, %dma_wait3A_81] : memref<2x64xi32, #tpu.memory_space<vmem>> -> memref<1x64xi32, #tpu.memory_space<vmem>>
          %dma_wait3A_83 = tpu.memref_squeeze %dma_wait3A_82 : memref<1x64xi32, #tpu.memory_space<vmem>> -> memref<64xi32, #tpu.memory_space<vmem>>
          %dma_wait3A_84 = arith.constant 0 : i32
          %dma_wait3A_85 = arith.constant 0 : i32
          %dma_wait3A_86 = tpu.memref_slice %arg4[%dma_wait3A_84, %dma_wait3A_85] : memref<50000x72xf32, #tpu.memory_space<hbm>> -> memref<50000x72xf32, #tpu.memory_space<hbm>>
          tpu.wait_indirect_dma semaphore(%arg19 : memref<!tpu.dma_semaphore, #tpu.memory_space<semaphore_mem>>) src(%dma_wait3A_86 : memref<50000x72xf32, #tpu.memory_space<hbm>>) dst(%dma_wait3A_80 : memref<64x72xf32, #tpu.memory_space<vmem>>)
          %dma_wait3A_87 = arith.constant 1 : i32
          %dma_wait3A_88 = arith.constant 64 : i32
          %dma_wait3A_89 = arith.constant 0 : i32
          %dma_wait3A_90 = tpu.memref_slice %arg17[%dma_wait3A_88, %dma_wait3A_89] : memref<128x16xf32, #tpu.memory_space<vmem>> -> memref<64x16xf32, #tpu.memory_space<vmem>>
          %dma_wait3A_91 = arith.constant 0 : i32
          %dma_wait3A_92 = tpu.memref_slice %arg14[%dma_wait3A_87, %dma_wait3A_91] : memref<2x64xi32, #tpu.memory_space<vmem>> -> memref<1x64xi32, #tpu.memory_space<vmem>>
          %dma_wait3A_93 = tpu.memref_squeeze %dma_wait3A_92 : memref<1x64xi32, #tpu.memory_space<vmem>> -> memref<64xi32, #tpu.memory_space<vmem>>
          %dma_wait3A_94 = arith.constant 0 : i32
          %dma_wait3A_95 = arith.constant 0 : i32
          %dma_wait3A_96 = tpu.memref_slice %arg5[%dma_wait3A_94, %dma_wait3A_95] : memref<50000x16xf32, #tpu.memory_space<hbm>> -> memref<50000x16xf32, #tpu.memory_space<hbm>>
          tpu.wait_indirect_dma semaphore(%arg19 : memref<!tpu.dma_semaphore, #tpu.memory_space<semaphore_mem>>) src(%dma_wait3A_96 : memref<50000x16xf32, #tpu.memory_space<hbm>>) dst(%dma_wait3A_90 : memref<64x16xf32, #tpu.memory_space<vmem>>)
          %parallel_loop3A = arith.constant 0 : i32
          %parallel_loop3A_97 = arith.constant 32 : i32
          %parallel_loop3A_98 = arith.constant 1 : i32
          scf.for %parallel_loop3A_105 = %parallel_loop3A to %parallel_loop3A_97 step %parallel_loop3A_98  : i32 {
            %parallel_loop3A_106 = arith.constant 2 : i32
            %parallel_loop3A_107 = arith.muli %parallel_loop3A_106, %parallel_loop3A_105 : i32
            %parallel_loop3A_108 = arith.constant 64 : i32
            %parallel_loop3A_109 = arith.addi %parallel_loop3A_108, %parallel_loop3A_107 : i32
            %parallel_loop3A_110 = vector.broadcast %parallel_loop3A_109 : i32 to vector<16xi32>
            %parallel_loop3A_111 = arith.addi %parallel_loop3A_110, %shift_right_arithmetic3A_4 : vector<16xi32>
            %parallel_loop3A_112 = arith.constant 64 : i32
            %parallel_loop3A_113 = vector.broadcast %parallel_loop3A_112 : i32 to vector<16xi32>
            %parallel_loop3A_114 = arith.addi %parallel_loop3A_113, %and3A_2 : vector<16xi32>
            %parallel_loop3A_115 = tpu.vector_load_idx %arg16[%parallel_loop3A_111, %parallel_loop3A_114] : memref<128x72xf32, #tpu.memory_space<vmem>>[vector<16xi32>, vector<16xi32>], vector<16xf32>,
            %parallel_loop3A_116 = arith.constant 8 : i32
            %parallel_loop3A_117 = vector.broadcast %parallel_loop3A_116 : i32 to vector<16xi32>
            %parallel_loop3A_118 = arith.addi %and3A_2, %parallel_loop3A_117 : vector<16xi32>
            %parallel_loop3A_119 = tpu.vector_load_idx %arg17[%parallel_loop3A_111, %parallel_loop3A_118] : memref<128x16xf32, #tpu.memory_space<vmem>>[vector<16xi32>, vector<16xi32>], vector<16xf32>,
            %parallel_loop3A_120 = arith.addf %parallel_loop3A_115, %parallel_loop3A_119 : vector<16xf32>
            %parallel_loop3A_121 = arith.constant 0.000000e+00 : f32
            %parallel_loop3A_122 = vector.broadcast %parallel_loop3A_121 : f32 to vector<16xf32>
            %parallel_loop3A_123 = arith.cmpf oge, %parallel_loop3A_120, %parallel_loop3A_122 : vector<16xf32>
            %parallel_loop3A_124 = arith.constant 2.000000e-01 : f32
            %parallel_loop3A_125 = vector.broadcast %parallel_loop3A_124 : f32 to vector<16xf32>
            %parallel_loop3A_126 = arith.mulf %parallel_loop3A_125, %parallel_loop3A_120 : vector<16xf32>
            %parallel_loop3A_127 = arith.select %parallel_loop3A_123, %parallel_loop3A_120, %parallel_loop3A_126 : vector<16xi1>, vector<16xf32>
            %parallel_loop3A_128 = math.exp %parallel_loop3A_127 : vector<16xf32>
            %parallel_loop3A_129 = arith.constant 64 : i32
            %parallel_loop3A_130 = vector.broadcast %parallel_loop3A_129 : i32 to vector<16xi32>
            %parallel_loop3A_131 = arith.addi %parallel_loop3A_130, %and3A_2 : vector<16xi32>
            tpu.vector_store_idx %arg16[%parallel_loop3A_111, %parallel_loop3A_131], %parallel_loop3A_128 : memref<128x72xf32, #tpu.memory_space<vmem>>[vector<16xi32>, vector<16xi32>], vector<16xf32>,
            %parallel_loop3A_132 = arith.constant 0 : i32
            %parallel_loop3A_133 = vector.broadcast %parallel_loop3A_132 : i32 to vector<16xi32>
            %parallel_loop3A_134 = arith.addi %parallel_loop3A_133, %shift_right_arithmetic3A_4 : vector<16xi32>
            %parallel_loop3A_135 = arith.constant 0 : i32
            %parallel_loop3A_136 = vector.broadcast %parallel_loop3A_135 : i32 to vector<16xi32>
            %parallel_loop3A_137 = arith.cmpi slt, %parallel_loop3A_134, %parallel_loop3A_136 : vector<16xi32>
            %parallel_loop3A_138 = arith.constant 16 : i32
            %parallel_loop3A_139 = vector.broadcast %parallel_loop3A_138 : i32 to vector<16xi32>
            %parallel_loop3A_140 = arith.addi %parallel_loop3A_134, %parallel_loop3A_139 : vector<16xi32>
            %parallel_loop3A_141 = arith.select %parallel_loop3A_137, %parallel_loop3A_140, %parallel_loop3A_134 : vector<16xi1>, vector<16xi32>
            %parallel_loop3A_142 = vector.shape_cast %parallel_loop3A_141 : vector<16xi32> to vector<16x1xi32>
            %parallel_loop3A_143 = vector.shape_cast %parallel_loop3A_142 : vector<16x1xi32> to vector<16xi32>
            %parallel_loop3A_144 = tpu.dynamic_gather %parallel_loop3A_128[%parallel_loop3A_143] in [0] : vector<16xf32>, vector<16xi32> -> vector<16xf32>
            %parallel_loop3A_145 = arith.constant 8 : i32
            %parallel_loop3A_146 = vector.broadcast %parallel_loop3A_145 : i32 to vector<16xi32>
            %parallel_loop3A_147 = arith.addi %parallel_loop3A_146, %shift_right_arithmetic3A_4 : vector<16xi32>
            %parallel_loop3A_148 = arith.constant 0 : i32
            %parallel_loop3A_149 = vector.broadcast %parallel_loop3A_148 : i32 to vector<16xi32>
            %parallel_loop3A_150 = arith.cmpi slt, %parallel_loop3A_147, %parallel_loop3A_149 : vector<16xi32>
            %parallel_loop3A_151 = arith.constant 16 : i32
            %parallel_loop3A_152 = vector.broadcast %parallel_loop3A_151 : i32 to vector<16xi32>
            %parallel_loop3A_153 = arith.addi %parallel_loop3A_147, %parallel_loop3A_152 : vector<16xi32>
            %parallel_loop3A_154 = arith.select %parallel_loop3A_150, %parallel_loop3A_153, %parallel_loop3A_147 : vector<16xi1>, vector<16xi32>
            %parallel_loop3A_155 = vector.shape_cast %parallel_loop3A_154 : vector<16xi32> to vector<16x1xi32>
            %parallel_loop3A_156 = vector.shape_cast %parallel_loop3A_155 : vector<16x1xi32> to vector<16xi32>
            %parallel_loop3A_157 = tpu.dynamic_gather %parallel_loop3A_128[%parallel_loop3A_156] in [0] : vector<16xf32>, vector<16xi32> -> vector<16xf32>
            %parallel_loop3A_158 = arith.index_cast %parallel_loop3A_109 : i32 to index
            %parallel_loop3A_159 = arith.constant 0 : index
            %parallel_loop3A_160 = tpu.vector_load %arg16[%parallel_loop3A_158, %parallel_loop3A_159] {strides = array<i32>} : memref<128x72xf32, #tpu.memory_space<vmem>>, vector<16xf32>,
            %parallel_loop3A_161 = arith.constant 1 : i32
            %parallel_loop3A_162 = arith.addi %parallel_loop3A_109, %parallel_loop3A_161 : i32
            %parallel_loop3A_163 = arith.index_cast %parallel_loop3A_162 : i32 to index
            %parallel_loop3A_164 = arith.constant 0 : index
            %parallel_loop3A_165 = tpu.vector_load %arg16[%parallel_loop3A_163, %parallel_loop3A_164] {strides = array<i32>} : memref<128x72xf32, #tpu.memory_space<vmem>>, vector<16xf32>,
            %parallel_loop3A_166 = arith.mulf %parallel_loop3A_160, %parallel_loop3A_144 : vector<16xf32>
            %parallel_loop3A_167 = arith.index_cast %parallel_loop3A_109 : i32 to index
            %parallel_loop3A_168 = arith.constant 0 : index
            %parallel_loop3A_169 = tpu.vector_load %arg16[%parallel_loop3A_167, %parallel_loop3A_168] {strides = array<i32>} : memref<128x72xf32, #tpu.memory_space<vmem>>, vector<16xf32>,
            tpu.vector_store %arg16[%parallel_loop3A_167, %parallel_loop3A_168], %parallel_loop3A_166 {strides = array<i32>} : memref<128x72xf32, #tpu.memory_space<vmem>>, vector<16xf32>,
            %parallel_loop3A_170 = arith.mulf %parallel_loop3A_165, %parallel_loop3A_157 : vector<16xf32>
            %parallel_loop3A_171 = arith.constant 1 : i32
            %parallel_loop3A_172 = arith.addi %parallel_loop3A_109, %parallel_loop3A_171 : i32
            %parallel_loop3A_173 = arith.index_cast %parallel_loop3A_172 : i32 to index
            %parallel_loop3A_174 = arith.constant 0 : index
            %parallel_loop3A_175 = tpu.vector_load %arg16[%parallel_loop3A_173, %parallel_loop3A_174] {strides = array<i32>} : memref<128x72xf32, #tpu.memory_space<vmem>>, vector<16xf32>,
            tpu.vector_store %arg16[%parallel_loop3A_173, %parallel_loop3A_174], %parallel_loop3A_170 {strides = array<i32>} : memref<128x72xf32, #tpu.memory_space<vmem>>, vector<16xf32>,
            %parallel_loop3A_176 = arith.constant 2 : i32
            %parallel_loop3A_177 = vector.broadcast %parallel_loop3A_176 : i32 to vector<16xi32>
            %parallel_loop3A_178 = arith.addi %parallel_loop3A_177, %shift_right_arithmetic3A_4 : vector<16xi32>
            %parallel_loop3A_179 = arith.constant 0 : i32
            %parallel_loop3A_180 = vector.broadcast %parallel_loop3A_179 : i32 to vector<16xi32>
            %parallel_loop3A_181 = arith.cmpi slt, %parallel_loop3A_178, %parallel_loop3A_180 : vector<16xi32>
            %parallel_loop3A_182 = arith.constant 16 : i32
            %parallel_loop3A_183 = vector.broadcast %parallel_loop3A_182 : i32 to vector<16xi32>
            %parallel_loop3A_184 = arith.addi %parallel_loop3A_178, %parallel_loop3A_183 : vector<16xi32>
            %parallel_loop3A_185 = arith.select %parallel_loop3A_181, %parallel_loop3A_184, %parallel_loop3A_178 : vector<16xi1>, vector<16xi32>
            %parallel_loop3A_186 = vector.shape_cast %parallel_loop3A_185 : vector<16xi32> to vector<16x1xi32>
            %parallel_loop3A_187 = vector.shape_cast %parallel_loop3A_186 : vector<16x1xi32> to vector<16xi32>
            %parallel_loop3A_188 = tpu.dynamic_gather %parallel_loop3A_128[%parallel_loop3A_187] in [0] : vector<16xf32>, vector<16xi32> -> vector<16xf32>
            %parallel_loop3A_189 = arith.constant 10 : i32
            %parallel_loop3A_190 = vector.broadcast %parallel_loop3A_189 : i32 to vector<16xi32>
            %parallel_loop3A_191 = arith.addi %parallel_loop3A_190, %shift_right_arithmetic3A_4 : vector<16xi32>
            %parallel_loop3A_192 = arith.constant 0 : i32
            %parallel_loop3A_193 = vector.broadcast %parallel_loop3A_192 : i32 to vector<16xi32>
            %parallel_loop3A_194 = arith.cmpi slt, %parallel_loop3A_191, %parallel_loop3A_193 : vector<16xi32>
            %parallel_loop3A_195 = arith.constant 16 : i32
            %parallel_loop3A_196 = vector.broadcast %parallel_loop3A_195 : i32 to vector<16xi32>
            %parallel_loop3A_197 = arith.addi %parallel_loop3A_191, %parallel_loop3A_196 : vector<16xi32>
            %parallel_loop3A_198 = arith.select %parallel_loop3A_194, %parallel_loop3A_197, %parallel_loop3A_191 : vector<16xi1>, vector<16xi32>
            %parallel_loop3A_199 = vector.shape_cast %parallel_loop3A_198 : vector<16xi32> to vector<16x1xi32>
            %parallel_loop3A_200 = vector.shape_cast %parallel_loop3A_199 : vector<16x1xi32> to vector<16xi32>
            %parallel_loop3A_201 = tpu.dynamic_gather %parallel_loop3A_128[%parallel_loop3A_200] in [0] : vector<16xf32>, vector<16xi32> -> vector<16xf32>
            %parallel_loop3A_202 = arith.index_cast %parallel_loop3A_109 : i32 to index
            %parallel_loop3A_203 = arith.constant 16 : index
            %parallel_loop3A_204 = tpu.vector_load %arg16[%parallel_loop3A_202, %parallel_loop3A_203] {strides = array<i32>} : memref<128x72xf32, #tpu.memory_space<vmem>>, vector<16xf32>,
            %parallel_loop3A_205 = arith.constant 1 : i32
            %parallel_loop3A_206 = arith.addi %parallel_loop3A_109, %parallel_loop3A_205 : i32
            %parallel_loop3A_207 = arith.index_cast %parallel_loop3A_206 : i32 to index
            %parallel_loop3A_208 = arith.constant 16 : index
            %parallel_loop3A_209 = tpu.vector_load %arg16[%parallel_loop3A_207, %parallel_loop3A_208] {strides = array<i32>} : memref<128x72xf32, #tpu.memory_space<vmem>>, vector<16xf32>,
            %parallel_loop3A_210 = arith.mulf %parallel_loop3A_204, %parallel_loop3A_188 : vector<16xf32>
            %parallel_loop3A_211 = arith.index_cast %parallel_loop3A_109 : i32 to index
            %parallel_loop3A_212 = arith.constant 16 : index
            %parallel_loop3A_213 = tpu.vector_load %arg16[%parallel_loop3A_211, %parallel_loop3A_212] {strides = array<i32>} : memref<128x72xf32, #tpu.memory_space<vmem>>, vector<16xf32>,
            tpu.vector_store %arg16[%parallel_loop3A_211, %parallel_loop3A_212], %parallel_loop3A_210 {strides = array<i32>} : memref<128x72xf32, #tpu.memory_space<vmem>>, vector<16xf32>,
            %parallel_loop3A_214 = arith.mulf %parallel_loop3A_209, %parallel_loop3A_201 : vector<16xf32>
            %parallel_loop3A_215 = arith.constant 1 : i32
            %parallel_loop3A_216 = arith.addi %parallel_loop3A_109, %parallel_loop3A_215 : i32
            %parallel_loop3A_217 = arith.index_cast %parallel_loop3A_216 : i32 to index
            %parallel_loop3A_218 = arith.constant 16 : index
            %parallel_loop3A_219 = tpu.vector_load %arg16[%parallel_loop3A_217, %parallel_loop3A_218] {strides = array<i32>} : memref<128x72xf32, #tpu.memory_space<vmem>>, vector<16xf32>,
            tpu.vector_store %arg16[%parallel_loop3A_217, %parallel_loop3A_218], %parallel_loop3A_214 {strides = array<i32>} : memref<128x72xf32, #tpu.memory_space<vmem>>, vector<16xf32>,
            %parallel_loop3A_220 = arith.constant 4 : i32
            %parallel_loop3A_221 = vector.broadcast %parallel_loop3A_220 : i32 to vector<16xi32>
            %parallel_loop3A_222 = arith.addi %parallel_loop3A_221, %shift_right_arithmetic3A_4 : vector<16xi32>
            %parallel_loop3A_223 = arith.constant 0 : i32
            %parallel_loop3A_224 = vector.broadcast %parallel_loop3A_223 : i32 to vector<16xi32>
            %parallel_loop3A_225 = arith.cmpi slt, %parallel_loop3A_222, %parallel_loop3A_224 : vector<16xi32>
            %parallel_loop3A_226 = arith.constant 16 : i32
            %parallel_loop3A_227 = vector.broadcast %parallel_loop3A_226 : i32 to vector<16xi32>
            %parallel_loop3A_228 = arith.addi %parallel_loop3A_222, %parallel_loop3A_227 : vector<16xi32>
            %parallel_loop3A_229 = arith.select %parallel_loop3A_225, %parallel_loop3A_228, %parallel_loop3A_222 : vector<16xi1>, vector<16xi32>
            %parallel_loop3A_230 = vector.shape_cast %parallel_loop3A_229 : vector<16xi32> to vector<16x1xi32>
            %parallel_loop3A_231 = vector.shape_cast %parallel_loop3A_230 : vector<16x1xi32> to vector<16xi32>
            %parallel_loop3A_232 = tpu.dynamic_gather %parallel_loop3A_128[%parallel_loop3A_231] in [0] : vector<16xf32>, vector<16xi32> -> vector<16xf32>
            %parallel_loop3A_233 = arith.constant 12 : i32
            %parallel_loop3A_234 = vector.broadcast %parallel_loop3A_233 : i32 to vector<16xi32>
            %parallel_loop3A_235 = arith.addi %parallel_loop3A_234, %shift_right_arithmetic3A_4 : vector<16xi32>
            %parallel_loop3A_236 = arith.constant 0 : i32
            %parallel_loop3A_237 = vector.broadcast %parallel_loop3A_236 : i32 to vector<16xi32>
            %parallel_loop3A_238 = arith.cmpi slt, %parallel_loop3A_235, %parallel_loop3A_237 : vector<16xi32>
            %parallel_loop3A_239 = arith.constant 16 : i32
            %parallel_loop3A_240 = vector.broadcast %parallel_loop3A_239 : i32 to vector<16xi32>
            %parallel_loop3A_241 = arith.addi %parallel_loop3A_235, %parallel_loop3A_240 : vector<16xi32>
            %parallel_loop3A_242 = arith.select %parallel_loop3A_238, %parallel_loop3A_241, %parallel_loop3A_235 : vector<16xi1>, vector<16xi32>
            %parallel_loop3A_243 = vector.shape_cast %parallel_loop3A_242 : vector<16xi32> to vector<16x1xi32>
            %parallel_loop3A_244 = vector.shape_cast %parallel_loop3A_243 : vector<16x1xi32> to vector<16xi32>
            %parallel_loop3A_245 = tpu.dynamic_gather %parallel_loop3A_128[%parallel_loop3A_244] in [0] : vector<16xf32>, vector<16xi32> -> vector<16xf32>
            %parallel_loop3A_246 = arith.index_cast %parallel_loop3A_109 : i32 to index
            %parallel_loop3A_247 = arith.constant 32 : index
            %parallel_loop3A_248 = tpu.vector_load %arg16[%parallel_loop3A_246, %parallel_loop3A_247] {strides = array<i32>} : memref<128x72xf32, #tpu.memory_space<vmem>>, vector<16xf32>,
            %parallel_loop3A_249 = arith.constant 1 : i32
            %parallel_loop3A_250 = arith.addi %parallel_loop3A_109, %parallel_loop3A_249 : i32
            %parallel_loop3A_251 = arith.index_cast %parallel_loop3A_250 : i32 to index
            %parallel_loop3A_252 = arith.constant 32 : index
            %parallel_loop3A_253 = tpu.vector_load %arg16[%parallel_loop3A_251, %parallel_loop3A_252] {strides = array<i32>} : memref<128x72xf32, #tpu.memory_space<vmem>>, vector<16xf32>,
            %parallel_loop3A_254 = arith.mulf %parallel_loop3A_248, %parallel_loop3A_232 : vector<16xf32>
            %parallel_loop3A_255 = arith.index_cast %parallel_loop3A_109 : i32 to index
            %parallel_loop3A_256 = arith.constant 32 : index
            %parallel_loop3A_257 = tpu.vector_load %arg16[%parallel_loop3A_255, %parallel_loop3A_256] {strides = array<i32>} : memref<128x72xf32, #tpu.memory_space<vmem>>, vector<16xf32>,
            tpu.vector_store %arg16[%parallel_loop3A_255, %parallel_loop3A_256], %parallel_loop3A_254 {strides = array<i32>} : memref<128x72xf32, #tpu.memory_space<vmem>>, vector<16xf32>,
            %parallel_loop3A_258 = arith.mulf %parallel_loop3A_253, %parallel_loop3A_245 : vector<16xf32>
            %parallel_loop3A_259 = arith.constant 1 : i32
            %parallel_loop3A_260 = arith.addi %parallel_loop3A_109, %parallel_loop3A_259 : i32
            %parallel_loop3A_261 = arith.index_cast %parallel_loop3A_260 : i32 to index
            %parallel_loop3A_262 = arith.constant 32 : index
            %parallel_loop3A_263 = tpu.vector_load %arg16[%parallel_loop3A_261, %parallel_loop3A_262] {strides = array<i32>} : memref<128x72xf32, #tpu.memory_space<vmem>>, vector<16xf32>,
            tpu.vector_store %arg16[%parallel_loop3A_261, %parallel_loop3A_262], %parallel_loop3A_258 {strides = array<i32>} : memref<128x72xf32, #tpu.memory_space<vmem>>, vector<16xf32>,
            %parallel_loop3A_264 = arith.constant 6 : i32
            %parallel_loop3A_265 = vector.broadcast %parallel_loop3A_264 : i32 to vector<16xi32>
            %parallel_loop3A_266 = arith.addi %parallel_loop3A_265, %shift_right_arithmetic3A_4 : vector<16xi32>
            %parallel_loop3A_267 = arith.constant 0 : i32
            %parallel_loop3A_268 = vector.broadcast %parallel_loop3A_267 : i32 to vector<16xi32>
            %parallel_loop3A_269 = arith.cmpi slt, %parallel_loop3A_266, %parallel_loop3A_268 : vector<16xi32>
            %parallel_loop3A_270 = arith.constant 16 : i32
            %parallel_loop3A_271 = vector.broadcast %parallel_loop3A_270 : i32 to vector<16xi32>
            %parallel_loop3A_272 = arith.addi %parallel_loop3A_266, %parallel_loop3A_271 : vector<16xi32>
            %parallel_loop3A_273 = arith.select %parallel_loop3A_269, %parallel_loop3A_272, %parallel_loop3A_266 : vector<16xi1>, vector<16xi32>
            %parallel_loop3A_274 = vector.shape_cast %parallel_loop3A_273 : vector<16xi32> to vector<16x1xi32>
            %parallel_loop3A_275 = vector.shape_cast %parallel_loop3A_274 : vector<16x1xi32> to vector<16xi32>
            %parallel_loop3A_276 = tpu.dynamic_gather %parallel_loop3A_128[%parallel_loop3A_275] in [0] : vector<16xf32>, vector<16xi32> -> vector<16xf32>
            %parallel_loop3A_277 = arith.constant 14 : i32
            %parallel_loop3A_278 = vector.broadcast %parallel_loop3A_277 : i32 to vector<16xi32>
            %parallel_loop3A_279 = arith.addi %parallel_loop3A_278, %shift_right_arithmetic3A_4 : vector<16xi32>
            %parallel_loop3A_280 = arith.constant 0 : i32
            %parallel_loop3A_281 = vector.broadcast %parallel_loop3A_280 : i32 to vector<16xi32>
            %parallel_loop3A_282 = arith.cmpi slt, %parallel_loop3A_279, %parallel_loop3A_281 : vector<16xi32>
            %parallel_loop3A_283 = arith.constant 16 : i32
            %parallel_loop3A_284 = vector.broadcast %parallel_loop3A_283 : i32 to vector<16xi32>
            %parallel_loop3A_285 = arith.addi %parallel_loop3A_279, %parallel_loop3A_284 : vector<16xi32>
            %parallel_loop3A_286 = arith.select %parallel_loop3A_282, %parallel_loop3A_285, %parallel_loop3A_279 : vector<16xi1>, vector<16xi32>
            %parallel_loop3A_287 = vector.shape_cast %parallel_loop3A_286 : vector<16xi32> to vector<16x1xi32>
            %parallel_loop3A_288 = vector.shape_cast %parallel_loop3A_287 : vector<16x1xi32> to vector<16xi32>
            %parallel_loop3A_289 = tpu.dynamic_gather %parallel_loop3A_128[%parallel_loop3A_288] in [0] : vector<16xf32>, vector<16xi32> -> vector<16xf32>
            %parallel_loop3A_290 = arith.index_cast %parallel_loop3A_109 : i32 to index
            %parallel_loop3A_291 = arith.constant 48 : index
            %parallel_loop3A_292 = tpu.vector_load %arg16[%parallel_loop3A_290, %parallel_loop3A_291] {strides = array<i32>} : memref<128x72xf32, #tpu.memory_space<vmem>>, vector<16xf32>,
            %parallel_loop3A_293 = arith.constant 1 : i32
            %parallel_loop3A_294 = arith.addi %parallel_loop3A_109, %parallel_loop3A_293 : i32
            %parallel_loop3A_295 = arith.index_cast %parallel_loop3A_294 : i32 to index
            %parallel_loop3A_296 = arith.constant 48 : index
            %parallel_loop3A_297 = tpu.vector_load %arg16[%parallel_loop3A_295, %parallel_loop3A_296] {strides = array<i32>} : memref<128x72xf32, #tpu.memory_space<vmem>>, vector<16xf32>,
            %parallel_loop3A_298 = arith.mulf %parallel_loop3A_292, %parallel_loop3A_276 : vector<16xf32>
            %parallel_loop3A_299 = arith.index_cast %parallel_loop3A_109 : i32 to index
            %parallel_loop3A_300 = arith.constant 48 : index
            %parallel_loop3A_301 = tpu.vector_load %arg16[%parallel_loop3A_299, %parallel_loop3A_300] {strides = array<i32>} : memref<128x72xf32, #tpu.memory_space<vmem>>, vector<16xf32>,
            tpu.vector_store %arg16[%parallel_loop3A_299, %parallel_loop3A_300], %parallel_loop3A_298 {strides = array<i32>} : memref<128x72xf32, #tpu.memory_space<vmem>>, vector<16xf32>,
            %parallel_loop3A_302 = arith.mulf %parallel_loop3A_297, %parallel_loop3A_289 : vector<16xf32>
            %parallel_loop3A_303 = arith.constant 1 : i32
            %parallel_loop3A_304 = arith.addi %parallel_loop3A_109, %parallel_loop3A_303 : i32
            %parallel_loop3A_305 = arith.index_cast %parallel_loop3A_304 : i32 to index
            %parallel_loop3A_306 = arith.constant 48 : index
            %parallel_loop3A_307 = tpu.vector_load %arg16[%parallel_loop3A_305, %parallel_loop3A_306] {strides = array<i32>} : memref<128x72xf32, #tpu.memory_space<vmem>>, vector<16xf32>,
            tpu.vector_store %arg16[%parallel_loop3A_305, %parallel_loop3A_306], %parallel_loop3A_302 {strides = array<i32>} : memref<128x72xf32, #tpu.memory_space<vmem>>, vector<16xf32>,
          } {sc.loop_unroll_factor = 4 : i64, sc.parallel_access}
          %run_scoped3A = arith.constant 1 : i32
          "tpu.region"() ({
            %run_scoped3A_105 = tpu.sem_alloc : memref<!tpu.dma_semaphore, #tpu.memory_space<semaphore_mem>>
            %dma_start3A = arith.constant 64 : i32
            %dma_start3A_106 = arith.constant 0 : i32
            %dma_start3A_107 = tpu.memref_slice %arg16[%dma_start3A, %dma_start3A_106] : memref<128x72xf32, #tpu.memory_space<vmem>> -> memref<64x72xf32, #tpu.memory_space<vmem>>
            %dma_start3A_108 = arith.constant 0 : i32
            %dma_start3A_109 = tpu.memref_slice %arg15[%run_scoped3A, %dma_start3A_108] : memref<2x64xi32, #tpu.memory_space<vmem>> -> memref<1x64xi32, #tpu.memory_space<vmem>>
            %dma_start3A_110 = tpu.memref_squeeze %dma_start3A_109 : memref<1x64xi32, #tpu.memory_space<vmem>> -> memref<64xi32, #tpu.memory_space<vmem>>
            %dma_start3A_111 = arith.constant 0 : i32
            %dma_start3A_112 = arith.constant 0 : i32
            %dma_start3A_113 = tpu.memref_slice %arg8[%dma_start3A_111, %dma_start3A_112] : memref<25096x72xf32, #tpu.memory_space<vmem_shared>> -> memref<25096x72xf32, #tpu.memory_space<vmem_shared>>
            tpu.enqueue_indirect_dma source(%dma_start3A_107 : memref<64x72xf32, #tpu.memory_space<vmem>>) target(%dma_start3A_113 : memref<25096x72xf32, #tpu.memory_space<vmem_shared>>) offsets(%dma_start3A_110 : memref<64xi32, #tpu.memory_space<vmem>>) semaphore(%run_scoped3A_105 : memref<!tpu.dma_semaphore, #tpu.memory_space<semaphore_mem>>) {add = true}
            %dma_wait3A_114 = arith.constant 64 : i32
            %dma_wait3A_115 = arith.constant 0 : i32
            %dma_wait3A_116 = tpu.memref_slice %arg16[%dma_wait3A_114, %dma_wait3A_115] : memref<128x72xf32, #tpu.memory_space<vmem>> -> memref<64x72xf32, #tpu.memory_space<vmem>>
            %dma_wait3A_117 = arith.constant 0 : i32
            %dma_wait3A_118 = tpu.memref_slice %arg15[%run_scoped3A, %dma_wait3A_117] : memref<2x64xi32, #tpu.memory_space<vmem>> -> memref<1x64xi32, #tpu.memory_space<vmem>>
            %dma_wait3A_119 = tpu.memref_squeeze %dma_wait3A_118 : memref<1x64xi32, #tpu.memory_space<vmem>> -> memref<64xi32, #tpu.memory_space<vmem>>
            %dma_wait3A_120 = arith.constant 0 : i32
            %dma_wait3A_121 = arith.constant 0 : i32
            %dma_wait3A_122 = tpu.memref_slice %arg8[%dma_wait3A_120, %dma_wait3A_121] : memref<25096x72xf32, #tpu.memory_space<vmem_shared>> -> memref<25096x72xf32, #tpu.memory_space<vmem_shared>>
            tpu.wait_indirect_dma semaphore(%run_scoped3A_105 : memref<!tpu.dma_semaphore, #tpu.memory_space<semaphore_mem>>) src(%dma_wait3A_116 : memref<64x72xf32, #tpu.memory_space<vmem>>) dst(%dma_wait3A_122 : memref<25096x72xf32, #tpu.memory_space<vmem_shared>>)
            tpu.yield
          }) : () -> ()
          %add3A_99 = arith.constant 3 : i32
          %add3A_100 = arith.addi %mul3A_68, %add3A_99 : i32
          %lt3A_101 = arith.cmpi slt, %add3A_100, %shift_right_arithmetic3A_43 : i32
          %convert_element_type3A_102 = arith.extui %lt3A_101 : i1 to i32
          %cond3A_103 = arith.constant 0 : i32
          %cond3A_104 = arith.cmpi ne, %convert_element_type3A_102, %cond3A_103 : i32
          scf.if %cond3A_104 {
            %add3A_105 = arith.constant 3 : i32
            %add3A_106 = arith.addi %mul3A_68, %add3A_105 : i32
            %scan3A_107 = arith.constant 0 : i32
            %scan3A_108 = arith.constant 0 : i32
            %scan3A_109 = arith.constant 4 : i32
            %scan3A_110 = arith.addi %scan3A_108, %scan3A_109 : i32
            %scan3A_111 = arith.constant 1 : i32
            scf.for %scan3A_132 = %scan3A_108 to %scan3A_110 step %scan3A_111  : i32 {
              %mul3A_133 = arith.constant 64 : i32
              %mul3A_134 = arith.muli %add3A_106, %mul3A_133 : i32
              %mul3A_135 = arith.constant 16 : i32
              %mul3A_136 = arith.muli %scan3A_132, %mul3A_135 : i32
              %add3A_137 = arith.addi %mul3A_134, %mul3A_136 : i32
              %get3A = arith.index_cast %add3A_137 : i32 to index
              %get3A_138 = tpu.vector_load %arg12[%get3A] {strides = array<i32>} : memref<1024xi32, #tpu.memory_space<vmem>>, vector<16xi32>,
              %mul3A_139 = arith.constant 16 : i32
              %mul3A_140 = arith.muli %scan3A_132, %mul3A_139 : i32
              %swap3A = arith.constant 1 : i32
              %swap3A_141 = arith.index_cast %swap3A : i32 to index
              %swap3A_142 = arith.index_cast %mul3A_140 : i32 to index
              %swap3A_143 = tpu.vector_load %arg15[%swap3A_141, %swap3A_142] {strides = array<i32>} : memref<2x64xi32, #tpu.memory_space<vmem>>, vector<16xi32>,
              tpu.vector_store %arg15[%swap3A_141, %swap3A_142], %get3A_138 {strides = array<i32>} : memref<2x64xi32, #tpu.memory_space<vmem>>, vector<16xi32>,
              %add3A_144 = vector.broadcast %mul3A_0 : i32 to vector<16xi32>
              %add3A_145 = arith.addi %get3A_138, %add3A_144 : vector<16xi32>
              %mul3A_146 = arith.constant 16 : i32
              %mul3A_147 = arith.muli %scan3A_132, %mul3A_146 : i32
              %swap3A_148 = arith.constant 1 : i32
              %swap3A_149 = arith.index_cast %swap3A_148 : i32 to index
              %swap3A_150 = arith.index_cast %mul3A_147 : i32 to index
              %swap3A_151 = tpu.vector_load %arg14[%swap3A_149, %swap3A_150] {strides = array<i32>} : memref<2x64xi32, #tpu.memory_space<vmem>>, vector<16xi32>,
              tpu.vector_store %arg14[%swap3A_149, %swap3A_150], %add3A_145 {strides = array<i32>} : memref<2x64xi32, #tpu.memory_space<vmem>>, vector<16xi32>,
              %mul3A_152 = arith.constant 64 : i32
              %mul3A_153 = arith.muli %add3A_106, %mul3A_152 : i32
              %mul3A_154 = arith.constant 16 : i32
              %mul3A_155 = arith.muli %scan3A_132, %mul3A_154 : i32
              %add3A_156 = arith.addi %mul3A_153, %mul3A_155 : i32
              %get3A_157 = arith.index_cast %add3A_156 : i32 to index
              %get3A_158 = tpu.vector_load %arg11[%get3A_157] {strides = array<i32>} : memref<1024xi32, #tpu.memory_space<vmem>>, vector<16xi32>,
              %mul3A_159 = arith.constant 16 : i32
              %mul3A_160 = arith.muli %scan3A_132, %mul3A_159 : i32
              %swap3A_161 = arith.constant 1 : i32
              %swap3A_162 = arith.index_cast %swap3A_161 : i32 to index
              %swap3A_163 = arith.index_cast %mul3A_160 : i32 to index
              %swap3A_164 = tpu.vector_load %arg13[%swap3A_162, %swap3A_163] {strides = array<i32>} : memref<2x64xi32, #tpu.memory_space<vmem>>, vector<16xi32>,
              tpu.vector_store %arg13[%swap3A_162, %swap3A_163], %get3A_158 {strides = array<i32>} : memref<2x64xi32, #tpu.memory_space<vmem>>, vector<16xi32>,
            }
            %scan3A_112 = arith.constant 4 : i32
            %dma_start3A = arith.constant 1 : i32
            %dma_start3A_113 = arith.constant 64 : i32
            %dma_start3A_114 = arith.constant 0 : i32
            %dma_start3A_115 = tpu.memref_slice %arg16[%dma_start3A_113, %dma_start3A_114] : memref<128x72xf32, #tpu.memory_space<vmem>> -> memref<64x72xf32, #tpu.memory_space<vmem>>
            %dma_start3A_116 = arith.constant 0 : i32
            %dma_start3A_117 = tpu.memref_slice %arg13[%dma_start3A, %dma_start3A_116] : memref<2x64xi32, #tpu.memory_space<vmem>> -> memref<1x64xi32, #tpu.memory_space<vmem>>
            %dma_start3A_118 = tpu.memref_squeeze %dma_start3A_117 : memref<1x64xi32, #tpu.memory_space<vmem>> -> memref<64xi32, #tpu.memory_space<vmem>>
            %dma_start3A_119 = arith.constant 0 : i32
            %dma_start3A_120 = arith.constant 0 : i32
            %dma_start3A_121 = tpu.memref_slice %arg4[%dma_start3A_119, %dma_start3A_120] : memref<50000x72xf32, #tpu.memory_space<hbm>> -> memref<50000x72xf32, #tpu.memory_space<hbm>>
            tpu.enqueue_indirect_dma source(%dma_start3A_121 : memref<50000x72xf32, #tpu.memory_space<hbm>>) target(%dma_start3A_115 : memref<64x72xf32, #tpu.memory_space<vmem>>) offsets(%dma_start3A_118 : memref<64xi32, #tpu.memory_space<vmem>>) semaphore(%arg19 : memref<!tpu.dma_semaphore, #tpu.memory_space<semaphore_mem>>)
            %dma_start3A_122 = arith.constant 1 : i32
            %dma_start3A_123 = arith.constant 64 : i32
            %dma_start3A_124 = arith.constant 0 : i32
            %dma_start3A_125 = tpu.memref_slice %arg17[%dma_start3A_123, %dma_start3A_124] : memref<128x16xf32, #tpu.memory_space<vmem>> -> memref<64x16xf32, #tpu.memory_space<vmem>>
            %dma_start3A_126 = arith.constant 0 : i32
            %dma_start3A_127 = tpu.memref_slice %arg14[%dma_start3A_122, %dma_start3A_126] : memref<2x64xi32, #tpu.memory_space<vmem>> -> memref<1x64xi32, #tpu.memory_space<vmem>>
            %dma_start3A_128 = tpu.memref_squeeze %dma_start3A_127 : memref<1x64xi32, #tpu.memory_space<vmem>> -> memref<64xi32, #tpu.memory_space<vmem>>
            %dma_start3A_129 = arith.constant 0 : i32
            %dma_start3A_130 = arith.constant 0 : i32
            %dma_start3A_131 = tpu.memref_slice %arg5[%dma_start3A_129, %dma_start3A_130] : memref<50000x16xf32, #tpu.memory_space<hbm>> -> memref<50000x16xf32, #tpu.memory_space<hbm>>
            tpu.enqueue_indirect_dma source(%dma_start3A_131 : memref<50000x16xf32, #tpu.memory_space<hbm>>) target(%dma_start3A_125 : memref<64x16xf32, #tpu.memory_space<vmem>>) offsets(%dma_start3A_128 : memref<64xi32, #tpu.memory_space<vmem>>) semaphore(%arg19 : memref<!tpu.dma_semaphore, #tpu.memory_space<semaphore_mem>>)
          } else {
          }
        } else {
        }
      }
      %while3A_65 = arith.constant 1 : i32
      scf.for %while3A_66 = %while3A_63 to %while3A_59 step %while3A_65  : i32 {
        %mul3A_67 = arith.constant 2 : i32
        %mul3A_68 = arith.muli %mul3A_67, %while3A_66 : i32
        %lt3A = arith.cmpi slt, %mul3A_68, %shift_right_arithmetic3A_43 : i32
        %convert_element_type3A_69 = arith.extui %lt3A : i1 to i32
        %cond3A_70 = arith.constant 0 : i32
        %cond3A_71 = arith.cmpi ne, %convert_element_type3A_69, %cond3A_70 : i32
        scf.if %cond3A_71 {
          %dma_wait3A = arith.constant 0 : i32
          %dma_wait3A_78 = arith.constant 0 : i32
          %dma_wait3A_79 = arith.constant 0 : i32
          %dma_wait3A_80 = tpu.memref_slice %arg16[%dma_wait3A_78, %dma_wait3A_79] : memref<128x72xf32, #tpu.memory_space<vmem>> -> memref<64x72xf32, #tpu.memory_space<vmem>>
          %dma_wait3A_81 = arith.constant 0 : i32
          %dma_wait3A_82 = tpu.memref_slice %arg13[%dma_wait3A, %dma_wait3A_81] : memref<2x64xi32, #tpu.memory_space<vmem>> -> memref<1x64xi32, #tpu.memory_space<vmem>>
          %dma_wait3A_83 = tpu.memref_squeeze %dma_wait3A_82 : memref<1x64xi32, #tpu.memory_space<vmem>> -> memref<64xi32, #tpu.memory_space<vmem>>
          %dma_wait3A_84 = arith.constant 0 : i32
          %dma_wait3A_85 = arith.constant 0 : i32
          %dma_wait3A_86 = tpu.memref_slice %arg4[%dma_wait3A_84, %dma_wait3A_85] : memref<50000x72xf32, #tpu.memory_space<hbm>> -> memref<50000x72xf32, #tpu.memory_space<hbm>>
          tpu.wait_indirect_dma semaphore(%arg18 : memref<!tpu.dma_semaphore, #tpu.memory_space<semaphore_mem>>) src(%dma_wait3A_86 : memref<50000x72xf32, #tpu.memory_space<hbm>>) dst(%dma_wait3A_80 : memref<64x72xf32, #tpu.memory_space<vmem>>)
          %dma_wait3A_87 = arith.constant 0 : i32
          %dma_wait3A_88 = arith.constant 0 : i32
          %dma_wait3A_89 = arith.constant 0 : i32
          %dma_wait3A_90 = tpu.memref_slice %arg17[%dma_wait3A_88, %dma_wait3A_89] : memref<128x16xf32, #tpu.memory_space<vmem>> -> memref<64x16xf32, #tpu.memory_space<vmem>>
          %dma_wait3A_91 = arith.constant 0 : i32
          %dma_wait3A_92 = tpu.memref_slice %arg14[%dma_wait3A_87, %dma_wait3A_91] : memref<2x64xi32, #tpu.memory_space<vmem>> -> memref<1x64xi32, #tpu.memory_space<vmem>>
          %dma_wait3A_93 = tpu.memref_squeeze %dma_wait3A_92 : memref<1x64xi32, #tpu.memory_space<vmem>> -> memref<64xi32, #tpu.memory_space<vmem>>
          %dma_wait3A_94 = arith.constant 0 : i32
          %dma_wait3A_95 = arith.constant 0 : i32
          %dma_wait3A_96 = tpu.memref_slice %arg5[%dma_wait3A_94, %dma_wait3A_95] : memref<50000x16xf32, #tpu.memory_space<hbm>> -> memref<50000x16xf32, #tpu.memory_space<hbm>>
          tpu.wait_indirect_dma semaphore(%arg18 : memref<!tpu.dma_semaphore, #tpu.memory_space<semaphore_mem>>) src(%dma_wait3A_96 : memref<50000x16xf32, #tpu.memory_space<hbm>>) dst(%dma_wait3A_90 : memref<64x16xf32, #tpu.memory_space<vmem>>)
          %parallel_loop3A = arith.constant 0 : i32
          %parallel_loop3A_97 = arith.constant 32 : i32
          %parallel_loop3A_98 = arith.constant 1 : i32
          scf.for %parallel_loop3A_105 = %parallel_loop3A to %parallel_loop3A_97 step %parallel_loop3A_98  : i32 {
            %parallel_loop3A_106 = arith.constant 2 : i32
            %parallel_loop3A_107 = arith.muli %parallel_loop3A_106, %parallel_loop3A_105 : i32
            %parallel_loop3A_108 = arith.constant 0 : i32
            %parallel_loop3A_109 = arith.addi %parallel_loop3A_108, %parallel_loop3A_107 : i32
            %parallel_loop3A_110 = vector.broadcast %parallel_loop3A_109 : i32 to vector<16xi32>
            %parallel_loop3A_111 = arith.addi %parallel_loop3A_110, %shift_right_arithmetic3A_4 : vector<16xi32>
            %parallel_loop3A_112 = arith.constant 64 : i32
            %parallel_loop3A_113 = vector.broadcast %parallel_loop3A_112 : i32 to vector<16xi32>
            %parallel_loop3A_114 = arith.addi %parallel_loop3A_113, %and3A_2 : vector<16xi32>
            %parallel_loop3A_115 = tpu.vector_load_idx %arg16[%parallel_loop3A_111, %parallel_loop3A_114] : memref<128x72xf32, #tpu.memory_space<vmem>>[vector<16xi32>, vector<16xi32>], vector<16xf32>,
            %parallel_loop3A_116 = arith.constant 8 : i32
            %parallel_loop3A_117 = vector.broadcast %parallel_loop3A_116 : i32 to vector<16xi32>
            %parallel_loop3A_118 = arith.addi %and3A_2, %parallel_loop3A_117 : vector<16xi32>
            %parallel_loop3A_119 = tpu.vector_load_idx %arg17[%parallel_loop3A_111, %parallel_loop3A_118] : memref<128x16xf32, #tpu.memory_space<vmem>>[vector<16xi32>, vector<16xi32>], vector<16xf32>,
            %parallel_loop3A_120 = arith.addf %parallel_loop3A_115, %parallel_loop3A_119 : vector<16xf32>
            %parallel_loop3A_121 = arith.constant 0.000000e+00 : f32
            %parallel_loop3A_122 = vector.broadcast %parallel_loop3A_121 : f32 to vector<16xf32>
            %parallel_loop3A_123 = arith.cmpf oge, %parallel_loop3A_120, %parallel_loop3A_122 : vector<16xf32>
            %parallel_loop3A_124 = arith.constant 2.000000e-01 : f32
            %parallel_loop3A_125 = vector.broadcast %parallel_loop3A_124 : f32 to vector<16xf32>
            %parallel_loop3A_126 = arith.mulf %parallel_loop3A_125, %parallel_loop3A_120 : vector<16xf32>
            %parallel_loop3A_127 = arith.select %parallel_loop3A_123, %parallel_loop3A_120, %parallel_loop3A_126 : vector<16xi1>, vector<16xf32>
            %parallel_loop3A_128 = math.exp %parallel_loop3A_127 : vector<16xf32>
            %parallel_loop3A_129 = arith.constant 64 : i32
            %parallel_loop3A_130 = vector.broadcast %parallel_loop3A_129 : i32 to vector<16xi32>
            %parallel_loop3A_131 = arith.addi %parallel_loop3A_130, %and3A_2 : vector<16xi32>
            tpu.vector_store_idx %arg16[%parallel_loop3A_111, %parallel_loop3A_131], %parallel_loop3A_128 : memref<128x72xf32, #tpu.memory_space<vmem>>[vector<16xi32>, vector<16xi32>], vector<16xf32>,
            %parallel_loop3A_132 = arith.constant 0 : i32
            %parallel_loop3A_133 = vector.broadcast %parallel_loop3A_132 : i32 to vector<16xi32>
            %parallel_loop3A_134 = arith.addi %parallel_loop3A_133, %shift_right_arithmetic3A_4 : vector<16xi32>
            %parallel_loop3A_135 = arith.constant 0 : i32
            %parallel_loop3A_136 = vector.broadcast %parallel_loop3A_135 : i32 to vector<16xi32>
            %parallel_loop3A_137 = arith.cmpi slt, %parallel_loop3A_134, %parallel_loop3A_136 : vector<16xi32>
            %parallel_loop3A_138 = arith.constant 16 : i32
            %parallel_loop3A_139 = vector.broadcast %parallel_loop3A_138 : i32 to vector<16xi32>
            %parallel_loop3A_140 = arith.addi %parallel_loop3A_134, %parallel_loop3A_139 : vector<16xi32>
            %parallel_loop3A_141 = arith.select %parallel_loop3A_137, %parallel_loop3A_140, %parallel_loop3A_134 : vector<16xi1>, vector<16xi32>
            %parallel_loop3A_142 = vector.shape_cast %parallel_loop3A_141 : vector<16xi32> to vector<16x1xi32>
            %parallel_loop3A_143 = vector.shape_cast %parallel_loop3A_142 : vector<16x1xi32> to vector<16xi32>
            %parallel_loop3A_144 = tpu.dynamic_gather %parallel_loop3A_128[%parallel_loop3A_143] in [0] : vector<16xf32>, vector<16xi32> -> vector<16xf32>
            %parallel_loop3A_145 = arith.constant 8 : i32
            %parallel_loop3A_146 = vector.broadcast %parallel_loop3A_145 : i32 to vector<16xi32>
            %parallel_loop3A_147 = arith.addi %parallel_loop3A_146, %shift_right_arithmetic3A_4 : vector<16xi32>
            %parallel_loop3A_148 = arith.constant 0 : i32
            %parallel_loop3A_149 = vector.broadcast %parallel_loop3A_148 : i32 to vector<16xi32>
            %parallel_loop3A_150 = arith.cmpi slt, %parallel_loop3A_147, %parallel_loop3A_149 : vector<16xi32>
            %parallel_loop3A_151 = arith.constant 16 : i32
            %parallel_loop3A_152 = vector.broadcast %parallel_loop3A_151 : i32 to vector<16xi32>
            %parallel_loop3A_153 = arith.addi %parallel_loop3A_147, %parallel_loop3A_152 : vector<16xi32>
            %parallel_loop3A_154 = arith.select %parallel_loop3A_150, %parallel_loop3A_153, %parallel_loop3A_147 : vector<16xi1>, vector<16xi32>
            %parallel_loop3A_155 = vector.shape_cast %parallel_loop3A_154 : vector<16xi32> to vector<16x1xi32>
            %parallel_loop3A_156 = vector.shape_cast %parallel_loop3A_155 : vector<16x1xi32> to vector<16xi32>
            %parallel_loop3A_157 = tpu.dynamic_gather %parallel_loop3A_128[%parallel_loop3A_156] in [0] : vector<16xf32>, vector<16xi32> -> vector<16xf32>
            %parallel_loop3A_158 = arith.index_cast %parallel_loop3A_109 : i32 to index
            %parallel_loop3A_159 = arith.constant 0 : index
            %parallel_loop3A_160 = tpu.vector_load %arg16[%parallel_loop3A_158, %parallel_loop3A_159] {strides = array<i32>} : memref<128x72xf32, #tpu.memory_space<vmem>>, vector<16xf32>,
            %parallel_loop3A_161 = arith.constant 1 : i32
            %parallel_loop3A_162 = arith.addi %parallel_loop3A_109, %parallel_loop3A_161 : i32
            %parallel_loop3A_163 = arith.index_cast %parallel_loop3A_162 : i32 to index
            %parallel_loop3A_164 = arith.constant 0 : index
            %parallel_loop3A_165 = tpu.vector_load %arg16[%parallel_loop3A_163, %parallel_loop3A_164] {strides = array<i32>} : memref<128x72xf32, #tpu.memory_space<vmem>>, vector<16xf32>,
            %parallel_loop3A_166 = arith.mulf %parallel_loop3A_160, %parallel_loop3A_144 : vector<16xf32>
            %parallel_loop3A_167 = arith.index_cast %parallel_loop3A_109 : i32 to index
            %parallel_loop3A_168 = arith.constant 0 : index
            %parallel_loop3A_169 = tpu.vector_load %arg16[%parallel_loop3A_167, %parallel_loop3A_168] {strides = array<i32>} : memref<128x72xf32, #tpu.memory_space<vmem>>, vector<16xf32>,
            tpu.vector_store %arg16[%parallel_loop3A_167, %parallel_loop3A_168], %parallel_loop3A_166 {strides = array<i32>} : memref<128x72xf32, #tpu.memory_space<vmem>>, vector<16xf32>,
            %parallel_loop3A_170 = arith.mulf %parallel_loop3A_165, %parallel_loop3A_157 : vector<16xf32>
            %parallel_loop3A_171 = arith.constant 1 : i32
            %parallel_loop3A_172 = arith.addi %parallel_loop3A_109, %parallel_loop3A_171 : i32
            %parallel_loop3A_173 = arith.index_cast %parallel_loop3A_172 : i32 to index
            %parallel_loop3A_174 = arith.constant 0 : index
            %parallel_loop3A_175 = tpu.vector_load %arg16[%parallel_loop3A_173, %parallel_loop3A_174] {strides = array<i32>} : memref<128x72xf32, #tpu.memory_space<vmem>>, vector<16xf32>,
            tpu.vector_store %arg16[%parallel_loop3A_173, %parallel_loop3A_174], %parallel_loop3A_170 {strides = array<i32>} : memref<128x72xf32, #tpu.memory_space<vmem>>, vector<16xf32>,
            %parallel_loop3A_176 = arith.constant 2 : i32
            %parallel_loop3A_177 = vector.broadcast %parallel_loop3A_176 : i32 to vector<16xi32>
            %parallel_loop3A_178 = arith.addi %parallel_loop3A_177, %shift_right_arithmetic3A_4 : vector<16xi32>
            %parallel_loop3A_179 = arith.constant 0 : i32
            %parallel_loop3A_180 = vector.broadcast %parallel_loop3A_179 : i32 to vector<16xi32>
            %parallel_loop3A_181 = arith.cmpi slt, %parallel_loop3A_178, %parallel_loop3A_180 : vector<16xi32>
            %parallel_loop3A_182 = arith.constant 16 : i32
            %parallel_loop3A_183 = vector.broadcast %parallel_loop3A_182 : i32 to vector<16xi32>
            %parallel_loop3A_184 = arith.addi %parallel_loop3A_178, %parallel_loop3A_183 : vector<16xi32>
            %parallel_loop3A_185 = arith.select %parallel_loop3A_181, %parallel_loop3A_184, %parallel_loop3A_178 : vector<16xi1>, vector<16xi32>
            %parallel_loop3A_186 = vector.shape_cast %parallel_loop3A_185 : vector<16xi32> to vector<16x1xi32>
            %parallel_loop3A_187 = vector.shape_cast %parallel_loop3A_186 : vector<16x1xi32> to vector<16xi32>
            %parallel_loop3A_188 = tpu.dynamic_gather %parallel_loop3A_128[%parallel_loop3A_187] in [0] : vector<16xf32>, vector<16xi32> -> vector<16xf32>
            %parallel_loop3A_189 = arith.constant 10 : i32
            %parallel_loop3A_190 = vector.broadcast %parallel_loop3A_189 : i32 to vector<16xi32>
            %parallel_loop3A_191 = arith.addi %parallel_loop3A_190, %shift_right_arithmetic3A_4 : vector<16xi32>
            %parallel_loop3A_192 = arith.constant 0 : i32
            %parallel_loop3A_193 = vector.broadcast %parallel_loop3A_192 : i32 to vector<16xi32>
            %parallel_loop3A_194 = arith.cmpi slt, %parallel_loop3A_191, %parallel_loop3A_193 : vector<16xi32>
            %parallel_loop3A_195 = arith.constant 16 : i32
            %parallel_loop3A_196 = vector.broadcast %parallel_loop3A_195 : i32 to vector<16xi32>
            %parallel_loop3A_197 = arith.addi %parallel_loop3A_191, %parallel_loop3A_196 : vector<16xi32>
            %parallel_loop3A_198 = arith.select %parallel_loop3A_194, %parallel_loop3A_197, %parallel_loop3A_191 : vector<16xi1>, vector<16xi32>
            %parallel_loop3A_199 = vector.shape_cast %parallel_loop3A_198 : vector<16xi32> to vector<16x1xi32>
            %parallel_loop3A_200 = vector.shape_cast %parallel_loop3A_199 : vector<16x1xi32> to vector<16xi32>
            %parallel_loop3A_201 = tpu.dynamic_gather %parallel_loop3A_128[%parallel_loop3A_200] in [0] : vector<16xf32>, vector<16xi32> -> vector<16xf32>
            %parallel_loop3A_202 = arith.index_cast %parallel_loop3A_109 : i32 to index
            %parallel_loop3A_203 = arith.constant 16 : index
            %parallel_loop3A_204 = tpu.vector_load %arg16[%parallel_loop3A_202, %parallel_loop3A_203] {strides = array<i32>} : memref<128x72xf32, #tpu.memory_space<vmem>>, vector<16xf32>,
            %parallel_loop3A_205 = arith.constant 1 : i32
            %parallel_loop3A_206 = arith.addi %parallel_loop3A_109, %parallel_loop3A_205 : i32
            %parallel_loop3A_207 = arith.index_cast %parallel_loop3A_206 : i32 to index
            %parallel_loop3A_208 = arith.constant 16 : index
            %parallel_loop3A_209 = tpu.vector_load %arg16[%parallel_loop3A_207, %parallel_loop3A_208] {strides = array<i32>} : memref<128x72xf32, #tpu.memory_space<vmem>>, vector<16xf32>,
            %parallel_loop3A_210 = arith.mulf %parallel_loop3A_204, %parallel_loop3A_188 : vector<16xf32>
            %parallel_loop3A_211 = arith.index_cast %parallel_loop3A_109 : i32 to index
            %parallel_loop3A_212 = arith.constant 16 : index
            %parallel_loop3A_213 = tpu.vector_load %arg16[%parallel_loop3A_211, %parallel_loop3A_212] {strides = array<i32>} : memref<128x72xf32, #tpu.memory_space<vmem>>, vector<16xf32>,
            tpu.vector_store %arg16[%parallel_loop3A_211, %parallel_loop3A_212], %parallel_loop3A_210 {strides = array<i32>} : memref<128x72xf32, #tpu.memory_space<vmem>>, vector<16xf32>,
            %parallel_loop3A_214 = arith.mulf %parallel_loop3A_209, %parallel_loop3A_201 : vector<16xf32>
            %parallel_loop3A_215 = arith.constant 1 : i32
            %parallel_loop3A_216 = arith.addi %parallel_loop3A_109, %parallel_loop3A_215 : i32
            %parallel_loop3A_217 = arith.index_cast %parallel_loop3A_216 : i32 to index
            %parallel_loop3A_218 = arith.constant 16 : index
            %parallel_loop3A_219 = tpu.vector_load %arg16[%parallel_loop3A_217, %parallel_loop3A_218] {strides = array<i32>} : memref<128x72xf32, #tpu.memory_space<vmem>>, vector<16xf32>,
            tpu.vector_store %arg16[%parallel_loop3A_217, %parallel_loop3A_218], %parallel_loop3A_214 {strides = array<i32>} : memref<128x72xf32, #tpu.memory_space<vmem>>, vector<16xf32>,
            %parallel_loop3A_220 = arith.constant 4 : i32
            %parallel_loop3A_221 = vector.broadcast %parallel_loop3A_220 : i32 to vector<16xi32>
            %parallel_loop3A_222 = arith.addi %parallel_loop3A_221, %shift_right_arithmetic3A_4 : vector<16xi32>
            %parallel_loop3A_223 = arith.constant 0 : i32
            %parallel_loop3A_224 = vector.broadcast %parallel_loop3A_223 : i32 to vector<16xi32>
            %parallel_loop3A_225 = arith.cmpi slt, %parallel_loop3A_222, %parallel_loop3A_224 : vector<16xi32>
            %parallel_loop3A_226 = arith.constant 16 : i32
            %parallel_loop3A_227 = vector.broadcast %parallel_loop3A_226 : i32 to vector<16xi32>
            %parallel_loop3A_228 = arith.addi %parallel_loop3A_222, %parallel_loop3A_227 : vector<16xi32>
            %parallel_loop3A_229 = arith.select %parallel_loop3A_225, %parallel_loop3A_228, %parallel_loop3A_222 : vector<16xi1>, vector<16xi32>
            %parallel_loop3A_230 = vector.shape_cast %parallel_loop3A_229 : vector<16xi32> to vector<16x1xi32>
            %parallel_loop3A_231 = vector.shape_cast %parallel_loop3A_230 : vector<16x1xi32> to vector<16xi32>
            %parallel_loop3A_232 = tpu.dynamic_gather %parallel_loop3A_128[%parallel_loop3A_231] in [0] : vector<16xf32>, vector<16xi32> -> vector<16xf32>
            %parallel_loop3A_233 = arith.constant 12 : i32
            %parallel_loop3A_234 = vector.broadcast %parallel_loop3A_233 : i32 to vector<16xi32>
            %parallel_loop3A_235 = arith.addi %parallel_loop3A_234, %shift_right_arithmetic3A_4 : vector<16xi32>
            %parallel_loop3A_236 = arith.constant 0 : i32
            %parallel_loop3A_237 = vector.broadcast %parallel_loop3A_236 : i32 to vector<16xi32>
            %parallel_loop3A_238 = arith.cmpi slt, %parallel_loop3A_235, %parallel_loop3A_237 : vector<16xi32>
            %parallel_loop3A_239 = arith.constant 16 : i32
            %parallel_loop3A_240 = vector.broadcast %parallel_loop3A_239 : i32 to vector<16xi32>
            %parallel_loop3A_241 = arith.addi %parallel_loop3A_235, %parallel_loop3A_240 : vector<16xi32>
            %parallel_loop3A_242 = arith.select %parallel_loop3A_238, %parallel_loop3A_241, %parallel_loop3A_235 : vector<16xi1>, vector<16xi32>
            %parallel_loop3A_243 = vector.shape_cast %parallel_loop3A_242 : vector<16xi32> to vector<16x1xi32>
            %parallel_loop3A_244 = vector.shape_cast %parallel_loop3A_243 : vector<16x1xi32> to vector<16xi32>
            %parallel_loop3A_245 = tpu.dynamic_gather %parallel_loop3A_128[%parallel_loop3A_244] in [0] : vector<16xf32>, vector<16xi32> -> vector<16xf32>
            %parallel_loop3A_246 = arith.index_cast %parallel_loop3A_109 : i32 to index
            %parallel_loop3A_247 = arith.constant 32 : index
            %parallel_loop3A_248 = tpu.vector_load %arg16[%parallel_loop3A_246, %parallel_loop3A_247] {strides = array<i32>} : memref<128x72xf32, #tpu.memory_space<vmem>>, vector<16xf32>,
            %parallel_loop3A_249 = arith.constant 1 : i32
            %parallel_loop3A_250 = arith.addi %parallel_loop3A_109, %parallel_loop3A_249 : i32
            %parallel_loop3A_251 = arith.index_cast %parallel_loop3A_250 : i32 to index
            %parallel_loop3A_252 = arith.constant 32 : index
            %parallel_loop3A_253 = tpu.vector_load %arg16[%parallel_loop3A_251, %parallel_loop3A_252] {strides = array<i32>} : memref<128x72xf32, #tpu.memory_space<vmem>>, vector<16xf32>,
            %parallel_loop3A_254 = arith.mulf %parallel_loop3A_248, %parallel_loop3A_232 : vector<16xf32>
            %parallel_loop3A_255 = arith.index_cast %parallel_loop3A_109 : i32 to index
            %parallel_loop3A_256 = arith.constant 32 : index
            %parallel_loop3A_257 = tpu.vector_load %arg16[%parallel_loop3A_255, %parallel_loop3A_256] {strides = array<i32>} : memref<128x72xf32, #tpu.memory_space<vmem>>, vector<16xf32>,
            tpu.vector_store %arg16[%parallel_loop3A_255, %parallel_loop3A_256], %parallel_loop3A_254 {strides = array<i32>} : memref<128x72xf32, #tpu.memory_space<vmem>>, vector<16xf32>,
            %parallel_loop3A_258 = arith.mulf %parallel_loop3A_253, %parallel_loop3A_245 : vector<16xf32>
            %parallel_loop3A_259 = arith.constant 1 : i32
            %parallel_loop3A_260 = arith.addi %parallel_loop3A_109, %parallel_loop3A_259 : i32
            %parallel_loop3A_261 = arith.index_cast %parallel_loop3A_260 : i32 to index
            %parallel_loop3A_262 = arith.constant 32 : index
            %parallel_loop3A_263 = tpu.vector_load %arg16[%parallel_loop3A_261, %parallel_loop3A_262] {strides = array<i32>} : memref<128x72xf32, #tpu.memory_space<vmem>>, vector<16xf32>,
            tpu.vector_store %arg16[%parallel_loop3A_261, %parallel_loop3A_262], %parallel_loop3A_258 {strides = array<i32>} : memref<128x72xf32, #tpu.memory_space<vmem>>, vector<16xf32>,
            %parallel_loop3A_264 = arith.constant 6 : i32
            %parallel_loop3A_265 = vector.broadcast %parallel_loop3A_264 : i32 to vector<16xi32>
            %parallel_loop3A_266 = arith.addi %parallel_loop3A_265, %shift_right_arithmetic3A_4 : vector<16xi32>
            %parallel_loop3A_267 = arith.constant 0 : i32
            %parallel_loop3A_268 = vector.broadcast %parallel_loop3A_267 : i32 to vector<16xi32>
            %parallel_loop3A_269 = arith.cmpi slt, %parallel_loop3A_266, %parallel_loop3A_268 : vector<16xi32>
            %parallel_loop3A_270 = arith.constant 16 : i32
            %parallel_loop3A_271 = vector.broadcast %parallel_loop3A_270 : i32 to vector<16xi32>
            %parallel_loop3A_272 = arith.addi %parallel_loop3A_266, %parallel_loop3A_271 : vector<16xi32>
            %parallel_loop3A_273 = arith.select %parallel_loop3A_269, %parallel_loop3A_272, %parallel_loop3A_266 : vector<16xi1>, vector<16xi32>
            %parallel_loop3A_274 = vector.shape_cast %parallel_loop3A_273 : vector<16xi32> to vector<16x1xi32>
            %parallel_loop3A_275 = vector.shape_cast %parallel_loop3A_274 : vector<16x1xi32> to vector<16xi32>
            %parallel_loop3A_276 = tpu.dynamic_gather %parallel_loop3A_128[%parallel_loop3A_275] in [0] : vector<16xf32>, vector<16xi32> -> vector<16xf32>
            %parallel_loop3A_277 = arith.constant 14 : i32
            %parallel_loop3A_278 = vector.broadcast %parallel_loop3A_277 : i32 to vector<16xi32>
            %parallel_loop3A_279 = arith.addi %parallel_loop3A_278, %shift_right_arithmetic3A_4 : vector<16xi32>
            %parallel_loop3A_280 = arith.constant 0 : i32
            %parallel_loop3A_281 = vector.broadcast %parallel_loop3A_280 : i32 to vector<16xi32>
            %parallel_loop3A_282 = arith.cmpi slt, %parallel_loop3A_279, %parallel_loop3A_281 : vector<16xi32>
            %parallel_loop3A_283 = arith.constant 16 : i32
            %parallel_loop3A_284 = vector.broadcast %parallel_loop3A_283 : i32 to vector<16xi32>
            %parallel_loop3A_285 = arith.addi %parallel_loop3A_279, %parallel_loop3A_284 : vector<16xi32>
            %parallel_loop3A_286 = arith.select %parallel_loop3A_282, %parallel_loop3A_285, %parallel_loop3A_279 : vector<16xi1>, vector<16xi32>
            %parallel_loop3A_287 = vector.shape_cast %parallel_loop3A_286 : vector<16xi32> to vector<16x1xi32>
            %parallel_loop3A_288 = vector.shape_cast %parallel_loop3A_287 : vector<16x1xi32> to vector<16xi32>
            %parallel_loop3A_289 = tpu.dynamic_gather %parallel_loop3A_128[%parallel_loop3A_288] in [0] : vector<16xf32>, vector<16xi32> -> vector<16xf32>
            %parallel_loop3A_290 = arith.index_cast %parallel_loop3A_109 : i32 to index
            %parallel_loop3A_291 = arith.constant 48 : index
            %parallel_loop3A_292 = tpu.vector_load %arg16[%parallel_loop3A_290, %parallel_loop3A_291] {strides = array<i32>} : memref<128x72xf32, #tpu.memory_space<vmem>>, vector<16xf32>,
            %parallel_loop3A_293 = arith.constant 1 : i32
            %parallel_loop3A_294 = arith.addi %parallel_loop3A_109, %parallel_loop3A_293 : i32
            %parallel_loop3A_295 = arith.index_cast %parallel_loop3A_294 : i32 to index
            %parallel_loop3A_296 = arith.constant 48 : index
            %parallel_loop3A_297 = tpu.vector_load %arg16[%parallel_loop3A_295, %parallel_loop3A_296] {strides = array<i32>} : memref<128x72xf32, #tpu.memory_space<vmem>>, vector<16xf32>,
            %parallel_loop3A_298 = arith.mulf %parallel_loop3A_292, %parallel_loop3A_276 : vector<16xf32>
            %parallel_loop3A_299 = arith.index_cast %parallel_loop3A_109 : i32 to index
            %parallel_loop3A_300 = arith.constant 48 : index
            %parallel_loop3A_301 = tpu.vector_load %arg16[%parallel_loop3A_299, %parallel_loop3A_300] {strides = array<i32>} : memref<128x72xf32, #tpu.memory_space<vmem>>, vector<16xf32>,
            tpu.vector_store %arg16[%parallel_loop3A_299, %parallel_loop3A_300], %parallel_loop3A_298 {strides = array<i32>} : memref<128x72xf32, #tpu.memory_space<vmem>>, vector<16xf32>,
            %parallel_loop3A_302 = arith.mulf %parallel_loop3A_297, %parallel_loop3A_289 : vector<16xf32>
            %parallel_loop3A_303 = arith.constant 1 : i32
            %parallel_loop3A_304 = arith.addi %parallel_loop3A_109, %parallel_loop3A_303 : i32
            %parallel_loop3A_305 = arith.index_cast %parallel_loop3A_304 : i32 to index
            %parallel_loop3A_306 = arith.constant 48 : index
            %parallel_loop3A_307 = tpu.vector_load %arg16[%parallel_loop3A_305, %parallel_loop3A_306] {strides = array<i32>} : memref<128x72xf32, #tpu.memory_space<vmem>>, vector<16xf32>,
            tpu.vector_store %arg16[%parallel_loop3A_305, %parallel_loop3A_306], %parallel_loop3A_302 {strides = array<i32>} : memref<128x72xf32, #tpu.memory_space<vmem>>, vector<16xf32>,
          } {sc.loop_unroll_factor = 4 : i64, sc.parallel_access}
          %run_scoped3A = arith.constant 0 : i32
          "tpu.region"() ({
            %run_scoped3A_105 = tpu.sem_alloc : memref<!tpu.dma_semaphore, #tpu.memory_space<semaphore_mem>>
            %dma_start3A = arith.constant 0 : i32
            %dma_start3A_106 = arith.constant 0 : i32
            %dma_start3A_107 = tpu.memref_slice %arg16[%dma_start3A, %dma_start3A_106] : memref<128x72xf32, #tpu.memory_space<vmem>> -> memref<64x72xf32, #tpu.memory_space<vmem>>
            %dma_start3A_108 = arith.constant 0 : i32
            %dma_start3A_109 = tpu.memref_slice %arg15[%run_scoped3A, %dma_start3A_108] : memref<2x64xi32, #tpu.memory_space<vmem>> -> memref<1x64xi32, #tpu.memory_space<vmem>>
            %dma_start3A_110 = tpu.memref_squeeze %dma_start3A_109 : memref<1x64xi32, #tpu.memory_space<vmem>> -> memref<64xi32, #tpu.memory_space<vmem>>
            %dma_start3A_111 = arith.constant 0 : i32
            %dma_start3A_112 = arith.constant 0 : i32
            %dma_start3A_113 = tpu.memref_slice %arg8[%dma_start3A_111, %dma_start3A_112] : memref<25096x72xf32, #tpu.memory_space<vmem_shared>> -> memref<25096x72xf32, #tpu.memory_space<vmem_shared>>
            tpu.enqueue_indirect_dma source(%dma_start3A_107 : memref<64x72xf32, #tpu.memory_space<vmem>>) target(%dma_start3A_113 : memref<25096x72xf32, #tpu.memory_space<vmem_shared>>) offsets(%dma_start3A_110 : memref<64xi32, #tpu.memory_space<vmem>>) semaphore(%run_scoped3A_105 : memref<!tpu.dma_semaphore, #tpu.memory_space<semaphore_mem>>) {add = true}
            %dma_wait3A_114 = arith.constant 0 : i32
            %dma_wait3A_115 = arith.constant 0 : i32
            %dma_wait3A_116 = tpu.memref_slice %arg16[%dma_wait3A_114, %dma_wait3A_115] : memref<128x72xf32, #tpu.memory_space<vmem>> -> memref<64x72xf32, #tpu.memory_space<vmem>>
            %dma_wait3A_117 = arith.constant 0 : i32
            %dma_wait3A_118 = tpu.memref_slice %arg15[%run_scoped3A, %dma_wait3A_117] : memref<2x64xi32, #tpu.memory_space<vmem>> -> memref<1x64xi32, #tpu.memory_space<vmem>>
            %dma_wait3A_119 = tpu.memref_squeeze %dma_wait3A_118 : memref<1x64xi32, #tpu.memory_space<vmem>> -> memref<64xi32, #tpu.memory_space<vmem>>
            %dma_wait3A_120 = arith.constant 0 : i32
            %dma_wait3A_121 = arith.constant 0 : i32
            %dma_wait3A_122 = tpu.memref_slice %arg8[%dma_wait3A_120, %dma_wait3A_121] : memref<25096x72xf32, #tpu.memory_space<vmem_shared>> -> memref<25096x72xf32, #tpu.memory_space<vmem_shared>>
            tpu.wait_indirect_dma semaphore(%run_scoped3A_105 : memref<!tpu.dma_semaphore, #tpu.memory_space<semaphore_mem>>) src(%dma_wait3A_116 : memref<64x72xf32, #tpu.memory_space<vmem>>) dst(%dma_wait3A_122 : memref<25096x72xf32, #tpu.memory_space<vmem_shared>>)
            tpu.yield
          }) : () -> ()
          %add3A_99 = arith.constant 2 : i32
          %add3A_100 = arith.addi %mul3A_68, %add3A_99 : i32
          %lt3A_101 = arith.cmpi slt, %add3A_100, %shift_right_arithmetic3A_43 : i32
          %convert_element_type3A_102 = arith.extui %lt3A_101 : i1 to i32
          %cond3A_103 = arith.constant 0 : i32
          %cond3A_104 = arith.cmpi ne, %convert_element_type3A_102, %cond3A_103 : i32
          scf.if %cond3A_104 {
            %add3A_105 = arith.constant 2 : i32
            %add3A_106 = arith.addi %mul3A_68, %add3A_105 : i32
            %scan3A_107 = arith.constant 0 : i32
            %scan3A_108 = arith.constant 0 : i32
            %scan3A_109 = arith.constant 4 : i32
            %scan3A_110 = arith.addi %scan3A_108, %scan3A_109 : i32
            %scan3A_111 = arith.constant 1 : i32
            scf.for %scan3A_132 = %scan3A_108 to %scan3A_110 step %scan3A_111  : i32 {
              %mul3A_133 = arith.constant 64 : i32
              %mul3A_134 = arith.muli %add3A_106, %mul3A_133 : i32
              %mul3A_135 = arith.constant 16 : i32
              %mul3A_136 = arith.muli %scan3A_132, %mul3A_135 : i32
              %add3A_137 = arith.addi %mul3A_134, %mul3A_136 : i32
              %get3A = arith.index_cast %add3A_137 : i32 to index
              %get3A_138 = tpu.vector_load %arg12[%get3A] {strides = array<i32>} : memref<1024xi32, #tpu.memory_space<vmem>>, vector<16xi32>,
              %mul3A_139 = arith.constant 16 : i32
              %mul3A_140 = arith.muli %scan3A_132, %mul3A_139 : i32
              %swap3A = arith.constant 0 : i32
              %swap3A_141 = arith.index_cast %swap3A : i32 to index
              %swap3A_142 = arith.index_cast %mul3A_140 : i32 to index
              %swap3A_143 = tpu.vector_load %arg15[%swap3A_141, %swap3A_142] {strides = array<i32>} : memref<2x64xi32, #tpu.memory_space<vmem>>, vector<16xi32>,
              tpu.vector_store %arg15[%swap3A_141, %swap3A_142], %get3A_138 {strides = array<i32>} : memref<2x64xi32, #tpu.memory_space<vmem>>, vector<16xi32>,
              %add3A_144 = vector.broadcast %mul3A_0 : i32 to vector<16xi32>
              %add3A_145 = arith.addi %get3A_138, %add3A_144 : vector<16xi32>
              %mul3A_146 = arith.constant 16 : i32
              %mul3A_147 = arith.muli %scan3A_132, %mul3A_146 : i32
              %swap3A_148 = arith.constant 0 : i32
              %swap3A_149 = arith.index_cast %swap3A_148 : i32 to index
              %swap3A_150 = arith.index_cast %mul3A_147 : i32 to index
              %swap3A_151 = tpu.vector_load %arg14[%swap3A_149, %swap3A_150] {strides = array<i32>} : memref<2x64xi32, #tpu.memory_space<vmem>>, vector<16xi32>,
              tpu.vector_store %arg14[%swap3A_149, %swap3A_150], %add3A_145 {strides = array<i32>} : memref<2x64xi32, #tpu.memory_space<vmem>>, vector<16xi32>,
              %mul3A_152 = arith.constant 64 : i32
              %mul3A_153 = arith.muli %add3A_106, %mul3A_152 : i32
              %mul3A_154 = arith.constant 16 : i32
              %mul3A_155 = arith.muli %scan3A_132, %mul3A_154 : i32
              %add3A_156 = arith.addi %mul3A_153, %mul3A_155 : i32
              %get3A_157 = arith.index_cast %add3A_156 : i32 to index
              %get3A_158 = tpu.vector_load %arg11[%get3A_157] {strides = array<i32>} : memref<1024xi32, #tpu.memory_space<vmem>>, vector<16xi32>,
              %mul3A_159 = arith.constant 16 : i32
              %mul3A_160 = arith.muli %scan3A_132, %mul3A_159 : i32
              %swap3A_161 = arith.constant 0 : i32
              %swap3A_162 = arith.index_cast %swap3A_161 : i32 to index
              %swap3A_163 = arith.index_cast %mul3A_160 : i32 to index
              %swap3A_164 = tpu.vector_load %arg13[%swap3A_162, %swap3A_163] {strides = array<i32>} : memref<2x64xi32, #tpu.memory_space<vmem>>, vector<16xi32>,
              tpu.vector_store %arg13[%swap3A_162, %swap3A_163], %get3A_158 {strides = array<i32>} : memref<2x64xi32, #tpu.memory_space<vmem>>, vector<16xi32>,
            }
            %scan3A_112 = arith.constant 4 : i32
            %dma_start3A = arith.constant 0 : i32
            %dma_start3A_113 = arith.constant 0 : i32
            %dma_start3A_114 = arith.constant 0 : i32
            %dma_start3A_115 = tpu.memref_slice %arg16[%dma_start3A_113, %dma_start3A_114] : memref<128x72xf32, #tpu.memory_space<vmem>> -> memref<64x72xf32, #tpu.memory_space<vmem>>
            %dma_start3A_116 = arith.constant 0 : i32
            %dma_start3A_117 = tpu.memref_slice %arg13[%dma_start3A, %dma_start3A_116] : memref<2x64xi32, #tpu.memory_space<vmem>> -> memref<1x64xi32, #tpu.memory_space<vmem>>
            %dma_start3A_118 = tpu.memref_squeeze %dma_start3A_117 : memref<1x64xi32, #tpu.memory_space<vmem>> -> memref<64xi32, #tpu.memory_space<vmem>>
            %dma_start3A_119 = arith.constant 0 : i32
            %dma_start3A_120 = arith.constant 0 : i32
            %dma_start3A_121 = tpu.memref_slice %arg4[%dma_start3A_119, %dma_start3A_120] : memref<50000x72xf32, #tpu.memory_space<hbm>> -> memref<50000x72xf32, #tpu.memory_space<hbm>>
            tpu.enqueue_indirect_dma source(%dma_start3A_121 : memref<50000x72xf32, #tpu.memory_space<hbm>>) target(%dma_start3A_115 : memref<64x72xf32, #tpu.memory_space<vmem>>) offsets(%dma_start3A_118 : memref<64xi32, #tpu.memory_space<vmem>>) semaphore(%arg18 : memref<!tpu.dma_semaphore, #tpu.memory_space<semaphore_mem>>)
            %dma_start3A_122 = arith.constant 0 : i32
            %dma_start3A_123 = arith.constant 0 : i32
            %dma_start3A_124 = arith.constant 0 : i32
            %dma_start3A_125 = tpu.memref_slice %arg17[%dma_start3A_123, %dma_start3A_124] : memref<128x16xf32, #tpu.memory_space<vmem>> -> memref<64x16xf32, #tpu.memory_space<vmem>>
            %dma_start3A_126 = arith.constant 0 : i32
            %dma_start3A_127 = tpu.memref_slice %arg14[%dma_start3A_122, %dma_start3A_126] : memref<2x64xi32, #tpu.memory_space<vmem>> -> memref<1x64xi32, #tpu.memory_space<vmem>>
            %dma_start3A_128 = tpu.memref_squeeze %dma_start3A_127 : memref<1x64xi32, #tpu.memory_space<vmem>> -> memref<64xi32, #tpu.memory_space<vmem>>
            %dma_start3A_129 = arith.constant 0 : i32
            %dma_start3A_130 = arith.constant 0 : i32
            %dma_start3A_131 = tpu.memref_slice %arg5[%dma_start3A_129, %dma_start3A_130] : memref<50000x16xf32, #tpu.memory_space<hbm>> -> memref<50000x16xf32, #tpu.memory_space<hbm>>
            tpu.enqueue_indirect_dma source(%dma_start3A_131 : memref<50000x16xf32, #tpu.memory_space<hbm>>) target(%dma_start3A_125 : memref<64x16xf32, #tpu.memory_space<vmem>>) offsets(%dma_start3A_128 : memref<64xi32, #tpu.memory_space<vmem>>) semaphore(%arg18 : memref<!tpu.dma_semaphore, #tpu.memory_space<semaphore_mem>>)
          } else {
          }
        } else {
        }
        %add3A_72 = arith.constant 1 : i32
        %add3A_73 = arith.addi %mul3A_68, %add3A_72 : i32
        %lt3A_74 = arith.cmpi slt, %add3A_73, %shift_right_arithmetic3A_43 : i32
        %convert_element_type3A_75 = arith.extui %lt3A_74 : i1 to i32
        %cond3A_76 = arith.constant 0 : i32
        %cond3A_77 = arith.cmpi ne, %convert_element_type3A_75, %cond3A_76 : i32
        scf.if %cond3A_77 {
          %dma_wait3A = arith.constant 1 : i32
          %dma_wait3A_78 = arith.constant 64 : i32
          %dma_wait3A_79 = arith.constant 0 : i32
          %dma_wait3A_80 = tpu.memref_slice %arg16[%dma_wait3A_78, %dma_wait3A_79] : memref<128x72xf32, #tpu.memory_space<vmem>> -> memref<64x72xf32, #tpu.memory_space<vmem>>
          %dma_wait3A_81 = arith.constant 0 : i32
          %dma_wait3A_82 = tpu.memref_slice %arg13[%dma_wait3A, %dma_wait3A_81] : memref<2x64xi32, #tpu.memory_space<vmem>> -> memref<1x64xi32, #tpu.memory_space<vmem>>
          %dma_wait3A_83 = tpu.memref_squeeze %dma_wait3A_82 : memref<1x64xi32, #tpu.memory_space<vmem>> -> memref<64xi32, #tpu.memory_space<vmem>>
          %dma_wait3A_84 = arith.constant 0 : i32
          %dma_wait3A_85 = arith.constant 0 : i32
          %dma_wait3A_86 = tpu.memref_slice %arg4[%dma_wait3A_84, %dma_wait3A_85] : memref<50000x72xf32, #tpu.memory_space<hbm>> -> memref<50000x72xf32, #tpu.memory_space<hbm>>
          tpu.wait_indirect_dma semaphore(%arg19 : memref<!tpu.dma_semaphore, #tpu.memory_space<semaphore_mem>>) src(%dma_wait3A_86 : memref<50000x72xf32, #tpu.memory_space<hbm>>) dst(%dma_wait3A_80 : memref<64x72xf32, #tpu.memory_space<vmem>>)
          %dma_wait3A_87 = arith.constant 1 : i32
          %dma_wait3A_88 = arith.constant 64 : i32
          %dma_wait3A_89 = arith.constant 0 : i32
          %dma_wait3A_90 = tpu.memref_slice %arg17[%dma_wait3A_88, %dma_wait3A_89] : memref<128x16xf32, #tpu.memory_space<vmem>> -> memref<64x16xf32, #tpu.memory_space<vmem>>
          %dma_wait3A_91 = arith.constant 0 : i32
          %dma_wait3A_92 = tpu.memref_slice %arg14[%dma_wait3A_87, %dma_wait3A_91] : memref<2x64xi32, #tpu.memory_space<vmem>> -> memref<1x64xi32, #tpu.memory_space<vmem>>
          %dma_wait3A_93 = tpu.memref_squeeze %dma_wait3A_92 : memref<1x64xi32, #tpu.memory_space<vmem>> -> memref<64xi32, #tpu.memory_space<vmem>>
          %dma_wait3A_94 = arith.constant 0 : i32
          %dma_wait3A_95 = arith.constant 0 : i32
          %dma_wait3A_96 = tpu.memref_slice %arg5[%dma_wait3A_94, %dma_wait3A_95] : memref<50000x16xf32, #tpu.memory_space<hbm>> -> memref<50000x16xf32, #tpu.memory_space<hbm>>
          tpu.wait_indirect_dma semaphore(%arg19 : memref<!tpu.dma_semaphore, #tpu.memory_space<semaphore_mem>>) src(%dma_wait3A_96 : memref<50000x16xf32, #tpu.memory_space<hbm>>) dst(%dma_wait3A_90 : memref<64x16xf32, #tpu.memory_space<vmem>>)
          %parallel_loop3A = arith.constant 0 : i32
          %parallel_loop3A_97 = arith.constant 32 : i32
          %parallel_loop3A_98 = arith.constant 1 : i32
          scf.for %parallel_loop3A_105 = %parallel_loop3A to %parallel_loop3A_97 step %parallel_loop3A_98  : i32 {
            %parallel_loop3A_106 = arith.constant 2 : i32
            %parallel_loop3A_107 = arith.muli %parallel_loop3A_106, %parallel_loop3A_105 : i32
            %parallel_loop3A_108 = arith.constant 64 : i32
            %parallel_loop3A_109 = arith.addi %parallel_loop3A_108, %parallel_loop3A_107 : i32
            %parallel_loop3A_110 = vector.broadcast %parallel_loop3A_109 : i32 to vector<16xi32>
            %parallel_loop3A_111 = arith.addi %parallel_loop3A_110, %shift_right_arithmetic3A_4 : vector<16xi32>
            %parallel_loop3A_112 = arith.constant 64 : i32
            %parallel_loop3A_113 = vector.broadcast %parallel_loop3A_112 : i32 to vector<16xi32>
            %parallel_loop3A_114 = arith.addi %parallel_loop3A_113, %and3A_2 : vector<16xi32>
            %parallel_loop3A_115 = tpu.vector_load_idx %arg16[%parallel_loop3A_111, %parallel_loop3A_114] : memref<128x72xf32, #tpu.memory_space<vmem>>[vector<16xi32>, vector<16xi32>], vector<16xf32>,
            %parallel_loop3A_116 = arith.constant 8 : i32
            %parallel_loop3A_117 = vector.broadcast %parallel_loop3A_116 : i32 to vector<16xi32>
            %parallel_loop3A_118 = arith.addi %and3A_2, %parallel_loop3A_117 : vector<16xi32>
            %parallel_loop3A_119 = tpu.vector_load_idx %arg17[%parallel_loop3A_111, %parallel_loop3A_118] : memref<128x16xf32, #tpu.memory_space<vmem>>[vector<16xi32>, vector<16xi32>], vector<16xf32>,
            %parallel_loop3A_120 = arith.addf %parallel_loop3A_115, %parallel_loop3A_119 : vector<16xf32>
            %parallel_loop3A_121 = arith.constant 0.000000e+00 : f32
            %parallel_loop3A_122 = vector.broadcast %parallel_loop3A_121 : f32 to vector<16xf32>
            %parallel_loop3A_123 = arith.cmpf oge, %parallel_loop3A_120, %parallel_loop3A_122 : vector<16xf32>
            %parallel_loop3A_124 = arith.constant 2.000000e-01 : f32
            %parallel_loop3A_125 = vector.broadcast %parallel_loop3A_124 : f32 to vector<16xf32>
            %parallel_loop3A_126 = arith.mulf %parallel_loop3A_125, %parallel_loop3A_120 : vector<16xf32>
            %parallel_loop3A_127 = arith.select %parallel_loop3A_123, %parallel_loop3A_120, %parallel_loop3A_126 : vector<16xi1>, vector<16xf32>
            %parallel_loop3A_128 = math.exp %parallel_loop3A_127 : vector<16xf32>
            %parallel_loop3A_129 = arith.constant 64 : i32
            %parallel_loop3A_130 = vector.broadcast %parallel_loop3A_129 : i32 to vector<16xi32>
            %parallel_loop3A_131 = arith.addi %parallel_loop3A_130, %and3A_2 : vector<16xi32>
            tpu.vector_store_idx %arg16[%parallel_loop3A_111, %parallel_loop3A_131], %parallel_loop3A_128 : memref<128x72xf32, #tpu.memory_space<vmem>>[vector<16xi32>, vector<16xi32>], vector<16xf32>,
            %parallel_loop3A_132 = arith.constant 0 : i32
            %parallel_loop3A_133 = vector.broadcast %parallel_loop3A_132 : i32 to vector<16xi32>
            %parallel_loop3A_134 = arith.addi %parallel_loop3A_133, %shift_right_arithmetic3A_4 : vector<16xi32>
            %parallel_loop3A_135 = arith.constant 0 : i32
            %parallel_loop3A_136 = vector.broadcast %parallel_loop3A_135 : i32 to vector<16xi32>
            %parallel_loop3A_137 = arith.cmpi slt, %parallel_loop3A_134, %parallel_loop3A_136 : vector<16xi32>
            %parallel_loop3A_138 = arith.constant 16 : i32
            %parallel_loop3A_139 = vector.broadcast %parallel_loop3A_138 : i32 to vector<16xi32>
            %parallel_loop3A_140 = arith.addi %parallel_loop3A_134, %parallel_loop3A_139 : vector<16xi32>
            %parallel_loop3A_141 = arith.select %parallel_loop3A_137, %parallel_loop3A_140, %parallel_loop3A_134 : vector<16xi1>, vector<16xi32>
            %parallel_loop3A_142 = vector.shape_cast %parallel_loop3A_141 : vector<16xi32> to vector<16x1xi32>
            %parallel_loop3A_143 = vector.shape_cast %parallel_loop3A_142 : vector<16x1xi32> to vector<16xi32>
            %parallel_loop3A_144 = tpu.dynamic_gather %parallel_loop3A_128[%parallel_loop3A_143] in [0] : vector<16xf32>, vector<16xi32> -> vector<16xf32>
            %parallel_loop3A_145 = arith.constant 8 : i32
            %parallel_loop3A_146 = vector.broadcast %parallel_loop3A_145 : i32 to vector<16xi32>
            %parallel_loop3A_147 = arith.addi %parallel_loop3A_146, %shift_right_arithmetic3A_4 : vector<16xi32>
            %parallel_loop3A_148 = arith.constant 0 : i32
            %parallel_loop3A_149 = vector.broadcast %parallel_loop3A_148 : i32 to vector<16xi32>
            %parallel_loop3A_150 = arith.cmpi slt, %parallel_loop3A_147, %parallel_loop3A_149 : vector<16xi32>
            %parallel_loop3A_151 = arith.constant 16 : i32
            %parallel_loop3A_152 = vector.broadcast %parallel_loop3A_151 : i32 to vector<16xi32>
            %parallel_loop3A_153 = arith.addi %parallel_loop3A_147, %parallel_loop3A_152 : vector<16xi32>
            %parallel_loop3A_154 = arith.select %parallel_loop3A_150, %parallel_loop3A_153, %parallel_loop3A_147 : vector<16xi1>, vector<16xi32>
            %parallel_loop3A_155 = vector.shape_cast %parallel_loop3A_154 : vector<16xi32> to vector<16x1xi32>
            %parallel_loop3A_156 = vector.shape_cast %parallel_loop3A_155 : vector<16x1xi32> to vector<16xi32>
            %parallel_loop3A_157 = tpu.dynamic_gather %parallel_loop3A_128[%parallel_loop3A_156] in [0] : vector<16xf32>, vector<16xi32> -> vector<16xf32>
            %parallel_loop3A_158 = arith.index_cast %parallel_loop3A_109 : i32 to index
            %parallel_loop3A_159 = arith.constant 0 : index
            %parallel_loop3A_160 = tpu.vector_load %arg16[%parallel_loop3A_158, %parallel_loop3A_159] {strides = array<i32>} : memref<128x72xf32, #tpu.memory_space<vmem>>, vector<16xf32>,
            %parallel_loop3A_161 = arith.constant 1 : i32
            %parallel_loop3A_162 = arith.addi %parallel_loop3A_109, %parallel_loop3A_161 : i32
            %parallel_loop3A_163 = arith.index_cast %parallel_loop3A_162 : i32 to index
            %parallel_loop3A_164 = arith.constant 0 : index
            %parallel_loop3A_165 = tpu.vector_load %arg16[%parallel_loop3A_163, %parallel_loop3A_164] {strides = array<i32>} : memref<128x72xf32, #tpu.memory_space<vmem>>, vector<16xf32>,
            %parallel_loop3A_166 = arith.mulf %parallel_loop3A_160, %parallel_loop3A_144 : vector<16xf32>
            %parallel_loop3A_167 = arith.index_cast %parallel_loop3A_109 : i32 to index
            %parallel_loop3A_168 = arith.constant 0 : index
            %parallel_loop3A_169 = tpu.vector_load %arg16[%parallel_loop3A_167, %parallel_loop3A_168] {strides = array<i32>} : memref<128x72xf32, #tpu.memory_space<vmem>>, vector<16xf32>,
            tpu.vector_store %arg16[%parallel_loop3A_167, %parallel_loop3A_168], %parallel_loop3A_166 {strides = array<i32>} : memref<128x72xf32, #tpu.memory_space<vmem>>, vector<16xf32>,
            %parallel_loop3A_170 = arith.mulf %parallel_loop3A_165, %parallel_loop3A_157 : vector<16xf32>
            %parallel_loop3A_171 = arith.constant 1 : i32
            %parallel_loop3A_172 = arith.addi %parallel_loop3A_109, %parallel_loop3A_171 : i32
            %parallel_loop3A_173 = arith.index_cast %parallel_loop3A_172 : i32 to index
            %parallel_loop3A_174 = arith.constant 0 : index
            %parallel_loop3A_175 = tpu.vector_load %arg16[%parallel_loop3A_173, %parallel_loop3A_174] {strides = array<i32>} : memref<128x72xf32, #tpu.memory_space<vmem>>, vector<16xf32>,
            tpu.vector_store %arg16[%parallel_loop3A_173, %parallel_loop3A_174], %parallel_loop3A_170 {strides = array<i32>} : memref<128x72xf32, #tpu.memory_space<vmem>>, vector<16xf32>,
            %parallel_loop3A_176 = arith.constant 2 : i32
            %parallel_loop3A_177 = vector.broadcast %parallel_loop3A_176 : i32 to vector<16xi32>
            %parallel_loop3A_178 = arith.addi %parallel_loop3A_177, %shift_right_arithmetic3A_4 : vector<16xi32>
            %parallel_loop3A_179 = arith.constant 0 : i32
            %parallel_loop3A_180 = vector.broadcast %parallel_loop3A_179 : i32 to vector<16xi32>
            %parallel_loop3A_181 = arith.cmpi slt, %parallel_loop3A_178, %parallel_loop3A_180 : vector<16xi32>
            %parallel_loop3A_182 = arith.constant 16 : i32
            %parallel_loop3A_183 = vector.broadcast %parallel_loop3A_182 : i32 to vector<16xi32>
            %parallel_loop3A_184 = arith.addi %parallel_loop3A_178, %parallel_loop3A_183 : vector<16xi32>
            %parallel_loop3A_185 = arith.select %parallel_loop3A_181, %parallel_loop3A_184, %parallel_loop3A_178 : vector<16xi1>, vector<16xi32>
            %parallel_loop3A_186 = vector.shape_cast %parallel_loop3A_185 : vector<16xi32> to vector<16x1xi32>
            %parallel_loop3A_187 = vector.shape_cast %parallel_loop3A_186 : vector<16x1xi32> to vector<16xi32>
            %parallel_loop3A_188 = tpu.dynamic_gather %parallel_loop3A_128[%parallel_loop3A_187] in [0] : vector<16xf32>, vector<16xi32> -> vector<16xf32>
            %parallel_loop3A_189 = arith.constant 10 : i32
            %parallel_loop3A_190 = vector.broadcast %parallel_loop3A_189 : i32 to vector<16xi32>
            %parallel_loop3A_191 = arith.addi %parallel_loop3A_190, %shift_right_arithmetic3A_4 : vector<16xi32>
            %parallel_loop3A_192 = arith.constant 0 : i32
            %parallel_loop3A_193 = vector.broadcast %parallel_loop3A_192 : i32 to vector<16xi32>
            %parallel_loop3A_194 = arith.cmpi slt, %parallel_loop3A_191, %parallel_loop3A_193 : vector<16xi32>
            %parallel_loop3A_195 = arith.constant 16 : i32
            %parallel_loop3A_196 = vector.broadcast %parallel_loop3A_195 : i32 to vector<16xi32>
            %parallel_loop3A_197 = arith.addi %parallel_loop3A_191, %parallel_loop3A_196 : vector<16xi32>
            %parallel_loop3A_198 = arith.select %parallel_loop3A_194, %parallel_loop3A_197, %parallel_loop3A_191 : vector<16xi1>, vector<16xi32>
            %parallel_loop3A_199 = vector.shape_cast %parallel_loop3A_198 : vector<16xi32> to vector<16x1xi32>
            %parallel_loop3A_200 = vector.shape_cast %parallel_loop3A_199 : vector<16x1xi32> to vector<16xi32>
            %parallel_loop3A_201 = tpu.dynamic_gather %parallel_loop3A_128[%parallel_loop3A_200] in [0] : vector<16xf32>, vector<16xi32> -> vector<16xf32>
            %parallel_loop3A_202 = arith.index_cast %parallel_loop3A_109 : i32 to index
            %parallel_loop3A_203 = arith.constant 16 : index
            %parallel_loop3A_204 = tpu.vector_load %arg16[%parallel_loop3A_202, %parallel_loop3A_203] {strides = array<i32>} : memref<128x72xf32, #tpu.memory_space<vmem>>, vector<16xf32>,
            %parallel_loop3A_205 = arith.constant 1 : i32
            %parallel_loop3A_206 = arith.addi %parallel_loop3A_109, %parallel_loop3A_205 : i32
            %parallel_loop3A_207 = arith.index_cast %parallel_loop3A_206 : i32 to index
            %parallel_loop3A_208 = arith.constant 16 : index
            %parallel_loop3A_209 = tpu.vector_load %arg16[%parallel_loop3A_207, %parallel_loop3A_208] {strides = array<i32>} : memref<128x72xf32, #tpu.memory_space<vmem>>, vector<16xf32>,
            %parallel_loop3A_210 = arith.mulf %parallel_loop3A_204, %parallel_loop3A_188 : vector<16xf32>
            %parallel_loop3A_211 = arith.index_cast %parallel_loop3A_109 : i32 to index
            %parallel_loop3A_212 = arith.constant 16 : index
            %parallel_loop3A_213 = tpu.vector_load %arg16[%parallel_loop3A_211, %parallel_loop3A_212] {strides = array<i32>} : memref<128x72xf32, #tpu.memory_space<vmem>>, vector<16xf32>,
            tpu.vector_store %arg16[%parallel_loop3A_211, %parallel_loop3A_212], %parallel_loop3A_210 {strides = array<i32>} : memref<128x72xf32, #tpu.memory_space<vmem>>, vector<16xf32>,
            %parallel_loop3A_214 = arith.mulf %parallel_loop3A_209, %parallel_loop3A_201 : vector<16xf32>
            %parallel_loop3A_215 = arith.constant 1 : i32
            %parallel_loop3A_216 = arith.addi %parallel_loop3A_109, %parallel_loop3A_215 : i32
            %parallel_loop3A_217 = arith.index_cast %parallel_loop3A_216 : i32 to index
            %parallel_loop3A_218 = arith.constant 16 : index
            %parallel_loop3A_219 = tpu.vector_load %arg16[%parallel_loop3A_217, %parallel_loop3A_218] {strides = array<i32>} : memref<128x72xf32, #tpu.memory_space<vmem>>, vector<16xf32>,
            tpu.vector_store %arg16[%parallel_loop3A_217, %parallel_loop3A_218], %parallel_loop3A_214 {strides = array<i32>} : memref<128x72xf32, #tpu.memory_space<vmem>>, vector<16xf32>,
            %parallel_loop3A_220 = arith.constant 4 : i32
            %parallel_loop3A_221 = vector.broadcast %parallel_loop3A_220 : i32 to vector<16xi32>
            %parallel_loop3A_222 = arith.addi %parallel_loop3A_221, %shift_right_arithmetic3A_4 : vector<16xi32>
            %parallel_loop3A_223 = arith.constant 0 : i32
            %parallel_loop3A_224 = vector.broadcast %parallel_loop3A_223 : i32 to vector<16xi32>
            %parallel_loop3A_225 = arith.cmpi slt, %parallel_loop3A_222, %parallel_loop3A_224 : vector<16xi32>
            %parallel_loop3A_226 = arith.constant 16 : i32
            %parallel_loop3A_227 = vector.broadcast %parallel_loop3A_226 : i32 to vector<16xi32>
            %parallel_loop3A_228 = arith.addi %parallel_loop3A_222, %parallel_loop3A_227 : vector<16xi32>
            %parallel_loop3A_229 = arith.select %parallel_loop3A_225, %parallel_loop3A_228, %parallel_loop3A_222 : vector<16xi1>, vector<16xi32>
            %parallel_loop3A_230 = vector.shape_cast %parallel_loop3A_229 : vector<16xi32> to vector<16x1xi32>
            %parallel_loop3A_231 = vector.shape_cast %parallel_loop3A_230 : vector<16x1xi32> to vector<16xi32>
            %parallel_loop3A_232 = tpu.dynamic_gather %parallel_loop3A_128[%parallel_loop3A_231] in [0] : vector<16xf32>, vector<16xi32> -> vector<16xf32>
            %parallel_loop3A_233 = arith.constant 12 : i32
            %parallel_loop3A_234 = vector.broadcast %parallel_loop3A_233 : i32 to vector<16xi32>
            %parallel_loop3A_235 = arith.addi %parallel_loop3A_234, %shift_right_arithmetic3A_4 : vector<16xi32>
            %parallel_loop3A_236 = arith.constant 0 : i32
            %parallel_loop3A_237 = vector.broadcast %parallel_loop3A_236 : i32 to vector<16xi32>
            %parallel_loop3A_238 = arith.cmpi slt, %parallel_loop3A_235, %parallel_loop3A_237 : vector<16xi32>
            %parallel_loop3A_239 = arith.constant 16 : i32
            %parallel_loop3A_240 = vector.broadcast %parallel_loop3A_239 : i32 to vector<16xi32>
            %parallel_loop3A_241 = arith.addi %parallel_loop3A_235, %parallel_loop3A_240 : vector<16xi32>
            %parallel_loop3A_242 = arith.select %parallel_loop3A_238, %parallel_loop3A_241, %parallel_loop3A_235 : vector<16xi1>, vector<16xi32>
            %parallel_loop3A_243 = vector.shape_cast %parallel_loop3A_242 : vector<16xi32> to vector<16x1xi32>
            %parallel_loop3A_244 = vector.shape_cast %parallel_loop3A_243 : vector<16x1xi32> to vector<16xi32>
            %parallel_loop3A_245 = tpu.dynamic_gather %parallel_loop3A_128[%parallel_loop3A_244] in [0] : vector<16xf32>, vector<16xi32> -> vector<16xf32>
            %parallel_loop3A_246 = arith.index_cast %parallel_loop3A_109 : i32 to index
            %parallel_loop3A_247 = arith.constant 32 : index
            %parallel_loop3A_248 = tpu.vector_load %arg16[%parallel_loop3A_246, %parallel_loop3A_247] {strides = array<i32>} : memref<128x72xf32, #tpu.memory_space<vmem>>, vector<16xf32>,
            %parallel_loop3A_249 = arith.constant 1 : i32
            %parallel_loop3A_250 = arith.addi %parallel_loop3A_109, %parallel_loop3A_249 : i32
            %parallel_loop3A_251 = arith.index_cast %parallel_loop3A_250 : i32 to index
            %parallel_loop3A_252 = arith.constant 32 : index
            %parallel_loop3A_253 = tpu.vector_load %arg16[%parallel_loop3A_251, %parallel_loop3A_252] {strides = array<i32>} : memref<128x72xf32, #tpu.memory_space<vmem>>, vector<16xf32>,
            %parallel_loop3A_254 = arith.mulf %parallel_loop3A_248, %parallel_loop3A_232 : vector<16xf32>
            %parallel_loop3A_255 = arith.index_cast %parallel_loop3A_109 : i32 to index
            %parallel_loop3A_256 = arith.constant 32 : index
            %parallel_loop3A_257 = tpu.vector_load %arg16[%parallel_loop3A_255, %parallel_loop3A_256] {strides = array<i32>} : memref<128x72xf32, #tpu.memory_space<vmem>>, vector<16xf32>,
            tpu.vector_store %arg16[%parallel_loop3A_255, %parallel_loop3A_256], %parallel_loop3A_254 {strides = array<i32>} : memref<128x72xf32, #tpu.memory_space<vmem>>, vector<16xf32>,
            %parallel_loop3A_258 = arith.mulf %parallel_loop3A_253, %parallel_loop3A_245 : vector<16xf32>
            %parallel_loop3A_259 = arith.constant 1 : i32
            %parallel_loop3A_260 = arith.addi %parallel_loop3A_109, %parallel_loop3A_259 : i32
            %parallel_loop3A_261 = arith.index_cast %parallel_loop3A_260 : i32 to index
            %parallel_loop3A_262 = arith.constant 32 : index
            %parallel_loop3A_263 = tpu.vector_load %arg16[%parallel_loop3A_261, %parallel_loop3A_262] {strides = array<i32>} : memref<128x72xf32, #tpu.memory_space<vmem>>, vector<16xf32>,
            tpu.vector_store %arg16[%parallel_loop3A_261, %parallel_loop3A_262], %parallel_loop3A_258 {strides = array<i32>} : memref<128x72xf32, #tpu.memory_space<vmem>>, vector<16xf32>,
            %parallel_loop3A_264 = arith.constant 6 : i32
            %parallel_loop3A_265 = vector.broadcast %parallel_loop3A_264 : i32 to vector<16xi32>
            %parallel_loop3A_266 = arith.addi %parallel_loop3A_265, %shift_right_arithmetic3A_4 : vector<16xi32>
            %parallel_loop3A_267 = arith.constant 0 : i32
            %parallel_loop3A_268 = vector.broadcast %parallel_loop3A_267 : i32 to vector<16xi32>
            %parallel_loop3A_269 = arith.cmpi slt, %parallel_loop3A_266, %parallel_loop3A_268 : vector<16xi32>
            %parallel_loop3A_270 = arith.constant 16 : i32
            %parallel_loop3A_271 = vector.broadcast %parallel_loop3A_270 : i32 to vector<16xi32>
            %parallel_loop3A_272 = arith.addi %parallel_loop3A_266, %parallel_loop3A_271 : vector<16xi32>
            %parallel_loop3A_273 = arith.select %parallel_loop3A_269, %parallel_loop3A_272, %parallel_loop3A_266 : vector<16xi1>, vector<16xi32>
            %parallel_loop3A_274 = vector.shape_cast %parallel_loop3A_273 : vector<16xi32> to vector<16x1xi32>
            %parallel_loop3A_275 = vector.shape_cast %parallel_loop3A_274 : vector<16x1xi32> to vector<16xi32>
            %parallel_loop3A_276 = tpu.dynamic_gather %parallel_loop3A_128[%parallel_loop3A_275] in [0] : vector<16xf32>, vector<16xi32> -> vector<16xf32>
            %parallel_loop3A_277 = arith.constant 14 : i32
            %parallel_loop3A_278 = vector.broadcast %parallel_loop3A_277 : i32 to vector<16xi32>
            %parallel_loop3A_279 = arith.addi %parallel_loop3A_278, %shift_right_arithmetic3A_4 : vector<16xi32>
            %parallel_loop3A_280 = arith.constant 0 : i32
            %parallel_loop3A_281 = vector.broadcast %parallel_loop3A_280 : i32 to vector<16xi32>
            %parallel_loop3A_282 = arith.cmpi slt, %parallel_loop3A_279, %parallel_loop3A_281 : vector<16xi32>
            %parallel_loop3A_283 = arith.constant 16 : i32
            %parallel_loop3A_284 = vector.broadcast %parallel_loop3A_283 : i32 to vector<16xi32>
            %parallel_loop3A_285 = arith.addi %parallel_loop3A_279, %parallel_loop3A_284 : vector<16xi32>
            %parallel_loop3A_286 = arith.select %parallel_loop3A_282, %parallel_loop3A_285, %parallel_loop3A_279 : vector<16xi1>, vector<16xi32>
            %parallel_loop3A_287 = vector.shape_cast %parallel_loop3A_286 : vector<16xi32> to vector<16x1xi32>
            %parallel_loop3A_288 = vector.shape_cast %parallel_loop3A_287 : vector<16x1xi32> to vector<16xi32>
            %parallel_loop3A_289 = tpu.dynamic_gather %parallel_loop3A_128[%parallel_loop3A_288] in [0] : vector<16xf32>, vector<16xi32> -> vector<16xf32>
            %parallel_loop3A_290 = arith.index_cast %parallel_loop3A_109 : i32 to index
            %parallel_loop3A_291 = arith.constant 48 : index
            %parallel_loop3A_292 = tpu.vector_load %arg16[%parallel_loop3A_290, %parallel_loop3A_291] {strides = array<i32>} : memref<128x72xf32, #tpu.memory_space<vmem>>, vector<16xf32>,
            %parallel_loop3A_293 = arith.constant 1 : i32
            %parallel_loop3A_294 = arith.addi %parallel_loop3A_109, %parallel_loop3A_293 : i32
            %parallel_loop3A_295 = arith.index_cast %parallel_loop3A_294 : i32 to index
            %parallel_loop3A_296 = arith.constant 48 : index
            %parallel_loop3A_297 = tpu.vector_load %arg16[%parallel_loop3A_295, %parallel_loop3A_296] {strides = array<i32>} : memref<128x72xf32, #tpu.memory_space<vmem>>, vector<16xf32>,
            %parallel_loop3A_298 = arith.mulf %parallel_loop3A_292, %parallel_loop3A_276 : vector<16xf32>
            %parallel_loop3A_299 = arith.index_cast %parallel_loop3A_109 : i32 to index
            %parallel_loop3A_300 = arith.constant 48 : index
            %parallel_loop3A_301 = tpu.vector_load %arg16[%parallel_loop3A_299, %parallel_loop3A_300] {strides = array<i32>} : memref<128x72xf32, #tpu.memory_space<vmem>>, vector<16xf32>,
            tpu.vector_store %arg16[%parallel_loop3A_299, %parallel_loop3A_300], %parallel_loop3A_298 {strides = array<i32>} : memref<128x72xf32, #tpu.memory_space<vmem>>, vector<16xf32>,
            %parallel_loop3A_302 = arith.mulf %parallel_loop3A_297, %parallel_loop3A_289 : vector<16xf32>
            %parallel_loop3A_303 = arith.constant 1 : i32
            %parallel_loop3A_304 = arith.addi %parallel_loop3A_109, %parallel_loop3A_303 : i32
            %parallel_loop3A_305 = arith.index_cast %parallel_loop3A_304 : i32 to index
            %parallel_loop3A_306 = arith.constant 48 : index
            %parallel_loop3A_307 = tpu.vector_load %arg16[%parallel_loop3A_305, %parallel_loop3A_306] {strides = array<i32>} : memref<128x72xf32, #tpu.memory_space<vmem>>, vector<16xf32>,
            tpu.vector_store %arg16[%parallel_loop3A_305, %parallel_loop3A_306], %parallel_loop3A_302 {strides = array<i32>} : memref<128x72xf32, #tpu.memory_space<vmem>>, vector<16xf32>,
          } {sc.loop_unroll_factor = 4 : i64, sc.parallel_access}
          %run_scoped3A = arith.constant 1 : i32
          "tpu.region"() ({
            %run_scoped3A_105 = tpu.sem_alloc : memref<!tpu.dma_semaphore, #tpu.memory_space<semaphore_mem>>
            %dma_start3A = arith.constant 64 : i32
            %dma_start3A_106 = arith.constant 0 : i32
            %dma_start3A_107 = tpu.memref_slice %arg16[%dma_start3A, %dma_start3A_106] : memref<128x72xf32, #tpu.memory_space<vmem>> -> memref<64x72xf32, #tpu.memory_space<vmem>>
            %dma_start3A_108 = arith.constant 0 : i32
            %dma_start3A_109 = tpu.memref_slice %arg15[%run_scoped3A, %dma_start3A_108] : memref<2x64xi32, #tpu.memory_space<vmem>> -> memref<1x64xi32, #tpu.memory_space<vmem>>
            %dma_start3A_110 = tpu.memref_squeeze %dma_start3A_109 : memref<1x64xi32, #tpu.memory_space<vmem>> -> memref<64xi32, #tpu.memory_space<vmem>>
            %dma_start3A_111 = arith.constant 0 : i32
            %dma_start3A_112 = arith.constant 0 : i32
            %dma_start3A_113 = tpu.memref_slice %arg8[%dma_start3A_111, %dma_start3A_112] : memref<25096x72xf32, #tpu.memory_space<vmem_shared>> -> memref<25096x72xf32, #tpu.memory_space<vmem_shared>>
            tpu.enqueue_indirect_dma source(%dma_start3A_107 : memref<64x72xf32, #tpu.memory_space<vmem>>) target(%dma_start3A_113 : memref<25096x72xf32, #tpu.memory_space<vmem_shared>>) offsets(%dma_start3A_110 : memref<64xi32, #tpu.memory_space<vmem>>) semaphore(%run_scoped3A_105 : memref<!tpu.dma_semaphore, #tpu.memory_space<semaphore_mem>>) {add = true}
            %dma_wait3A_114 = arith.constant 64 : i32
            %dma_wait3A_115 = arith.constant 0 : i32
            %dma_wait3A_116 = tpu.memref_slice %arg16[%dma_wait3A_114, %dma_wait3A_115] : memref<128x72xf32, #tpu.memory_space<vmem>> -> memref<64x72xf32, #tpu.memory_space<vmem>>
            %dma_wait3A_117 = arith.constant 0 : i32
            %dma_wait3A_118 = tpu.memref_slice %arg15[%run_scoped3A, %dma_wait3A_117] : memref<2x64xi32, #tpu.memory_space<vmem>> -> memref<1x64xi32, #tpu.memory_space<vmem>>
            %dma_wait3A_119 = tpu.memref_squeeze %dma_wait3A_118 : memref<1x64xi32, #tpu.memory_space<vmem>> -> memref<64xi32, #tpu.memory_space<vmem>>
            %dma_wait3A_120 = arith.constant 0 : i32
            %dma_wait3A_121 = arith.constant 0 : i32
            %dma_wait3A_122 = tpu.memref_slice %arg8[%dma_wait3A_120, %dma_wait3A_121] : memref<25096x72xf32, #tpu.memory_space<vmem_shared>> -> memref<25096x72xf32, #tpu.memory_space<vmem_shared>>
            tpu.wait_indirect_dma semaphore(%run_scoped3A_105 : memref<!tpu.dma_semaphore, #tpu.memory_space<semaphore_mem>>) src(%dma_wait3A_116 : memref<64x72xf32, #tpu.memory_space<vmem>>) dst(%dma_wait3A_122 : memref<25096x72xf32, #tpu.memory_space<vmem_shared>>)
            tpu.yield
          }) : () -> ()
          %add3A_99 = arith.constant 3 : i32
          %add3A_100 = arith.addi %mul3A_68, %add3A_99 : i32
          %lt3A_101 = arith.cmpi slt, %add3A_100, %shift_right_arithmetic3A_43 : i32
          %convert_element_type3A_102 = arith.extui %lt3A_101 : i1 to i32
          %cond3A_103 = arith.constant 0 : i32
          %cond3A_104 = arith.cmpi ne, %convert_element_type3A_102, %cond3A_103 : i32
          scf.if %cond3A_104 {
            %add3A_105 = arith.constant 3 : i32
            %add3A_106 = arith.addi %mul3A_68, %add3A_105 : i32
            %scan3A_107 = arith.constant 0 : i32
            %scan3A_108 = arith.constant 0 : i32
            %scan3A_109 = arith.constant 4 : i32
            %scan3A_110 = arith.addi %scan3A_108, %scan3A_109 : i32
            %scan3A_111 = arith.constant 1 : i32
            scf.for %scan3A_132 = %scan3A_108 to %scan3A_110 step %scan3A_111  : i32 {
              %mul3A_133 = arith.constant 64 : i32
              %mul3A_134 = arith.muli %add3A_106, %mul3A_133 : i32
              %mul3A_135 = arith.constant 16 : i32
              %mul3A_136 = arith.muli %scan3A_132, %mul3A_135 : i32
              %add3A_137 = arith.addi %mul3A_134, %mul3A_136 : i32
              %get3A = arith.index_cast %add3A_137 : i32 to index
              %get3A_138 = tpu.vector_load %arg12[%get3A] {strides = array<i32>} : memref<1024xi32, #tpu.memory_space<vmem>>, vector<16xi32>,
              %mul3A_139 = arith.constant 16 : i32
              %mul3A_140 = arith.muli %scan3A_132, %mul3A_139 : i32
              %swap3A = arith.constant 1 : i32
              %swap3A_141 = arith.index_cast %swap3A : i32 to index
              %swap3A_142 = arith.index_cast %mul3A_140 : i32 to index
              %swap3A_143 = tpu.vector_load %arg15[%swap3A_141, %swap3A_142] {strides = array<i32>} : memref<2x64xi32, #tpu.memory_space<vmem>>, vector<16xi32>,
              tpu.vector_store %arg15[%swap3A_141, %swap3A_142], %get3A_138 {strides = array<i32>} : memref<2x64xi32, #tpu.memory_space<vmem>>, vector<16xi32>,
              %add3A_144 = vector.broadcast %mul3A_0 : i32 to vector<16xi32>
              %add3A_145 = arith.addi %get3A_138, %add3A_144 : vector<16xi32>
              %mul3A_146 = arith.constant 16 : i32
              %mul3A_147 = arith.muli %scan3A_132, %mul3A_146 : i32
              %swap3A_148 = arith.constant 1 : i32
              %swap3A_149 = arith.index_cast %swap3A_148 : i32 to index
              %swap3A_150 = arith.index_cast %mul3A_147 : i32 to index
              %swap3A_151 = tpu.vector_load %arg14[%swap3A_149, %swap3A_150] {strides = array<i32>} : memref<2x64xi32, #tpu.memory_space<vmem>>, vector<16xi32>,
              tpu.vector_store %arg14[%swap3A_149, %swap3A_150], %add3A_145 {strides = array<i32>} : memref<2x64xi32, #tpu.memory_space<vmem>>, vector<16xi32>,
              %mul3A_152 = arith.constant 64 : i32
              %mul3A_153 = arith.muli %add3A_106, %mul3A_152 : i32
              %mul3A_154 = arith.constant 16 : i32
              %mul3A_155 = arith.muli %scan3A_132, %mul3A_154 : i32
              %add3A_156 = arith.addi %mul3A_153, %mul3A_155 : i32
              %get3A_157 = arith.index_cast %add3A_156 : i32 to index
              %get3A_158 = tpu.vector_load %arg11[%get3A_157] {strides = array<i32>} : memref<1024xi32, #tpu.memory_space<vmem>>, vector<16xi32>,
              %mul3A_159 = arith.constant 16 : i32
              %mul3A_160 = arith.muli %scan3A_132, %mul3A_159 : i32
              %swap3A_161 = arith.constant 1 : i32
              %swap3A_162 = arith.index_cast %swap3A_161 : i32 to index
              %swap3A_163 = arith.index_cast %mul3A_160 : i32 to index
              %swap3A_164 = tpu.vector_load %arg13[%swap3A_162, %swap3A_163] {strides = array<i32>} : memref<2x64xi32, #tpu.memory_space<vmem>>, vector<16xi32>,
              tpu.vector_store %arg13[%swap3A_162, %swap3A_163], %get3A_158 {strides = array<i32>} : memref<2x64xi32, #tpu.memory_space<vmem>>, vector<16xi32>,
            }
            %scan3A_112 = arith.constant 4 : i32
            %dma_start3A = arith.constant 1 : i32
            %dma_start3A_113 = arith.constant 64 : i32
            %dma_start3A_114 = arith.constant 0 : i32
            %dma_start3A_115 = tpu.memref_slice %arg16[%dma_start3A_113, %dma_start3A_114] : memref<128x72xf32, #tpu.memory_space<vmem>> -> memref<64x72xf32, #tpu.memory_space<vmem>>
            %dma_start3A_116 = arith.constant 0 : i32
            %dma_start3A_117 = tpu.memref_slice %arg13[%dma_start3A, %dma_start3A_116] : memref<2x64xi32, #tpu.memory_space<vmem>> -> memref<1x64xi32, #tpu.memory_space<vmem>>
            %dma_start3A_118 = tpu.memref_squeeze %dma_start3A_117 : memref<1x64xi32, #tpu.memory_space<vmem>> -> memref<64xi32, #tpu.memory_space<vmem>>
            %dma_start3A_119 = arith.constant 0 : i32
            %dma_start3A_120 = arith.constant 0 : i32
            %dma_start3A_121 = tpu.memref_slice %arg4[%dma_start3A_119, %dma_start3A_120] : memref<50000x72xf32, #tpu.memory_space<hbm>> -> memref<50000x72xf32, #tpu.memory_space<hbm>>
            tpu.enqueue_indirect_dma source(%dma_start3A_121 : memref<50000x72xf32, #tpu.memory_space<hbm>>) target(%dma_start3A_115 : memref<64x72xf32, #tpu.memory_space<vmem>>) offsets(%dma_start3A_118 : memref<64xi32, #tpu.memory_space<vmem>>) semaphore(%arg19 : memref<!tpu.dma_semaphore, #tpu.memory_space<semaphore_mem>>)
            %dma_start3A_122 = arith.constant 1 : i32
            %dma_start3A_123 = arith.constant 64 : i32
            %dma_start3A_124 = arith.constant 0 : i32
            %dma_start3A_125 = tpu.memref_slice %arg17[%dma_start3A_123, %dma_start3A_124] : memref<128x16xf32, #tpu.memory_space<vmem>> -> memref<64x16xf32, #tpu.memory_space<vmem>>
            %dma_start3A_126 = arith.constant 0 : i32
            %dma_start3A_127 = tpu.memref_slice %arg14[%dma_start3A_122, %dma_start3A_126] : memref<2x64xi32, #tpu.memory_space<vmem>> -> memref<1x64xi32, #tpu.memory_space<vmem>>
            %dma_start3A_128 = tpu.memref_squeeze %dma_start3A_127 : memref<1x64xi32, #tpu.memory_space<vmem>> -> memref<64xi32, #tpu.memory_space<vmem>>
            %dma_start3A_129 = arith.constant 0 : i32
            %dma_start3A_130 = arith.constant 0 : i32
            %dma_start3A_131 = tpu.memref_slice %arg5[%dma_start3A_129, %dma_start3A_130] : memref<50000x16xf32, #tpu.memory_space<hbm>> -> memref<50000x16xf32, #tpu.memory_space<hbm>>
            tpu.enqueue_indirect_dma source(%dma_start3A_131 : memref<50000x16xf32, #tpu.memory_space<hbm>>) target(%dma_start3A_125 : memref<64x16xf32, #tpu.memory_space<vmem>>) offsets(%dma_start3A_128 : memref<64xi32, #tpu.memory_space<vmem>>) semaphore(%arg19 : memref<!tpu.dma_semaphore, #tpu.memory_space<semaphore_mem>>)
          } else {
          }
        } else {
        }
      }
    }
    %scan3A_19 = arith.constant 50 : i32
    %barrier3A_20 = arith.constant 0 : index
    tpu.barrier barrier_id(%barrier3A_20)
    %add3A = arith.addi %mul3A_0, %mul3A_6 : i32
    "tpu.region"() ({
      %run_scoped3A = tpu.sem_alloc : memref<!tpu.dma_semaphore, #tpu.memory_space<semaphore_mem>>
      %dma_start3A = arith.constant 0 : i32
      %dma_start3A_21 = tpu.memref_slice %arg7[%add3A, %dma_start3A] : memref<50176x72xf32, #tpu.memory_space<hbm>> -> memref<1568x72xf32, #tpu.memory_space<hbm>>
      %dma_start3A_22 = arith.constant 0 : i32
      %dma_start3A_23 = tpu.memref_slice %arg8[%mul3A_6, %dma_start3A_22] : memref<25096x72xf32, #tpu.memory_space<vmem_shared>> -> memref<1568x72xf32, #tpu.memory_space<vmem_shared>>
      tpu.enqueue_dma source(%dma_start3A_23 : memref<1568x72xf32, #tpu.memory_space<vmem_shared>>) target(%dma_start3A_21 : memref<1568x72xf32, #tpu.memory_space<hbm>>) target_semaphore(%run_scoped3A : memref<!tpu.dma_semaphore, #tpu.memory_space<semaphore_mem>>)
      %dma_wait3A = arith.constant 0 : i32
      %dma_wait3A_24 = tpu.memref_slice %arg7[%add3A, %dma_wait3A] : memref<50176x72xf32, #tpu.memory_space<hbm>> -> memref<1568x72xf32, #tpu.memory_space<hbm>>
      %dma_wait3A_25 = arith.constant 0 : i32
      %dma_wait3A_26 = tpu.memref_slice %arg8[%mul3A_6, %dma_wait3A_25] : memref<25096x72xf32, #tpu.memory_space<vmem_shared>> -> memref<1568x72xf32, #tpu.memory_space<vmem_shared>>
      tpu.wait_dma2 semaphore(%run_scoped3A : memref<!tpu.dma_semaphore, #tpu.memory_space<semaphore_mem>>) src(%dma_wait3A_26 : memref<1568x72xf32, #tpu.memory_space<vmem_shared>>) dst(%dma_wait3A_24 : memref<1568x72xf32, #tpu.memory_space<hbm>>)
      tpu.yield
    }) : () -> ()
    return
  }
}

module attributes {stable_mosaic.version = 14 : i64} {
  func.func @_fc_pre_body(%arg0: i32, %arg1: memref<400x64xf32, #tpu.memory_space<vmem>>, %arg2: memref<400x64xf32, #tpu.memory_space<vmem>>, %arg3: memref<400x64xf32, #tpu.memory_space<vmem>>, %arg4: memref<192xf32, #tpu.memory_space<vmem>>, %arg5: memref<192xf32, #tpu.memory_space<vmem>>, %arg6: memref<192x64xf32, #tpu.memory_space<vmem>>, %arg7: memref<64xf32, #tpu.memory_space<vmem>>, %arg8: memref<64xf32, #tpu.memory_space<vmem>>, %arg9: memref<64xf32, #tpu.memory_space<vmem>>, %arg10: memref<64x64xf32, #tpu.memory_space<vmem>>, %arg11: memref<8x8xf32, #tpu.memory_space<vmem>>, %arg12: memref<8x8xf32, #tpu.memory_space<vmem>>, %arg13: memref<64x64xf32, #tpu.memory_space<vmem>>, %arg14: memref<400x72xf32, #tpu.memory_space<vmem>>, %arg15: memref<400x16xf32, #tpu.memory_space<vmem>>, %arg16: memref<400x64xf32, #tpu.memory_space<vmem>>) attributes {dimension_semantics = [#tpu.dimension_semantics<arbitrary>], iteration_bounds = array<i64: 125>, scalar_prefetch = 0 : i64, scratch_operands = 0 : i64, tpu.core_type = #tpu.core_type<tc>, window_params = [{transform_indices = @transform_0, window_bounds = array<i64: 400, 64>}, {transform_indices = @transform_1, window_bounds = array<i64: 400, 64>}, {transform_indices = @transform_2, window_bounds = array<i64: 400, 64>}, {pipeline_mode = #tpu.pipeline_mode<synchronous>, transform_indices = @transform_3, window_bounds = array<i64: 192>}, {pipeline_mode = #tpu.pipeline_mode<synchronous>, transform_indices = @transform_4, window_bounds = array<i64: 192>}, {pipeline_mode = #tpu.pipeline_mode<synchronous>, transform_indices = @transform_5, window_bounds = array<i64: 192, 64>}, {pipeline_mode = #tpu.pipeline_mode<synchronous>, transform_indices = @transform_6, window_bounds = array<i64: 64>}, {pipeline_mode = #tpu.pipeline_mode<synchronous>, transform_indices = @transform_7, window_bounds = array<i64: 64>}, {pipeline_mode = #tpu.pipeline_mode<synchronous>, transform_indices = @transform_8, window_bounds = array<i64: 64>}, {pipeline_mode = #tpu.pipeline_mode<synchronous>, transform_indices = @transform_9, window_bounds = array<i64: 64, 64>}, {pipeline_mode = #tpu.pipeline_mode<synchronous>, transform_indices = @transform_10, window_bounds = array<i64: 8, 8>}, {pipeline_mode = #tpu.pipeline_mode<synchronous>, transform_indices = @transform_11, window_bounds = array<i64: 8, 8>}, {pipeline_mode = #tpu.pipeline_mode<synchronous>, transform_indices = @transform_12, window_bounds = array<i64: 64, 64>}, {transform_indices = @transform_13, window_bounds = array<i64: 400, 72>}, {transform_indices = @transform_14, window_bounds = array<i64: 400, 16>}, {transform_indices = @transform_15, window_bounds = array<i64: 400, 64>}]} {
    %get3A = arith.constant 0 : index
    %get3A_0 = arith.constant 0 : index
    %get3A_1 = vector.load %arg1[%get3A, %get3A_0] : memref<400x64xf32, #tpu.memory_space<vmem>>, vector<400x64xf32>
    %get3A_2 = arith.constant 0 : index
    %get3A_3 = arith.constant 0 : index
    %get3A_4 = vector.load %arg2[%get3A_2, %get3A_3] : memref<400x64xf32, #tpu.memory_space<vmem>>, vector<400x64xf32>
    %get3A_5 = arith.constant 0 : index
    %get3A_6 = arith.constant 0 : index
    %get3A_7 = vector.load %arg3[%get3A_5, %get3A_6] : memref<400x64xf32, #tpu.memory_space<vmem>>, vector<400x64xf32>
    %concatenate3A = tpu.concatenate %get3A_1, %get3A_4, %get3A_7 in 1 : vector<400x64xf32>, vector<400x64xf32>, vector<400x64xf32> -> vector<400x192xf32>
    %get3A_8 = arith.constant 0 : index
    %get3A_9 = vector.load %arg4[%get3A_8] : memref<192xf32, #tpu.memory_space<vmem>>, vector<192xf32>
    %get3A_10 = arith.constant 0 : index
    %get3A_11 = vector.load %arg5[%get3A_10] : memref<192xf32, #tpu.memory_space<vmem>>, vector<192xf32>
    %reduce_sum3A = arith.constant dense<0.000000e+00> : vector<400xf32>
    %reduce_sum3A_12 = vector.multi_reduction <add>, %concatenate3A, %reduce_sum3A [1] : vector<400x192xf32> to vector<400xf32>
    %broadcast_in_dim3A = vector.shape_cast %reduce_sum3A_12 : vector<400xf32> to vector<400x1xf32>
    %div3A = arith.constant 1.920000e+02 : f32
    %div3A_13 = vector.broadcast %div3A : f32 to vector<400x1xf32>
    %div3A_14 = arith.divf %broadcast_in_dim3A, %div3A_13 : vector<400x1xf32>
    %sub3A = vector.broadcast %div3A_14 : vector<400x1xf32> to vector<400x192xf32>
    %sub3A_15 = arith.subf %concatenate3A, %sub3A : vector<400x192xf32>
    %integer_pow3A = arith.mulf %sub3A_15, %sub3A_15 : vector<400x192xf32>
    %reduce_sum3A_16 = arith.constant dense<0.000000e+00> : vector<400xf32>
    %reduce_sum3A_17 = vector.multi_reduction <add>, %integer_pow3A, %reduce_sum3A_16 [1] : vector<400x192xf32> to vector<400xf32>
    %broadcast_in_dim3A_18 = vector.shape_cast %reduce_sum3A_17 : vector<400xf32> to vector<400x1xf32>
    %div3A_19 = arith.constant 1.920000e+02 : f32
    %div3A_20 = vector.broadcast %div3A_19 : f32 to vector<400x1xf32>
    %div3A_21 = arith.divf %broadcast_in_dim3A_18, %div3A_20 : vector<400x1xf32>
    %sub3A_22 = vector.broadcast %div3A_14 : vector<400x1xf32> to vector<400x192xf32>
    %sub3A_23 = arith.subf %concatenate3A, %sub3A_22 : vector<400x192xf32>
    %add3A = arith.constant 9.99999974E-6 : f32
    %add3A_24 = vector.broadcast %add3A : f32 to vector<400x1xf32>
    %add3A_25 = arith.addf %div3A_21, %add3A_24 : vector<400x1xf32>
    %rsqrt3A = math.rsqrt %add3A_25 : vector<400x1xf32>
    %mul3A = vector.broadcast %rsqrt3A : vector<400x1xf32> to vector<400x192xf32>
    %mul3A_26 = arith.mulf %sub3A_23, %mul3A : vector<400x192xf32>
    %broadcast_in_dim3A_27 = vector.shape_cast %get3A_9 : vector<192xf32> to vector<1x192xf32>
    %mul3A_28 = vector.broadcast %broadcast_in_dim3A_27 : vector<1x192xf32> to vector<400x192xf32>
    %mul3A_29 = arith.mulf %mul3A_26, %mul3A_28 : vector<400x192xf32>
    %broadcast_in_dim3A_30 = vector.shape_cast %get3A_11 : vector<192xf32> to vector<1x192xf32>
    %add3A_31 = vector.broadcast %broadcast_in_dim3A_30 : vector<1x192xf32> to vector<400x192xf32>
    %add3A_32 = arith.addf %mul3A_29, %add3A_31 : vector<400x192xf32>
    %get3A_33 = arith.constant 0 : index
    %get3A_34 = arith.constant 0 : index
    %get3A_35 = vector.load %arg6[%get3A_33, %get3A_34] : memref<192x64xf32, #tpu.memory_space<vmem>>, vector<192x64xf32>
    %dot_general3A = arith.constant dense<0.000000e+00> : vector<400x64xf32>
    %dot_general3A_36 = tpu.matmul %add3A_32, %get3A_35, %dot_general3A {dimension_numbers = #tpu.dot_dimension_numbers<[1], [0], [0], [1], [0, 0, 1, 1], [], []>, transpose_lhs_hint = false} : vector<400x192xf32>, vector<192x64xf32>, vector<400x64xf32> -> vector<400x64xf32>
    %get3A_37 = arith.constant 0 : index
    %get3A_38 = vector.load %arg7[%get3A_37] : memref<64xf32, #tpu.memory_space<vmem>>, vector<64xf32>
    %broadcast_in_dim3A_39 = vector.shape_cast %get3A_38 : vector<64xf32> to vector<1x64xf32>
    %add3A_40 = vector.broadcast %broadcast_in_dim3A_39 : vector<1x64xf32> to vector<400x64xf32>
    %add3A_41 = arith.addf %dot_general3A_36, %add3A_40 : vector<400x64xf32>
    %get3A_42 = arith.constant 0 : index
    %get3A_43 = vector.load %arg8[%get3A_42] : memref<64xf32, #tpu.memory_space<vmem>>, vector<64xf32>
    %get3A_44 = arith.constant 0 : index
    %get3A_45 = vector.load %arg9[%get3A_44] : memref<64xf32, #tpu.memory_space<vmem>>, vector<64xf32>
    %reduce_sum3A_46 = arith.constant dense<0.000000e+00> : vector<400xf32>
    %reduce_sum3A_47 = vector.multi_reduction <add>, %add3A_41, %reduce_sum3A_46 [1] : vector<400x64xf32> to vector<400xf32>
    %broadcast_in_dim3A_48 = vector.shape_cast %reduce_sum3A_47 : vector<400xf32> to vector<400x1xf32>
    %div3A_49 = arith.constant 6.400000e+01 : f32
    %div3A_50 = vector.broadcast %div3A_49 : f32 to vector<400x1xf32>
    %div3A_51 = arith.divf %broadcast_in_dim3A_48, %div3A_50 : vector<400x1xf32>
    %sub3A_52 = vector.broadcast %div3A_51 : vector<400x1xf32> to vector<400x64xf32>
    %sub3A_53 = arith.subf %add3A_41, %sub3A_52 : vector<400x64xf32>
    %integer_pow3A_54 = arith.mulf %sub3A_53, %sub3A_53 : vector<400x64xf32>
    %reduce_sum3A_55 = arith.constant dense<0.000000e+00> : vector<400xf32>
    %reduce_sum3A_56 = vector.multi_reduction <add>, %integer_pow3A_54, %reduce_sum3A_55 [1] : vector<400x64xf32> to vector<400xf32>
    %broadcast_in_dim3A_57 = vector.shape_cast %reduce_sum3A_56 : vector<400xf32> to vector<400x1xf32>
    %div3A_58 = arith.constant 6.400000e+01 : f32
    %div3A_59 = vector.broadcast %div3A_58 : f32 to vector<400x1xf32>
    %div3A_60 = arith.divf %broadcast_in_dim3A_57, %div3A_59 : vector<400x1xf32>
    %sub3A_61 = vector.broadcast %div3A_51 : vector<400x1xf32> to vector<400x64xf32>
    %sub3A_62 = arith.subf %add3A_41, %sub3A_61 : vector<400x64xf32>
    %add3A_63 = arith.constant 9.99999974E-6 : f32
    %add3A_64 = vector.broadcast %add3A_63 : f32 to vector<400x1xf32>
    %add3A_65 = arith.addf %div3A_60, %add3A_64 : vector<400x1xf32>
    %rsqrt3A_66 = math.rsqrt %add3A_65 : vector<400x1xf32>
    %mul3A_67 = vector.broadcast %rsqrt3A_66 : vector<400x1xf32> to vector<400x64xf32>
    %mul3A_68 = arith.mulf %sub3A_62, %mul3A_67 : vector<400x64xf32>
    %broadcast_in_dim3A_69 = vector.shape_cast %get3A_43 : vector<64xf32> to vector<1x64xf32>
    %mul3A_70 = vector.broadcast %broadcast_in_dim3A_69 : vector<1x64xf32> to vector<400x64xf32>
    %mul3A_71 = arith.mulf %mul3A_68, %mul3A_70 : vector<400x64xf32>
    %broadcast_in_dim3A_72 = vector.shape_cast %get3A_45 : vector<64xf32> to vector<1x64xf32>
    %add3A_73 = vector.broadcast %broadcast_in_dim3A_72 : vector<1x64xf32> to vector<400x64xf32>
    %add3A_74 = arith.addf %mul3A_71, %add3A_73 : vector<400x64xf32>
    %get3A_75 = arith.constant 0 : index
    %get3A_76 = arith.constant 0 : index
    %get3A_77 = vector.load %arg10[%get3A_75, %get3A_76] : memref<64x64xf32, #tpu.memory_space<vmem>>, vector<64x64xf32>
    %get3A_78 = arith.constant 0 : index
    %get3A_79 = arith.constant 0 : index
    %get3A_80 = vector.load %arg11[%get3A_78, %get3A_79] : memref<8x8xf32, #tpu.memory_space<vmem>>, vector<8x8xf32>
    %get3A_81 = arith.constant 0 : index
    %get3A_82 = arith.constant 0 : index
    %get3A_83 = vector.load %arg12[%get3A_81, %get3A_82] : memref<8x8xf32, #tpu.memory_space<vmem>>, vector<8x8xf32>
    %get3A_84 = arith.constant 0 : index
    %get3A_85 = arith.constant 0 : index
    %get3A_86 = vector.load %arg13[%get3A_84, %get3A_85] : memref<64x64xf32, #tpu.memory_space<vmem>>, vector<64x64xf32>
    %dot_general3A_87 = arith.constant dense<0.000000e+00> : vector<400x64xf32>
    %dot_general3A_88 = tpu.matmul %add3A_74, %get3A_77, %dot_general3A_87 {dimension_numbers = #tpu.dot_dimension_numbers<[1], [0], [0], [1], [0, 0, 1, 1], [], []>, transpose_lhs_hint = false} : vector<400x64xf32>, vector<64x64xf32>, vector<400x64xf32> -> vector<400x64xf32>
    %reshape3A = vector.shape_cast %dot_general3A_88 : vector<400x64xf32> to vector<400x8x8xf32>
    %broadcast_in_dim3A_89 = vector.shape_cast %get3A_80 : vector<8x8xf32> to vector<1x8x8xf32>
    %mul3A_90 = vector.broadcast %broadcast_in_dim3A_89 : vector<1x8x8xf32> to vector<400x8x8xf32>
    %mul3A_91 = arith.mulf %reshape3A, %mul3A_90 : vector<400x8x8xf32>
    %reduce_sum3A_92 = arith.constant dense<0.000000e+00> : vector<400x8xf32>
    %reduce_sum3A_93 = vector.multi_reduction <add>, %mul3A_91, %reduce_sum3A_92 [2] : vector<400x8x8xf32> to vector<400x8xf32>
    %broadcast_in_dim3A_94 = vector.shape_cast %get3A_83 : vector<8x8xf32> to vector<1x8x8xf32>
    %mul3A_95 = vector.broadcast %broadcast_in_dim3A_94 : vector<1x8x8xf32> to vector<400x8x8xf32>
    %mul3A_96 = arith.mulf %reshape3A, %mul3A_95 : vector<400x8x8xf32>
    %reduce_sum3A_97 = arith.constant dense<0.000000e+00> : vector<400x8xf32>
    %reduce_sum3A_98 = vector.multi_reduction <add>, %mul3A_96, %reduce_sum3A_97 [2] : vector<400x8x8xf32> to vector<400x8xf32>
    %concatenate3A_99 = tpu.concatenate %dot_general3A_88, %reduce_sum3A_93 in 1 : vector<400x64xf32>, vector<400x8xf32> -> vector<400x72xf32>
    %concatenate3A_100 = tpu.concatenate %reduce_sum3A_93, %reduce_sum3A_98 in 1 : vector<400x8xf32>, vector<400x8xf32> -> vector<400x16xf32>
    %dot_general3A_101 = arith.constant dense<0.000000e+00> : vector<400x64xf32>
    %dot_general3A_102 = tpu.matmul %add3A_74, %get3A_86, %dot_general3A_101 {dimension_numbers = #tpu.dot_dimension_numbers<[1], [0], [0], [1], [0, 0, 1, 1], [], []>, transpose_lhs_hint = false} : vector<400x64xf32>, vector<64x64xf32>, vector<400x64xf32> -> vector<400x64xf32>
    %swap3A = arith.constant 0 : index
    %swap3A_103 = arith.constant 0 : index
    %swap3A_104 = vector.load %arg14[%swap3A, %swap3A_103] : memref<400x72xf32, #tpu.memory_space<vmem>>, vector<400x72xf32>
    tpu.vector_store %arg14[%swap3A, %swap3A_103], %concatenate3A_99 {strides = array<i32>} : memref<400x72xf32, #tpu.memory_space<vmem>>, vector<400x72xf32>,
    %swap3A_105 = arith.constant 0 : index
    %swap3A_106 = arith.constant 0 : index
    %swap3A_107 = vector.load %arg15[%swap3A_105, %swap3A_106] : memref<400x16xf32, #tpu.memory_space<vmem>>, vector<400x16xf32>
    tpu.vector_store %arg15[%swap3A_105, %swap3A_106], %concatenate3A_100 {strides = array<i32>} : memref<400x16xf32, #tpu.memory_space<vmem>>, vector<400x16xf32>,
    %swap3A_108 = arith.constant 0 : index
    %swap3A_109 = arith.constant 0 : index
    %swap3A_110 = vector.load %arg16[%swap3A_108, %swap3A_109] : memref<400x64xf32, #tpu.memory_space<vmem>>, vector<400x64xf32>
    tpu.vector_store %arg16[%swap3A_108, %swap3A_109], %dot_general3A_102 {strides = array<i32>} : memref<400x64xf32, #tpu.memory_space<vmem>>, vector<400x64xf32>,
    return
  }
  func.func @transform_0(%arg0: i32) -> (i32, i32) {
    %c0_i32 = arith.constant 0 : i32
    %c0_i32_0 = arith.constant 0 : i32
    return %arg0, %c0_i32 : i32, i32
  }
  func.func @transform_1(%arg0: i32) -> (i32, i32) {
    %c0_i32 = arith.constant 0 : i32
    %c0_i32_0 = arith.constant 0 : i32
    return %arg0, %c0_i32 : i32, i32
  }
  func.func @transform_2(%arg0: i32) -> (i32, i32) {
    %c0_i32 = arith.constant 0 : i32
    %c0_i32_0 = arith.constant 0 : i32
    return %arg0, %c0_i32 : i32, i32
  }
  func.func @transform_3(%arg0: i32) -> i32 {
    %c0_i32 = arith.constant 0 : i32
    %c0_i32_0 = arith.constant 0 : i32
    return %c0_i32 : i32
  }
  func.func @transform_4(%arg0: i32) -> i32 {
    %c0_i32 = arith.constant 0 : i32
    %c0_i32_0 = arith.constant 0 : i32
    return %c0_i32 : i32
  }
  func.func @transform_5(%arg0: i32) -> (i32, i32) {
    %c0_i32 = arith.constant 0 : i32
    %c0_i32_0 = arith.constant 0 : i32
    %c0_i32_1 = arith.constant 0 : i32
    return %c0_i32, %c0_i32_0 : i32, i32
  }
  func.func @transform_6(%arg0: i32) -> i32 {
    %c0_i32 = arith.constant 0 : i32
    %c0_i32_0 = arith.constant 0 : i32
    return %c0_i32 : i32
  }
  func.func @transform_7(%arg0: i32) -> i32 {
    %c0_i32 = arith.constant 0 : i32
    %c0_i32_0 = arith.constant 0 : i32
    return %c0_i32 : i32
  }
  func.func @transform_8(%arg0: i32) -> i32 {
    %c0_i32 = arith.constant 0 : i32
    %c0_i32_0 = arith.constant 0 : i32
    return %c0_i32 : i32
  }
  func.func @transform_9(%arg0: i32) -> (i32, i32) {
    %c0_i32 = arith.constant 0 : i32
    %c0_i32_0 = arith.constant 0 : i32
    %c0_i32_1 = arith.constant 0 : i32
    return %c0_i32, %c0_i32_0 : i32, i32
  }
  func.func @transform_10(%arg0: i32) -> (i32, i32) {
    %c0_i32 = arith.constant 0 : i32
    %c0_i32_0 = arith.constant 0 : i32
    %c0_i32_1 = arith.constant 0 : i32
    return %c0_i32, %c0_i32_0 : i32, i32
  }
  func.func @transform_11(%arg0: i32) -> (i32, i32) {
    %c0_i32 = arith.constant 0 : i32
    %c0_i32_0 = arith.constant 0 : i32
    %c0_i32_1 = arith.constant 0 : i32
    return %c0_i32, %c0_i32_0 : i32, i32
  }
  func.func @transform_12(%arg0: i32) -> (i32, i32) {
    %c0_i32 = arith.constant 0 : i32
    %c0_i32_0 = arith.constant 0 : i32
    %c0_i32_1 = arith.constant 0 : i32
    return %c0_i32, %c0_i32_0 : i32, i32
  }
  func.func @transform_13(%arg0: i32) -> (i32, i32) {
    %c0_i32 = arith.constant 0 : i32
    %c0_i32_0 = arith.constant 0 : i32
    return %arg0, %c0_i32 : i32, i32
  }
  func.func @transform_14(%arg0: i32) -> (i32, i32) {
    %c0_i32 = arith.constant 0 : i32
    %c0_i32_0 = arith.constant 0 : i32
    return %arg0, %c0_i32 : i32, i32
  }
  func.func @transform_15(%arg0: i32) -> (i32, i32) {
    %c0_i32 = arith.constant 0 : i32
    %c0_i32_0 = arith.constant 0 : i32
    return %arg0, %c0_i32 : i32, i32
  }
}

module attributes {stable_mosaic.version = 14 : i64} {
  func.func @_fin_pre_body(%arg0: i32, %arg1: memref<400x72xf32, #tpu.memory_space<vmem>>, %arg2: memref<400x72xf32, #tpu.memory_space<vmem>>, %arg3: memref<400x16xf32, #tpu.memory_space<vmem>>, %arg4: memref<400x64xf32, #tpu.memory_space<vmem>>, %arg5: memref<64xf32, #tpu.memory_space<vmem>>, %arg6: memref<64xf32, #tpu.memory_space<vmem>>, %arg7: memref<64xf32, #tpu.memory_space<vmem>>, %arg8: memref<64x64xf32, #tpu.memory_space<vmem>>, %arg9: memref<8x8xf32, #tpu.memory_space<vmem>>, %arg10: memref<8x8xf32, #tpu.memory_space<vmem>>, %arg11: memref<64x64xf32, #tpu.memory_space<vmem>>, %arg12: memref<400x72xf32, #tpu.memory_space<vmem>>, %arg13: memref<400x16xf32, #tpu.memory_space<vmem>>, %arg14: memref<400x64xf32, #tpu.memory_space<vmem>>) attributes {dimension_semantics = [#tpu.dimension_semantics<arbitrary>], iteration_bounds = array<i64: 125>, scalar_prefetch = 0 : i64, scratch_operands = 0 : i64, tpu.core_type = #tpu.core_type<tc>, window_params = [{transform_indices = @transform_0, window_bounds = array<i64: 400, 72>}, {transform_indices = @transform_1, window_bounds = array<i64: 400, 72>}, {transform_indices = @transform_2, window_bounds = array<i64: 400, 16>}, {transform_indices = @transform_3, window_bounds = array<i64: 400, 64>}, {pipeline_mode = #tpu.pipeline_mode<synchronous>, transform_indices = @transform_4, window_bounds = array<i64: 64>}, {pipeline_mode = #tpu.pipeline_mode<synchronous>, transform_indices = @transform_5, window_bounds = array<i64: 64>}, {pipeline_mode = #tpu.pipeline_mode<synchronous>, transform_indices = @transform_6, window_bounds = array<i64: 64>}, {pipeline_mode = #tpu.pipeline_mode<synchronous>, transform_indices = @transform_7, window_bounds = array<i64: 64, 64>}, {pipeline_mode = #tpu.pipeline_mode<synchronous>, transform_indices = @transform_8, window_bounds = array<i64: 8, 8>}, {pipeline_mode = #tpu.pipeline_mode<synchronous>, transform_indices = @transform_9, window_bounds = array<i64: 8, 8>}, {pipeline_mode = #tpu.pipeline_mode<synchronous>, transform_indices = @transform_10, window_bounds = array<i64: 64, 64>}, {transform_indices = @transform_11, window_bounds = array<i64: 400, 72>}, {transform_indices = @transform_12, window_bounds = array<i64: 400, 16>}, {transform_indices = @transform_13, window_bounds = array<i64: 400, 64>}]} {
    %get3A = arith.constant 0 : index
    %get3A_0 = arith.constant 0 : index
    %get3A_1 = vector.load %arg1[%get3A, %get3A_0] : memref<400x72xf32, #tpu.memory_space<vmem>>, vector<400x72xf32>
    %get3A_2 = arith.constant 0 : index
    %get3A_3 = arith.constant 0 : index
    %get3A_4 = vector.load %arg2[%get3A_2, %get3A_3] : memref<400x72xf32, #tpu.memory_space<vmem>>, vector<400x72xf32>
    %get3A_5 = arith.constant 0 : index
    %get3A_6 = arith.constant 0 : index
    %get3A_7 = vector.load %arg3[%get3A_5, %get3A_6] : memref<400x16xf32, #tpu.memory_space<vmem>>, vector<400x16xf32>
    %get3A_8 = arith.constant 0 : index
    %get3A_9 = arith.constant 0 : index
    %get3A_10 = vector.load %arg4[%get3A_8, %get3A_9] : memref<400x64xf32, #tpu.memory_space<vmem>>, vector<400x64xf32>
    %get3A_11 = arith.constant 0 : index
    %get3A_12 = vector.load %arg5[%get3A_11] : memref<64xf32, #tpu.memory_space<vmem>>, vector<64xf32>
    %iota3A = tpu.iota {dimensions = array<i32: 0>} : vector<8x8xi32>
    %iota3A_13 = tpu.iota {dimensions = array<i32: 1>} : vector<8x8xi32>
    %add3A = arith.constant 0 : i32
    %add3A_14 = vector.broadcast %add3A : i32 to vector<8x8xi32>
    %add3A_15 = arith.addi %iota3A, %add3A_14 : vector<8x8xi32>
    %eq3A = arith.cmpi eq, %add3A_15, %iota3A_13 : vector<8x8xi32>
    %convert_element_type3A = arith.extui %eq3A : vector<8x8xi1> to vector<8x8xi32>
    %convert_element_type3A_16 = arith.sitofp %convert_element_type3A : vector<8x8xi32> to vector<8x8xf32>
    %broadcast_in_dim3A = arith.constant 1.000000e+00 : f32
    %broadcast_in_dim3A_17 = vector.broadcast %broadcast_in_dim3A : f32 to vector<1x8xf32>
    %broadcast_in_dim3A_18 = vector.shape_cast %convert_element_type3A_16 : vector<8x8xf32> to vector<8x1x8x1xf32>
    %broadcast_in_dim3A_19 = vector.shape_cast %broadcast_in_dim3A_17 : vector<1x8xf32> to vector<1x1x1x8xf32>
    %mul3A = vector.broadcast %broadcast_in_dim3A_18 : vector<8x1x8x1xf32> to vector<8x1x8x8xf32>
    %mul3A_20 = vector.broadcast %broadcast_in_dim3A_19 : vector<1x1x1x8xf32> to vector<8x1x8x8xf32>
    %mul3A_21 = arith.mulf %mul3A, %mul3A_20 : vector<8x1x8x8xf32>
    %reshape3A = vector.shape_cast %mul3A_21 : vector<8x1x8x8xf32> to vector<8x64xf32>
    %slice3A = vector.extract_strided_slice %get3A_7 {offsets = [0, 0], sizes = [400, 8], strides = [1, 1]} : vector<400x16xf32> to vector<400x8xf32>
    %slice3A_22 = vector.extract_strided_slice %get3A_7 {offsets = [0, 8], sizes = [400, 8], strides = [1, 1]} : vector<400x16xf32> to vector<400x8xf32>
    %add3A_23 = arith.addf %slice3A, %slice3A_22 : vector<400x8xf32>
    %ge3A = arith.constant 0.000000e+00 : f32
    %ge3A_24 = vector.broadcast %ge3A : f32 to vector<400x8xf32>
    %ge3A_25 = arith.cmpf oge, %add3A_23, %ge3A_24 : vector<400x8xf32>
    %mul3A_26 = arith.constant 2.000000e-01 : f32
    %mul3A_27 = vector.broadcast %mul3A_26 : f32 to vector<400x8xf32>
    %mul3A_28 = arith.mulf %mul3A_27, %add3A_23 : vector<400x8xf32>
    %select_n3A = arith.select %ge3A_25, %add3A_23, %mul3A_28 : vector<400x8xi1>, vector<400x8xf32>
    %exp3A = math.exp %select_n3A : vector<400x8xf32>
    %slice3A_29 = vector.extract_strided_slice %get3A_1 {offsets = [0, 64], sizes = [400, 8], strides = [1, 1]} : vector<400x72xf32> to vector<400x8xf32>
    %add3A_30 = arith.addf %slice3A_29, %exp3A : vector<400x8xf32>
    %dot_general3A = arith.constant dense<0.000000e+00> : vector<400x64xf32>
    %dot_general3A_31 = tpu.matmul %add3A_30, %reshape3A, %dot_general3A {dimension_numbers = #tpu.dot_dimension_numbers<[1], [0], [0], [1], [0, 0, 1, 1], [], []>, transpose_lhs_hint = false} : vector<400x8xf32>, vector<8x64xf32>, vector<400x64xf32> -> vector<400x64xf32>
    %slice3A_32 = vector.extract_strided_slice %get3A_1 {offsets = [0, 0], sizes = [400, 64], strides = [1, 1]} : vector<400x72xf32> to vector<400x64xf32>
    %slice3A_33 = vector.extract_strided_slice %get3A_4 {offsets = [0, 0], sizes = [400, 64], strides = [1, 1]} : vector<400x72xf32> to vector<400x64xf32>
    %dot_general3A_34 = arith.constant dense<0.000000e+00> : vector<400x64xf32>
    %dot_general3A_35 = tpu.matmul %exp3A, %reshape3A, %dot_general3A_34 {dimension_numbers = #tpu.dot_dimension_numbers<[1], [0], [0], [1], [0, 0, 1, 1], [], []>, transpose_lhs_hint = false} : vector<400x8xf32>, vector<8x64xf32>, vector<400x64xf32> -> vector<400x64xf32>
    %mul3A_36 = arith.mulf %slice3A_33, %dot_general3A_35 : vector<400x64xf32>
    %add3A_37 = arith.addf %slice3A_32, %mul3A_36 : vector<400x64xf32>
    %div3A = arith.divf %add3A_37, %dot_general3A_31 : vector<400x64xf32>
    %add3A_38 = arith.addf %div3A, %get3A_10 : vector<400x64xf32>
    %broadcast_in_dim3A_39 = vector.shape_cast %get3A_12 : vector<64xf32> to vector<1x64xf32>
    %add3A_40 = vector.broadcast %broadcast_in_dim3A_39 : vector<1x64xf32> to vector<400x64xf32>
    %add3A_41 = arith.addf %add3A_38, %add3A_40 : vector<400x64xf32>
    %get3A_42 = arith.constant 0 : index
    %get3A_43 = vector.load %arg6[%get3A_42] : memref<64xf32, #tpu.memory_space<vmem>>, vector<64xf32>
    %get3A_44 = arith.constant 0 : index
    %get3A_45 = vector.load %arg7[%get3A_44] : memref<64xf32, #tpu.memory_space<vmem>>, vector<64xf32>
    %reduce_sum3A = arith.constant dense<0.000000e+00> : vector<400xf32>
    %reduce_sum3A_46 = vector.multi_reduction <add>, %add3A_41, %reduce_sum3A [1] : vector<400x64xf32> to vector<400xf32>
    %broadcast_in_dim3A_47 = vector.shape_cast %reduce_sum3A_46 : vector<400xf32> to vector<400x1xf32>
    %div3A_48 = arith.constant 6.400000e+01 : f32
    %div3A_49 = vector.broadcast %div3A_48 : f32 to vector<400x1xf32>
    %div3A_50 = arith.divf %broadcast_in_dim3A_47, %div3A_49 : vector<400x1xf32>
    %sub3A = vector.broadcast %div3A_50 : vector<400x1xf32> to vector<400x64xf32>
    %sub3A_51 = arith.subf %add3A_41, %sub3A : vector<400x64xf32>
    %integer_pow3A = arith.mulf %sub3A_51, %sub3A_51 : vector<400x64xf32>
    %reduce_sum3A_52 = arith.constant dense<0.000000e+00> : vector<400xf32>
    %reduce_sum3A_53 = vector.multi_reduction <add>, %integer_pow3A, %reduce_sum3A_52 [1] : vector<400x64xf32> to vector<400xf32>
    %broadcast_in_dim3A_54 = vector.shape_cast %reduce_sum3A_53 : vector<400xf32> to vector<400x1xf32>
    %div3A_55 = arith.constant 6.400000e+01 : f32
    %div3A_56 = vector.broadcast %div3A_55 : f32 to vector<400x1xf32>
    %div3A_57 = arith.divf %broadcast_in_dim3A_54, %div3A_56 : vector<400x1xf32>
    %sub3A_58 = vector.broadcast %div3A_50 : vector<400x1xf32> to vector<400x64xf32>
    %sub3A_59 = arith.subf %add3A_41, %sub3A_58 : vector<400x64xf32>
    %add3A_60 = arith.constant 9.99999974E-6 : f32
    %add3A_61 = vector.broadcast %add3A_60 : f32 to vector<400x1xf32>
    %add3A_62 = arith.addf %div3A_57, %add3A_61 : vector<400x1xf32>
    %rsqrt3A = math.rsqrt %add3A_62 : vector<400x1xf32>
    %mul3A_63 = vector.broadcast %rsqrt3A : vector<400x1xf32> to vector<400x64xf32>
    %mul3A_64 = arith.mulf %sub3A_59, %mul3A_63 : vector<400x64xf32>
    %broadcast_in_dim3A_65 = vector.shape_cast %get3A_43 : vector<64xf32> to vector<1x64xf32>
    %mul3A_66 = vector.broadcast %broadcast_in_dim3A_65 : vector<1x64xf32> to vector<400x64xf32>
    %mul3A_67 = arith.mulf %mul3A_64, %mul3A_66 : vector<400x64xf32>
    %broadcast_in_dim3A_68 = vector.shape_cast %get3A_45 : vector<64xf32> to vector<1x64xf32>
    %add3A_69 = vector.broadcast %broadcast_in_dim3A_68 : vector<1x64xf32> to vector<400x64xf32>
    %add3A_70 = arith.addf %mul3A_67, %add3A_69 : vector<400x64xf32>
    %get3A_71 = arith.constant 0 : index
    %get3A_72 = arith.constant 0 : index
    %get3A_73 = vector.load %arg8[%get3A_71, %get3A_72] : memref<64x64xf32, #tpu.memory_space<vmem>>, vector<64x64xf32>
    %get3A_74 = arith.constant 0 : index
    %get3A_75 = arith.constant 0 : index
    %get3A_76 = vector.load %arg9[%get3A_74, %get3A_75] : memref<8x8xf32, #tpu.memory_space<vmem>>, vector<8x8xf32>
    %get3A_77 = arith.constant 0 : index
    %get3A_78 = arith.constant 0 : index
    %get3A_79 = vector.load %arg10[%get3A_77, %get3A_78] : memref<8x8xf32, #tpu.memory_space<vmem>>, vector<8x8xf32>
    %get3A_80 = arith.constant 0 : index
    %get3A_81 = arith.constant 0 : index
    %get3A_82 = vector.load %arg11[%get3A_80, %get3A_81] : memref<64x64xf32, #tpu.memory_space<vmem>>, vector<64x64xf32>
    %dot_general3A_83 = arith.constant dense<0.000000e+00> : vector<400x64xf32>
    %dot_general3A_84 = tpu.matmul %add3A_70, %get3A_73, %dot_general3A_83 {dimension_numbers = #tpu.dot_dimension_numbers<[1], [0], [0], [1], [0, 0, 1, 1], [], []>, transpose_lhs_hint = false} : vector<400x64xf32>, vector<64x64xf32>, vector<400x64xf32> -> vector<400x64xf32>
    %reshape3A_85 = vector.shape_cast %dot_general3A_84 : vector<400x64xf32> to vector<400x8x8xf32>
    %broadcast_in_dim3A_86 = vector.shape_cast %get3A_76 : vector<8x8xf32> to vector<1x8x8xf32>
    %mul3A_87 = vector.broadcast %broadcast_in_dim3A_86 : vector<1x8x8xf32> to vector<400x8x8xf32>
    %mul3A_88 = arith.mulf %reshape3A_85, %mul3A_87 : vector<400x8x8xf32>
    %reduce_sum3A_89 = arith.constant dense<0.000000e+00> : vector<400x8xf32>
    %reduce_sum3A_90 = vector.multi_reduction <add>, %mul3A_88, %reduce_sum3A_89 [2] : vector<400x8x8xf32> to vector<400x8xf32>
    %broadcast_in_dim3A_91 = vector.shape_cast %get3A_79 : vector<8x8xf32> to vector<1x8x8xf32>
    %mul3A_92 = vector.broadcast %broadcast_in_dim3A_91 : vector<1x8x8xf32> to vector<400x8x8xf32>
    %mul3A_93 = arith.mulf %reshape3A_85, %mul3A_92 : vector<400x8x8xf32>
    %reduce_sum3A_94 = arith.constant dense<0.000000e+00> : vector<400x8xf32>
    %reduce_sum3A_95 = vector.multi_reduction <add>, %mul3A_93, %reduce_sum3A_94 [2] : vector<400x8x8xf32> to vector<400x8xf32>
    %concatenate3A = tpu.concatenate %dot_general3A_84, %reduce_sum3A_90 in 1 : vector<400x64xf32>, vector<400x8xf32> -> vector<400x72xf32>
    %concatenate3A_96 = tpu.concatenate %reduce_sum3A_90, %reduce_sum3A_95 in 1 : vector<400x8xf32>, vector<400x8xf32> -> vector<400x16xf32>
    %dot_general3A_97 = arith.constant dense<0.000000e+00> : vector<400x64xf32>
    %dot_general3A_98 = tpu.matmul %add3A_70, %get3A_82, %dot_general3A_97 {dimension_numbers = #tpu.dot_dimension_numbers<[1], [0], [0], [1], [0, 0, 1, 1], [], []>, transpose_lhs_hint = false} : vector<400x64xf32>, vector<64x64xf32>, vector<400x64xf32> -> vector<400x64xf32>
    %swap3A = arith.constant 0 : index
    %swap3A_99 = arith.constant 0 : index
    %swap3A_100 = vector.load %arg12[%swap3A, %swap3A_99] : memref<400x72xf32, #tpu.memory_space<vmem>>, vector<400x72xf32>
    tpu.vector_store %arg12[%swap3A, %swap3A_99], %concatenate3A {strides = array<i32>} : memref<400x72xf32, #tpu.memory_space<vmem>>, vector<400x72xf32>,
    %swap3A_101 = arith.constant 0 : index
    %swap3A_102 = arith.constant 0 : index
    %swap3A_103 = vector.load %arg13[%swap3A_101, %swap3A_102] : memref<400x16xf32, #tpu.memory_space<vmem>>, vector<400x16xf32>
    tpu.vector_store %arg13[%swap3A_101, %swap3A_102], %concatenate3A_96 {strides = array<i32>} : memref<400x16xf32, #tpu.memory_space<vmem>>, vector<400x16xf32>,
    %swap3A_104 = arith.constant 0 : index
    %swap3A_105 = arith.constant 0 : index
    %swap3A_106 = vector.load %arg14[%swap3A_104, %swap3A_105] : memref<400x64xf32, #tpu.memory_space<vmem>>, vector<400x64xf32>
    tpu.vector_store %arg14[%swap3A_104, %swap3A_105], %dot_general3A_98 {strides = array<i32>} : memref<400x64xf32, #tpu.memory_space<vmem>>, vector<400x64xf32>,
    return
  }
  func.func @transform_0(%arg0: i32) -> (i32, i32) {
    %c0_i32 = arith.constant 0 : i32
    %c0_i32_0 = arith.constant 0 : i32
    return %arg0, %c0_i32 : i32, i32
  }
  func.func @transform_1(%arg0: i32) -> (i32, i32) {
    %c0_i32 = arith.constant 0 : i32
    %c0_i32_0 = arith.constant 0 : i32
    return %arg0, %c0_i32 : i32, i32
  }
  func.func @transform_2(%arg0: i32) -> (i32, i32) {
    %c0_i32 = arith.constant 0 : i32
    %c0_i32_0 = arith.constant 0 : i32
    return %arg0, %c0_i32 : i32, i32
  }
  func.func @transform_3(%arg0: i32) -> (i32, i32) {
    %c0_i32 = arith.constant 0 : i32
    %c0_i32_0 = arith.constant 0 : i32
    return %arg0, %c0_i32 : i32, i32
  }
  func.func @transform_4(%arg0: i32) -> i32 {
    %c0_i32 = arith.constant 0 : i32
    %c0_i32_0 = arith.constant 0 : i32
    return %c0_i32 : i32
  }
  func.func @transform_5(%arg0: i32) -> i32 {
    %c0_i32 = arith.constant 0 : i32
    %c0_i32_0 = arith.constant 0 : i32
    return %c0_i32 : i32
  }
  func.func @transform_6(%arg0: i32) -> i32 {
    %c0_i32 = arith.constant 0 : i32
    %c0_i32_0 = arith.constant 0 : i32
    return %c0_i32 : i32
  }
  func.func @transform_7(%arg0: i32) -> (i32, i32) {
    %c0_i32 = arith.constant 0 : i32
    %c0_i32_0 = arith.constant 0 : i32
    %c0_i32_1 = arith.constant 0 : i32
    return %c0_i32, %c0_i32_0 : i32, i32
  }
  func.func @transform_8(%arg0: i32) -> (i32, i32) {
    %c0_i32 = arith.constant 0 : i32
    %c0_i32_0 = arith.constant 0 : i32
    %c0_i32_1 = arith.constant 0 : i32
    return %c0_i32, %c0_i32_0 : i32, i32
  }
  func.func @transform_9(%arg0: i32) -> (i32, i32) {
    %c0_i32 = arith.constant 0 : i32
    %c0_i32_0 = arith.constant 0 : i32
    %c0_i32_1 = arith.constant 0 : i32
    return %c0_i32, %c0_i32_0 : i32, i32
  }
  func.func @transform_10(%arg0: i32) -> (i32, i32) {
    %c0_i32 = arith.constant 0 : i32
    %c0_i32_0 = arith.constant 0 : i32
    %c0_i32_1 = arith.constant 0 : i32
    return %c0_i32, %c0_i32_0 : i32, i32
  }
  func.func @transform_11(%arg0: i32) -> (i32, i32) {
    %c0_i32 = arith.constant 0 : i32
    %c0_i32_0 = arith.constant 0 : i32
    return %arg0, %c0_i32 : i32, i32
  }
  func.func @transform_12(%arg0: i32) -> (i32, i32) {
    %c0_i32 = arith.constant 0 : i32
    %c0_i32_0 = arith.constant 0 : i32
    return %arg0, %c0_i32 : i32, i32
  }
  func.func @transform_13(%arg0: i32) -> (i32, i32) {
    %c0_i32 = arith.constant 0 : i32
    %c0_i32_0 = arith.constant 0 : i32
    return %arg0, %c0_i32 : i32, i32
  }
}

module attributes {stable_mosaic.version = 14 : i64} {
  func.func @_fin_body(%arg0: i32, %arg1: memref<400x72xf32, #tpu.memory_space<vmem>>, %arg2: memref<400x72xf32, #tpu.memory_space<vmem>>, %arg3: memref<400x16xf32, #tpu.memory_space<vmem>>, %arg4: memref<400x64xf32, #tpu.memory_space<vmem>>, %arg5: memref<64xf32, #tpu.memory_space<vmem>>, %arg6: memref<400x64xf32, #tpu.memory_space<vmem>>) attributes {dimension_semantics = [#tpu.dimension_semantics<arbitrary>], iteration_bounds = array<i64: 125>, scalar_prefetch = 0 : i64, scratch_operands = 0 : i64, tpu.core_type = #tpu.core_type<tc>, window_params = [{transform_indices = @transform_0, window_bounds = array<i64: 400, 72>}, {transform_indices = @transform_1, window_bounds = array<i64: 400, 72>}, {transform_indices = @transform_2, window_bounds = array<i64: 400, 16>}, {transform_indices = @transform_3, window_bounds = array<i64: 400, 64>}, {pipeline_mode = #tpu.pipeline_mode<synchronous>, transform_indices = @transform_4, window_bounds = array<i64: 64>}, {transform_indices = @transform_5, window_bounds = array<i64: 400, 64>}]} {
    %get3A = arith.constant 0 : index
    %get3A_0 = arith.constant 0 : index
    %get3A_1 = vector.load %arg1[%get3A, %get3A_0] : memref<400x72xf32, #tpu.memory_space<vmem>>, vector<400x72xf32>
    %get3A_2 = arith.constant 0 : index
    %get3A_3 = arith.constant 0 : index
    %get3A_4 = vector.load %arg2[%get3A_2, %get3A_3] : memref<400x72xf32, #tpu.memory_space<vmem>>, vector<400x72xf32>
    %get3A_5 = arith.constant 0 : index
    %get3A_6 = arith.constant 0 : index
    %get3A_7 = vector.load %arg3[%get3A_5, %get3A_6] : memref<400x16xf32, #tpu.memory_space<vmem>>, vector<400x16xf32>
    %get3A_8 = arith.constant 0 : index
    %get3A_9 = arith.constant 0 : index
    %get3A_10 = vector.load %arg4[%get3A_8, %get3A_9] : memref<400x64xf32, #tpu.memory_space<vmem>>, vector<400x64xf32>
    %get3A_11 = arith.constant 0 : index
    %get3A_12 = vector.load %arg5[%get3A_11] : memref<64xf32, #tpu.memory_space<vmem>>, vector<64xf32>
    %iota3A = tpu.iota {dimensions = array<i32: 0>} : vector<8x8xi32>
    %iota3A_13 = tpu.iota {dimensions = array<i32: 1>} : vector<8x8xi32>
    %add3A = arith.constant 0 : i32
    %add3A_14 = vector.broadcast %add3A : i32 to vector<8x8xi32>
    %add3A_15 = arith.addi %iota3A, %add3A_14 : vector<8x8xi32>
    %eq3A = arith.cmpi eq, %add3A_15, %iota3A_13 : vector<8x8xi32>
    %convert_element_type3A = arith.extui %eq3A : vector<8x8xi1> to vector<8x8xi32>
    %convert_element_type3A_16 = arith.sitofp %convert_element_type3A : vector<8x8xi32> to vector<8x8xf32>
    %broadcast_in_dim3A = arith.constant 1.000000e+00 : f32
    %broadcast_in_dim3A_17 = vector.broadcast %broadcast_in_dim3A : f32 to vector<1x8xf32>
    %broadcast_in_dim3A_18 = vector.shape_cast %convert_element_type3A_16 : vector<8x8xf32> to vector<8x1x8x1xf32>
    %broadcast_in_dim3A_19 = vector.shape_cast %broadcast_in_dim3A_17 : vector<1x8xf32> to vector<1x1x1x8xf32>
    %mul3A = vector.broadcast %broadcast_in_dim3A_18 : vector<8x1x8x1xf32> to vector<8x1x8x8xf32>
    %mul3A_20 = vector.broadcast %broadcast_in_dim3A_19 : vector<1x1x1x8xf32> to vector<8x1x8x8xf32>
    %mul3A_21 = arith.mulf %mul3A, %mul3A_20 : vector<8x1x8x8xf32>
    %reshape3A = vector.shape_cast %mul3A_21 : vector<8x1x8x8xf32> to vector<8x64xf32>
    %slice3A = vector.extract_strided_slice %get3A_7 {offsets = [0, 0], sizes = [400, 8], strides = [1, 1]} : vector<400x16xf32> to vector<400x8xf32>
    %slice3A_22 = vector.extract_strided_slice %get3A_7 {offsets = [0, 8], sizes = [400, 8], strides = [1, 1]} : vector<400x16xf32> to vector<400x8xf32>
    %add3A_23 = arith.addf %slice3A, %slice3A_22 : vector<400x8xf32>
    %ge3A = arith.constant 0.000000e+00 : f32
    %ge3A_24 = vector.broadcast %ge3A : f32 to vector<400x8xf32>
    %ge3A_25 = arith.cmpf oge, %add3A_23, %ge3A_24 : vector<400x8xf32>
    %mul3A_26 = arith.constant 2.000000e-01 : f32
    %mul3A_27 = vector.broadcast %mul3A_26 : f32 to vector<400x8xf32>
    %mul3A_28 = arith.mulf %mul3A_27, %add3A_23 : vector<400x8xf32>
    %select_n3A = arith.select %ge3A_25, %add3A_23, %mul3A_28 : vector<400x8xi1>, vector<400x8xf32>
    %exp3A = math.exp %select_n3A : vector<400x8xf32>
    %slice3A_29 = vector.extract_strided_slice %get3A_1 {offsets = [0, 64], sizes = [400, 8], strides = [1, 1]} : vector<400x72xf32> to vector<400x8xf32>
    %add3A_30 = arith.addf %slice3A_29, %exp3A : vector<400x8xf32>
    %dot_general3A = arith.constant dense<0.000000e+00> : vector<400x64xf32>
    %dot_general3A_31 = tpu.matmul %add3A_30, %reshape3A, %dot_general3A {dimension_numbers = #tpu.dot_dimension_numbers<[1], [0], [0], [1], [0, 0, 1, 1], [], []>, transpose_lhs_hint = false} : vector<400x8xf32>, vector<8x64xf32>, vector<400x64xf32> -> vector<400x64xf32>
    %slice3A_32 = vector.extract_strided_slice %get3A_1 {offsets = [0, 0], sizes = [400, 64], strides = [1, 1]} : vector<400x72xf32> to vector<400x64xf32>
    %slice3A_33 = vector.extract_strided_slice %get3A_4 {offsets = [0, 0], sizes = [400, 64], strides = [1, 1]} : vector<400x72xf32> to vector<400x64xf32>
    %dot_general3A_34 = arith.constant dense<0.000000e+00> : vector<400x64xf32>
    %dot_general3A_35 = tpu.matmul %exp3A, %reshape3A, %dot_general3A_34 {dimension_numbers = #tpu.dot_dimension_numbers<[1], [0], [0], [1], [0, 0, 1, 1], [], []>, transpose_lhs_hint = false} : vector<400x8xf32>, vector<8x64xf32>, vector<400x64xf32> -> vector<400x64xf32>
    %mul3A_36 = arith.mulf %slice3A_33, %dot_general3A_35 : vector<400x64xf32>
    %add3A_37 = arith.addf %slice3A_32, %mul3A_36 : vector<400x64xf32>
    %div3A = arith.divf %add3A_37, %dot_general3A_31 : vector<400x64xf32>
    %add3A_38 = arith.addf %div3A, %get3A_10 : vector<400x64xf32>
    %broadcast_in_dim3A_39 = vector.shape_cast %get3A_12 : vector<64xf32> to vector<1x64xf32>
    %add3A_40 = vector.broadcast %broadcast_in_dim3A_39 : vector<1x64xf32> to vector<400x64xf32>
    %add3A_41 = arith.addf %add3A_38, %add3A_40 : vector<400x64xf32>
    %swap3A = arith.constant 0 : index
    %swap3A_42 = arith.constant 0 : index
    %swap3A_43 = vector.load %arg6[%swap3A, %swap3A_42] : memref<400x64xf32, #tpu.memory_space<vmem>>, vector<400x64xf32>
    tpu.vector_store %arg6[%swap3A, %swap3A_42], %add3A_41 {strides = array<i32>} : memref<400x64xf32, #tpu.memory_space<vmem>>, vector<400x64xf32>,
    return
  }
  func.func @transform_0(%arg0: i32) -> (i32, i32) {
    %c0_i32 = arith.constant 0 : i32
    %c0_i32_0 = arith.constant 0 : i32
    return %arg0, %c0_i32 : i32, i32
  }
  func.func @transform_1(%arg0: i32) -> (i32, i32) {
    %c0_i32 = arith.constant 0 : i32
    %c0_i32_0 = arith.constant 0 : i32
    return %arg0, %c0_i32 : i32, i32
  }
  func.func @transform_2(%arg0: i32) -> (i32, i32) {
    %c0_i32 = arith.constant 0 : i32
    %c0_i32_0 = arith.constant 0 : i32
    return %arg0, %c0_i32 : i32, i32
  }
  func.func @transform_3(%arg0: i32) -> (i32, i32) {
    %c0_i32 = arith.constant 0 : i32
    %c0_i32_0 = arith.constant 0 : i32
    return %arg0, %c0_i32 : i32, i32
  }
  func.func @transform_4(%arg0: i32) -> i32 {
    %c0_i32 = arith.constant 0 : i32
    %c0_i32_0 = arith.constant 0 : i32
    return %c0_i32 : i32
  }
  func.func @transform_5(%arg0: i32) -> (i32, i32) {
    %c0_i32 = arith.constant 0 : i32
    %c0_i32_0 = arith.constant 0 : i32
    return %arg0, %c0_i32 : i32, i32
  }
}

</mosaic_0001>

<sc_bundles>
// kernel: kernel.10.cloned.1.call-start
scs
__scs_entry_jumppad:
0x0: {  	(pc) =	sbr.rel $0x88, $3  }
0x1: {  	(tag) =	ssettag $0x0;
	lr =	simm.s32 $0x1  }
0x2: {  	[smem:$0x3F8B] =	sst lr;
	_ =	strace $0xD0000000  }
0x3: {  	_ = 	snop  }
0x4: {  	_ = 	snop  }
0x5: {  	_ = 	snop  }
0x6: {  	_ = 	snop  }
0x7: {  	_ = 	snop  }
__scs_overlays_trampoline_lowered:
0x8: {  	[smem:$0x3F9A] =	sst s0  }
0x9: {  	[smem:$0x3F9B] =	sst s1  }
0xa: {  	[smem:$0x3F9C] =	sst s2  }
0xb: {  	[smem:$0x3F9D] =	sst s3  }
0xc: {  	[smem:$0x3F9E] =	sst s4  }
0xd: {  	[smem:$0x3F9F] =	sst s5  }
0xe: {  	[smem:$0x3FA0] =	sst s6  }
0xf: {  	[smem:$0x3FA1] =	sst s7  }
0x10: {  	[smem:$0x3FA2] =	sst s8  }
0x11: {  	[smem:$0x3FA3] =	sst s9;
	s0 =	simm.s32 @!p0 $0x0  }
0x12: {  	s1 =	sld [smem:$0x3F89];
	s0 =	simm.s32 @p0 $0x1  }
0x13: {  	[smem:$0x3FA4] =	sst s0;
	s0 =	simm.s32 @!p1 $0x0  }
0x14: {  	s2 =	sld [smem:$0x3F88];
	s0 =	simm.s32 @p1 $0x1  }
0x15: {  	[smem:$0x3FA5] =	sst s0;
	s0 =	simm.s32 @!p2 $0x0  }
0x16: {  	s3 =	sld [smem:$0x3FDB];
	s0 =	simm.s32 @p2 $0x1  }
0x17: {  	s4 =	simm.s32 $0x1BF5;
	[smem:$0x3FA7] =	sst s0  }
0x18: {  	s0 =	sld [smem:$0x3F8A];
	_ =	swait.ge [sflag:s4], $0x0  }
0x19: {  	s7 =	sld [smem:$0x3F8B]  }
0x1a: {  	s8 =	sadd.s32 $0xFFFFE003, lr  }
0x1b: {  	s9 =	sadd.s32 $0xFFFFFEF7, lr;
	s5 =	simm.s32 $0xFFFFFFFF;
	p2 =	slt.u32 s8, $0xFFFFF086  }
0x1c: {  	p1 =	slt.u32 s9, $0xF7A;
	s5 =	simm.s32 @!p2 $0x0  }
0x1d: {  	s5 =	simm.s32 @p1 $0x1;
	p0 =	seq.s32 s7, s2  }
0x1e: {  	s7 =	smul.u32 @!p0 $0xF7A, s2;
	p2 =	seq.s32 @!p0 s5, $0x0  }
0x1f: {  	s9 =	smul.u32 $0xF7A, s1;
	s8 =	simm.s32 @!p0 $0x1BF5;
	p2 =	por !p2, p0  }
0x20: {  	[sflag:s8] =	ssyncset.s32 @!p0 $0xFFFFF086;
	s6 =	sadd.s32 @!p0 s3, s7;
	s7 =	simm.s32 @!p0 $0x108  }
0x21: {  	s3 =	sadd.s32 s3, s9;
	s6 =	sadd.s32 @!p0 $0x88, s6;
	s7 =	simm.s32 @p2 $0x1082  }
0x22: {  	[simem:s7], [sflag:s8] =	dma.local @!p0 [hbm:s6], $0xF7A  }
0x23: {  	s9 =	sor.u32 $0xD0000000, s2;
	s6 =	simm.s32 $0x108;
	_ =	swait.ge @!p0 [sflag:s8], $0x0  }
0x24: {  	s3 =	sadd.s32 $0x88, s3;
	s6 =	simm.s32 @!p1 $0x1082;
	[sflag:s4] =	ssyncset.s32 $0xFFFFF086  }
0x25: {  	[simem:s6], [sflag:s4] =	dma.local [hbm:s3], $0xF7A  }
0x26: {  	[smem:$0x3F8B] =	sst s1;
	(tag) =	ssettag s2;
	_ =	strace s9  }
0x27: {  	s1 =	sld [smem:$0x3F9B]  }
0x28: {  	s2 =	sld [smem:$0x3F9C]  }
0x29: {  	s4 =	sld [smem:$0x3F9E]  }
0x2a: {  	p0 =	seq.s32 s5, $0x0;
	s5 =	sld [smem:$0x3F9F]  }
0x2b: {  	s6 =	sld [smem:$0x3FA0]  }
0x2c: {  	s7 =	sld [smem:$0x3FA1]  }
0x2d: {  	s3 =	simm.s32 $0x108;
	s8 =	sld [smem:$0x3FA2]  }
0x2e: {  	s3 =	simm.s32 @!p0 $0x1082;
	s9 =	sld [smem:$0x3FA3]  }
0x2f: {  	lr =	sadd.s32 s0, s3;
	s0 =	sld [smem:$0x3F9A]  }
0x30: {  	s3 =	sld [smem:$0x3F9D]  }
0x31: {  	[smem:$0x3FA6] =	sst s10  }
0x32: {  	s10 =	sld [smem:$0x3FA4];
	_ =	sdelay $0x3  }
0x33: {  	p0 =	seq.s32 s10, $0x1;
	s10 =	sld [smem:$0x3FA6];
	_ =	sdelay $0x3  }
0x34: {  	[smem:$0x3FA6] =	sst s10  }
0x35: {  	s10 =	sld [smem:$0x3FA5];
	_ =	sdelay $0x3  }
0x36: {  	p1 =	seq.s32 s10, $0x1;
	s10 =	sld [smem:$0x3FA6];
	_ =	sdelay $0x3  }
0x37: {  	[smem:$0x3FA6] =	sst s10  }
0x38: {  	s10 =	sld [smem:$0x3FA7]  }
0x39: {  	_ = 	snop;
	(pc) =	sbr.ind lr, $3  }
0x3a: {  	_ = 	snop  }
0x3b: {  	_ = 	snop  }
0x3c: {  	p2 =	seq.s32 s10, $0x1;
	s10 =	sld [smem:$0x3FA6]  }
0x3d: {  	_ =	shalt  }
0x3e: {  	_ =	shalt  }
0x3f: {  	_ =	shalt  }
0x40: {  	_ =	shalt  }
0x41: {  	_ =	shalt  }
0x42: {  	_ =	shalt  }
0x43: {  	_ =	shalt  }
0x44: {  	_ =	shalt  }
0x45: {  	_ =	shalt  }
0x46: {  	_ =	shalt  }
0x47: {  	_ =	shalt  }
0x48: {  	_ =	shalt  }
0x49: {  	_ =	shalt  }
0x4a: {  	_ =	shalt  }
0x4b: {  	_ =	shalt  }
0x4c: {  	_ =	shalt  }
0x4d: {  	_ =	shalt  }
0x4e: {  	_ =	shalt  }
0x4f: {  	_ =	shalt  }
0x50: {  	_ =	shalt  }
0x51: {  	_ =	shalt  }
0x52: {  	_ =	shalt  }
0x53: {  	_ =	shalt  }
0x54: {  	_ =	shalt  }
0x55: {  	_ =	shalt  }
0x56: {  	_ =	shalt  }
0x57: {  	_ =	shalt  }
0x58: {  	_ =	shalt  }
0x59: {  	_ =	shalt  }
0x5a: {  	_ =	shalt  }
0x5b: {  	_ =	shalt  }
0x5c: {  	_ =	shalt  }
0x5d: {  	_ =	shalt  }
0x5e: {  	_ =	shalt  }
0x5f: {  	_ =	shalt  }
0x60: {  	_ =	shalt  }
0x61: {  	_ =	shalt  }
0x62: {  	_ =	shalt  }
0x63: {  	_ =	shalt  }
0x64: {  	_ =	shalt  }
0x65: {  	_ =	shalt  }
0x66: {  	_ =	shalt  }
0x67: {  	_ =	shalt  }
0x68: {  	_ =	shalt  }
0x69: {  	_ =	shalt  }
0x6a: {  	_ =	shalt  }
0x6b: {  	_ =	shalt  }
0x6c: {  	_ =	shalt  }
0x6d: {  	_ =	shalt  }
0x6e: {  	_ =	shalt  }
0x6f: {  	_ =	shalt  }
0x70: {  	_ =	shalt  }
0x71: {  	_ =	shalt  }
0x72: {  	_ =	shalt  }
0x73: {  	_ =	shalt  }
0x74: {  	_ =	shalt  }
0x75: {  	_ =	shalt  }
0x76: {  	_ =	shalt  }
0x77: {  	_ =	shalt  }
0x78: {  	_ =	shalt  }
0x79: {  	_ =	shalt  }
0x7a: {  	_ =	shalt  }
0x7b: {  	_ =	shalt  }
0x7c: {  	_ =	shalt  }
0x7d: {  	_ =	shalt  }
0x7e: {  	_ =	shalt  }
0x7f: {  	_ =	shalt  }
0x80: {  	_ =	shalt  }
0x81: {  	_ =	shalt  }
0x82: {  	_ =	shalt  }
0x83: {  	_ =	shalt  }
0x84: {  	_ =	shalt  }
0x85: {  	_ =	shalt  }
0x86: {  	_ =	shalt  }
0x87: {  	_ =	shalt  }
.Lfunc_end0:
.L_simem_size_0:
called_computation.1_lowered:
.L_overlay_start_0:
0x88: {  	s2 =	sld [smem:$0x3FD9]  }
0x89: {  	s3 =	sld [smem:$0x3FFE];
	_ =	sdelay $0x1  }
0x8a: {  	s1 =	srdreg.scid  }
0x8b: {  	s0 =	sand.u32 $0x1, s1  }
0x8c: {  	s17 =	sshll.u32 s0, $0xA;
	s2 =	sadd.s32 s3, s2  }
0x8d: {  	s2 =	sadd.s32 s2, s17  }
0x8e: {  	[smem:$0x3FB2] =	sst s2  }
0x8f: {  	_ = 	snop  }
0x90: {  	s2 =	sld [smem:$0x3FD0];
	(tm) =	ssettm $0x1  }
0x91: {  	s18 =	sld [smem:$0x3FFB];
	_ =	sdelay $0x3  }
0x92: {  	_ =	strace s18  }
0x93: {  	s3 =	sld [smem:$0x3FFC];
	_ =	sdelay $0x3  }
0x94: {  	_ =	strace s3  }
0x95: {  	s3 =	sld [smem:$0x3FFD];
	_ =	sdelay $0x3  }
0x96: {  	_ =	strace s3  }
0x97: {  	_ =	strace $0x8FFFFFFF  }
0x98: {  	s19 =	sld [smem:$0x3FDB];
	_ =	sdelay $0x1  }
0x99: {  	s4 =	simm.s32 $_scs_section_size  }
0x9a: {  	s5 =	simm.s32 $_size__tile_overlayer_lowered;
	s6 =	simm.s32 $_tile_overlayer_lowered  }
0x9b: {  	s22 =	simm.s32 $0x1BFF;
	s21 =	sshll.u32 s6, $0x1;
	s3 =	sadd.s32 s4, s19  }
0x9c: {  	s7 =	simm.s32 $0x0;
	s20 =	sshll.u32 s5, $0x1;
	s5 =	sadd.s32 s21, s3  }
0x9d: {  	[timem:s7], [sflag:s22] =	dma.local [hbm:s5], s20  }
0x9e: {  	_ =	swait.ge [sflag:s22], s20  }
0x9f: {  	s4 =	ssub.s32 $0x0, s20;
	[sflag:s22] =	ssyncset.done $0x0  }
0xa0: {  	[sflag:s22] =	ssyncadd.s32 s4;
	_ =	sdelay $0x1  }
0xa1: {  	s23 =	simm.s32 $0x1B8B  }
0xa2: {  	_ =	swait.ge [sflag:s23], $0x1  }
0xa3: {  	[sflag:s23] =	ssyncset.done $0x0  }
0xa4: {  	s25 =	simm.s32 $0x1B8E;
	s24 =	sld [smem:$0x3FFE];
	[sflag:s23] =	ssyncadd.s32 $0xFFFFFFFF  }
0xa5: {  	s26 =	simm.s32 $execute0_lowered;
	[smem:$0x3FD2] =	sst s25  }
0xa6: {  	s5 =	sshll.u32 s26, $0x1;
	_ =	strace $0x80000049;
	[dreg:$0x1] =	wrdreg $0xFFFFFFFF  }
0xa7: {  	s28 =	simm.s32 $_size_execute0_lowered;
	s3 =	sadd.s32 s3, s5;
	[dreg:$0x0] =	wrdreg $0x0  }
0xa8: {  	s5 =	sshll.u32 s28, $0x1;
	[dreg:$0x2] =	wrdreg s3  }
0xa9: {  	[dreg:$0x3] =	wrdreg s5  }
0xaa: {  	[dreg:$0x4] =	wrdreg $0xC0  }
0xab: {  	_ =	task [dreg:s7], $0x5FFFF  }
0xac: {  	[dreg:$0x1] =	wrdreg $0xFFFFFFFF  }
0xad: {  	[dreg:$0x0] =	wrdreg $0x60  }
0xae: {  	[dreg:$0x2] =	wrdreg s24  }
0xaf: {  	[dreg:$0x3] =	wrdreg s2  }
0xb0: {  	[dreg:$0x4] =	wrdreg $0x0  }
0xb1: {  	[dreg:$0x5] =	wrdreg $0x9  }
0xb2: {  	_ =	task.clear_ibuf [dreg:s7], $0x6FFFF;
	_ =	strace $0x90000049  }
0xb3: {  	s29 =	simm.s32 $0x9;
	_ =	strace $0x8000004B  }
0xb4: {  	_ =	swait.ge [sflag:s29], $0x1  }
0xb5: {  	[sflag:s29] =	ssyncadd.s32 $0xFFFFFFFF  }
0xb6: {  	_ =	strace $0x9000004B  }
0xb7: {  	_ =	sfence  }
0xb8: {  	s30 =	sld [smem:$0x0];
	_ =	sdelay $0x2  }
0xb9: {  	s31 =	sshll.u32 s1, $0xD;
	s1 =	sshrl.u32 s1, $0x2  }
0xba: {  	s3 =	sand.u32 $0x4000, s31;
	s1 =	sadd.s32 s1, s30  }
0xbb: {  	s0 =	sor.u32 s3, s0;
	s1 =	sshll.u32 s1, $0x11  }
0xbc: {  	s0 =	sor.u32 s1, s0  }
0xbd: {  	s0 =	sadd.s32 $0x8F2B, s0  }
0xbe: {  	[sflag:s0] =	ssyncadd.remote.s32 $0x1  }
0xbf: {  	_ =	sfence.sel $0xFFFF  }
0xc0: {  	[dreg:$0x0] =	wrdreg $0xFFFFFFFF;
	(pc) =	sbr.abs _section_cstart, $3  }
0xc1: {  	[dreg:$0x1] =	wrdreg $0xFFFFFFFF  }
0xc2: {  	_ =	task.clear_ibuf [dreg:s7], $0x2FFFF;
	_ =	strace $0x9FFFFFFF  }
0xc3: {  	(tm) =	ssettm $0x7FFFFFFF  }
tec
execute0_lowered:
.L_overlay_start_1:
0x0: {  	(tag) =	ssettag $0x1  }
0x1: {  	s0 =	rddreg [dreg:$0x0];
	s1 =	srdreg.scid  }
0x2: {  	s3 =	rddreg [dreg:$0x2];
	s2 =	stileid.u32;
	s11 =	simm.s32 $0x0  }
0x3: {  	s14 =	simm.s32 $0x3;
	s18 =	simm.s32 $0x1C508;
	s19 =	simm.s32 $0x1C108  }
0x4: {  	s20 =	simm.s32 $0x40;
	s22 =	simm.s32 $0x1CA88;
	s24 =	simm.s32 $0x1EE88  }
0x5: {  	s30 =	simm.s32 $0x1;
	s31 =	simm.s32 $0x1CA08;
	s1 =	sand.u32 $0x1, s1  }
0x6: {  	s5 =	smul.u32 $0x620, s2;
	[smem:$0x7FF] =	sst s11;
	s6 =	sadd.s32 $0x34C00, s0  }
0x7: {  	s9 =	smul.u32 $0x6E400, s2;
	s10 =	sadd.s32 $0xA2A00, s0;
	s28 =	sshll.u32 s2, $0x6  }
0x8: {  	p0 =	sne.s32 s2, $0xF;
	s4 =	smul.u32 $0x6200, s1;
	_ =	strace $0x8000004A  }
0x9: {  	s1 =	ssub.s32 $0x2, s1;
	[dreg:$0x5] =	wrdreg s10;
	s12 =	sor.u32 $0x1C03, s28  }
0xa: {  	s10 =	smul.u32 $0xC350, s2;
	s25 =	sshrl.u32 s1, $0x1;
	s7 =	sadd.s32 s5, s4  }
0xb: {  	s26 =	sshrl.u32 s9, $0x2;
	[dreg:$0x6] =	wrdreg s12;
	s8 =	smul.u32 $0x9, s7  }
0xc: {  	v6 =	vlaneseq.u32;
	v1 =	vimm.s32 $0x0;
	s5 =	sadd.s32 $0x3C00, s0;
	s1 =	ssub.s32 s1, s25;
	s7 =	sadd.s32 $0x1C400, s0  }
.Ltmp0:
0xd: {  	v2 =	vimm.s32 $0x6200;
	v3 =	vmul.u32 $0xFFFFFFFF, v6;
	v5 =	vand.u32 $0x7, v6;
	s29 =	smax.u32 s1, $0x1;
	s0 =	sadd.s32 s8, s0;
	(pc) =	sbr.rel .LBB2_1-.Ltmp0, $4  }
0xe: {  	v4 =	vshrl.u32 v6, $0x3;
	v6 =	vor.u32 $0x8, v6;
	v5 =	vor.u32 $0x40, v5;
	[dreg:$0x8] =	wrdreg s29;
	s8 =	sadd.s32 s26, s3;
	s0 =	sadd.s32 $0xA6200, s0  }
0xf: {  	v7 =	vor.u32 $0x8, v4;
	v8 =	vor.u32 $0x2, v4;
	v9 =	vor.u32 $0xA, v4;
	s9 =	sadd.s32 $0x1B9000, s3;
	s8 =	sshrl.u32 s8, $0x3;
	[dreg:$0x7] =	wrdreg s0  }
0x10: {  	v10 =	vor.u32 $0x4, v4;
	v11 =	vor.u32 $0xC, v4;
	v12 =	vor.u32 $0x6, v4;
	s1 =	simm.s32 $0x1CA48;
	s0 =	sshrl.u32 @!p0 s9, $0x3;
	[dreg:$0x9] =	wrdreg s8  }
0x11: {  	v13 =	vor.u32 $0xE, v4;
	v3 =	vadd.s32 $0x3E8, v3;
	v0 =	vmov s4;
	s26 =	simm.s32 $0x1DC88;
	[dreg:$0xa] =	wrdreg s0;
	s0 =	simm.s32 $0x2  }
.LBB2_25:
0x12: {  	[bflag:$0x0] =	sbarrier.arrive $0xFFFF  }
0x13: {  	s12 =	rddreg [dreg:$0x6]  }
0x14: {  	s2 =	rddreg [dreg:$0x7]  }
0x15: {  	s8 =	rddreg [dreg:$0x9]  }
0x16: {  	[hbm:s2], [sflag:s12] =	dma.local [spmem:s8], $0x3720  }
0x17: {  	_ =	swait.ge [sflag:s14], $0x3720  }
0x18: {  	s11 =	rddreg [dreg:$0x4]  }
0x19: {  	s29 =	rddreg [dreg:$0x8];
	s11 =	sadd.s32 $0x1, s11  }
0x1a: {  	p1 =	sne.s32 s11, s29  }
.Ltmp1:
0x1b: {  	_ = 	snop;
	(pc) =	sbr.rel @!p1 .LBB2_26-.Ltmp1, $3  }
0x1c: {  	_ =	sdelay $0x1  }
0x1d: {  	[sflag:s14] =	ssyncset.done $0x0  }
0x1e: {  	[sflag:s14] =	ssyncadd.s32 $0xFFFFC8E0  }
.LBB2_1:
0x1f: {  	[dreg:$0x4] =	wrdreg s11  }
0x20: {  	s2 =	rddreg [dreg:$0x5]  }
0x21: {  	[spmem:s8], [sflag:s12] =	dma.local [hbm:s2], $0x3720  }
0x22: {  	_ =	swait.ge [sflag:s14], $0x3720  }
0x23: {  	[sflag:s14] =	ssyncset.done $0x0  }
0x24: {  	s4 =	rddreg [dreg:$0xa];
	[sflag:s14] =	ssyncadd.s32 $0xFFFFC8E0  }
0x25: {  	[spmem:s4], [sflag:s12] =	dma.local @!p0 [hbm:s2], $0x48  }
0x26: {  	s4 =	simm.s32 @!p0 $0x3  }
0x27: {  	_ =	swait.ge @!p0 [sflag:s4], $0x48  }
0x28: {  	[sflag:s4] =	ssyncset.done @!p0 $0x0  }
0x29: {  	s8 =	simm.s32 $0x0;
	[sflag:s4] =	ssyncadd.s32 @!p0 $0xFFFFFFB8;
	s4 =	simm.s32 $0x40  }
.LBB2_2:
0x2a: {  	p1 =	sne.s32 s4, $0xFC0;
	[tilespmem:s8+$0x1C108] =	vst v1;
	s8 =	smov.u32 s4;
	s4 =	sadd.s32 $0x40, s4  }
.Ltmp2:
0x2b: {  	(pc) =	sbr.rel @p1 .LBB2_2-.Ltmp2, $2  }
0x2c: {  	_ =	sdelay $0x2  }
0x2d: {  	s8 =	sshra.s32 s8, $0x2  }
.Ltmp3:
0x2e: {  	(pc) =	sbr.rel .LBB2_4-.Ltmp3, $4  }
0x2f: {  	_ = 	snop  }
0x30: {  	[tilespmem:s8+$0x1C108] =	vst v1  }
0x31: {  	[bflag:$0x0] =	sbarrier.arrive $0xFFFF  }
0x32: {  	s11 =	simm.s32 $0x0;
	s12 =	simm.s32 $0x0  }
.LBB2_24:
0x33: {  	s12 =	sadd.s32 $0x1, s12  }
0x34: {  	p1 =	sne.s32 s12, $0x32  }
.Ltmp4:
0x35: {  	_ = 	snop;
	(pc) =	sbr.rel @!p1 .LBB2_25-.Ltmp4, $1  }
0x36: {  	_ =	sdelay $0x3  }
.LBB2_4:
0x37: {  	s4 =	smul.u32 $0x3E8, s12;
	_ =	sdelay $0x1  }
0x38: {  	s4 =	sadd.s32 s10, s4  }
0x39: {  	s4 =	sshrl.u32 s4, $0x3  }
0x3a: {  	s2 =	simm.s32 $0x1B928;
	s8 =	sadd.s32 s5, s4  }
0x3b: {  	[tilespmem:s2], [sflag:$0x3] =	stream.linear.gather [hbm4b:s8+s11], $0x3E8, $0x38;
	[tilespmem:$0x1F688] =	vst v63  }
0x3c: {  	_ =	swait.ge [sflag:s14], $0x3E8  }
0x3d: {  	[sflag:s14] =	ssyncset.done $0x0  }
0x3e: {  	[sflag:s14] =	ssyncadd.s32 $0xFFFFFC18  }
0x3f: {  	s28 =	rddreg [dreg:$0x1]  }
0x40: {  	s29 =	simm.s32 $0x1BD18;
	s4 =	sadd.s32 s28, s4  }
0x41: {  	[tilespmem:s29], [sflag:$0x3] =	stream.linear.gather [hbm4b:s4+s11], $0x3E8, $0x38;
	[tilespmem:$0x1F688] =	vst v63  }
0x42: {  	_ =	swait.ge [sflag:s14], $0x3E8  }
0x43: {  	[sflag:s14] =	ssyncset.done $0x0  }
0x44: {  	s4 =	simm.s32 $0x0;
	[sflag:s14] =	ssyncadd.s32 $0xFFFFFC18  }
.LBB2_5:
0x45: {  	p1 =	sne.s32 s4, $0xFC0  }
.Ltmp5:
0x46: {  	_ = 	snop;
	(pc) =	sbr.rel @p1 .LBB2_5-.Ltmp5, $3  }
0x47: {  	_ =	sdelay $0x1  }
0x48: {  	s8 =	sshra.s32 s4, $0x2  }
0x49: {  	s4 =	sadd.s32 $0x40, s4;
	[tilespmem:s8+$0x1C508] =	vst v2  }
0x4a: {  	s4 =	simm.s32 $0x1BD18  }
0x4b: {  	v14 =	vld [tilespmem:s4+$0x0];
	_ =	sdelay $0x3  }
0x4c: {  	s4 =	simm.s32 $0x0  }
0x4d: {  	v15 =	vmov s4;
	v14 =	vsub.s32 v14, v0  }
0x4e: {  	vm1 =	vlt.u32 v15, v3;
	vm0 =	vlt.u32 v14, $0x6200  }
0x4f: {  	vm0 =	vmand vm1, vm0  }
0x50: {  	v15 =	vsel vm0, $0x1, v1  }
0x51: {  	(xrf0) =	vadd.scan.msk.s32 $0xffff, v15;
	_ =	sdelay $0x4  }
0x52: {  	v15 =	vmov s4  }
0x53: {  	v15 =	vadd.s32 $0xFFFFFFFF, v15;
	v16, _, _ =	vpop (xrf0)  }
0x54: {  	v15 =	vbroadcast v15, $0x0;
	v17 =	vxor.u32 $0x80000000, v16  }
0x55: {  	(xrf0) =	vmax.scan.msk.u32 $0xffff, v17  }
0x56: {  	v15 =	vadd.s32 v16, v15;
	_ =	sdelay $0x1  }
0x57: {  	s8 =	simm.s32 $0x1B928  }
0x58: {  	v63 =	vld [tilespmem:s8+$0x0];
	_ =	sdelay $0x1  }
0x59: {  	[tilespmem:v15+s18+$0x0] =	vst.idx.msk vm0, v14;
	v14, _, _ =	vpop (xrf0)  }
0x5a: {  	(v2sf) =	vpush v14, $0xF;
	_ =	sdelay $0x1  }
0x5b: {  	s13 =	simm.s32 $0x1BD28;
	[tilespmem:v15+s19+$0x0] =	vst.idx.msk vm0, v63  }
0x5c: {  	s9 =	simm.s32 $0x10;
	s15 =	simm.s32 $0x20;
	v14 =	vld [tilespmem:s13+$0x0]  }
.LBB2_7:
0x5d: {  	p1 =	sne.s32 s15, $0x3E0;
	_ =	sdelay $0x3  }
0x5e: {  	v15 =	vmov s9;
	s9 =	smov.u32 s15;
	v14 =	vsub.s32 v14, v0  }
0x5f: {  	vm1 =	vlt.u32 v15, v3;
	vm0 =	vlt.u32 v14, $0x6200  }
0x60: {  	vm0 =	vmand vm1, vm0  }
0x61: {  	v15 =	vsel vm0, $0x1, v1  }
0x62: {  	(xrf0) =	vadd.scan.msk.s32 $0xffff, v15;
	_ =	sdelay $0x2  }
0x63: {  	s21 =	spop (v2sf)  }
0x64: {  	s4 =	sadd.s32 s21, s4  }
0x65: {  	s4 =	sadd.s32 $0x80000000, s4  }
0x66: {  	v15 =	vmov s4;
	v16, _, _ =	vpop (xrf0)  }
0x67: {  	v15 =	vadd.s32 $0xFFFFFFFF, v15;
	v17 =	vxor.u32 $0x80000000, v16  }
0x68: {  	v15 =	vbroadcast v15, $0x0;
	(xrf0) =	vmax.scan.msk.u32 $0xffff, v17;
	_ =	sdelay $0x1  }
0x69: {  	s8 =	sadd.s32 $0x10, s8;
	v15 =	vadd.s32 v16, v15  }
0x6a: {  	v16 =	vld [tilespmem:s8+$0x0];
	_ =	sdelay $0x2  }
.Ltmp6:
0x6b: {  	v17, _, _ =	vpop (xrf0);
	(pc) =	sbr.rel @p1 .LBB2_7-.Ltmp6, $4  }
0x6c: {  	[tilespmem:v15+s18+$0x0] =	vst.idx.msk vm0, v14;
	(v2sf) =	vpush v17, $0xF  }
0x6d: {  	[tilespmem:v15+s19+$0x0] =	vst.idx.msk vm0, v16  }
0x6e: {  	s13 =	sadd.s32 $0x10, s13  }
0x6f: {  	s15 =	sadd.s32 $0x10, s15;
	v14 =	vld [tilespmem:s13+$0x0]  }
0x70: {  	_ =	sdelay $0x3  }
0x71: {  	v15 =	vmov s9;
	v14 =	vsub.s32 v14, v0  }
0x72: {  	vm1 =	vlt.u32 v15, v3;
	vm0 =	vlt.u32 v14, $0x6200  }
0x73: {  	vm0 =	vmand vm1, vm0  }
0x74: {  	v15 =	vsel vm0, $0x1, v1  }
0x75: {  	(xrf0) =	vadd.scan.msk.s32 $0xffff, v15;
	_ =	sdelay $0x5  }
0x76: {  	v15, _, _ =	vpop (xrf0)  }
0x77: {  	v16 =	vxor.u32 $0x80000000, v15  }
0x78: {  	(xrf0) =	vmax.scan.msk.u32 $0xffff, v16;
	_ =	sdelay $0x5  }
0x79: {  	v16, _, _ =	vpop (xrf0)  }
0x7a: {  	(v2sf) =	vpush v16, $0xF;
	_ =	sdelay $0xb  }
0x7b: {  	s28 =	spop (v2sf)  }
0x7c: {  	s4 =	sadd.s32 s28, s4  }
0x7d: {  	s4 =	sadd.s32 $0x80000000, s4  }
0x7e: {  	v62 =	vmov s4;
	s29 =	spop (v2sf)  }
0x7f: {  	v16 =	vadd.s32 $0xFFFFFFFF, v62;
	s4 =	sadd.s32 s29, s4  }
0x80: {  	v16 =	vbroadcast v16, $0x0;
	s4 =	sadd.s32 $0x80000000, s4  }
0x81: {  	s4 =	sadd.s32 $0x3F, s4  }
0x82: {  	s8 =	sadd.s32 $0x10, s8;
	v15 =	vadd.s32 v15, v16;
	s15 =	sshra.s32 s4, $0x6  }
0x83: {  	v63 =	vld [tilespmem:s8+$0x0];
	p1 =	slt.s32 s15, $0x1  }
.Ltmp7:
0x84: {  	_ = 	snop;
	(pc) =	sbr.rel @p1 .LBB2_12-.Ltmp7, $3  }
0x85: {  	_ =	sdelay $0x1  }
0x86: {  	[tilespmem:v15+s18+$0x0] =	vst.idx.msk vm0, v14  }
0x87: {  	[tilespmem:v15+s19+$0x0] =	vst.idx.msk vm0, v63  }
0x88: {  	v14 =	vld [tilespmem:$0x1C508]  }
0x89: {  	v15 =	vld [tilespmem:$0x1C108]  }
0x8a: {  	v16 =	vld [tilespmem:$0x1C518];
	_ =	sdelay $0x2  }
0x8b: {  	v17 =	vld [tilespmem:$0x1C118];
	[tilespmem:$0x1CA08] =	vst v14  }
0x8c: {  	v62 =	vld [tilespmem:$0x1C128];
	[tilespmem:$0x1C908] =	vst v15  }
0x8d: {  	v63 =	vld [tilespmem:$0x1C138];
	v14 =	vadd.s32 v0, v14;
	[tilespmem:$0x1CA18] =	vst v16  }
0x8e: {  	v15 =	vadd.s32 v0, v16;
	[tilespmem:$0x1C988] =	vst v14;
	v14 =	vld [tilespmem:$0x1C528]  }
0x8f: {  	[tilespmem:$0x1C998] =	vst v15;
	v15 =	vld [tilespmem:$0x1C538]  }
0x90: {  	[tilespmem:$0x1C918] =	vst v17  }
0x91: {  	[tilespmem:$0x1C928] =	vst v62  }
0x92: {  	[tilespmem:$0x1C938] =	vst v63  }
0x93: {  	[tilespmem:$0x1CA28] =	vst v14  }
0x94: {  	p1 =	seq.s32 s15, $0x1;
	v14 =	vadd.s32 v0, v14;
	[tilespmem:$0x1CA38] =	vst v15  }
.Ltmp8:
0x95: {  	[tilespmem:$0x1C9A8] =	vst v14;
	v14 =	vadd.s32 v0, v15;
	(pc) =	sbr.rel @!p1 .LBB2_11-.Ltmp8, $4  }
0x96: {  	s2 =	simm.s32 $0x1C908;
	[tilespmem:$0x1C9B8] =	vst v14  }
0x97: {  	[tilespmem:s22], [sflag:$0x1] =	stream.indirect.gather [hbm4b:s6+s20], $0x48, s2, s20, $0xb8;
	[tilespmem:$0x1F688] =	vst v63  }
0x98: {  	s29 =	simm.s32 $0x1C988  }
0x99: {  	[tilespmem:s24], [sflag:$0x1] =	stream.indirect.gather [hbm4b:s7+s20], $0x10, s29, s20, $0xb8;
	[tilespmem:$0x1F688] =	vst v63  }
.Ltmp9:
0x9a: {  	(pc) =	sbr.rel .LBB2_14-.Ltmp9, $2  }
0x9b: {  	_ =	sdelay $0x2  }
0x9c: {  	s8 =	simm.s32 $0x1;
	s13 =	simm.s32 $0x0  }
.LBB2_11:
0x9d: {  	v14 =	vld [tilespmem:$0x1C548]  }
0x9e: {  	v15 =	vld [tilespmem:$0x1C148]  }
0x9f: {  	v16 =	vld [tilespmem:$0x1C558];
	_ =	sdelay $0x2  }
0xa0: {  	v17 =	vld [tilespmem:$0x1C158];
	[tilespmem:$0x1CA48] =	vst v14  }
0xa1: {  	v62 =	vld [tilespmem:$0x1C168];
	[tilespmem:$0x1C948] =	vst v15  }
0xa2: {  	v63 =	vld [tilespmem:$0x1C178];
	v14 =	vadd.s32 v0, v14;
	[tilespmem:$0x1CA58] =	vst v16  }
0xa3: {  	v15 =	vadd.s32 v0, v16;
	[tilespmem:$0x1C9C8] =	vst v14;
	v14 =	vld [tilespmem:$0x1C568]  }
0xa4: {  	[tilespmem:$0x1C9D8] =	vst v15;
	v15 =	vld [tilespmem:$0x1C578]  }
0xa5: {  	[tilespmem:$0x1C958] =	vst v17  }
0xa6: {  	[tilespmem:$0x1C968] =	vst v62  }
0xa7: {  	[tilespmem:$0x1C978] =	vst v63  }
0xa8: {  	[tilespmem:$0x1CA68] =	vst v14  }
0xa9: {  	v14 =	vadd.s32 v0, v14;
	[tilespmem:$0x1CA78] =	vst v15  }
0xaa: {  	[tilespmem:$0x1C9E8] =	vst v14;
	v14 =	vadd.s32 v0, v15  }
0xab: {  	s2 =	simm.s32 $0x1C948;
	[tilespmem:$0x1C9F8] =	vst v14  }
0xac: {  	[tilespmem:s26], [sflag:$0x2] =	stream.indirect.gather [hbm4b:s6+s20], $0x48, s2, s20, $0xb8;
	[tilespmem:$0x1F688] =	vst v63  }
0xad: {  	s29 =	simm.s32 $0x1C9C8;
	s4 =	simm.s32 $0x1F288  }
0xae: {  	[tilespmem:s4], [sflag:$0x2] =	stream.indirect.gather [hbm4b:s7+s20], $0x10, s29, s20, $0xb8;
	[tilespmem:$0x1F688] =	vst v63  }
.LBB2_12:
0xaf: {  	s4 =	sadd.s32 $0x1, s15  }
0xb0: {  	s8 =	sshra.s32 s4, $0x1  }
0xb1: {  	p1 =	slt.s32 s8, $0x1  }
.Ltmp10:
0xb2: {  	_ = 	snop;
	(pc) =	sbr.rel @p1 .LBB2_24-.Ltmp10, $1  }
0xb3: {  	_ =	sdelay $0x3  }
0xb4: {  	s13 =	sadd.s32 $0xFFFFFFFF, s15  }
.LBB2_14:
.Ltmp11:
0xb5: {  	(pc) =	sbr.rel .LBB2_15-.Ltmp11, $2  }
0xb6: {  	_ =	sdelay $0x2  }
0xb7: {  	s9 =	simm.s32 $0x0  }
.LBB2_22:
0xb8: {  	_ =	sdelay $0x3  }
0xb9: {  	[tilespmem:v16+s22+$0x0] =	vst.idx.msk $0xffff, v24  }
0xba: {  	v61 =	vmul.f32 v29, v23;
	[tilespmem:s28+$0xFFFFFE20] =	vst v33;
	v36 =	vmul.f32 v27, v19;
	v27 =	vpop (erf)  }
0xbb: {  	v22 =	vmul.f32 v32, v22;
	[tilespmem:v15+s22+$0x0] =	vst.idx.msk $0xffff, v27  }
0xbc: {  	v63 =	vld [tilespmem:s4+$0xFFFFFE78];
	[tilespmem:s28+$0xFFFFFDE8] =	vst v61  }
0xbd: {  	v37 =	vld [tilespmem:s4+$0xFFFFFEC0];
	[tilespmem:s28+$0xFFFFFE40] =	vst v22  }
0xbe: {  	v18 =	vmul.f32 v30, v18;
	v38 =	vld [tilespmem:s4+$0xFFFFFEB0];
	v16 =	vpop (erf);
	[tilespmem:s28+$0xFFFFFE30] =	vst v36  }
0xbf: {  	v20 =	vmul.f32 v26, v20;
	v47 =	vld [tilespmem:s4+$0xFFFFFEE0];
	[tilespmem:v17+s22+$0x0] =	vst.idx.msk $0xffff, v16  }
0xc0: {  	v40 =	vperm.xlane v24, v9;
	v45 =	vmul.f32 v31, v21;
	v39 =	vld [tilespmem:s4+$0xFFFFFE88];
	[tilespmem:s28+$0xFFFFFFA8] =	vst v18  }
0xc1: {  	v48 =	vperm.xlane v24, v7;
	[tilespmem:s28+$0xFFFFFDF8] =	vst v20;
	v49 =	vld [tilespmem:s4+$0xFFFFFF28];
	v28 =	vmul.f32 v63, v28  }
0xc2: {  	v56 =	vperm.xlane v24, v13;
	[tilespmem:s28+$0xFFFFFE08] =	vst v45;
	v42 =	vmul.f32 v37, v40  }
0xc3: {  	v57 =	vperm.xlane v24, v10;
	v15 =	vld [tilespmem:s4+$0xFFFFFDD8];
	v22 =	vmul.f32 v38, v48;
	[tilespmem:s4+$0xFFFFFE78] =	vst v28  }
0xc4: {  	v41 =	vld [tilespmem:s4+$0xFFFFFE98];
	v53 =	vperm.xlane v27, v12;
	v20 =	vmul.f32 v47, v56;
	[tilespmem:s4+$0xFFFFFEC0] =	vst v42  }
0xc5: {  	v51 =	vld [tilespmem:s4+$0xFFFFFF70];
	v61 =	vmul.f32 v39, v57;
	[tilespmem:s4+$0xFFFFFEB0] =	vst v22  }
0xc6: {  	v62 =	vld [tilespmem:s4+$0xFFFFFE68];
	v46 =	vperm.xlane v16, v4;
	v17 =	vmul.f32 v49, v53;
	[tilespmem:s4+$0xFFFFFEE0] =	vst v20  }
0xc7: {  	v44 =	vperm.xlane v24, v12;
	v54 =	vld [tilespmem:s4+$0xFFFFFE50];
	[tilespmem:s4+$0xFFFFFE88] =	vst v61  }
0xc8: {  	v43 =	vld [tilespmem:s4+$0xFFFFFED0];
	v36 =	vperm.xlane v27, v13;
	v15 =	vmul.f32 v15, v46;
	[tilespmem:s4+$0xFFFFFF28] =	vst v17;
	v28 =	vpop (erf)  }
0xc9: {  	v35 =	vld [tilespmem:s4+$0xFFFFFEF8];
	[tilespmem:v14+s22+$0x0] =	vst.idx.msk $0xffff, v28;
	v14 =	vmul.f32 v41, v44  }
0xca: {  	v60 =	vperm.xlane v16, v13;
	v21 =	vmul.f32 v51, v36;
	[tilespmem:s4+$0xFFFFFDD8] =	vst v15;
	v50 =	vld [tilespmem:s4+$0xFFFFFFB8]  }
0xcb: {  	v15 =	vmul.f32 v62, v25;
	v52 =	vld [tilespmem:s4+$0xFFFFFF88];
	[tilespmem:s4+$0xFFFFFE98] =	vst v14;
	v14 =	vperm.xlane v24, v11  }
0xcc: {  	v40 =	vperm.xlane v27, v4;
	v19 =	vmul.f32 v54, v60;
	[tilespmem:s4+$0xFFFFFF70] =	vst v21;
	v58 =	vld [tilespmem:s4+$0xFFFFFFD0]  }
0xcd: {  	v55 =	vperm.xlane v28, v12;
	[tilespmem:s4+$0xFFFFFE68] =	vst v15;
	v15 =	vld [tilespmem:s4+$0xFFFFFF60];
	v14 =	vmul.f32 v43, v14  }
0xce: {  	v23 =	vmul.f32 v35, v40;
	[tilespmem:s4+$0xFFFFFE50] =	vst v19;
	v62 =	vperm.xlane v28, v4;
	v63 =	vld [tilespmem:s4+$0xFFFFFF98]  }
0xcf: {  	v39 =	vld [tilespmem:s4+$0xFFFFFF08];
	v32 =	vperm.xlane v28, v7;
	[tilespmem:s4+$0xFFFFFED0] =	vst v14;
	v14 =	vmul.f32 v50, v55  }
0xd0: {  	v33 =	vperm.xlane v27, v11;
	[tilespmem:s4+$0xFFFFFEF8] =	vst v23;
	v41 =	vld [tilespmem:s4+$0xFFFFFF50];
	v34 =	vmul.f32 v52, v62  }
0xd1: {  	v38 =	vperm.xlane v28, v8;
	v44 =	vld [tilespmem:s4+$0x0];
	v18 =	vmul.f32 v58, v32;
	[tilespmem:s4+$0xFFFFFFB8] =	vst v14  }
0xd2: {  	v57 =	vld [tilespmem:s4+$0xFFFFFFA8];
	v43 =	vperm.xlane v27, v8;
	v15 =	vmul.f32 v15, v33;
	[tilespmem:s4+$0xFFFFFF88] =	vst v34  }
0xd3: {  	v45 =	vperm.xlane v27, v9;
	v20 =	vmul.f32 v63, v38;
	v14 =	vld [tilespmem:s4+$0xFFFFFF18];
	[tilespmem:s4+$0xFFFFFFD0] =	vst v18  }
0xd4: {  	v37 =	vld [tilespmem:s4+$0xFFFFFF40];
	v49 =	vperm.xlane v28, v13;
	v17 =	vmul.f32 v39, v43;
	[tilespmem:s4+$0xFFFFFF60] =	vst v15  }
0xd5: {  	v61 =	vperm.xlane v28, v10;
	v50 =	vmul.f32 v41, v45;
	v15 =	vld [tilespmem:s4+$0xFFFFFFE0];
	[tilespmem:s4+$0xFFFFFF98] =	vst v20  }
0xd6: {  	v46 =	vperm.xlane v27, v10;
	v59 =	vld [tilespmem:s4+$0xFFFFFFF0];
	v54 =	vmul.f32 v44, v49;
	[tilespmem:s4+$0xFFFFFF08] =	vst v17  }
0xd7: {  	v47 =	vld [tilespmem:s4+$0xFFFFFE20];
	v42 =	vperm.xlane v27, v7;
	v63 =	vmul.f32 v57, v61;
	[tilespmem:s4+$0xFFFFFF50] =	vst v50  }
0xd8: {  	v48 =	vld [tilespmem:s4+$0xFFFFFDE8];
	v51 =	vperm.xlane v28, v9;
	[tilespmem:s4+$0x0] =	vst v54;
	v14 =	vmul.f32 v14, v46  }
0xd9: {  	v53 =	vperm.xlane v28, v11;
	v52 =	vld [tilespmem:s4+$0xFFFFFE30];
	v18 =	vmul.f32 v37, v42;
	[tilespmem:s4+$0xFFFFFFA8] =	vst v63  }
0xda: {  	v56 =	vperm.xlane v16, v7;
	v55 =	vld [tilespmem:s4+$0xFFFFFE40];
	[tilespmem:s4+$0xFFFFFF18] =	vst v14;
	v14 =	vmul.f32 v15, v51  }
0xdb: {  	v17 =	vmul.f32 v59, v53;
	v59 =	vld [tilespmem:s4+$0xFFFFFDF8];
	[tilespmem:s4+$0xFFFFFF40] =	vst v18;
	v15 =	vperm.xlane v16, v8  }
0xdc: {  	v60 =	vld [tilespmem:s4+$0xFFFFFE08];
	v20 =	vmul.f32 v47, v56;
	[tilespmem:s4+$0xFFFFFFE0] =	vst v14;
	v14 =	vperm.xlane v16, v9  }
0xdd: {  	v58 =	vperm.xlane v16, v11;
	[tilespmem:s4+$0xFFFFFFF0] =	vst v17;
	v15 =	vmul.f32 v48, v15  }
0xde: {  	v62 =	vperm.xlane v16, v10;
	[tilespmem:s4+$0xFFFFFE20] =	vst v20;
	v14 =	vmul.f32 v52, v14  }
0xdf: {  	v18 =	vmul.f32 v55, v58;
	[tilespmem:s4+$0xFFFFFDE8] =	vst v15;
	v15 =	vperm.xlane v16, v12  }
0xe0: {  	[tilespmem:s4+$0xFFFFFE30] =	vst v14;
	v14 =	vmul.f32 v59, v62  }
0xe1: {  	[tilespmem:s4+$0xFFFFFE40] =	vst v18;
	v15 =	vmul.f32 v60, v15  }
0xe2: {  	[tilespmem:s4+$0xFFFFFDF8] =	vst v14  }
0xe3: {  	[tilespmem:s4+$0xFFFFFE08] =	vst v15  }
0xe4: {  	[spmem:s3] =	stream.indirect.scatter.add.f32 [tilespmem:s26], [sflag:$0x3], $0x48, s1, s20, $0xb8;
	[tilespmem:$0x1F688] =	vst v63  }
0xe5: {  	s2 =	sadd.s32 $0x3, s25;
	_ =	swait.ge [sflag:s14], $0x1200  }
0xe6: {  	p1 =	sge.s32 s2, s15;
	[sflag:s14] =	ssyncset.done $0x0  }
0xe7: {  	s2 =	sshll.u32 @!p1 s2, $0x6;
	[sflag:s14] =	ssyncadd.s32 $0xFFFFEE00  }
0xe8: {  	v14 =	vld @!p1 [tilespmem:s2+$0x1C508];
	_ =	sdelay $0x4  }
0xe9: {  	[tilespmem:$0x1CA48] =	vst @!p1 v14;
	v14 =	vadd.s32 @!p1 v0, v14  }
0xea: {  	[tilespmem:$0x1C9C8] =	vst @!p1 v14  }
0xeb: {  	v14 =	vld @!p1 [tilespmem:s2+$0x1C108];
	_ =	sdelay $0x4  }
0xec: {  	[tilespmem:$0x1C948] =	vst @!p1 v14  }
0xed: {  	v14 =	vld @!p1 [tilespmem:s2+$0x1C518];
	_ =	sdelay $0x4  }
0xee: {  	[tilespmem:$0x1CA58] =	vst @!p1 v14;
	v14 =	vadd.s32 @!p1 v0, v14  }
0xef: {  	[tilespmem:$0x1C9D8] =	vst @!p1 v14  }
0xf0: {  	v14 =	vld @!p1 [tilespmem:s2+$0x1C118];
	_ =	sdelay $0x4  }
0xf1: {  	[tilespmem:$0x1C958] =	vst @!p1 v14  }
0xf2: {  	v14 =	vld @!p1 [tilespmem:s2+$0x1C528];
	_ =	sdelay $0x4  }
0xf3: {  	[tilespmem:$0x1CA68] =	vst @!p1 v14;
	v14 =	vadd.s32 @!p1 v0, v14  }
0xf4: {  	[tilespmem:$0x1C9E8] =	vst @!p1 v14  }
0xf5: {  	v14 =	vld @!p1 [tilespmem:s2+$0x1C128];
	_ =	sdelay $0x4  }
0xf6: {  	[tilespmem:$0x1C968] =	vst @!p1 v14  }
0xf7: {  	v14 =	vld @!p1 [tilespmem:s2+$0x1C538];
	_ =	sdelay $0x4  }
0xf8: {  	[tilespmem:$0x1CA78] =	vst @!p1 v14;
	v14 =	vadd.s32 @!p1 v0, v14  }
0xf9: {  	[tilespmem:$0x1C9F8] =	vst @!p1 v14  }
0xfa: {  	v14 =	vld @!p1 [tilespmem:s2+$0x1C138];
	_ =	sdelay $0x4  }
0xfb: {  	s16 =	simm.s32 @!p1 $0x1DC88;
	s4 =	simm.s32 @!p1 $0x1C948;
	s2 =	simm.s32 @!p1 $0x40;
	[tilespmem:$0x1C978] =	vst @!p1 v14  }
0xfc: {  	[tilespmem:s16], [sflag:$0x2] =	stream.indirect.gather @!p1 [hbm4b:s6+s2], $0x48, s4, s2, $0xb8;
	[tilespmem:$0x1F688] =	vst v63  }
0xfd: {  	s4 =	simm.s32 @!p1 $0x1C9C8;
	s16 =	simm.s32 @!p1 $0x1F288  }
0xfe: {  	[tilespmem:s16], [sflag:$0x2] =	stream.indirect.gather @!p1 [hbm4b:s7+s2], $0x10, s4, s2, $0xb8;
	[tilespmem:$0x1F688] =	vst v63  }
.LBB2_23:
0xff: {  	s9 =	sadd.s32 $0x1, s9  }
0x100: {  	p1 =	sne.s32 s9, s8  }
.Ltmp12:
0x101: {  	_ = 	snop;
	(pc) =	sbr.rel @!p1 .LBB2_24-.Ltmp12, $1  }
0x102: {  	_ =	sdelay $0x3  }
.LBB2_15:
0x103: {  	s25 =	sshll.u32 s9, $0x1  }
0x104: {  	p1 =	sge.s32 s25, s15  }
.Ltmp13:
0x105: {  	_ = 	snop;
	(pc) =	sbr.rel @p1 .LBB2_19-.Ltmp13, $1  }
0x106: {  	_ =	sdelay $0x3  }
0x107: {  	s4 =	simm.s32 $0x2  }
0x108: {  	v14 =	vor.u32 s4, v4  }
0x109: {  	_ =	swait.ge [sflag:s30], $0x1200;
	v15 =	vmul.u32 $0x48, v14;
	v14 =	vshll.u32 v14, $0x4  }
0x10a: {  	[sflag:s30] =	ssyncset.done $0x0;
	v14 =	vor.u32 v6, v14  }
0x10b: {  	s2 =	simm.s32 $0x4;
	[sflag:s30] =	ssyncadd.s32 $0xFFFFEE00;
	v15 =	vadd.s32 v5, v15  }
0x10c: {  	s21 =	simm.s32 $0x0;
	v16 =	vor.u32 s2, v4;
	_ =	swait.ge [sflag:s30], $0x400  }
0x10d: {  	v17 =	vor.u32 s21, v4;
	v18 =	vmul.u32 $0x48, v16;
	v16 =	vshll.u32 v16, $0x4;
	[sflag:s30] =	ssyncset.done $0x0  }
0x10e: {  	v19 =	vmul.u32 $0x48, v17;
	v17 =	vshll.u32 v17, $0x4;
	v16 =	vor.u32 v6, v16;
	[sflag:s30] =	ssyncadd.s32 $0xFFFFFC00  }
0x10f: {  	s16 =	simm.s32 $0x6;
	v17 =	vor.u32 v6, v17;
	v14 =	vld.idx.msk [tilespmem:v14+s24+$0x0], $0xffff  }
0x110: {  	v20 =	vor.u32 s16, v4;
	v18 =	vadd.s32 v5, v18;
	v21 =	vld.idx.msk [tilespmem:v15+s22+$0x0], $0xffff  }
0x111: {  	v22 =	vmul.u32 $0x48, v20;
	v20 =	vshll.u32 v20, $0x4;
	v19 =	vadd.s32 v5, v19  }
0x112: {  	v20 =	vor.u32 v6, v20  }
0x113: {  	v22 =	vadd.s32 v5, v22;
	v16 =	vld.idx.msk [tilespmem:v16+s24+$0x0], $0xffff  }
0x114: {  	v17 =	vld.idx.msk [tilespmem:v17+s24+$0x0], $0xffff  }
0x115: {  	v23 =	vld.idx.msk [tilespmem:v18+s22+$0x0], $0xffff;
	v14 =	vadd.f32 v14, v21  }
0x116: {  	v24 =	vld.idx.msk [tilespmem:v19+s22+$0x0], $0xffff  }
0x117: {  	v20 =	vld.idx.msk [tilespmem:v20+s24+$0x0], $0xffff;
	v25 =	vmul.f32 $2.000000030e-01, v14  }
0x118: {  	v21 =	vld.idx.msk [tilespmem:v22+s22+$0x0], $0xffff;
	vm0 =	vge.f32 v14, $0.0e+00  }
0x119: {  	v14 =	vsel vm0, v14, v25  }
0x11a: {  	v16 =	vadd.f32 v16, v23;
	v14 =	vmul.f32 $1.442695020e+00, v14  }
0x11b: {  	v17 =	vadd.f32 v17, v24  }
0x11c: {  	(erf) = vpow2.f32 v14;
	v14 =	vmul.f32 $2.000000030e-01, v16  }
0x11d: {  	vm10 =	vge.f32 v16, $0.0e+00;
	v20 =	vadd.f32 v20, v21;
	v21 =	vmul.f32 $2.000000030e-01, v17  }
0x11e: {  	vm1 =	vge.f32 v17, $0.0e+00;
	v14 =	vsel vm10, v16, v14  }
0x11f: {  	v16 =	vsel vm1, v17, v21;
	v17 =	vmul.f32 $2.000000030e-01, v20;
	v14 =	vmul.f32 $1.442695020e+00, v14  }
0x120: {  	vm11 =	vge.f32 v20, $0.0e+00  }
0x121: {  	(erf) = vpow2.f32 v14;
	v14 =	vsel vm11, v20, v17  }
0x122: {  	v14 =	vmul.f32 $1.442695020e+00, v14  }
0x123: {  	v16 =	vmul.f32 $1.442695020e+00, v16;
	_ =	sdelay $0x1  }
0x124: {  	(erf) = vpow2.f32 v16  }
0x125: {  	s17 =	simm.s32 $0xA;
	(erf) = vpow2.f32 v14;
	v14 =	vpop (erf)  }
0x126: {  	s28 =	simm.s32 $0x1CBA8;
	v25 =	vor.u32 s17, v4;
	[tilespmem:v15+s22+$0x0] =	vst.idx.msk $0xffff, v14  }
0x127: {  	v16 =	vmul.u32 $0x48, v25;
	v17 =	vld [tilespmem:s28+$0xFFFFFF70]  }
0x128: {  	v15 =	vld [tilespmem:s28+$0xFFFFFF80]  }
0x129: {  	v16 =	vadd.s32 v5, v16;
	v20 =	vld [tilespmem:s28+$0xFFFFFFC8]  }
0x12a: {  	v23 =	vld [tilespmem:s28+$0xFFFFFFB8]  }
0x12b: {  	v29 =	vld [tilespmem:s28+$0xFFFFFF90]  }
0x12c: {  	v21 =	vperm.xlane v14, v4;
	v26 =	vperm.xlane v14, v8;
	v33 =	vld [tilespmem:s28+$0xFFFFFFA0]  }
0x12d: {  	v27 =	vperm.xlane v14, v12;
	v30 =	vperm.xlane v14, v13;
	v42 =	vld [tilespmem:s28+$0xFFFFFFE8];
	v24 =	vpop (erf)  }
0x12e: {  	s21 =	simm.s32 $0xC;
	v31 =	vperm.xlane v14, v9;
	v37 =	vperm.xlane v14, v10;
	v44 =	vld.idx.msk [tilespmem:v16+s22+$0x0], $0xffff;
	[tilespmem:v18+s22+$0x0] =	vst.idx.msk $0xffff, v24  }
0x12f: {  	v32 =	vor.u32 s21, v4;
	v52 =	vperm.xlane v14, v11;
	v41 =	vperm.xlane v24, v11;
	v36 =	vld [tilespmem:s28+$0x78]  }
0x130: {  	v28 =	vpop (erf);
	v18 =	vshll.u32 v32, $0x4;
	v56 =	vperm.xlane v24, v12;
	v61 =	vperm.xlane v24, v9;
	v54 =	vld [tilespmem:s28+$0x30]  }
0x131: {  	[tilespmem:v19+s22+$0x0] =	vst.idx.msk $0xffff, v28;
	v19 =	vshll.u32 v25, $0x4;
	v40 =	vperm.xlane v28, v4;
	v48 =	vperm.xlane v28, v7;
	v62 =	vld [tilespmem:s28+$0x20]  }
0x132: {  	v25 =	vor.u32 v6, v18;
	v35 =	vld [tilespmem:s28+$0xFFFFFEE0];
	v15 =	vmul.f32 v15, v26;
	v18 =	vmul.f32 v20, v31  }
0x133: {  	v34 =	vpop (erf);
	v20 =	vld [tilespmem:s28+$0xFFFFFFD8];
	v31 =	vor.u32 v6, v19;
	v19 =	vperm.xlane v28, v9;
	v27 =	vmul.f32 v33, v27  }
0x134: {  	s23 =	simm.s32 $0xE;
	v53 =	vmul.f32 v17, v21;
	v29 =	vmul.f32 v29, v37;
	v46 =	vld [tilespmem:s28+$0xFFFFFF58];
	[tilespmem:v22+s22+$0x0] =	vst.idx.msk $0xffff, v34  }
0x135: {  	s29 =	simm.s32 $0x8;
	v39 =	vor.u32 s23, v4;
	v30 =	vmul.f32 v42, v30;
	v21 =	vperm.xlane v28, v12;
	v63 =	vld [tilespmem:s28+$0x90]  }
0x136: {  	v26 =	vor.u32 s29, v4;
	v22 =	vperm.xlane v14, v7;
	v47 =	vperm.xlane v34, v12;
	v55 =	vld [tilespmem:s28+$0xC0]  }
0x137: {  	v38 =	vshll.u32 v26, $0x4;
	v58 =	vperm.xlane v34, v4;
	v50 =	vperm.xlane v34, v11;
	[tilespmem:s28+$0xFFFFFF80] =	vst v15;
	v49 =	vld [tilespmem:s28+$0xD8]  }
0x138: {  	v15 =	vmul.u32 $0x48, v32;
	[tilespmem:s28+$0xFFFFFFC8] =	vst v18;
	v18 =	vperm.xlane v34, v10;
	v38 =	vor.u32 v6, v38;
	v25 =	vld.idx.msk [tilespmem:v25+s24+$0x0], $0xffff  }
0x139: {  	[tilespmem:s28+$0xFFFFFFA0] =	vst v27;
	v43 =	vmul.f32 v23, v22;
	v22 =	vmul.u32 $0x48, v39;
	v23 =	vmul.u32 $0x48, v26;
	v31 =	vld.idx.msk [tilespmem:v31+s24+$0x0], $0xffff  }
0x13a: {  	[tilespmem:s28+$0xFFFFFF90] =	vst v29;
	v15 =	vadd.s32 v5, v15;
	v37 =	vmul.f32 v54, v56;
	v56 =	vld [tilespmem:s28+$0x48];
	v26 =	vmul.f32 v35, v40  }
0x13b: {  	v29 =	vperm.xlane v34, v8;
	v14 =	vadd.s32 v5, v22;
	v33 =	vmul.f32 v20, v52;
	[tilespmem:s28+$0xFFFFFFB8] =	vst v43;
	v43 =	vld [tilespmem:s28+$0xF8]  }
0x13c: {  	v17 =	vadd.s32 v5, v23;
	v20 =	vperm.xlane v28, v10;
	v23 =	vshll.u32 v39, $0x4;
	[tilespmem:s28+$0xFFFFFEE0] =	vst v26;
	v26 =	vld [tilespmem:s28+$0x68]  }
0x13d: {  	v22 =	vperm.xlane v28, v11;
	v39 =	vperm.xlane v24, v4;
	v45 =	vor.u32 v6, v23;
	v59 =	vld.idx.msk [tilespmem:v38+s24+$0x0], $0xffff  }
0x13e: {  	[tilespmem:s28+$0xFFFFFF70] =	vst v53;
	v52 =	vperm.xlane v24, v8;
	v32 =	vmul.f32 v63, v58;
	v58 =	vld [tilespmem:s28+$0x58];
	v31 =	vadd.f32 v31, v44  }
0x13f: {  	[tilespmem:s28+$0xFFFFFFE8] =	vst v30;
	v23 =	vperm.xlane v28, v8;
	v28 =	vperm.xlane v28, v13;
	v42 =	vld.idx.msk [tilespmem:v15+s22+$0x0], $0xffff  }
0x140: {  	[tilespmem:s28+$0x30] =	vst v37;
	v40 =	vmul.f32 v55, v47;
	v27 =	vld.idx.msk [tilespmem:v14+s22+$0x0], $0xffff;
	v60 =	vmul.f32 $2.000000030e-01, v31  }
0x141: {  	[tilespmem:s28+$0xFFFFFFD8] =	vst v33;
	v63 =	vperm.xlane v34, v7;
	v28 =	vmul.f32 v46, v28;
	v57 =	vld.idx.msk [tilespmem:v17+s22+$0x0], $0xffff;
	vm12 =	vge.f32 v31, $0.0e+00  }
0x142: {  	v46 =	vperm.xlane v24, v7;
	v44 =	vperm.xlane v24, v13;
	v45 =	vld.idx.msk [tilespmem:v45+s24+$0x0], $0xffff;
	v31 =	vsel vm12, v31, v60  }
0x143: {  	[tilespmem:s28+$0xFFFFFF58] =	vst v28;
	v28 =	vmul.f32 v49, v63;
	v30 =	vmul.f32 $1.442695020e+00, v31;
	v31 =	vld [tilespmem:s28+$0xA0]  }
0x144: {  	v51 =	vld [tilespmem:s28+$0x0];
	[tilespmem:s28+$0xC0] =	vst v40;
	v24 =	vperm.xlane v24, v10;
	v35 =	vmul.f32 v56, v46  }
0x145: {  	[tilespmem:s28+$0x90] =	vst v32;
	v63 =	vmul.f32 v43, v50;
	v26 =	vmul.f32 v26, v41  }
0x146: {  	v36 =	vmul.f32 v36, v44;
	[tilespmem:s28+$0xD8] =	vst v28;
	v25 =	vadd.f32 v25, v42;
	(erf) = vpow2.f32 v30;
	v30 =	vld [tilespmem:s28+$0x10]  }
0x147: {  	v24 =	vmul.f32 v62, v24;
	[tilespmem:s28+$0x48] =	vst v35;
	v33 =	vmul.f32 v58, v61;
	v57 =	vadd.f32 v59, v57  }
0x148: {  	[tilespmem:s28+$0x68] =	vst v26;
	v26 =	vadd.f32 v45, v27;
	v27 =	vmul.f32 v31, v29;
	v29 =	vmul.f32 $2.000000030e-01, v25  }
0x149: {  	[tilespmem:s28+$0xF8] =	vst v63;
	v59 =	vld [tilespmem:s28+$0x108];
	vm14 =	vge.f32 v25, $0.0e+00;
	v60 =	vmul.f32 $2.000000030e-01, v57;
	v31 =	vmul.f32 v51, v39  }
0x14a: {  	v28 =	vld [tilespmem:s28+$0xE8];
	vm13 =	vge.f32 v57, $0.0e+00;
	v61 =	vmul.f32 $2.000000030e-01, v26;
	[tilespmem:s28+$0xA0] =	vst v27;
	v25 =	vsel vm14, v25, v29  }
0x14b: {  	v32 =	vsel vm13, v57, v60;
	[tilespmem:s28+$0x0] =	vst v31;
	v27 =	vmul.f32 v30, v52;
	v31 =	vld [tilespmem:s28+$0xFFFFFF28];
	v25 =	vmul.f32 $1.442695020e+00, v25  }
0x14c: {  	[tilespmem:s28+$0x78] =	vst v36;
	v32 =	vmul.f32 $1.442695020e+00, v32;
	v30 =	vperm.xlane v34, v13;
	v29 =	vld [tilespmem:s28+$0xFFFFFEF0]  }
0x14d: {  	v37 =	vperm.xlane v34, v9;
	vm15 =	vge.f32 v26, $0.0e+00;
	[tilespmem:s28+$0x10] =	vst v27;
	v27 =	vld [tilespmem:s28+$0xFFFFFF38];
	(erf) = vpow2.f32 v25  }
0x14e: {  	[tilespmem:s28+$0x58] =	vst v33;
	v62 =	vsel vm15, v26, v61;
	v25 =	vmul.f32 v59, v30;
	(erf) = vpow2.f32 v32;
	v32 =	vld [tilespmem:s28+$0xFFFFFF48]  }
0x14f: {  	[tilespmem:s28+$0x20] =	vst v24;
	v28 =	vmul.f32 v28, v37;
	v34 =	vmul.f32 $1.442695020e+00, v62;
	v30 =	vld [tilespmem:s28+$0xB0];
	v24 =	vpop (erf)  }
0x150: {  	[tilespmem:s28+$0x108] =	vst v25;
	v25 =	vperm.xlane v24, v4;
	v33 =	vmul.f32 v31, v48;
	v31 =	vld [tilespmem:s28+$0xFFFFFF10]  }
0x151: {  	s23 =	simm.s32 $0x1CDE8;
	s4 =	simm.s32 $0x1CDE8;
	s21 =	simm.s32 $0x4;
	[tilespmem:s28+$0xE8] =	vst v28;
	v26 =	vld [tilespmem:s28+$0xFFFFFF00];
	v28 =	vperm.xlane v24, v8;
	(erf) = vpow2.f32 v34  }
.LBB2_17:
0x152: {  	s21 =	sadd.s32 $0x4, s21;
	v34 =	vperm.xlane v24, v12;
	s29 =	sadd.s32 $0x8, s29;
	s23 =	sadd.s32 $0x240, s23;
	[tilespmem:s28+$0xFFFFFF28] =	vst v33;
	v23 =	vmul.f32 v29, v23  }
0x153: {  	v29 =	vperm.xlane v24, v13;
	p1 =	slt.u32 s21, $0x1C;
	[tilespmem:v16+s22+$0x0] =	vst.idx.msk $0xffff, v24;
	v16 =	vmul.f32 v32, v22  }
0x154: {  	v19 =	vmul.f32 v27, v19;
	v18 =	vmul.f32 v30, v18;
	[tilespmem:s28+$0xFFFFFEF0] =	vst v23  }
0x155: {  	v22 =	vperm.xlane v24, v7;
	v21 =	vmul.f32 v31, v21;
	v23 =	vld [tilespmem:s4+$0xFFFFFF70];
	[tilespmem:s28+$0xFFFFFF48] =	vst v16  }
0x156: {  	v16 =	vmul.f32 v26, v20;
	v30 =	vld [tilespmem:s4+$0xFFFFFFB8];
	v27 =	vpop (erf);
	[tilespmem:s28+$0xFFFFFF38] =	vst v19  }
0x157: {  	s2 =	sadd.s32 $0x2, s29;
	s16 =	sadd.s32 $0x4, s29;
	s17 =	sadd.s32 $0x6, s29;
	v32 =	vperm.xlane v24, v10;
	v20 =	vperm.xlane v24, v9;
	v19 =	vor.u32 s29, v4;
	v31 =	vld [tilespmem:s4+$0xFFFFFF80];
	[tilespmem:v15+s22+$0x0] =	vst.idx.msk $0xffff, v27;
	v33 =	vpop (erf)  }
0x158: {  	v43 =	vor.u32 s16, v4;
	v35 =	vshll.u32 v19, $0x4;
	v15 =	vor.u32 s2, v4;
	[tilespmem:v17+s22+$0x0] =	vst.idx.msk $0xffff, v33;
	v17 =	vld [tilespmem:s4+$0xFFFFFFC8]  }
0x159: {  	v38 =	vor.u32 s17, v4;
	v37 =	vmul.u32 $0x48, v43;
	v36 =	vmul.u32 $0x48, v15;
	v39 =	vld [tilespmem:s4+$0xFFFFFF90];
	[tilespmem:s28+$0xB0] =	vst v18  }
0x15a: {  	v40 =	vshll.u32 v43, $0x4;
	v41 =	vperm.xlane v33, v4;
	v18 =	vshll.u32 v15, $0x4;
	v42 =	vld [tilespmem:s4+$0xFFFFFFA0];
	v26 =	vpop (erf);
	[tilespmem:s28+$0xFFFFFF00] =	vst v16  }
0x15b: {  	v15 =	vadd.s32 v5, v37;
	v37 =	vperm.xlane v27, v11;
	v16 =	vadd.s32 v5, v36;
	v36 =	vld [tilespmem:s4+$0xFFFFFEE0];
	[tilespmem:s28+$0xFFFFFF10] =	vst v21;
	s28 =	smov.u32 s4;
	s4 =	smov.u32 s23  }
0x15c: {  	v40 =	vor.u32 v6, v40;
	v21 =	vor.u32 v6, v18;
	v18 =	vmul.f32 v31, v28;
	v28 =	vld [tilespmem:s28+$0x78]  }
0x15d: {  	v19 =	vmul.u32 $0x48, v19;
	v31 =	vor.u32 v6, v35;
	v20 =	vmul.f32 v17, v20;
	v35 =	vld [tilespmem:s28+$0xFFFFFFD8];
	[tilespmem:v14+s22+$0x0] =	vst.idx.msk $0xffff, v26  }
0x15e: {  	v22 =	vmul.f32 v30, v22;
	v14 =	vmul.u32 $0x48, v38;
	[tilespmem:s28+$0xFFFFFF80] =	vst v18;
	v30 =	vld [tilespmem:s28+$0x90];
	v18 =	vperm.xlane v26, v10  }
0x15f: {  	v17 =	vadd.s32 v5, v19;
	v19 =	vperm.xlane v33, v9;
	[tilespmem:s28+$0xFFFFFFC8] =	vst v20;
	v20 =	vld [tilespmem:s28+$0xFFFFFFE8];
	v34 =	vmul.f32 v42, v34  }
0x160: {  	v38 =	vshll.u32 v38, $0x4;
	v14 =	vadd.s32 v5, v14;
	v42 =	vld.idx.msk [tilespmem:v16+s22+$0x0], $0xffff;
	v36 =	vmul.f32 v36, v41  }
0x161: {  	v38 =	vor.u32 v6, v38;
	v40 =	vld.idx.msk [tilespmem:v40+s24+$0x0], $0xffff;
	[tilespmem:s28+$0xFFFFFFA0] =	vst v34  }
0x162: {  	v23 =	vmul.f32 v23, v25;
	v34 =	vld.idx.msk [tilespmem:v21+s24+$0x0], $0xffff;
	[tilespmem:s28+$0xFFFFFEE0] =	vst v36;
	v21 =	vperm.xlane v24, v11  }
0x163: {  	v24 =	vmul.f32 v39, v32;
	v25 =	vld [tilespmem:s28+$0x30]  }
0x164: {  	[tilespmem:s28+$0xFFFFFFB8] =	vst v22;
	v32 =	vmul.f32 v35, v21;
	v29 =	vmul.f32 v20, v29;
	v35 =	vld [tilespmem:s28+$0xC0]  }
0x165: {  	v20 =	vperm.xlane v33, v10;
	v21 =	vperm.xlane v33, v12;
	v36 =	vld.idx.msk [tilespmem:v15+s22+$0x0], $0xffff;
	[tilespmem:s28+$0xFFFFFF70] =	vst v23  }
0x166: {  	v39 =	vperm.xlane v27, v12;
	v22 =	vperm.xlane v33, v11;
	[tilespmem:s28+$0xFFFFFFD8] =	vst v32;
	v32 =	vld [tilespmem:s28+$0x68]  }
0x167: {  	v23 =	vperm.xlane v33, v8;
	v41 =	vld [tilespmem:s28+$0xFFFFFF58];
	[tilespmem:s28+$0xFFFFFFE8] =	vst v29;
	v29 =	vperm.xlane v26, v12  }
0x168: {  	v44 =	vperm.xlane v33, v7;
	v43 =	vld.idx.msk [tilespmem:v14+s22+$0x0], $0xffff;
	[tilespmem:s28+$0xFFFFFF90] =	vst v24;
	v24 =	vmul.f32 v25, v39  }
0x169: {  	v25 =	vperm.xlane v27, v4;
	v39 =	vld [tilespmem:s28+$0xF8];
	v29 =	vmul.f32 v35, v29  }
0x16a: {  	v33 =	vperm.xlane v33, v13;
	v34 =	vadd.f32 v34, v42;
	v42 =	vperm.xlane v27, v13;
	v35 =	vld.idx.msk [tilespmem:v17+s22+$0x0], $0xffff  }
0x16b: {  	v45 =	vperm.xlane v26, v4;
	v47 =	vperm.xlane v26, v11;
	v46 =	vld [tilespmem:s28+$0xD8];
	[tilespmem:s28+$0xC0] =	vst v29  }
0x16c: {  	v29 =	vld.idx.msk [tilespmem:v31+s24+$0x0], $0xffff;
	v31 =	vmul.f32 $2.000000030e-01, v34;
	v33 =	vmul.f32 v41, v33  }
0x16d: {  	v48 =	vperm.xlane v26, v9;
	vm0 =	vge.f32 v34, $0.0e+00;
	v41 =	vperm.xlane v27, v7;
	v38 =	vld.idx.msk [tilespmem:v38+s24+$0x0], $0xffff;
	[tilespmem:s28+$0x30] =	vst v24  }
0x16e: {  	v30 =	vmul.f32 v30, v45;
	v24 =	vsel vm0, v34, v31;
	[tilespmem:s28+$0xFFFFFF58] =	vst v33;
	v31 =	vperm.xlane v27, v9;
	v33 =	vld [tilespmem:s28+$0x20]  }
0x16f: {  	v34 =	vperm.xlane v26, v8;
	v24 =	vmul.f32 $1.442695020e+00, v24;
	v45 =	vld [tilespmem:s28+$0xA0]  }
0x170: {  	v50 =	vperm.xlane v27, v8;
	v51 =	vperm.xlane v26, v7;
	v49 =	vld [tilespmem:s28+$0x0];
	[tilespmem:s28+$0x90] =	vst v30  }
0x171: {  	v32 =	vmul.f32 v32, v37;
	v27 =	vperm.xlane v27, v10;
	v30 =	vld [tilespmem:s28+$0x48]  }
0x172: {  	v37 =	vmul.f32 v46, v51;
	(erf) = vpow2.f32 v24;
	v24 =	vld [tilespmem:s28+$0x10]  }
0x173: {  	v28 =	vmul.f32 v28, v42;
	v35 =	vadd.f32 v29, v35;
	v29 =	vadd.f32 v40, v36;
	v36 =	vld [tilespmem:s28+$0x58];
	[tilespmem:s28+$0x68] =	vst v32  }
0x174: {  	v32 =	vadd.f32 v38, v43;
	v33 =	vmul.f32 v33, v27;
	[tilespmem:s28+$0xD8] =	vst v37;
	v37 =	vld [tilespmem:s28+$0xE8];
	v27 =	vmul.f32 v45, v34  }
0x175: {  	vm0 =	vge.f32 v35, $0.0e+00;
	v34 =	vmul.f32 $2.000000030e-01, v29;
	v25 =	vmul.f32 v49, v25;
	[tilespmem:s28+$0x78] =	vst v28;
	v28 =	vld [tilespmem:s28+$0x108]  }
0x176: {  	v38 =	vmul.f32 $2.000000030e-01, v35;
	vm1 =	vge.f32 v29, $0.0e+00;
	v40 =	vld [tilespmem:s28+$0xFFFFFF28];
	v30 =	vmul.f32 v30, v41;
	[tilespmem:s28+$0xA0] =	vst v27  }
0x177: {  	v27 =	vsel vm1, v29, v34;
	v29 =	vld [tilespmem:s28+$0xFFFFFEF0];
	[tilespmem:s28+$0x0] =	vst v25;
	v24 =	vmul.f32 v24, v50;
	v25 =	vperm.xlane v26, v13  }
0x178: {  	v26 =	vsel vm0, v35, v38;
	v34 =	vmul.f32 $1.442695020e+00, v27;
	v27 =	vld [tilespmem:s28+$0xFFFFFF38];
	[tilespmem:s28+$0x48] =	vst v30;
	v31 =	vmul.f32 v36, v31  }
0x179: {  	v35 =	vmul.f32 $1.442695020e+00, v26;
	v36 =	vmul.f32 $2.000000030e-01, v32;
	[tilespmem:s28+$0x10] =	vst v24;
	v30 =	vld [tilespmem:s28+$0xB0]  }
.Ltmp14:
0x17a: {  	vm0 =	vge.f32 v32, $0.0e+00;
	(erf) = vpow2.f32 v34;
	v26 =	vld [tilespmem:s28+$0xFFFFFF00];
	[tilespmem:s28+$0x58] =	vst v31;
	v25 =	vmul.f32 v28, v25;
	(pc) =	sbr.rel @p1 .LBB2_17-.Ltmp14, $4  }
0x17b: {  	v28 =	vsel vm0, v32, v36;
	v34 =	vmul.f32 v37, v48;
	(erf) = vpow2.f32 v35;
	v24 =	vpop (erf);
	v32 =	vld [tilespmem:s28+$0xFFFFFF48];
	[tilespmem:s28+$0x20] =	vst v33  }
0x17c: {  	v36 =	vmul.f32 v39, v47;
	v35 =	vmul.f32 $1.442695020e+00, v28;
	v31 =	vld [tilespmem:s28+$0xFFFFFF10];
	[tilespmem:s28+$0x108] =	vst v25  }
0x17d: {  	v33 =	vmul.f32 v40, v44;
	v25 =	vperm.xlane v24, v4;
	[tilespmem:s28+$0xE8] =	vst v34  }
0x17e: {  	v28 =	vperm.xlane v24, v8;
	(erf) = vpow2.f32 v35;
	[tilespmem:s28+$0xF8] =	vst v36  }
0x17f: {  	_ =	sdelay $0x3  }
0x180: {  	[tilespmem:v16+s22+$0x0] =	vst.idx.msk $0xffff, v24;
	v61 =	vmul.f32 v29, v23  }
0x181: {  	[tilespmem:s28+$0xFFFFFF28] =	vst v33;
	v36 =	vmul.f32 v27, v19  }
0x182: {  	v18 =	vmul.f32 v30, v18;
	[tilespmem:s28+$0xFFFFFEF0] =	vst v61  }
0x183: {  	v20 =	vmul.f32 v26, v20;
	v63 =	vld [tilespmem:s4+$0xFFFFFF80];
	[tilespmem:s28+$0xFFFFFF38] =	vst v36  }
0x184: {  	v22 =	vmul.f32 v32, v22;
	v37 =	vld [tilespmem:s4+$0xFFFFFFC8];
	[tilespmem:s28+$0xB0] =	vst v18  }
0x185: {  	v38 =	vld [tilespmem:s4+$0xFFFFFFB8];
	v45 =	vmul.f32 v31, v21;
	[tilespmem:s28+$0xFFFFFF00] =	vst v20  }
0x186: {  	v47 =	vld [tilespmem:s4+$0xFFFFFFE8];
	[tilespmem:s28+$0xFFFFFF48] =	vst v22  }
0x187: {  	v40 =	vperm.xlane v24, v9;
	v27 =	vpop (erf);
	[tilespmem:s28+$0xFFFFFF10] =	vst v45  }
0x188: {  	v48 =	vperm.xlane v24, v7;
	v39 =	vld [tilespmem:s4+$0xFFFFFF90];
	v16 =	vpop (erf);
	[tilespmem:v15+s22+$0x0] =	vst.idx.msk $0xffff, v27;
	v28 =	vmul.f32 v63, v28  }
0x189: {  	v56 =	vperm.xlane v24, v13;
	v41 =	vld [tilespmem:s4+$0xFFFFFFA0];
	[tilespmem:v17+s22+$0x0] =	vst.idx.msk $0xffff, v16;
	v42 =	vmul.f32 v37, v40  }
0x18a: {  	v49 =	vld [tilespmem:s4+$0x30];
	v22 =	vmul.f32 v38, v48;
	[tilespmem:s4+$0xFFFFFF80] =	vst v28  }
0x18b: {  	v57 =	vperm.xlane v24, v10;
	v51 =	vld [tilespmem:s4+$0x78];
	v20 =	vmul.f32 v47, v56;
	[tilespmem:s4+$0xFFFFFFC8] =	vst v42  }
0x18c: {  	v44 =	vperm.xlane v24, v12;
	v15 =	vld [tilespmem:s4+$0xFFFFFEE0];
	[tilespmem:s4+$0xFFFFFFB8] =	vst v22  }
0x18d: {  	v53 =	vperm.xlane v27, v12;
	v61 =	vmul.f32 v39, v57;
	v35 =	vld [tilespmem:s4+$0x0];
	[tilespmem:s4+$0xFFFFFFE8] =	vst v20;
	v28 =	vpop (erf)  }
0x18e: {  	v62 =	vld [tilespmem:s4+$0xFFFFFF70];
	v36 =	vperm.xlane v27, v13;
	[tilespmem:v14+s22+$0x0] =	vst.idx.msk $0xffff, v28;
	v14 =	vmul.f32 v41, v44  }
0x18f: {  	v43 =	vld [tilespmem:s4+$0xFFFFFFD8];
	v46 =	vperm.xlane v16, v4;
	[tilespmem:s4+$0xFFFFFF90] =	vst v61;
	v17 =	vmul.f32 v49, v53  }
0x190: {  	v40 =	vperm.xlane v27, v4;
	v54 =	vld [tilespmem:s4+$0xFFFFFF58];
	v21 =	vmul.f32 v51, v36;
	[tilespmem:s4+$0xFFFFFFA0] =	vst v14  }
0x191: {  	v15 =	vmul.f32 v15, v46;
	v50 =	vld [tilespmem:s4+$0xC0];
	[tilespmem:s4+$0x30] =	vst v17  }
0x192: {  	v23 =	vmul.f32 v35, v40;
	v52 =	vld [tilespmem:s4+$0x90];
	v14 =	vperm.xlane v24, v11;
	[tilespmem:s4+$0x78] =	vst v21  }
0x193: {  	v60 =	vperm.xlane v16, v13;
	v58 =	vld [tilespmem:s4+$0xD8];
	[tilespmem:s4+$0xFFFFFEE0] =	vst v15;
	v15 =	vmul.f32 v62, v25  }
0x194: {  	v55 =	vperm.xlane v28, v12;
	v63 =	vld [tilespmem:s4+$0xA0];
	[tilespmem:s4+$0x0] =	vst v23;
	v14 =	vmul.f32 v43, v14  }
0x195: {  	v19 =	vmul.f32 v54, v60;
	v62 =	vperm.xlane v28, v4;
	[tilespmem:s4+$0xFFFFFF70] =	vst v15;
	v15 =	vld [tilespmem:s4+$0x68]  }
0x196: {  	v39 =	vld [tilespmem:s4+$0x10];
	v32 =	vperm.xlane v28, v7;
	[tilespmem:s4+$0xFFFFFFD8] =	vst v14;
	v14 =	vmul.f32 v50, v55  }
0x197: {  	v38 =	vperm.xlane v28, v8;
	v41 =	vld [tilespmem:s4+$0x58];
	[tilespmem:s4+$0xFFFFFF58] =	vst v19;
	v34 =	vmul.f32 v52, v62  }
0x198: {  	v33 =	vperm.xlane v27, v11;
	v44 =	vld [tilespmem:s4+$0x108];
	v18 =	vmul.f32 v58, v32;
	[tilespmem:s4+$0xC0] =	vst v14  }
0x199: {  	v57 =	vld [tilespmem:s4+$0xB0];
	v43 =	vperm.xlane v27, v8;
	v20 =	vmul.f32 v63, v38;
	[tilespmem:s4+$0x90] =	vst v34  }
0x19a: {  	v45 =	vperm.xlane v27, v9;
	v14 =	vld [tilespmem:s4+$0x20];
	[tilespmem:s4+$0xD8] =	vst v18;
	v15 =	vmul.f32 v15, v33  }
0x19b: {  	v37 =	vld [tilespmem:s4+$0x48];
	v49 =	vperm.xlane v28, v13;
	v17 =	vmul.f32 v39, v43;
	[tilespmem:s4+$0xA0] =	vst v20  }
0x19c: {  	v61 =	vperm.xlane v28, v10;
	v50 =	vmul.f32 v41, v45;
	[tilespmem:s4+$0x68] =	vst v15;
	v15 =	vld [tilespmem:s4+$0xE8]  }
0x19d: {  	v59 =	vld [tilespmem:s4+$0xF8];
	v46 =	vperm.xlane v27, v10;
	v54 =	vmul.f32 v44, v49;
	[tilespmem:s4+$0x10] =	vst v17  }
0x19e: {  	v47 =	vld [tilespmem:s4+$0xFFFFFF28];
	v42 =	vperm.xlane v27, v7;
	v63 =	vmul.f32 v57, v61;
	[tilespmem:s4+$0x58] =	vst v50  }
0x19f: {  	v48 =	vld [tilespmem:s4+$0xFFFFFEF0];
	v51 =	vperm.xlane v28, v9;
	[tilespmem:s4+$0x108] =	vst v54;
	v14 =	vmul.f32 v14, v46  }
0x1a0: {  	v53 =	vperm.xlane v28, v11;
	v52 =	vld [tilespmem:s4+$0xFFFFFF38];
	v18 =	vmul.f32 v37, v42;
	[tilespmem:s4+$0xB0] =	vst v63  }
0x1a1: {  	v56 =	vperm.xlane v16, v7;
	v55 =	vld [tilespmem:s4+$0xFFFFFF48];
	[tilespmem:s4+$0x20] =	vst v14;
	v14 =	vmul.f32 v15, v51  }
0x1a2: {  	v17 =	vmul.f32 v59, v53;
	v59 =	vld [tilespmem:s4+$0xFFFFFF00];
	[tilespmem:s4+$0x48] =	vst v18;
	v15 =	vperm.xlane v16, v8  }
0x1a3: {  	v60 =	vld [tilespmem:s4+$0xFFFFFF10];
	v20 =	vmul.f32 v47, v56;
	[tilespmem:s4+$0xE8] =	vst v14;
	v14 =	vperm.xlane v16, v9  }
0x1a4: {  	v58 =	vperm.xlane v16, v11;
	[tilespmem:s4+$0xF8] =	vst v17;
	v15 =	vmul.f32 v48, v15  }
0x1a5: {  	v62 =	vperm.xlane v16, v10;
	[tilespmem:s4+$0xFFFFFF28] =	vst v20;
	v14 =	vmul.f32 v52, v14  }
0x1a6: {  	v18 =	vmul.f32 v55, v58;
	[tilespmem:s4+$0xFFFFFEF0] =	vst v15;
	v15 =	vperm.xlane v16, v12  }
0x1a7: {  	[tilespmem:s4+$0xFFFFFF38] =	vst v14;
	v14 =	vmul.f32 v59, v62  }
0x1a8: {  	[tilespmem:s4+$0xFFFFFF48] =	vst v18;
	v15 =	vmul.f32 v60, v15  }
0x1a9: {  	[tilespmem:s4+$0xFFFFFF00] =	vst v14  }
0x1aa: {  	[tilespmem:s4+$0xFFFFFF10] =	vst v15  }
0x1ab: {  	[spmem:s3] =	stream.indirect.scatter.add.f32 [tilespmem:s22], [sflag:$0x3], $0x48, s31, s20, $0xb8;
	[tilespmem:$0x1F688] =	vst v63  }
0x1ac: {  	s2 =	sadd.s32 $0x2, s25;
	_ =	swait.ge [sflag:s14], $0x1200  }
0x1ad: {  	p1 =	sge.s32 s2, s15;
	[sflag:s14] =	ssyncset.done $0x0  }
0x1ae: {  	s2 =	sshll.u32 @!p1 s2, $0x6;
	[sflag:s14] =	ssyncadd.s32 $0xFFFFEE00  }
0x1af: {  	v14 =	vld @!p1 [tilespmem:s2+$0x1C508];
	_ =	sdelay $0x4  }
0x1b0: {  	[tilespmem:$0x1CA08] =	vst @!p1 v14;
	v14 =	vadd.s32 @!p1 v0, v14  }
0x1b1: {  	[tilespmem:$0x1C988] =	vst @!p1 v14  }
0x1b2: {  	v14 =	vld @!p1 [tilespmem:s2+$0x1C108];
	_ =	sdelay $0x4  }
0x1b3: {  	[tilespmem:$0x1C908] =	vst @!p1 v14  }
0x1b4: {  	v14 =	vld @!p1 [tilespmem:s2+$0x1C518];
	_ =	sdelay $0x4  }
0x1b5: {  	[tilespmem:$0x1CA18] =	vst @!p1 v14;
	v14 =	vadd.s32 @!p1 v0, v14  }
0x1b6: {  	[tilespmem:$0x1C998] =	vst @!p1 v14  }
0x1b7: {  	v14 =	vld @!p1 [tilespmem:s2+$0x1C118];
	_ =	sdelay $0x4  }
0x1b8: {  	[tilespmem:$0x1C918] =	vst @!p1 v14  }
0x1b9: {  	v14 =	vld @!p1 [tilespmem:s2+$0x1C528];
	_ =	sdelay $0x4  }
0x1ba: {  	[tilespmem:$0x1CA28] =	vst @!p1 v14;
	v14 =	vadd.s32 @!p1 v0, v14  }
0x1bb: {  	[tilespmem:$0x1C9A8] =	vst @!p1 v14  }
0x1bc: {  	v14 =	vld @!p1 [tilespmem:s2+$0x1C128];
	_ =	sdelay $0x4  }
0x1bd: {  	[tilespmem:$0x1C928] =	vst @!p1 v14  }
0x1be: {  	v14 =	vld @!p1 [tilespmem:s2+$0x1C538];
	_ =	sdelay $0x4  }
0x1bf: {  	[tilespmem:$0x1CA38] =	vst @!p1 v14;
	v14 =	vadd.s32 @!p1 v0, v14  }
0x1c0: {  	[tilespmem:$0x1C9B8] =	vst @!p1 v14  }
0x1c1: {  	v14 =	vld @!p1 [tilespmem:s2+$0x1C138];
	_ =	sdelay $0x4  }
0x1c2: {  	s16 =	simm.s32 @!p1 $0x1CA88;
	s4 =	simm.s32 @!p1 $0x1C908;
	s2 =	simm.s32 @!p1 $0x40;
	[tilespmem:$0x1C938] =	vst @!p1 v14  }
0x1c3: {  	[tilespmem:s16], [sflag:$0x1] =	stream.indirect.gather @!p1 [hbm4b:s6+s2], $0x48, s4, s2, $0xb8;
	[tilespmem:$0x1F688] =	vst v63  }
0x1c4: {  	s4 =	simm.s32 @!p1 $0x1C988;
	s16 =	simm.s32 @!p1 $0x1EE88  }
0x1c5: {  	[tilespmem:s16], [sflag:$0x1] =	stream.indirect.gather @!p1 [hbm4b:s7+s2], $0x10, s4, s2, $0xb8;
	[tilespmem:$0x1F688] =	vst v63  }
.LBB2_19:
0x1c6: {  	p1 =	sge.s32 s25, s13  }
.Ltmp15:
0x1c7: {  	_ = 	snop;
	(pc) =	sbr.rel @p1 .LBB2_23-.Ltmp15, $1  }
0x1c8: {  	_ =	sdelay $0x3  }
0x1c9: {  	s2 =	simm.s32 $0x42  }
0x1ca: {  	v14 =	vor.u32 s2, v4  }
0x1cb: {  	_ =	swait.ge [sflag:s0], $0x1200;
	v15 =	vmul.u32 $0x48, v14;
	v14 =	vshll.u32 v14, $0x4  }
0x1cc: {  	[sflag:s0] =	ssyncset.done $0x0;
	v14 =	vor.u32 v6, v14  }
0x1cd: {  	s23 =	simm.s32 $0x44;
	[sflag:s0] =	ssyncadd.s32 $0xFFFFEE00;
	v15 =	vadd.s32 v5, v15  }
0x1ce: {  	s4 =	simm.s32 $0x40;
	v16 =	vor.u32 s23, v4;
	_ =	swait.ge [sflag:s0], $0x400  }
0x1cf: {  	v17 =	vor.u32 s4, v4;
	v18 =	vmul.u32 $0x48, v16;
	v16 =	vshll.u32 v16, $0x4;
	[sflag:s0] =	ssyncset.done $0x0  }
0x1d0: {  	v19 =	vmul.u32 $0x48, v17;
	v17 =	vshll.u32 v17, $0x4;
	v16 =	vor.u32 v6, v16;
	[sflag:s0] =	ssyncadd.s32 $0xFFFFFC00  }
0x1d1: {  	s16 =	simm.s32 $0x46;
	v17 =	vor.u32 v6, v17;
	v14 =	vld.idx.msk [tilespmem:v14+s24+$0x0], $0xffff  }
0x1d2: {  	v20 =	vor.u32 s16, v4;
	v18 =	vadd.s32 v5, v18;
	v21 =	vld.idx.msk [tilespmem:v15+s22+$0x0], $0xffff  }
0x1d3: {  	v22 =	vmul.u32 $0x48, v20;
	v20 =	vshll.u32 v20, $0x4;
	v19 =	vadd.s32 v5, v19  }
0x1d4: {  	v20 =	vor.u32 v6, v20  }
0x1d5: {  	v22 =	vadd.s32 v5, v22;
	v16 =	vld.idx.msk [tilespmem:v16+s24+$0x0], $0xffff  }
0x1d6: {  	v17 =	vld.idx.msk [tilespmem:v17+s24+$0x0], $0xffff  }
0x1d7: {  	v23 =	vld.idx.msk [tilespmem:v18+s22+$0x0], $0xffff;
	v14 =	vadd.f32 v14, v21  }
0x1d8: {  	v24 =	vld.idx.msk [tilespmem:v19+s22+$0x0], $0xffff  }
0x1d9: {  	v20 =	vld.idx.msk [tilespmem:v20+s24+$0x0], $0xffff;
	v25 =	vmul.f32 $2.000000030e-01, v14  }
0x1da: {  	v21 =	vld.idx.msk [tilespmem:v22+s22+$0x0], $0xffff;
	vm0 =	vge.f32 v14, $0.0e+00  }
0x1db: {  	v14 =	vsel vm0, v14, v25  }
0x1dc: {  	v16 =	vadd.f32 v16, v23;
	v14 =	vmul.f32 $1.442695020e+00, v14  }
0x1dd: {  	v17 =	vadd.f32 v17, v24  }
0x1de: {  	(erf) = vpow2.f32 v14;
	v14 =	vmul.f32 $2.000000030e-01, v16  }
0x1df: {  	vm10 =	vge.f32 v16, $0.0e+00;
	v20 =	vadd.f32 v20, v21;
	v21 =	vmul.f32 $2.000000030e-01, v17  }
0x1e0: {  	vm1 =	vge.f32 v17, $0.0e+00;
	v14 =	vsel vm10, v16, v14  }
0x1e1: {  	v16 =	vsel vm1, v17, v21;
	v17 =	vmul.f32 $2.000000030e-01, v20;
	v14 =	vmul.f32 $1.442695020e+00, v14  }
0x1e2: {  	vm11 =	vge.f32 v20, $0.0e+00  }
0x1e3: {  	(erf) = vpow2.f32 v14;
	v14 =	vsel vm11, v20, v17  }
0x1e4: {  	v14 =	vmul.f32 $1.442695020e+00, v14  }
0x1e5: {  	v16 =	vmul.f32 $1.442695020e+00, v16;
	_ =	sdelay $0x1  }
0x1e6: {  	(erf) = vpow2.f32 v16  }
0x1e7: {  	s17 =	simm.s32 $0x4A;
	(erf) = vpow2.f32 v14;
	v14 =	vpop (erf)  }
0x1e8: {  	s28 =	simm.s32 $0x1DEB0;
	v25 =	vor.u32 s17, v4;
	[tilespmem:v15+s22+$0x0] =	vst.idx.msk $0xffff, v14  }
0x1e9: {  	v16 =	vmul.u32 $0x48, v25;
	v17 =	vld [tilespmem:s28+$0xFFFFFE68]  }
0x1ea: {  	v15 =	vld [tilespmem:s28+$0xFFFFFE78]  }
0x1eb: {  	v16 =	vadd.s32 v5, v16;
	v20 =	vld [tilespmem:s28+$0xFFFFFEC0]  }
0x1ec: {  	v23 =	vld [tilespmem:s28+$0xFFFFFEB0]  }
0x1ed: {  	v29 =	vld [tilespmem:s28+$0xFFFFFE88]  }
0x1ee: {  	v21 =	vperm.xlane v14, v4;
	v26 =	vperm.xlane v14, v8;
	v33 =	vld [tilespmem:s28+$0xFFFFFE98]  }
0x1ef: {  	v27 =	vperm.xlane v14, v12;
	v30 =	vperm.xlane v14, v13;
	v42 =	vld [tilespmem:s28+$0xFFFFFEE0];
	v24 =	vpop (erf)  }
0x1f0: {  	s21 =	simm.s32 $0x4C;
	v31 =	vperm.xlane v14, v9;
	v37 =	vperm.xlane v14, v10;
	v44 =	vld.idx.msk [tilespmem:v16+s22+$0x0], $0xffff;
	[tilespmem:v18+s22+$0x0] =	vst.idx.msk $0xffff, v24  }
0x1f1: {  	v32 =	vor.u32 s21, v4;
	v52 =	vperm.xlane v14, v11;
	v41 =	vperm.xlane v24, v11;
	v36 =	vld [tilespmem:s28+$0xFFFFFF70]  }
0x1f2: {  	v28 =	vpop (erf);
	v18 =	vshll.u32 v32, $0x4;
	v56 =	vperm.xlane v24, v12;
	v61 =	vperm.xlane v24, v9;
	v54 =	vld [tilespmem:s28+$0xFFFFFF28]  }
0x1f3: {  	[tilespmem:v19+s22+$0x0] =	vst.idx.msk $0xffff, v28;
	v19 =	vshll.u32 v25, $0x4;
	v40 =	vperm.xlane v28, v4;
	v48 =	vperm.xlane v28, v7;
	v62 =	vld [tilespmem:s28+$0xFFFFFF18]  }
0x1f4: {  	v25 =	vor.u32 v6, v18;
	v35 =	vld [tilespmem:s28+$0xFFFFFDD8];
	v15 =	vmul.f32 v15, v26;
	v18 =	vmul.f32 v20, v31  }
0x1f5: {  	v34 =	vpop (erf);
	v20 =	vld [tilespmem:s28+$0xFFFFFED0];
	v31 =	vor.u32 v6, v19;
	v19 =	vperm.xlane v28, v9;
	v27 =	vmul.f32 v33, v27  }
0x1f6: {  	s23 =	simm.s32 $0x4E;
	v53 =	vmul.f32 v17, v21;
	v29 =	vmul.f32 v29, v37;
	v46 =	vld [tilespmem:s28+$0xFFFFFE50];
	[tilespmem:v22+s22+$0x0] =	vst.idx.msk $0xffff, v34  }
0x1f7: {  	s29 =	simm.s32 $0x48;
	v39 =	vor.u32 s23, v4;
	v30 =	vmul.f32 v42, v30;
	v21 =	vperm.xlane v28, v12;
	v63 =	vld [tilespmem:s28+$0xFFFFFF88]  }
0x1f8: {  	v26 =	vor.u32 s29, v4;
	v22 =	vperm.xlane v14, v7;
	v47 =	vperm.xlane v34, v12;
	v55 =	vld [tilespmem:s28+$0xFFFFFFB8]  }
0x1f9: {  	v38 =	vshll.u32 v26, $0x4;
	v58 =	vperm.xlane v34, v4;
	v50 =	vperm.xlane v34, v11;
	[tilespmem:s28+$0xFFFFFE78] =	vst v15;
	v49 =	vld [tilespmem:s28+$0xFFFFFFD0]  }
0x1fa: {  	v15 =	vmul.u32 $0x48, v32;
	[tilespmem:s28+$0xFFFFFEC0] =	vst v18;
	v18 =	vperm.xlane v34, v10;
	v38 =	vor.u32 v6, v38;
	v25 =	vld.idx.msk [tilespmem:v25+s24+$0x0], $0xffff  }
0x1fb: {  	[tilespmem:s28+$0xFFFFFE98] =	vst v27;
	v43 =	vmul.f32 v23, v22;
	v22 =	vmul.u32 $0x48, v39;
	v23 =	vmul.u32 $0x48, v26;
	v31 =	vld.idx.msk [tilespmem:v31+s24+$0x0], $0xffff  }
0x1fc: {  	[tilespmem:s28+$0xFFFFFE88] =	vst v29;
	v15 =	vadd.s32 v5, v15;
	v37 =	vmul.f32 v54, v56;
	v56 =	vld [tilespmem:s28+$0xFFFFFF40];
	v26 =	vmul.f32 v35, v40  }
0x1fd: {  	v29 =	vperm.xlane v34, v8;
	v14 =	vadd.s32 v5, v22;
	v33 =	vmul.f32 v20, v52;
	[tilespmem:s28+$0xFFFFFEB0] =	vst v43;
	v43 =	vld [tilespmem:s28+$0xFFFFFFF0]  }
0x1fe: {  	v17 =	vadd.s32 v5, v23;
	v20 =	vperm.xlane v28, v10;
	v23 =	vshll.u32 v39, $0x4;
	[tilespmem:s28+$0xFFFFFDD8] =	vst v26;
	v26 =	vld [tilespmem:s28+$0xFFFFFF60]  }
0x1ff: {  	v22 =	vperm.xlane v28, v11;
	v39 =	vperm.xlane v24, v4;
	v45 =	vor.u32 v6, v23;
	v59 =	vld.idx.msk [tilespmem:v38+s24+$0x0], $0xffff  }
0x200: {  	[tilespmem:s28+$0xFFFFFE68] =	vst v53;
	v52 =	vperm.xlane v24, v8;
	v32 =	vmul.f32 v63, v58;
	v58 =	vld [tilespmem:s28+$0xFFFFFF50];
	v31 =	vadd.f32 v31, v44  }
0x201: {  	[tilespmem:s28+$0xFFFFFEE0] =	vst v30;
	v23 =	vperm.xlane v28, v8;
	v28 =	vperm.xlane v28, v13;
	v42 =	vld.idx.msk [tilespmem:v15+s22+$0x0], $0xffff  }
0x202: {  	[tilespmem:s28+$0xFFFFFF28] =	vst v37;
	v40 =	vmul.f32 v55, v47;
	v27 =	vld.idx.msk [tilespmem:v14+s22+$0x0], $0xffff;
	v60 =	vmul.f32 $2.000000030e-01, v31  }
0x203: {  	[tilespmem:s28+$0xFFFFFED0] =	vst v33;
	v63 =	vperm.xlane v34, v7;
	v28 =	vmul.f32 v46, v28;
	v57 =	vld.idx.msk [tilespmem:v17+s22+$0x0], $0xffff;
	vm12 =	vge.f32 v31, $0.0e+00  }
0x204: {  	v46 =	vperm.xlane v24, v7;
	v44 =	vperm.xlane v24, v13;
	v45 =	vld.idx.msk [tilespmem:v45+s24+$0x0], $0xffff;
	v31 =	vsel vm12, v31, v60  }
0x205: {  	[tilespmem:s28+$0xFFFFFE50] =	vst v28;
	v28 =	vmul.f32 v49, v63;
	v30 =	vmul.f32 $1.442695020e+00, v31;
	v31 =	vld [tilespmem:s28+$0xFFFFFF98]  }
0x206: {  	v51 =	vld [tilespmem:s28+$0xFFFFFEF8];
	[tilespmem:s28+$0xFFFFFFB8] =	vst v40;
	v24 =	vperm.xlane v24, v10;
	v35 =	vmul.f32 v56, v46  }
0x207: {  	[tilespmem:s28+$0xFFFFFF88] =	vst v32;
	v63 =	vmul.f32 v43, v50;
	v26 =	vmul.f32 v26, v41  }
0x208: {  	v36 =	vmul.f32 v36, v44;
	[tilespmem:s28+$0xFFFFFFD0] =	vst v28;
	v25 =	vadd.f32 v25, v42;
	(erf) = vpow2.f32 v30;
	v30 =	vld [tilespmem:s28+$0xFFFFFF08]  }
0x209: {  	v24 =	vmul.f32 v62, v24;
	[tilespmem:s28+$0xFFFFFF40] =	vst v35;
	v33 =	vmul.f32 v58, v61;
	v57 =	vadd.f32 v59, v57  }
0x20a: {  	[tilespmem:s28+$0xFFFFFF60] =	vst v26;
	v26 =	vadd.f32 v45, v27;
	v27 =	vmul.f32 v31, v29;
	v29 =	vmul.f32 $2.000000030e-01, v25  }
0x20b: {  	[tilespmem:s28+$0xFFFFFFF0] =	vst v63;
	v59 =	vld [tilespmem:s28+$0x0];
	vm14 =	vge.f32 v25, $0.0e+00;
	v60 =	vmul.f32 $2.000000030e-01, v57;
	v31 =	vmul.f32 v51, v39  }
0x20c: {  	v28 =	vld [tilespmem:s28+$0xFFFFFFE0];
	vm13 =	vge.f32 v57, $0.0e+00;
	v61 =	vmul.f32 $2.000000030e-01, v26;
	[tilespmem:s28+$0xFFFFFF98] =	vst v27;
	v25 =	vsel vm14, v25, v29  }
0x20d: {  	v32 =	vsel vm13, v57, v60;
	[tilespmem:s28+$0xFFFFFEF8] =	vst v31;
	v27 =	vmul.f32 v30, v52;
	v31 =	vld [tilespmem:s28+$0xFFFFFE20];
	v25 =	vmul.f32 $1.442695020e+00, v25  }
0x20e: {  	[tilespmem:s28+$0xFFFFFF70] =	vst v36;
	v32 =	vmul.f32 $1.442695020e+00, v32;
	v30 =	vperm.xlane v34, v13;
	v29 =	vld [tilespmem:s28+$0xFFFFFDE8]  }
0x20f: {  	v37 =	vperm.xlane v34, v9;
	vm15 =	vge.f32 v26, $0.0e+00;
	[tilespmem:s28+$0xFFFFFF08] =	vst v27;
	v27 =	vld [tilespmem:s28+$0xFFFFFE30];
	(erf) = vpow2.f32 v25  }
0x210: {  	[tilespmem:s28+$0xFFFFFF50] =	vst v33;
	v62 =	vsel vm15, v26, v61;
	v25 =	vmul.f32 v59, v30;
	(erf) = vpow2.f32 v32;
	v32 =	vld [tilespmem:s28+$0xFFFFFE40]  }
0x211: {  	[tilespmem:s28+$0xFFFFFF18] =	vst v24;
	v28 =	vmul.f32 v28, v37;
	v34 =	vmul.f32 $1.442695020e+00, v62;
	v30 =	vld [tilespmem:s28+$0xFFFFFFA8];
	v24 =	vpop (erf)  }
0x212: {  	[tilespmem:s28+$0x0] =	vst v25;
	v25 =	vperm.xlane v24, v4;
	v33 =	vmul.f32 v31, v48;
	v31 =	vld [tilespmem:s28+$0xFFFFFE08]  }
0x213: {  	s21 =	simm.s32 $0x4;
	s4 =	simm.s32 $0x1E0F0;
	s23 =	simm.s32 $0x1E0F0;
	[tilespmem:s28+$0xFFFFFFE0] =	vst v28;
	v26 =	vld [tilespmem:s28+$0xFFFFFDF8];
	v28 =	vperm.xlane v24, v8;
	(erf) = vpow2.f32 v34  }
.LBB2_21:
0x214: {  	s21 =	sadd.s32 $0x4, s21;
	v34 =	vperm.xlane v24, v12;
	s29 =	sadd.s32 $0x8, s29;
	s23 =	sadd.s32 $0x240, s23;
	[tilespmem:s28+$0xFFFFFE20] =	vst v33;
	v23 =	vmul.f32 v29, v23  }
0x215: {  	v29 =	vperm.xlane v24, v13;
	p1 =	slt.u32 s21, $0x1C;
	[tilespmem:v16+s22+$0x0] =	vst.idx.msk $0xffff, v24;
	v16 =	vmul.f32 v32, v22  }
0x216: {  	v19 =	vmul.f32 v27, v19;
	v18 =	vmul.f32 v30, v18;
	[tilespmem:s28+$0xFFFFFDE8] =	vst v23  }
0x217: {  	v21 =	vmul.f32 v31, v21;
	v22 =	vperm.xlane v24, v7;
	v23 =	vld [tilespmem:s4+$0xFFFFFE68];
	[tilespmem:s28+$0xFFFFFE40] =	vst v16  }
0x218: {  	v16 =	vmul.f32 v26, v20;
	v30 =	vld [tilespmem:s4+$0xFFFFFEB0];
	v27 =	vpop (erf);
	[tilespmem:s28+$0xFFFFFE30] =	vst v19  }
0x219: {  	s2 =	sadd.s32 $0x2, s29;
	s16 =	sadd.s32 $0x4, s29;
	s17 =	sadd.s32 $0x6, s29;
	v32 =	vperm.xlane v24, v10;
	v20 =	vperm.xlane v24, v9;
	v19 =	vor.u32 s29, v4;
	v31 =	vld [tilespmem:s4+$0xFFFFFE78];
	[tilespmem:v15+s22+$0x0] =	vst.idx.msk $0xffff, v27;
	v33 =	vpop (erf)  }
0x21a: {  	v43 =	vor.u32 s16, v4;
	v35 =	vshll.u32 v19, $0x4;
	v15 =	vor.u32 s2, v4;
	[tilespmem:v17+s22+$0x0] =	vst.idx.msk $0xffff, v33;
	v17 =	vld [tilespmem:s4+$0xFFFFFEC0]  }
0x21b: {  	v38 =	vor.u32 s17, v4;
	v37 =	vmul.u32 $0x48, v43;
	v36 =	vmul.u32 $0x48, v15;
	v39 =	vld [tilespmem:s4+$0xFFFFFE88];
	[tilespmem:s28+$0xFFFFFFA8] =	vst v18  }
0x21c: {  	v40 =	vshll.u32 v43, $0x4;
	v41 =	vperm.xlane v33, v4;
	v18 =	vshll.u32 v15, $0x4;
	v42 =	vld [tilespmem:s4+$0xFFFFFE98];
	v26 =	vpop (erf);
	[tilespmem:s28+$0xFFFFFDF8] =	vst v16  }
0x21d: {  	v15 =	vadd.s32 v5, v37;
	v37 =	vperm.xlane v27, v11;
	v16 =	vadd.s32 v5, v36;
	v36 =	vld [tilespmem:s4+$0xFFFFFDD8];
	[tilespmem:s28+$0xFFFFFE08] =	vst v21;
	s28 =	smov.u32 s4;
	s4 =	smov.u32 s23  }
0x21e: {  	v40 =	vor.u32 v6, v40;
	v21 =	vor.u32 v6, v18;
	v18 =	vmul.f32 v31, v28;
	v28 =	vld [tilespmem:s28+$0xFFFFFF70]  }
0x21f: {  	v19 =	vmul.u32 $0x48, v19;
	v31 =	vor.u32 v6, v35;
	v20 =	vmul.f32 v17, v20;
	v35 =	vld [tilespmem:s28+$0xFFFFFED0];
	[tilespmem:v14+s22+$0x0] =	vst.idx.msk $0xffff, v26  }
0x220: {  	v22 =	vmul.f32 v30, v22;
	v14 =	vmul.u32 $0x48, v38;
	[tilespmem:s28+$0xFFFFFE78] =	vst v18;
	v30 =	vld [tilespmem:s28+$0xFFFFFF88];
	v18 =	vperm.xlane v26, v10  }
0x221: {  	v17 =	vadd.s32 v5, v19;
	v19 =	vperm.xlane v33, v9;
	[tilespmem:s28+$0xFFFFFEC0] =	vst v20;
	v20 =	vld [tilespmem:s28+$0xFFFFFEE0];
	v34 =	vmul.f32 v42, v34  }
0x222: {  	v38 =	vshll.u32 v38, $0x4;
	v14 =	vadd.s32 v5, v14;
	v42 =	vld.idx.msk [tilespmem:v16+s22+$0x0], $0xffff;
	v36 =	vmul.f32 v36, v41  }
0x223: {  	v38 =	vor.u32 v6, v38;
	v40 =	vld.idx.msk [tilespmem:v40+s24+$0x0], $0xffff;
	[tilespmem:s28+$0xFFFFFE98] =	vst v34  }
0x224: {  	v23 =	vmul.f32 v23, v25;
	v34 =	vld.idx.msk [tilespmem:v21+s24+$0x0], $0xffff;
	[tilespmem:s28+$0xFFFFFDD8] =	vst v36;
	v21 =	vperm.xlane v24, v11  }
0x225: {  	v24 =	vmul.f32 v39, v32;
	v25 =	vld [tilespmem:s28+$0xFFFFFF28]  }
0x226: {  	[tilespmem:s28+$0xFFFFFEB0] =	vst v22;
	v32 =	vmul.f32 v35, v21;
	v29 =	vmul.f32 v20, v29;
	v35 =	vld [tilespmem:s28+$0xFFFFFFB8]  }
0x227: {  	v20 =	vperm.xlane v33, v10;
	v21 =	vperm.xlane v33, v12;
	v36 =	vld.idx.msk [tilespmem:v15+s22+$0x0], $0xffff;
	[tilespmem:s28+$0xFFFFFE68] =	vst v23  }
0x228: {  	v39 =	vperm.xlane v27, v12;
	v22 =	vperm.xlane v33, v11;
	[tilespmem:s28+$0xFFFFFED0] =	vst v32;
	v32 =	vld [tilespmem:s28+$0xFFFFFF60]  }
0x229: {  	v23 =	vperm.xlane v33, v8;
	v41 =	vld [tilespmem:s28+$0xFFFFFE50];
	[tilespmem:s28+$0xFFFFFEE0] =	vst v29;
	v29 =	vperm.xlane v26, v12  }
0x22a: {  	v44 =	vperm.xlane v33, v7;
	v43 =	vld.idx.msk [tilespmem:v14+s22+$0x0], $0xffff;
	[tilespmem:s28+$0xFFFFFE88] =	vst v24;
	v24 =	vmul.f32 v25, v39  }
0x22b: {  	v25 =	vperm.xlane v27, v4;
	v39 =	vld [tilespmem:s28+$0xFFFFFFF0];
	v29 =	vmul.f32 v35, v29  }
0x22c: {  	v33 =	vperm.xlane v33, v13;
	v34 =	vadd.f32 v34, v42;
	v42 =	vperm.xlane v27, v13;
	v35 =	vld.idx.msk [tilespmem:v17+s22+$0x0], $0xffff  }
0x22d: {  	v45 =	vperm.xlane v26, v4;
	v47 =	vperm.xlane v26, v11;
	v46 =	vld [tilespmem:s28+$0xFFFFFFD0];
	[tilespmem:s28+$0xFFFFFFB8] =	vst v29  }
0x22e: {  	v29 =	vld.idx.msk [tilespmem:v31+s24+$0x0], $0xffff;
	v31 =	vmul.f32 $2.000000030e-01, v34;
	v33 =	vmul.f32 v41, v33  }
0x22f: {  	v48 =	vperm.xlane v26, v9;
	vm0 =	vge.f32 v34, $0.0e+00;
	v41 =	vperm.xlane v27, v7;
	v38 =	vld.idx.msk [tilespmem:v38+s24+$0x0], $0xffff;
	[tilespmem:s28+$0xFFFFFF28] =	vst v24  }
0x230: {  	v30 =	vmul.f32 v30, v45;
	v24 =	vsel vm0, v34, v31;
	[tilespmem:s28+$0xFFFFFE50] =	vst v33;
	v31 =	vperm.xlane v27, v9;
	v33 =	vld [tilespmem:s28+$0xFFFFFF18]  }
0x231: {  	v34 =	vperm.xlane v26, v8;
	v24 =	vmul.f32 $1.442695020e+00, v24;
	v45 =	vld [tilespmem:s28+$0xFFFFFF98]  }
0x232: {  	v50 =	vperm.xlane v27, v8;
	v51 =	vperm.xlane v26, v7;
	v49 =	vld [tilespmem:s28+$0xFFFFFEF8];
	[tilespmem:s28+$0xFFFFFF88] =	vst v30  }
0x233: {  	v32 =	vmul.f32 v32, v37;
	v27 =	vperm.xlane v27, v10;
	v30 =	vld [tilespmem:s28+$0xFFFFFF40]  }
0x234: {  	v37 =	vmul.f32 v46, v51;
	(erf) = vpow2.f32 v24;
	v24 =	vld [tilespmem:s28+$0xFFFFFF08]  }
0x235: {  	v28 =	vmul.f32 v28, v42;
	v35 =	vadd.f32 v29, v35;
	v29 =	vadd.f32 v40, v36;
	v36 =	vld [tilespmem:s28+$0xFFFFFF50];
	[tilespmem:s28+$0xFFFFFF60] =	vst v32  }
0x236: {  	v32 =	vadd.f32 v38, v43;
	v33 =	vmul.f32 v33, v27;
	[tilespmem:s28+$0xFFFFFFD0] =	vst v37;
	v37 =	vld [tilespmem:s28+$0xFFFFFFE0];
	v27 =	vmul.f32 v45, v34  }
0x237: {  	vm0 =	vge.f32 v35, $0.0e+00;
	v34 =	vmul.f32 $2.000000030e-01, v29;
	v25 =	vmul.f32 v49, v25;
	[tilespmem:s28+$0xFFFFFF70] =	vst v28;
	v28 =	vld [tilespmem:s28+$0x0]  }
0x238: {  	v38 =	vmul.f32 $2.000000030e-01, v35;
	vm1 =	vge.f32 v29, $0.0e+00;
	v40 =	vld [tilespmem:s28+$0xFFFFFE20];
	v30 =	vmul.f32 v30, v41;
	[tilespmem:s28+$0xFFFFFF98] =	vst v27  }
0x239: {  	v27 =	vsel vm1, v29, v34;
	v29 =	vld [tilespmem:s28+$0xFFFFFDE8];
	[tilespmem:s28+$0xFFFFFEF8] =	vst v25;
	v24 =	vmul.f32 v24, v50;
	v25 =	vperm.xlane v26, v13  }
0x23a: {  	v26 =	vsel vm0, v35, v38;
	v34 =	vmul.f32 $1.442695020e+00, v27;
	v27 =	vld [tilespmem:s28+$0xFFFFFE30];
	[tilespmem:s28+$0xFFFFFF40] =	vst v30;
	v31 =	vmul.f32 v36, v31  }
0x23b: {  	v35 =	vmul.f32 $1.442695020e+00, v26;
	v36 =	vmul.f32 $2.000000030e-01, v32;
	[tilespmem:s28+$0xFFFFFF08] =	vst v24;
	v30 =	vld [tilespmem:s28+$0xFFFFFFA8]  }
.Ltmp16:
0x23c: {  	vm0 =	vge.f32 v32, $0.0e+00;
	(erf) = vpow2.f32 v34;
	v26 =	vld [tilespmem:s28+$0xFFFFFDF8];
	[tilespmem:s28+$0xFFFFFF50] =	vst v31;
	v25 =	vmul.f32 v28, v25;
	(pc) =	sbr.rel @p1 .LBB2_21-.Ltmp16, $4  }
0x23d: {  	v28 =	vsel vm0, v32, v36;
	v34 =	vmul.f32 v37, v48;
	(erf) = vpow2.f32 v35;
	v24 =	vpop (erf);
	v32 =	vld [tilespmem:s28+$0xFFFFFE40];
	[tilespmem:s28+$0xFFFFFF18] =	vst v33  }
0x23e: {  	v36 =	vmul.f32 v39, v47;
	v35 =	vmul.f32 $1.442695020e+00, v28;
	v31 =	vld [tilespmem:s28+$0xFFFFFE08];
	[tilespmem:s28+$0x0] =	vst v25  }
0x23f: {  	v33 =	vmul.f32 v40, v44;
	v25 =	vperm.xlane v24, v4;
	[tilespmem:s28+$0xFFFFFFE0] =	vst v34  }
0x240: {  	v28 =	vperm.xlane v24, v8;
	(erf) = vpow2.f32 v35;
	[tilespmem:s28+$0xFFFFFFF0] =	vst v36  }
.Ltmp17:
0x241: {  	_ = 	snop;
	(pc) =	sbr.rel .LBB2_22-.Ltmp17, $1  }
0x242: {  	_ =	sdelay $0x3  }
.LBB2_26:
0x243: {  	_ =	sfence.sel $0x180000  }
0x244: {  	[bflag:$0x0] =	sbarrier.arrive $0xFFFF  }
0x245: {  	_ =	strace $0x9000004A  }
0x246: {  	s0 =	stileid.u32;
	[bflag:$0x2] =	sbarrier.arrive $0xFFFF  }
0x247: {  	p0 =	sne.s32 s0, $0x0;
	s0 =	rddreg [dreg:$0x3]  }
0x248: {  	s0 =	sadd.s32 @!p0 $0x100000, s0  }
0x249: {  	[sflag:s0] =	ssyncadd.tile.s32 @!p0 $0x1;
	_ =	shalt  }
.Lfunc_end2:
_tile_overlayer_lowered:
.L_overlay_start_2:
0x24a: {  	(tag) =	ssettag $0x2  }
0x24b: {  	s0 =	rddreg [dreg:$0x0];
	s2 =	stileid.u32  }
0x24c: {  	s1 =	rddreg [dreg:$0x1];
	p0 =	sne.s32 s2, $0x0  }
0x24d: {  	s3 =	rddreg [dreg:$0x2];
	[bflag:$0x3] =	sbarrier.arrive $0xFFFF;
	s2 =	simm.s32 @!p0 $0x1C03  }
0x24e: {  	[timem:s3], [sflag:s2] =	dma.local @!p0 [hbm:s0], s1  }
0x24f: {  	s0 =	simm.s32 @!p0 $0x3  }
0x250: {  	_ =	swait.ge @!p0 [sflag:s0], s1  }
0x251: {  	s1 =	ssub.s32 @!p0 $0x0, s1;
	[sflag:s0] =	ssyncset.done @!p0 $0x0  }
0x252: {  	[sflag:s0] =	ssyncadd.s32 @!p0 s1  }
0x253: {  	[bflag:$0x3] =	sbarrier.arrive $0xFFFF  }
0x254: {  	_ =	shalt  }

// kernel: kernel.7.cloned.1.call-start
scs
__scs_entry_jumppad:
0x0: {  	(pc) =	sbr.rel $0x88, $3  }
0x1: {  	(tag) =	ssettag $0x0;
	lr =	simm.s32 $0x1  }
0x2: {  	[smem:$0x3F8B] =	sst lr;
	_ =	strace $0xD0000000  }
0x3: {  	_ = 	snop  }
0x4: {  	_ = 	snop  }
0x5: {  	_ = 	snop  }
0x6: {  	_ = 	snop  }
0x7: {  	_ = 	snop  }
__scs_overlays_trampoline_lowered:
0x8: {  	[smem:$0x3F9A] =	sst s0  }
0x9: {  	[smem:$0x3F9B] =	sst s1  }
0xa: {  	[smem:$0x3F9C] =	sst s2  }
0xb: {  	[smem:$0x3F9D] =	sst s3  }
0xc: {  	[smem:$0x3F9E] =	sst s4  }
0xd: {  	[smem:$0x3F9F] =	sst s5  }
0xe: {  	[smem:$0x3FA0] =	sst s6  }
0xf: {  	[smem:$0x3FA1] =	sst s7  }
0x10: {  	[smem:$0x3FA2] =	sst s8  }
0x11: {  	[smem:$0x3FA3] =	sst s9;
	s0 =	simm.s32 @!p0 $0x0  }
0x12: {  	s1 =	sld [smem:$0x3F89];
	s0 =	simm.s32 @p0 $0x1  }
0x13: {  	[smem:$0x3FA4] =	sst s0;
	s0 =	simm.s32 @!p1 $0x0  }
0x14: {  	s2 =	sld [smem:$0x3F88];
	s0 =	simm.s32 @p1 $0x1  }
0x15: {  	[smem:$0x3FA5] =	sst s0;
	s0 =	simm.s32 @!p2 $0x0  }
0x16: {  	s3 =	sld [smem:$0x3FDB];
	s0 =	simm.s32 @p2 $0x1  }
0x17: {  	s4 =	simm.s32 $0x1BF5;
	[smem:$0x3FA7] =	sst s0  }
0x18: {  	s0 =	sld [smem:$0x3F8A];
	_ =	swait.ge [sflag:s4], $0x0  }
0x19: {  	s7 =	sld [smem:$0x3F8B]  }
0x1a: {  	s8 =	sadd.s32 $0xFFFFE003, lr  }
0x1b: {  	s9 =	sadd.s32 $0xFFFFFEF7, lr;
	s5 =	simm.s32 $0xFFFFFFFF;
	p2 =	slt.u32 s8, $0xFFFFF086  }
0x1c: {  	p1 =	slt.u32 s9, $0xF7A;
	s5 =	simm.s32 @!p2 $0x0  }
0x1d: {  	s5 =	simm.s32 @p1 $0x1;
	p0 =	seq.s32 s7, s2  }
0x1e: {  	s7 =	smul.u32 @!p0 $0xF7A, s2;
	p2 =	seq.s32 @!p0 s5, $0x0  }
0x1f: {  	s9 =	smul.u32 $0xF7A, s1;
	s8 =	simm.s32 @!p0 $0x1BF5;
	p2 =	por !p2, p0  }
0x20: {  	[sflag:s8] =	ssyncset.s32 @!p0 $0xFFFFF086;
	s6 =	sadd.s32 @!p0 s3, s7;
	s7 =	simm.s32 @!p0 $0x108  }
0x21: {  	s3 =	sadd.s32 s3, s9;
	s6 =	sadd.s32 @!p0 $0x88, s6;
	s7 =	simm.s32 @p2 $0x1082  }
0x22: {  	[simem:s7], [sflag:s8] =	dma.local @!p0 [hbm:s6], $0xF7A  }
0x23: {  	s9 =	sor.u32 $0xD0000000, s2;
	s6 =	simm.s32 $0x108;
	_ =	swait.ge @!p0 [sflag:s8], $0x0  }
0x24: {  	s3 =	sadd.s32 $0x88, s3;
	s6 =	simm.s32 @!p1 $0x1082;
	[sflag:s4] =	ssyncset.s32 $0xFFFFF086  }
0x25: {  	[simem:s6], [sflag:s4] =	dma.local [hbm:s3], $0xF7A  }
0x26: {  	[smem:$0x3F8B] =	sst s1;
	(tag) =	ssettag s2;
	_ =	strace s9  }
0x27: {  	s1 =	sld [smem:$0x3F9B]  }
0x28: {  	s2 =	sld [smem:$0x3F9C]  }
0x29: {  	s4 =	sld [smem:$0x3F9E]  }
0x2a: {  	p0 =	seq.s32 s5, $0x0;
	s5 =	sld [smem:$0x3F9F]  }
0x2b: {  	s6 =	sld [smem:$0x3FA0]  }
0x2c: {  	s7 =	sld [smem:$0x3FA1]  }
0x2d: {  	s3 =	simm.s32 $0x108;
	s8 =	sld [smem:$0x3FA2]  }
0x2e: {  	s3 =	simm.s32 @!p0 $0x1082;
	s9 =	sld [smem:$0x3FA3]  }
0x2f: {  	lr =	sadd.s32 s0, s3;
	s0 =	sld [smem:$0x3F9A]  }
0x30: {  	s3 =	sld [smem:$0x3F9D]  }
0x31: {  	[smem:$0x3FA6] =	sst s10  }
0x32: {  	s10 =	sld [smem:$0x3FA4];
	_ =	sdelay $0x3  }
0x33: {  	p0 =	seq.s32 s10, $0x1;
	s10 =	sld [smem:$0x3FA6];
	_ =	sdelay $0x3  }
0x34: {  	[smem:$0x3FA6] =	sst s10  }
0x35: {  	s10 =	sld [smem:$0x3FA5];
	_ =	sdelay $0x3  }
0x36: {  	p1 =	seq.s32 s10, $0x1;
	s10 =	sld [smem:$0x3FA6];
	_ =	sdelay $0x3  }
0x37: {  	[smem:$0x3FA6] =	sst s10  }
0x38: {  	s10 =	sld [smem:$0x3FA7]  }
0x39: {  	_ = 	snop;
	(pc) =	sbr.ind lr, $3  }
0x3a: {  	_ = 	snop  }
0x3b: {  	_ = 	snop  }
0x3c: {  	p2 =	seq.s32 s10, $0x1;
	s10 =	sld [smem:$0x3FA6]  }
0x3d: {  	_ =	shalt  }
0x3e: {  	_ =	shalt  }
0x3f: {  	_ =	shalt  }
0x40: {  	_ =	shalt  }
0x41: {  	_ =	shalt  }
0x42: {  	_ =	shalt  }
0x43: {  	_ =	shalt  }
0x44: {  	_ =	shalt  }
0x45: {  	_ =	shalt  }
0x46: {  	_ =	shalt  }
0x47: {  	_ =	shalt  }
0x48: {  	_ =	shalt  }
0x49: {  	_ =	shalt  }
0x4a: {  	_ =	shalt  }
0x4b: {  	_ =	shalt  }
0x4c: {  	_ =	shalt  }
0x4d: {  	_ =	shalt  }
0x4e: {  	_ =	shalt  }
0x4f: {  	_ =	shalt  }
0x50: {  	_ =	shalt  }
0x51: {  	_ =	shalt  }
0x52: {  	_ =	shalt  }
0x53: {  	_ =	shalt  }
0x54: {  	_ =	shalt  }
0x55: {  	_ =	shalt  }
0x56: {  	_ =	shalt  }
0x57: {  	_ =	shalt  }
0x58: {  	_ =	shalt  }
0x59: {  	_ =	shalt  }
0x5a: {  	_ =	shalt  }
0x5b: {  	_ =	shalt  }
0x5c: {  	_ =	shalt  }
0x5d: {  	_ =	shalt  }
0x5e: {  	_ =	shalt  }
0x5f: {  	_ =	shalt  }
0x60: {  	_ =	shalt  }
0x61: {  	_ =	shalt  }
0x62: {  	_ =	shalt  }
0x63: {  	_ =	shalt  }
0x64: {  	_ =	shalt  }
0x65: {  	_ =	shalt  }
0x66: {  	_ =	shalt  }
0x67: {  	_ =	shalt  }
0x68: {  	_ =	shalt  }
0x69: {  	_ =	shalt  }
0x6a: {  	_ =	shalt  }
0x6b: {  	_ =	shalt  }
0x6c: {  	_ =	shalt  }
0x6d: {  	_ =	shalt  }
0x6e: {  	_ =	shalt  }
0x6f: {  	_ =	shalt  }
0x70: {  	_ =	shalt  }
0x71: {  	_ =	shalt  }
0x72: {  	_ =	shalt  }
0x73: {  	_ =	shalt  }
0x74: {  	_ =	shalt  }
0x75: {  	_ =	shalt  }
0x76: {  	_ =	shalt  }
0x77: {  	_ =	shalt  }
0x78: {  	_ =	shalt  }
0x79: {  	_ =	shalt  }
0x7a: {  	_ =	shalt  }
0x7b: {  	_ =	shalt  }
0x7c: {  	_ =	shalt  }
0x7d: {  	_ =	shalt  }
0x7e: {  	_ =	shalt  }
0x7f: {  	_ =	shalt  }
0x80: {  	_ =	shalt  }
0x81: {  	_ =	shalt  }
0x82: {  	_ =	shalt  }
0x83: {  	_ =	shalt  }
0x84: {  	_ =	shalt  }
0x85: {  	_ =	shalt  }
0x86: {  	_ =	shalt  }
0x87: {  	_ =	shalt  }
.Lfunc_end0:
.L_simem_size_0:
called_computation_lowered:
.L_overlay_start_0:
0x88: {  	s2 =	sld [smem:$0x3FD9]  }
0x89: {  	s3 =	sld [smem:$0x3FFE];
	_ =	sdelay $0x1  }
0x8a: {  	s1 =	srdreg.scid  }
0x8b: {  	s0 =	sand.u32 $0x1, s1  }
0x8c: {  	s17 =	sshll.u32 s0, $0xA;
	s2 =	sadd.s32 s3, s2  }
0x8d: {  	s2 =	sadd.s32 s2, s17  }
0x8e: {  	[smem:$0x3FB2] =	sst s2  }
0x8f: {  	_ = 	snop  }
0x90: {  	s2 =	sld [smem:$0x3FD0];
	(tm) =	ssettm $0x1  }
0x91: {  	s18 =	sld [smem:$0x3FFB];
	_ =	sdelay $0x3  }
0x92: {  	_ =	strace s18  }
0x93: {  	s3 =	sld [smem:$0x3FFC];
	_ =	sdelay $0x3  }
0x94: {  	_ =	strace s3  }
0x95: {  	s3 =	sld [smem:$0x3FFD];
	_ =	sdelay $0x3  }
0x96: {  	_ =	strace s3  }
0x97: {  	_ =	strace $0x8FFFFFFF  }
0x98: {  	s19 =	sld [smem:$0x3FDB];
	_ =	sdelay $0x1  }
0x99: {  	s4 =	simm.s32 $_scs_section_size  }
0x9a: {  	s5 =	simm.s32 $_size__tile_overlayer_lowered;
	s6 =	simm.s32 $_tile_overlayer_lowered  }
0x9b: {  	s22 =	simm.s32 $0x1BFF;
	s21 =	sshll.u32 s6, $0x1;
	s3 =	sadd.s32 s4, s19  }
0x9c: {  	s7 =	simm.s32 $0x0;
	s20 =	sshll.u32 s5, $0x1;
	s5 =	sadd.s32 s21, s3  }
0x9d: {  	[timem:s7], [sflag:s22] =	dma.local [hbm:s5], s20  }
0x9e: {  	_ =	swait.ge [sflag:s22], s20  }
0x9f: {  	s4 =	ssub.s32 $0x0, s20;
	[sflag:s22] =	ssyncset.done $0x0  }
0xa0: {  	[sflag:s22] =	ssyncadd.s32 s4;
	_ =	sdelay $0x1  }
0xa1: {  	s23 =	simm.s32 $0x1B8B  }
0xa2: {  	_ =	swait.ge [sflag:s23], $0x1  }
0xa3: {  	[sflag:s23] =	ssyncset.done $0x0  }
0xa4: {  	s25 =	simm.s32 $0x1B8E;
	s24 =	sld [smem:$0x3FFE];
	[sflag:s23] =	ssyncadd.s32 $0xFFFFFFFF  }
0xa5: {  	s26 =	simm.s32 $execute0_lowered;
	[smem:$0x3FD2] =	sst s25  }
0xa6: {  	s5 =	sshll.u32 s26, $0x1;
	_ =	strace $0x80000046;
	[dreg:$0x1] =	wrdreg $0xFFFFFFFF  }
0xa7: {  	s28 =	simm.s32 $_size_execute0_lowered;
	s3 =	sadd.s32 s3, s5;
	[dreg:$0x0] =	wrdreg $0x0  }
0xa8: {  	s5 =	sshll.u32 s28, $0x1;
	[dreg:$0x2] =	wrdreg s3  }
0xa9: {  	[dreg:$0x3] =	wrdreg s5  }
0xaa: {  	[dreg:$0x4] =	wrdreg $0xC0  }
0xab: {  	_ =	task [dreg:s7], $0x5FFFF  }
0xac: {  	[dreg:$0x1] =	wrdreg $0xFFFFFFFF  }
0xad: {  	[dreg:$0x0] =	wrdreg $0x60  }
0xae: {  	[dreg:$0x2] =	wrdreg s24  }
0xaf: {  	[dreg:$0x3] =	wrdreg s2  }
0xb0: {  	[dreg:$0x4] =	wrdreg $0x0  }
0xb1: {  	[dreg:$0x5] =	wrdreg $0x9  }
0xb2: {  	_ =	task.clear_ibuf [dreg:s7], $0x6FFFF;
	_ =	strace $0x90000046  }
0xb3: {  	s29 =	simm.s32 $0x9;
	_ =	strace $0x80000048  }
0xb4: {  	_ =	swait.ge [sflag:s29], $0x1  }
0xb5: {  	[sflag:s29] =	ssyncadd.s32 $0xFFFFFFFF  }
0xb6: {  	_ =	strace $0x90000048  }
0xb7: {  	_ =	sfence  }
0xb8: {  	s30 =	sld [smem:$0x0];
	_ =	sdelay $0x2  }
0xb9: {  	s31 =	sshll.u32 s1, $0xD;
	s1 =	sshrl.u32 s1, $0x2  }
0xba: {  	s3 =	sand.u32 $0x4000, s31;
	s1 =	sadd.s32 s1, s30  }
0xbb: {  	s0 =	sor.u32 s3, s0;
	s1 =	sshll.u32 s1, $0x11  }
0xbc: {  	s0 =	sor.u32 s1, s0  }
0xbd: {  	s0 =	sadd.s32 $0x8F2B, s0  }
0xbe: {  	[sflag:s0] =	ssyncadd.remote.s32 $0x1  }
0xbf: {  	_ =	sfence.sel $0xFFFF  }
0xc0: {  	[dreg:$0x0] =	wrdreg $0xFFFFFFFF;
	(pc) =	sbr.abs _section_cstart, $3  }
0xc1: {  	[dreg:$0x1] =	wrdreg $0xFFFFFFFF  }
0xc2: {  	_ =	task.clear_ibuf [dreg:s7], $0x2FFFF;
	_ =	strace $0x9FFFFFFF  }
0xc3: {  	(tm) =	ssettm $0x7FFFFFFF  }
tec
execute0_lowered:
.L_overlay_start_1:
0x0: {  	(tag) =	ssettag $0x1  }
0x1: {  	s0 =	rddreg [dreg:$0x0];
	s1 =	srdreg.scid  }
0x2: {  	s3 =	rddreg [dreg:$0x2];
	s2 =	stileid.u32;
	s11 =	simm.s32 $0x0  }
0x3: {  	s14 =	simm.s32 $0x3;
	s18 =	simm.s32 $0x1C508;
	s19 =	simm.s32 $0x1C108  }
0x4: {  	s20 =	simm.s32 $0x40;
	s22 =	simm.s32 $0x1CA88;
	s24 =	simm.s32 $0x1EE88  }
0x5: {  	s30 =	simm.s32 $0x1;
	s31 =	simm.s32 $0x1CA08;
	s1 =	sand.u32 $0x1, s1  }
0x6: {  	s5 =	smul.u32 $0x620, s2;
	[smem:$0x7FF] =	sst s11;
	s6 =	sadd.s32 $0x34C00, s0  }
0x7: {  	s9 =	smul.u32 $0x6E400, s2;
	s10 =	sadd.s32 $0xA2A00, s0;
	s28 =	sshll.u32 s2, $0x6  }
0x8: {  	p0 =	sne.s32 s2, $0xF;
	s4 =	smul.u32 $0x6200, s1;
	_ =	strace $0x80000047  }
0x9: {  	s1 =	ssub.s32 $0x2, s1;
	[dreg:$0x5] =	wrdreg s10;
	s12 =	sor.u32 $0x1C03, s28  }
0xa: {  	s10 =	smul.u32 $0xC350, s2;
	s25 =	sshrl.u32 s1, $0x1;
	s7 =	sadd.s32 s5, s4  }
0xb: {  	s26 =	sshrl.u32 s9, $0x2;
	[dreg:$0x6] =	wrdreg s12;
	s8 =	smul.u32 $0x9, s7  }
0xc: {  	v6 =	vlaneseq.u32;
	v1 =	vimm.s32 $0x0;
	s5 =	sadd.s32 $0x3C00, s0;
	s1 =	ssub.s32 s1, s25;
	s7 =	sadd.s32 $0x1C400, s0  }
.Ltmp0:
0xd: {  	v2 =	vimm.s32 $0x6200;
	v3 =	vmul.u32 $0xFFFFFFFF, v6;
	v5 =	vand.u32 $0x7, v6;
	s29 =	smax.u32 s1, $0x1;
	s0 =	sadd.s32 s8, s0;
	(pc) =	sbr.rel .LBB2_1-.Ltmp0, $4  }
0xe: {  	v4 =	vshrl.u32 v6, $0x3;
	v6 =	vor.u32 $0x8, v6;
	v5 =	vor.u32 $0x40, v5;
	[dreg:$0x8] =	wrdreg s29;
	s8 =	sadd.s32 s26, s3;
	s0 =	sadd.s32 $0xA6200, s0  }
0xf: {  	v7 =	vor.u32 $0x8, v4;
	v8 =	vor.u32 $0x2, v4;
	v9 =	vor.u32 $0xA, v4;
	s9 =	sadd.s32 $0x1B9000, s3;
	s8 =	sshrl.u32 s8, $0x3;
	[dreg:$0x7] =	wrdreg s0  }
0x10: {  	v10 =	vor.u32 $0x4, v4;
	v11 =	vor.u32 $0xC, v4;
	v12 =	vor.u32 $0x6, v4;
	s1 =	simm.s32 $0x1CA48;
	s0 =	sshrl.u32 @!p0 s9, $0x3;
	[dreg:$0x9] =	wrdreg s8  }
0x11: {  	v13 =	vor.u32 $0xE, v4;
	v3 =	vadd.s32 $0x3E8, v3;
	v0 =	vmov s4;
	s26 =	simm.s32 $0x1DC88;
	[dreg:$0xa] =	wrdreg s0;
	s0 =	simm.s32 $0x2  }
.LBB2_25:
0x12: {  	[bflag:$0x0] =	sbarrier.arrive $0xFFFF  }
0x13: {  	s12 =	rddreg [dreg:$0x6]  }
0x14: {  	s2 =	rddreg [dreg:$0x7]  }
0x15: {  	s8 =	rddreg [dreg:$0x9]  }
0x16: {  	[hbm:s2], [sflag:s12] =	dma.local [spmem:s8], $0x3720  }
0x17: {  	_ =	swait.ge [sflag:s14], $0x3720  }
0x18: {  	s11 =	rddreg [dreg:$0x4]  }
0x19: {  	s29 =	rddreg [dreg:$0x8];
	s11 =	sadd.s32 $0x1, s11  }
0x1a: {  	p1 =	sne.s32 s11, s29  }
.Ltmp1:
0x1b: {  	_ = 	snop;
	(pc) =	sbr.rel @!p1 .LBB2_26-.Ltmp1, $3  }
0x1c: {  	_ =	sdelay $0x1  }
0x1d: {  	[sflag:s14] =	ssyncset.done $0x0  }
0x1e: {  	[sflag:s14] =	ssyncadd.s32 $0xFFFFC8E0  }
.LBB2_1:
0x1f: {  	[dreg:$0x4] =	wrdreg s11  }
0x20: {  	s2 =	rddreg [dreg:$0x5]  }
0x21: {  	[spmem:s8], [sflag:s12] =	dma.local [hbm:s2], $0x3720  }
0x22: {  	_ =	swait.ge [sflag:s14], $0x3720  }
0x23: {  	[sflag:s14] =	ssyncset.done $0x0  }
0x24: {  	s4 =	rddreg [dreg:$0xa];
	[sflag:s14] =	ssyncadd.s32 $0xFFFFC8E0  }
0x25: {  	[spmem:s4], [sflag:s12] =	dma.local @!p0 [hbm:s2], $0x48  }
0x26: {  	s4 =	simm.s32 @!p0 $0x3  }
0x27: {  	_ =	swait.ge @!p0 [sflag:s4], $0x48  }
0x28: {  	[sflag:s4] =	ssyncset.done @!p0 $0x0  }
0x29: {  	s8 =	simm.s32 $0x0;
	[sflag:s4] =	ssyncadd.s32 @!p0 $0xFFFFFFB8;
	s4 =	simm.s32 $0x40  }
.LBB2_2:
0x2a: {  	p1 =	sne.s32 s4, $0xFC0;
	[tilespmem:s8+$0x1C108] =	vst v1;
	s8 =	smov.u32 s4;
	s4 =	sadd.s32 $0x40, s4  }
.Ltmp2:
0x2b: {  	(pc) =	sbr.rel @p1 .LBB2_2-.Ltmp2, $2  }
0x2c: {  	_ =	sdelay $0x2  }
0x2d: {  	s8 =	sshra.s32 s8, $0x2  }
.Ltmp3:
0x2e: {  	(pc) =	sbr.rel .LBB2_4-.Ltmp3, $4  }
0x2f: {  	_ = 	snop  }
0x30: {  	[tilespmem:s8+$0x1C108] =	vst v1  }
0x31: {  	[bflag:$0x0] =	sbarrier.arrive $0xFFFF  }
0x32: {  	s11 =	simm.s32 $0x0;
	s12 =	simm.s32 $0x0  }
.LBB2_24:
0x33: {  	s12 =	sadd.s32 $0x1, s12  }
0x34: {  	p1 =	sne.s32 s12, $0x32  }
.Ltmp4:
0x35: {  	_ = 	snop;
	(pc) =	sbr.rel @!p1 .LBB2_25-.Ltmp4, $1  }
0x36: {  	_ =	sdelay $0x3  }
.LBB2_4:
0x37: {  	s4 =	smul.u32 $0x3E8, s12;
	_ =	sdelay $0x1  }
0x38: {  	s4 =	sadd.s32 s10, s4  }
0x39: {  	s4 =	sshrl.u32 s4, $0x3  }
0x3a: {  	s2 =	simm.s32 $0x1B928;
	s8 =	sadd.s32 s5, s4  }
0x3b: {  	[tilespmem:s2], [sflag:$0x3] =	stream.linear.gather [hbm4b:s8+s11], $0x3E8, $0x38;
	[tilespmem:$0x1F688] =	vst v63  }
0x3c: {  	_ =	swait.ge [sflag:s14], $0x3E8  }
0x3d: {  	[sflag:s14] =	ssyncset.done $0x0  }
0x3e: {  	[sflag:s14] =	ssyncadd.s32 $0xFFFFFC18  }
0x3f: {  	s28 =	rddreg [dreg:$0x1]  }
0x40: {  	s29 =	simm.s32 $0x1BD18;
	s4 =	sadd.s32 s28, s4  }
0x41: {  	[tilespmem:s29], [sflag:$0x3] =	stream.linear.gather [hbm4b:s4+s11], $0x3E8, $0x38;
	[tilespmem:$0x1F688] =	vst v63  }
0x42: {  	_ =	swait.ge [sflag:s14], $0x3E8  }
0x43: {  	[sflag:s14] =	ssyncset.done $0x0  }
0x44: {  	s4 =	simm.s32 $0x0;
	[sflag:s14] =	ssyncadd.s32 $0xFFFFFC18  }
.LBB2_5:
0x45: {  	p1 =	sne.s32 s4, $0xFC0  }
.Ltmp5:
0x46: {  	_ = 	snop;
	(pc) =	sbr.rel @p1 .LBB2_5-.Ltmp5, $3  }
0x47: {  	_ =	sdelay $0x1  }
0x48: {  	s8 =	sshra.s32 s4, $0x2  }
0x49: {  	s4 =	sadd.s32 $0x40, s4;
	[tilespmem:s8+$0x1C508] =	vst v2  }
0x4a: {  	s4 =	simm.s32 $0x1BD18  }
0x4b: {  	v14 =	vld [tilespmem:s4+$0x0];
	_ =	sdelay $0x3  }
0x4c: {  	s4 =	simm.s32 $0x0  }
0x4d: {  	v15 =	vmov s4;
	v14 =	vsub.s32 v14, v0  }
0x4e: {  	vm1 =	vlt.u32 v15, v3;
	vm0 =	vlt.u32 v14, $0x6200  }
0x4f: {  	vm0 =	vmand vm1, vm0  }
0x50: {  	v15 =	vsel vm0, $0x1, v1  }
0x51: {  	(xrf0) =	vadd.scan.msk.s32 $0xffff, v15;
	_ =	sdelay $0x4  }
0x52: {  	v15 =	vmov s4  }
0x53: {  	v15 =	vadd.s32 $0xFFFFFFFF, v15;
	v16, _, _ =	vpop (xrf0)  }
0x54: {  	v15 =	vbroadcast v15, $0x0;
	v17 =	vxor.u32 $0x80000000, v16  }
0x55: {  	(xrf0) =	vmax.scan.msk.u32 $0xffff, v17  }
0x56: {  	v15 =	vadd.s32 v16, v15;
	_ =	sdelay $0x1  }
0x57: {  	s8 =	simm.s32 $0x1B928  }
0x58: {  	v63 =	vld [tilespmem:s8+$0x0];
	_ =	sdelay $0x1  }
0x59: {  	[tilespmem:v15+s18+$0x0] =	vst.idx.msk vm0, v14;
	v14, _, _ =	vpop (xrf0)  }
0x5a: {  	(v2sf) =	vpush v14, $0xF;
	_ =	sdelay $0x1  }
0x5b: {  	s13 =	simm.s32 $0x1BD28;
	[tilespmem:v15+s19+$0x0] =	vst.idx.msk vm0, v63  }
0x5c: {  	s9 =	simm.s32 $0x10;
	s15 =	simm.s32 $0x20;
	v14 =	vld [tilespmem:s13+$0x0]  }
.LBB2_7:
0x5d: {  	p1 =	sne.s32 s15, $0x3E0;
	_ =	sdelay $0x3  }
0x5e: {  	v15 =	vmov s9;
	s9 =	smov.u32 s15;
	v14 =	vsub.s32 v14, v0  }
0x5f: {  	vm1 =	vlt.u32 v15, v3;
	vm0 =	vlt.u32 v14, $0x6200  }
0x60: {  	vm0 =	vmand vm1, vm0  }
0x61: {  	v15 =	vsel vm0, $0x1, v1  }
0x62: {  	(xrf0) =	vadd.scan.msk.s32 $0xffff, v15;
	_ =	sdelay $0x2  }
0x63: {  	s21 =	spop (v2sf)  }
0x64: {  	s4 =	sadd.s32 s21, s4  }
0x65: {  	s4 =	sadd.s32 $0x80000000, s4  }
0x66: {  	v15 =	vmov s4;
	v16, _, _ =	vpop (xrf0)  }
0x67: {  	v15 =	vadd.s32 $0xFFFFFFFF, v15;
	v17 =	vxor.u32 $0x80000000, v16  }
0x68: {  	v15 =	vbroadcast v15, $0x0;
	(xrf0) =	vmax.scan.msk.u32 $0xffff, v17;
	_ =	sdelay $0x1  }
0x69: {  	s8 =	sadd.s32 $0x10, s8;
	v15 =	vadd.s32 v16, v15  }
0x6a: {  	v16 =	vld [tilespmem:s8+$0x0];
	_ =	sdelay $0x2  }
.Ltmp6:
0x6b: {  	v17, _, _ =	vpop (xrf0);
	(pc) =	sbr.rel @p1 .LBB2_7-.Ltmp6, $4  }
0x6c: {  	[tilespmem:v15+s18+$0x0] =	vst.idx.msk vm0, v14;
	(v2sf) =	vpush v17, $0xF  }
0x6d: {  	[tilespmem:v15+s19+$0x0] =	vst.idx.msk vm0, v16  }
0x6e: {  	s13 =	sadd.s32 $0x10, s13  }
0x6f: {  	s15 =	sadd.s32 $0x10, s15;
	v14 =	vld [tilespmem:s13+$0x0]  }
0x70: {  	_ =	sdelay $0x3  }
0x71: {  	v15 =	vmov s9;
	v14 =	vsub.s32 v14, v0  }
0x72: {  	vm1 =	vlt.u32 v15, v3;
	vm0 =	vlt.u32 v14, $0x6200  }
0x73: {  	vm0 =	vmand vm1, vm0  }
0x74: {  	v15 =	vsel vm0, $0x1, v1  }
0x75: {  	(xrf0) =	vadd.scan.msk.s32 $0xffff, v15;
	_ =	sdelay $0x5  }
0x76: {  	v15, _, _ =	vpop (xrf0)  }
0x77: {  	v16 =	vxor.u32 $0x80000000, v15  }
0x78: {  	(xrf0) =	vmax.scan.msk.u32 $0xffff, v16;
	_ =	sdelay $0x5  }
0x79: {  	v16, _, _ =	vpop (xrf0)  }
0x7a: {  	(v2sf) =	vpush v16, $0xF;
	_ =	sdelay $0xb  }
0x7b: {  	s28 =	spop (v2sf)  }
0x7c: {  	s4 =	sadd.s32 s28, s4  }
0x7d: {  	s4 =	sadd.s32 $0x80000000, s4  }
0x7e: {  	v62 =	vmov s4;
	s29 =	spop (v2sf)  }
0x7f: {  	v16 =	vadd.s32 $0xFFFFFFFF, v62;
	s4 =	sadd.s32 s29, s4  }
0x80: {  	v16 =	vbroadcast v16, $0x0;
	s4 =	sadd.s32 $0x80000000, s4  }
0x81: {  	s4 =	sadd.s32 $0x3F, s4  }
0x82: {  	s8 =	sadd.s32 $0x10, s8;
	v15 =	vadd.s32 v15, v16;
	s15 =	sshra.s32 s4, $0x6  }
0x83: {  	v63 =	vld [tilespmem:s8+$0x0];
	p1 =	slt.s32 s15, $0x1  }
.Ltmp7:
0x84: {  	_ = 	snop;
	(pc) =	sbr.rel @p1 .LBB2_12-.Ltmp7, $3  }
0x85: {  	_ =	sdelay $0x1  }
0x86: {  	[tilespmem:v15+s18+$0x0] =	vst.idx.msk vm0, v14  }
0x87: {  	[tilespmem:v15+s19+$0x0] =	vst.idx.msk vm0, v63  }
0x88: {  	v14 =	vld [tilespmem:$0x1C508]  }
0x89: {  	v15 =	vld [tilespmem:$0x1C108]  }
0x8a: {  	v16 =	vld [tilespmem:$0x1C518];
	_ =	sdelay $0x2  }
0x8b: {  	v17 =	vld [tilespmem:$0x1C118];
	[tilespmem:$0x1CA08] =	vst v14  }
0x8c: {  	v62 =	vld [tilespmem:$0x1C128];
	[tilespmem:$0x1C908] =	vst v15  }
0x8d: {  	v63 =	vld [tilespmem:$0x1C138];
	v14 =	vadd.s32 v0, v14;
	[tilespmem:$0x1CA18] =	vst v16  }
0x8e: {  	v15 =	vadd.s32 v0, v16;
	[tilespmem:$0x1C988] =	vst v14;
	v14 =	vld [tilespmem:$0x1C528]  }
0x8f: {  	[tilespmem:$0x1C998] =	vst v15;
	v15 =	vld [tilespmem:$0x1C538]  }
0x90: {  	[tilespmem:$0x1C918] =	vst v17  }
0x91: {  	[tilespmem:$0x1C928] =	vst v62  }
0x92: {  	[tilespmem:$0x1C938] =	vst v63  }
0x93: {  	[tilespmem:$0x1CA28] =	vst v14  }
0x94: {  	p1 =	seq.s32 s15, $0x1;
	v14 =	vadd.s32 v0, v14;
	[tilespmem:$0x1CA38] =	vst v15  }
.Ltmp8:
0x95: {  	[tilespmem:$0x1C9A8] =	vst v14;
	v14 =	vadd.s32 v0, v15;
	(pc) =	sbr.rel @!p1 .LBB2_11-.Ltmp8, $4  }
0x96: {  	s2 =	simm.s32 $0x1C908;
	[tilespmem:$0x1C9B8] =	vst v14  }
0x97: {  	[tilespmem:s22], [sflag:$0x1] =	stream.indirect.gather [hbm4b:s6+s20], $0x48, s2, s20, $0xb8;
	[tilespmem:$0x1F688] =	vst v63  }
0x98: {  	s29 =	simm.s32 $0x1C988  }
0x99: {  	[tilespmem:s24], [sflag:$0x1] =	stream.indirect.gather [hbm4b:s7+s20], $0x10, s29, s20, $0xb8;
	[tilespmem:$0x1F688] =	vst v63  }
.Ltmp9:
0x9a: {  	(pc) =	sbr.rel .LBB2_14-.Ltmp9, $2  }
0x9b: {  	_ =	sdelay $0x2  }
0x9c: {  	s8 =	simm.s32 $0x1;
	s13 =	simm.s32 $0x0  }
.LBB2_11:
0x9d: {  	v14 =	vld [tilespmem:$0x1C548]  }
0x9e: {  	v15 =	vld [tilespmem:$0x1C148]  }
0x9f: {  	v16 =	vld [tilespmem:$0x1C558];
	_ =	sdelay $0x2  }
0xa0: {  	v17 =	vld [tilespmem:$0x1C158];
	[tilespmem:$0x1CA48] =	vst v14  }
0xa1: {  	v62 =	vld [tilespmem:$0x1C168];
	[tilespmem:$0x1C948] =	vst v15  }
0xa2: {  	v63 =	vld [tilespmem:$0x1C178];
	v14 =	vadd.s32 v0, v14;
	[tilespmem:$0x1CA58] =	vst v16  }
0xa3: {  	v15 =	vadd.s32 v0, v16;
	[tilespmem:$0x1C9C8] =	vst v14;
	v14 =	vld [tilespmem:$0x1C568]  }
0xa4: {  	[tilespmem:$0x1C9D8] =	vst v15;
	v15 =	vld [tilespmem:$0x1C578]  }
0xa5: {  	[tilespmem:$0x1C958] =	vst v17  }
0xa6: {  	[tilespmem:$0x1C968] =	vst v62  }
0xa7: {  	[tilespmem:$0x1C978] =	vst v63  }
0xa8: {  	[tilespmem:$0x1CA68] =	vst v14  }
0xa9: {  	v14 =	vadd.s32 v0, v14;
	[tilespmem:$0x1CA78] =	vst v15  }
0xaa: {  	[tilespmem:$0x1C9E8] =	vst v14;
	v14 =	vadd.s32 v0, v15  }
0xab: {  	s2 =	simm.s32 $0x1C948;
	[tilespmem:$0x1C9F8] =	vst v14  }
0xac: {  	[tilespmem:s26], [sflag:$0x2] =	stream.indirect.gather [hbm4b:s6+s20], $0x48, s2, s20, $0xb8;
	[tilespmem:$0x1F688] =	vst v63  }
0xad: {  	s29 =	simm.s32 $0x1C9C8;
	s4 =	simm.s32 $0x1F288  }
0xae: {  	[tilespmem:s4], [sflag:$0x2] =	stream.indirect.gather [hbm4b:s7+s20], $0x10, s29, s20, $0xb8;
	[tilespmem:$0x1F688] =	vst v63  }
.LBB2_12:
0xaf: {  	s4 =	sadd.s32 $0x1, s15  }
0xb0: {  	s8 =	sshra.s32 s4, $0x1  }
0xb1: {  	p1 =	slt.s32 s8, $0x1  }
.Ltmp10:
0xb2: {  	_ = 	snop;
	(pc) =	sbr.rel @p1 .LBB2_24-.Ltmp10, $1  }
0xb3: {  	_ =	sdelay $0x3  }
0xb4: {  	s13 =	sadd.s32 $0xFFFFFFFF, s15  }
.LBB2_14:
.Ltmp11:
0xb5: {  	(pc) =	sbr.rel .LBB2_15-.Ltmp11, $2  }
0xb6: {  	_ =	sdelay $0x2  }
0xb7: {  	s9 =	simm.s32 $0x0  }
.LBB2_22:
0xb8: {  	_ =	sdelay $0x3  }
0xb9: {  	[tilespmem:v16+s22+$0x0] =	vst.idx.msk $0xffff, v24  }
0xba: {  	v61 =	vmul.f32 v29, v23;
	[tilespmem:s28+$0xFFFFFE20] =	vst v33;
	v36 =	vmul.f32 v27, v19;
	v27 =	vpop (erf)  }
0xbb: {  	v22 =	vmul.f32 v32, v22;
	[tilespmem:v15+s22+$0x0] =	vst.idx.msk $0xffff, v27  }
0xbc: {  	v63 =	vld [tilespmem:s4+$0xFFFFFE78];
	[tilespmem:s28+$0xFFFFFDE8] =	vst v61  }
0xbd: {  	v37 =	vld [tilespmem:s4+$0xFFFFFEC0];
	[tilespmem:s28+$0xFFFFFE40] =	vst v22  }
0xbe: {  	v18 =	vmul.f32 v30, v18;
	v38 =	vld [tilespmem:s4+$0xFFFFFEB0];
	v16 =	vpop (erf);
	[tilespmem:s28+$0xFFFFFE30] =	vst v36  }
0xbf: {  	v20 =	vmul.f32 v26, v20;
	v47 =	vld [tilespmem:s4+$0xFFFFFEE0];
	[tilespmem:v17+s22+$0x0] =	vst.idx.msk $0xffff, v16  }
0xc0: {  	v40 =	vperm.xlane v24, v9;
	v45 =	vmul.f32 v31, v21;
	v39 =	vld [tilespmem:s4+$0xFFFFFE88];
	[tilespmem:s28+$0xFFFFFFA8] =	vst v18  }
0xc1: {  	v48 =	vperm.xlane v24, v7;
	[tilespmem:s28+$0xFFFFFDF8] =	vst v20;
	v49 =	vld [tilespmem:s4+$0xFFFFFF28];
	v28 =	vmul.f32 v63, v28  }
0xc2: {  	v56 =	vperm.xlane v24, v13;
	[tilespmem:s28+$0xFFFFFE08] =	vst v45;
	v42 =	vmul.f32 v37, v40  }
0xc3: {  	v57 =	vperm.xlane v24, v10;
	v15 =	vld [tilespmem:s4+$0xFFFFFDD8];
	v22 =	vmul.f32 v38, v48;
	[tilespmem:s4+$0xFFFFFE78] =	vst v28  }
0xc4: {  	v41 =	vld [tilespmem:s4+$0xFFFFFE98];
	v53 =	vperm.xlane v27, v12;
	v20 =	vmul.f32 v47, v56;
	[tilespmem:s4+$0xFFFFFEC0] =	vst v42  }
0xc5: {  	v51 =	vld [tilespmem:s4+$0xFFFFFF70];
	v61 =	vmul.f32 v39, v57;
	[tilespmem:s4+$0xFFFFFEB0] =	vst v22  }
0xc6: {  	v62 =	vld [tilespmem:s4+$0xFFFFFE68];
	v46 =	vperm.xlane v16, v4;
	v17 =	vmul.f32 v49, v53;
	[tilespmem:s4+$0xFFFFFEE0] =	vst v20  }
0xc7: {  	v44 =	vperm.xlane v24, v12;
	v54 =	vld [tilespmem:s4+$0xFFFFFE50];
	[tilespmem:s4+$0xFFFFFE88] =	vst v61  }
0xc8: {  	v43 =	vld [tilespmem:s4+$0xFFFFFED0];
	v36 =	vperm.xlane v27, v13;
	v15 =	vmul.f32 v15, v46;
	[tilespmem:s4+$0xFFFFFF28] =	vst v17;
	v28 =	vpop (erf)  }
0xc9: {  	v35 =	vld [tilespmem:s4+$0xFFFFFEF8];
	[tilespmem:v14+s22+$0x0] =	vst.idx.msk $0xffff, v28;
	v14 =	vmul.f32 v41, v44  }
0xca: {  	v60 =	vperm.xlane v16, v13;
	v21 =	vmul.f32 v51, v36;
	[tilespmem:s4+$0xFFFFFDD8] =	vst v15;
	v50 =	vld [tilespmem:s4+$0xFFFFFFB8]  }
0xcb: {  	v15 =	vmul.f32 v62, v25;
	v52 =	vld [tilespmem:s4+$0xFFFFFF88];
	[tilespmem:s4+$0xFFFFFE98] =	vst v14;
	v14 =	vperm.xlane v24, v11  }
0xcc: {  	v40 =	vperm.xlane v27, v4;
	v19 =	vmul.f32 v54, v60;
	[tilespmem:s4+$0xFFFFFF70] =	vst v21;
	v58 =	vld [tilespmem:s4+$0xFFFFFFD0]  }
0xcd: {  	v55 =	vperm.xlane v28, v12;
	[tilespmem:s4+$0xFFFFFE68] =	vst v15;
	v15 =	vld [tilespmem:s4+$0xFFFFFF60];
	v14 =	vmul.f32 v43, v14  }
0xce: {  	v23 =	vmul.f32 v35, v40;
	[tilespmem:s4+$0xFFFFFE50] =	vst v19;
	v62 =	vperm.xlane v28, v4;
	v63 =	vld [tilespmem:s4+$0xFFFFFF98]  }
0xcf: {  	v39 =	vld [tilespmem:s4+$0xFFFFFF08];
	v32 =	vperm.xlane v28, v7;
	[tilespmem:s4+$0xFFFFFED0] =	vst v14;
	v14 =	vmul.f32 v50, v55  }
0xd0: {  	v33 =	vperm.xlane v27, v11;
	[tilespmem:s4+$0xFFFFFEF8] =	vst v23;
	v41 =	vld [tilespmem:s4+$0xFFFFFF50];
	v34 =	vmul.f32 v52, v62  }
0xd1: {  	v38 =	vperm.xlane v28, v8;
	v44 =	vld [tilespmem:s4+$0x0];
	v18 =	vmul.f32 v58, v32;
	[tilespmem:s4+$0xFFFFFFB8] =	vst v14  }
0xd2: {  	v57 =	vld [tilespmem:s4+$0xFFFFFFA8];
	v43 =	vperm.xlane v27, v8;
	v15 =	vmul.f32 v15, v33;
	[tilespmem:s4+$0xFFFFFF88] =	vst v34  }
0xd3: {  	v45 =	vperm.xlane v27, v9;
	v20 =	vmul.f32 v63, v38;
	v14 =	vld [tilespmem:s4+$0xFFFFFF18];
	[tilespmem:s4+$0xFFFFFFD0] =	vst v18  }
0xd4: {  	v37 =	vld [tilespmem:s4+$0xFFFFFF40];
	v49 =	vperm.xlane v28, v13;
	v17 =	vmul.f32 v39, v43;
	[tilespmem:s4+$0xFFFFFF60] =	vst v15  }
0xd5: {  	v61 =	vperm.xlane v28, v10;
	v50 =	vmul.f32 v41, v45;
	v15 =	vld [tilespmem:s4+$0xFFFFFFE0];
	[tilespmem:s4+$0xFFFFFF98] =	vst v20  }
0xd6: {  	v46 =	vperm.xlane v27, v10;
	v59 =	vld [tilespmem:s4+$0xFFFFFFF0];
	v54 =	vmul.f32 v44, v49;
	[tilespmem:s4+$0xFFFFFF08] =	vst v17  }
0xd7: {  	v47 =	vld [tilespmem:s4+$0xFFFFFE20];
	v42 =	vperm.xlane v27, v7;
	v63 =	vmul.f32 v57, v61;
	[tilespmem:s4+$0xFFFFFF50] =	vst v50  }
0xd8: {  	v48 =	vld [tilespmem:s4+$0xFFFFFDE8];
	v51 =	vperm.xlane v28, v9;
	[tilespmem:s4+$0x0] =	vst v54;
	v14 =	vmul.f32 v14, v46  }
0xd9: {  	v53 =	vperm.xlane v28, v11;
	v52 =	vld [tilespmem:s4+$0xFFFFFE30];
	v18 =	vmul.f32 v37, v42;
	[tilespmem:s4+$0xFFFFFFA8] =	vst v63  }
0xda: {  	v56 =	vperm.xlane v16, v7;
	v55 =	vld [tilespmem:s4+$0xFFFFFE40];
	[tilespmem:s4+$0xFFFFFF18] =	vst v14;
	v14 =	vmul.f32 v15, v51  }
0xdb: {  	v17 =	vmul.f32 v59, v53;
	v59 =	vld [tilespmem:s4+$0xFFFFFDF8];
	[tilespmem:s4+$0xFFFFFF40] =	vst v18;
	v15 =	vperm.xlane v16, v8  }
0xdc: {  	v60 =	vld [tilespmem:s4+$0xFFFFFE08];
	v20 =	vmul.f32 v47, v56;
	[tilespmem:s4+$0xFFFFFFE0] =	vst v14;
	v14 =	vperm.xlane v16, v9  }
0xdd: {  	v58 =	vperm.xlane v16, v11;
	[tilespmem:s4+$0xFFFFFFF0] =	vst v17;
	v15 =	vmul.f32 v48, v15  }
0xde: {  	v62 =	vperm.xlane v16, v10;
	[tilespmem:s4+$0xFFFFFE20] =	vst v20;
	v14 =	vmul.f32 v52, v14  }
0xdf: {  	v18 =	vmul.f32 v55, v58;
	[tilespmem:s4+$0xFFFFFDE8] =	vst v15;
	v15 =	vperm.xlane v16, v12  }
0xe0: {  	[tilespmem:s4+$0xFFFFFE30] =	vst v14;
	v14 =	vmul.f32 v59, v62  }
0xe1: {  	[tilespmem:s4+$0xFFFFFE40] =	vst v18;
	v15 =	vmul.f32 v60, v15  }
0xe2: {  	[tilespmem:s4+$0xFFFFFDF8] =	vst v14  }
0xe3: {  	[tilespmem:s4+$0xFFFFFE08] =	vst v15  }
0xe4: {  	[spmem:s3] =	stream.indirect.scatter.add.f32 [tilespmem:s26], [sflag:$0x3], $0x48, s1, s20, $0xb8;
	[tilespmem:$0x1F688] =	vst v63  }
0xe5: {  	s2 =	sadd.s32 $0x3, s25;
	_ =	swait.ge [sflag:s14], $0x1200  }
0xe6: {  	p1 =	sge.s32 s2, s15;
	[sflag:s14] =	ssyncset.done $0x0  }
0xe7: {  	s2 =	sshll.u32 @!p1 s2, $0x6;
	[sflag:s14] =	ssyncadd.s32 $0xFFFFEE00  }
0xe8: {  	v14 =	vld @!p1 [tilespmem:s2+$0x1C508];
	_ =	sdelay $0x4  }
0xe9: {  	[tilespmem:$0x1CA48] =	vst @!p1 v14;
	v14 =	vadd.s32 @!p1 v0, v14  }
0xea: {  	[tilespmem:$0x1C9C8] =	vst @!p1 v14  }
0xeb: {  	v14 =	vld @!p1 [tilespmem:s2+$0x1C108];
	_ =	sdelay $0x4  }
0xec: {  	[tilespmem:$0x1C948] =	vst @!p1 v14  }
0xed: {  	v14 =	vld @!p1 [tilespmem:s2+$0x1C518];
	_ =	sdelay $0x4  }
0xee: {  	[tilespmem:$0x1CA58] =	vst @!p1 v14;
	v14 =	vadd.s32 @!p1 v0, v14  }
0xef: {  	[tilespmem:$0x1C9D8] =	vst @!p1 v14  }
0xf0: {  	v14 =	vld @!p1 [tilespmem:s2+$0x1C118];
	_ =	sdelay $0x4  }
0xf1: {  	[tilespmem:$0x1C958] =	vst @!p1 v14  }
0xf2: {  	v14 =	vld @!p1 [tilespmem:s2+$0x1C528];
	_ =	sdelay $0x4  }
0xf3: {  	[tilespmem:$0x1CA68] =	vst @!p1 v14;
	v14 =	vadd.s32 @!p1 v0, v14  }
0xf4: {  	[tilespmem:$0x1C9E8] =	vst @!p1 v14  }
0xf5: {  	v14 =	vld @!p1 [tilespmem:s2+$0x1C128];
	_ =	sdelay $0x4  }
0xf6: {  	[tilespmem:$0x1C968] =	vst @!p1 v14  }
0xf7: {  	v14 =	vld @!p1 [tilespmem:s2+$0x1C538];
	_ =	sdelay $0x4  }
0xf8: {  	[tilespmem:$0x1CA78] =	vst @!p1 v14;
	v14 =	vadd.s32 @!p1 v0, v14  }
0xf9: {  	[tilespmem:$0x1C9F8] =	vst @!p1 v14  }
0xfa: {  	v14 =	vld @!p1 [tilespmem:s2+$0x1C138];
	_ =	sdelay $0x4  }
0xfb: {  	s16 =	simm.s32 @!p1 $0x1DC88;
	s4 =	simm.s32 @!p1 $0x1C948;
	s2 =	simm.s32 @!p1 $0x40;
	[tilespmem:$0x1C978] =	vst @!p1 v14  }
0xfc: {  	[tilespmem:s16], [sflag:$0x2] =	stream.indirect.gather @!p1 [hbm4b:s6+s2], $0x48, s4, s2, $0xb8;
	[tilespmem:$0x1F688] =	vst v63  }
0xfd: {  	s4 =	simm.s32 @!p1 $0x1C9C8;
	s16 =	simm.s32 @!p1 $0x1F288  }
0xfe: {  	[tilespmem:s16], [sflag:$0x2] =	stream.indirect.gather @!p1 [hbm4b:s7+s2], $0x10, s4, s2, $0xb8;
	[tilespmem:$0x1F688] =	vst v63  }
.LBB2_23:
0xff: {  	s9 =	sadd.s32 $0x1, s9  }
0x100: {  	p1 =	sne.s32 s9, s8  }
.Ltmp12:
0x101: {  	_ = 	snop;
	(pc) =	sbr.rel @!p1 .LBB2_24-.Ltmp12, $1  }
0x102: {  	_ =	sdelay $0x3  }
.LBB2_15:
0x103: {  	s25 =	sshll.u32 s9, $0x1  }
0x104: {  	p1 =	sge.s32 s25, s15  }
.Ltmp13:
0x105: {  	_ = 	snop;
	(pc) =	sbr.rel @p1 .LBB2_19-.Ltmp13, $1  }
0x106: {  	_ =	sdelay $0x3  }
0x107: {  	s4 =	simm.s32 $0x2  }
0x108: {  	v14 =	vor.u32 s4, v4  }
0x109: {  	_ =	swait.ge [sflag:s30], $0x1200;
	v15 =	vmul.u32 $0x48, v14;
	v14 =	vshll.u32 v14, $0x4  }
0x10a: {  	[sflag:s30] =	ssyncset.done $0x0;
	v14 =	vor.u32 v6, v14  }
0x10b: {  	s2 =	simm.s32 $0x4;
	[sflag:s30] =	ssyncadd.s32 $0xFFFFEE00;
	v15 =	vadd.s32 v5, v15  }
0x10c: {  	s21 =	simm.s32 $0x0;
	v16 =	vor.u32 s2, v4;
	_ =	swait.ge [sflag:s30], $0x400  }
0x10d: {  	v17 =	vor.u32 s21, v4;
	v18 =	vmul.u32 $0x48, v16;
	v16 =	vshll.u32 v16, $0x4;
	[sflag:s30] =	ssyncset.done $0x0  }
0x10e: {  	v19 =	vmul.u32 $0x48, v17;
	v17 =	vshll.u32 v17, $0x4;
	v16 =	vor.u32 v6, v16;
	[sflag:s30] =	ssyncadd.s32 $0xFFFFFC00  }
0x10f: {  	s16 =	simm.s32 $0x6;
	v17 =	vor.u32 v6, v17;
	v14 =	vld.idx.msk [tilespmem:v14+s24+$0x0], $0xffff  }
0x110: {  	v20 =	vor.u32 s16, v4;
	v18 =	vadd.s32 v5, v18;
	v21 =	vld.idx.msk [tilespmem:v15+s22+$0x0], $0xffff  }
0x111: {  	v22 =	vmul.u32 $0x48, v20;
	v20 =	vshll.u32 v20, $0x4;
	v19 =	vadd.s32 v5, v19  }
0x112: {  	v20 =	vor.u32 v6, v20  }
0x113: {  	v22 =	vadd.s32 v5, v22;
	v16 =	vld.idx.msk [tilespmem:v16+s24+$0x0], $0xffff  }
0x114: {  	v17 =	vld.idx.msk [tilespmem:v17+s24+$0x0], $0xffff  }
0x115: {  	v23 =	vld.idx.msk [tilespmem:v18+s22+$0x0], $0xffff;
	v14 =	vadd.f32 v14, v21  }
0x116: {  	v24 =	vld.idx.msk [tilespmem:v19+s22+$0x0], $0xffff  }
0x117: {  	v20 =	vld.idx.msk [tilespmem:v20+s24+$0x0], $0xffff;
	v25 =	vmul.f32 $2.000000030e-01, v14  }
0x118: {  	v21 =	vld.idx.msk [tilespmem:v22+s22+$0x0], $0xffff;
	vm0 =	vge.f32 v14, $0.0e+00  }
0x119: {  	v14 =	vsel vm0, v14, v25  }
0x11a: {  	v16 =	vadd.f32 v16, v23;
	v14 =	vmul.f32 $1.442695020e+00, v14  }
0x11b: {  	v17 =	vadd.f32 v17, v24  }
0x11c: {  	(erf) = vpow2.f32 v14;
	v14 =	vmul.f32 $2.000000030e-01, v16  }
0x11d: {  	vm10 =	vge.f32 v16, $0.0e+00;
	v20 =	vadd.f32 v20, v21;
	v21 =	vmul.f32 $2.000000030e-01, v17  }
0x11e: {  	vm1 =	vge.f32 v17, $0.0e+00;
	v14 =	vsel vm10, v16, v14  }
0x11f: {  	v16 =	vsel vm1, v17, v21;
	v17 =	vmul.f32 $2.000000030e-01, v20;
	v14 =	vmul.f32 $1.442695020e+00, v14  }
0x120: {  	vm11 =	vge.f32 v20, $0.0e+00  }
0x121: {  	(erf) = vpow2.f32 v14;
	v14 =	vsel vm11, v20, v17  }
0x122: {  	v14 =	vmul.f32 $1.442695020e+00, v14  }
0x123: {  	v16 =	vmul.f32 $1.442695020e+00, v16;
	_ =	sdelay $0x1  }
0x124: {  	(erf) = vpow2.f32 v16  }
0x125: {  	s17 =	simm.s32 $0xA;
	(erf) = vpow2.f32 v14;
	v14 =	vpop (erf)  }
0x126: {  	s28 =	simm.s32 $0x1CBA8;
	v25 =	vor.u32 s17, v4;
	[tilespmem:v15+s22+$0x0] =	vst.idx.msk $0xffff, v14  }
0x127: {  	v16 =	vmul.u32 $0x48, v25;
	v17 =	vld [tilespmem:s28+$0xFFFFFF70]  }
0x128: {  	v15 =	vld [tilespmem:s28+$0xFFFFFF80]  }
0x129: {  	v16 =	vadd.s32 v5, v16;
	v20 =	vld [tilespmem:s28+$0xFFFFFFC8]  }
0x12a: {  	v23 =	vld [tilespmem:s28+$0xFFFFFFB8]  }
0x12b: {  	v29 =	vld [tilespmem:s28+$0xFFFFFF90]  }
0x12c: {  	v21 =	vperm.xlane v14, v4;
	v26 =	vperm.xlane v14, v8;
	v33 =	vld [tilespmem:s28+$0xFFFFFFA0]  }
0x12d: {  	v27 =	vperm.xlane v14, v12;
	v30 =	vperm.xlane v14, v13;
	v42 =	vld [tilespmem:s28+$0xFFFFFFE8];
	v24 =	vpop (erf)  }
0x12e: {  	s21 =	simm.s32 $0xC;
	v31 =	vperm.xlane v14, v9;
	v37 =	vperm.xlane v14, v10;
	v44 =	vld.idx.msk [tilespmem:v16+s22+$0x0], $0xffff;
	[tilespmem:v18+s22+$0x0] =	vst.idx.msk $0xffff, v24  }
0x12f: {  	v32 =	vor.u32 s21, v4;
	v52 =	vperm.xlane v14, v11;
	v41 =	vperm.xlane v24, v11;
	v36 =	vld [tilespmem:s28+$0x78]  }
0x130: {  	v28 =	vpop (erf);
	v18 =	vshll.u32 v32, $0x4;
	v56 =	vperm.xlane v24, v12;
	v61 =	vperm.xlane v24, v9;
	v54 =	vld [tilespmem:s28+$0x30]  }
0x131: {  	[tilespmem:v19+s22+$0x0] =	vst.idx.msk $0xffff, v28;
	v19 =	vshll.u32 v25, $0x4;
	v40 =	vperm.xlane v28, v4;
	v48 =	vperm.xlane v28, v7;
	v62 =	vld [tilespmem:s28+$0x20]  }
0x132: {  	v25 =	vor.u32 v6, v18;
	v35 =	vld [tilespmem:s28+$0xFFFFFEE0];
	v15 =	vmul.f32 v15, v26;
	v18 =	vmul.f32 v20, v31  }
0x133: {  	v34 =	vpop (erf);
	v20 =	vld [tilespmem:s28+$0xFFFFFFD8];
	v31 =	vor.u32 v6, v19;
	v19 =	vperm.xlane v28, v9;
	v27 =	vmul.f32 v33, v27  }
0x134: {  	s23 =	simm.s32 $0xE;
	v53 =	vmul.f32 v17, v21;
	v29 =	vmul.f32 v29, v37;
	v46 =	vld [tilespmem:s28+$0xFFFFFF58];
	[tilespmem:v22+s22+$0x0] =	vst.idx.msk $0xffff, v34  }
0x135: {  	s29 =	simm.s32 $0x8;
	v39 =	vor.u32 s23, v4;
	v30 =	vmul.f32 v42, v30;
	v21 =	vperm.xlane v28, v12;
	v63 =	vld [tilespmem:s28+$0x90]  }
0x136: {  	v26 =	vor.u32 s29, v4;
	v22 =	vperm.xlane v14, v7;
	v47 =	vperm.xlane v34, v12;
	v55 =	vld [tilespmem:s28+$0xC0]  }
0x137: {  	v38 =	vshll.u32 v26, $0x4;
	v58 =	vperm.xlane v34, v4;
	v50 =	vperm.xlane v34, v11;
	[tilespmem:s28+$0xFFFFFF80] =	vst v15;
	v49 =	vld [tilespmem:s28+$0xD8]  }
0x138: {  	v15 =	vmul.u32 $0x48, v32;
	[tilespmem:s28+$0xFFFFFFC8] =	vst v18;
	v18 =	vperm.xlane v34, v10;
	v38 =	vor.u32 v6, v38;
	v25 =	vld.idx.msk [tilespmem:v25+s24+$0x0], $0xffff  }
0x139: {  	[tilespmem:s28+$0xFFFFFFA0] =	vst v27;
	v43 =	vmul.f32 v23, v22;
	v22 =	vmul.u32 $0x48, v39;
	v23 =	vmul.u32 $0x48, v26;
	v31 =	vld.idx.msk [tilespmem:v31+s24+$0x0], $0xffff  }
0x13a: {  	[tilespmem:s28+$0xFFFFFF90] =	vst v29;
	v15 =	vadd.s32 v5, v15;
	v37 =	vmul.f32 v54, v56;
	v56 =	vld [tilespmem:s28+$0x48];
	v26 =	vmul.f32 v35, v40  }
0x13b: {  	v29 =	vperm.xlane v34, v8;
	v14 =	vadd.s32 v5, v22;
	v33 =	vmul.f32 v20, v52;
	[tilespmem:s28+$0xFFFFFFB8] =	vst v43;
	v43 =	vld [tilespmem:s28+$0xF8]  }
0x13c: {  	v17 =	vadd.s32 v5, v23;
	v20 =	vperm.xlane v28, v10;
	v23 =	vshll.u32 v39, $0x4;
	[tilespmem:s28+$0xFFFFFEE0] =	vst v26;
	v26 =	vld [tilespmem:s28+$0x68]  }
0x13d: {  	v22 =	vperm.xlane v28, v11;
	v39 =	vperm.xlane v24, v4;
	v45 =	vor.u32 v6, v23;
	v59 =	vld.idx.msk [tilespmem:v38+s24+$0x0], $0xffff  }
0x13e: {  	[tilespmem:s28+$0xFFFFFF70] =	vst v53;
	v52 =	vperm.xlane v24, v8;
	v32 =	vmul.f32 v63, v58;
	v58 =	vld [tilespmem:s28+$0x58];
	v31 =	vadd.f32 v31, v44  }
0x13f: {  	[tilespmem:s28+$0xFFFFFFE8] =	vst v30;
	v23 =	vperm.xlane v28, v8;
	v28 =	vperm.xlane v28, v13;
	v42 =	vld.idx.msk [tilespmem:v15+s22+$0x0], $0xffff  }
0x140: {  	[tilespmem:s28+$0x30] =	vst v37;
	v40 =	vmul.f32 v55, v47;
	v27 =	vld.idx.msk [tilespmem:v14+s22+$0x0], $0xffff;
	v60 =	vmul.f32 $2.000000030e-01, v31  }
0x141: {  	[tilespmem:s28+$0xFFFFFFD8] =	vst v33;
	v63 =	vperm.xlane v34, v7;
	v28 =	vmul.f32 v46, v28;
	v57 =	vld.idx.msk [tilespmem:v17+s22+$0x0], $0xffff;
	vm12 =	vge.f32 v31, $0.0e+00  }
0x142: {  	v46 =	vperm.xlane v24, v7;
	v44 =	vperm.xlane v24, v13;
	v45 =	vld.idx.msk [tilespmem:v45+s24+$0x0], $0xffff;
	v31 =	vsel vm12, v31, v60  }
0x143: {  	[tilespmem:s28+$0xFFFFFF58] =	vst v28;
	v28 =	vmul.f32 v49, v63;
	v30 =	vmul.f32 $1.442695020e+00, v31;
	v31 =	vld [tilespmem:s28+$0xA0]  }
0x144: {  	v51 =	vld [tilespmem:s28+$0x0];
	[tilespmem:s28+$0xC0] =	vst v40;
	v24 =	vperm.xlane v24, v10;
	v35 =	vmul.f32 v56, v46  }
0x145: {  	[tilespmem:s28+$0x90] =	vst v32;
	v63 =	vmul.f32 v43, v50;
	v26 =	vmul.f32 v26, v41  }
0x146: {  	v36 =	vmul.f32 v36, v44;
	[tilespmem:s28+$0xD8] =	vst v28;
	v25 =	vadd.f32 v25, v42;
	(erf) = vpow2.f32 v30;
	v30 =	vld [tilespmem:s28+$0x10]  }
0x147: {  	v24 =	vmul.f32 v62, v24;
	[tilespmem:s28+$0x48] =	vst v35;
	v33 =	vmul.f32 v58, v61;
	v57 =	vadd.f32 v59, v57  }
0x148: {  	[tilespmem:s28+$0x68] =	vst v26;
	v26 =	vadd.f32 v45, v27;
	v27 =	vmul.f32 v31, v29;
	v29 =	vmul.f32 $2.000000030e-01, v25  }
0x149: {  	[tilespmem:s28+$0xF8] =	vst v63;
	v59 =	vld [tilespmem:s28+$0x108];
	vm14 =	vge.f32 v25, $0.0e+00;
	v60 =	vmul.f32 $2.000000030e-01, v57;
	v31 =	vmul.f32 v51, v39  }
0x14a: {  	v28 =	vld [tilespmem:s28+$0xE8];
	vm13 =	vge.f32 v57, $0.0e+00;
	v61 =	vmul.f32 $2.000000030e-01, v26;
	[tilespmem:s28+$0xA0] =	vst v27;
	v25 =	vsel vm14, v25, v29  }
0x14b: {  	v32 =	vsel vm13, v57, v60;
	[tilespmem:s28+$0x0] =	vst v31;
	v27 =	vmul.f32 v30, v52;
	v31 =	vld [tilespmem:s28+$0xFFFFFF28];
	v25 =	vmul.f32 $1.442695020e+00, v25  }
0x14c: {  	[tilespmem:s28+$0x78] =	vst v36;
	v32 =	vmul.f32 $1.442695020e+00, v32;
	v30 =	vperm.xlane v34, v13;
	v29 =	vld [tilespmem:s28+$0xFFFFFEF0]  }
0x14d: {  	v37 =	vperm.xlane v34, v9;
	vm15 =	vge.f32 v26, $0.0e+00;
	[tilespmem:s28+$0x10] =	vst v27;
	v27 =	vld [tilespmem:s28+$0xFFFFFF38];
	(erf) = vpow2.f32 v25  }
0x14e: {  	[tilespmem:s28+$0x58] =	vst v33;
	v62 =	vsel vm15, v26, v61;
	v25 =	vmul.f32 v59, v30;
	(erf) = vpow2.f32 v32;
	v32 =	vld [tilespmem:s28+$0xFFFFFF48]  }
0x14f: {  	[tilespmem:s28+$0x20] =	vst v24;
	v28 =	vmul.f32 v28, v37;
	v34 =	vmul.f32 $1.442695020e+00, v62;
	v30 =	vld [tilespmem:s28+$0xB0];
	v24 =	vpop (erf)  }
0x150: {  	[tilespmem:s28+$0x108] =	vst v25;
	v25 =	vperm.xlane v24, v4;
	v33 =	vmul.f32 v31, v48;
	v31 =	vld [tilespmem:s28+$0xFFFFFF10]  }
0x151: {  	s23 =	simm.s32 $0x1CDE8;
	s4 =	simm.s32 $0x1CDE8;
	s21 =	simm.s32 $0x4;
	[tilespmem:s28+$0xE8] =	vst v28;
	v26 =	vld [tilespmem:s28+$0xFFFFFF00];
	v28 =	vperm.xlane v24, v8;
	(erf) = vpow2.f32 v34  }
.LBB2_17:
0x152: {  	s21 =	sadd.s32 $0x4, s21;
	v34 =	vperm.xlane v24, v12;
	s29 =	sadd.s32 $0x8, s29;
	s23 =	sadd.s32 $0x240, s23;
	[tilespmem:s28+$0xFFFFFF28] =	vst v33;
	v23 =	vmul.f32 v29, v23  }
0x153: {  	v29 =	vperm.xlane v24, v13;
	p1 =	slt.u32 s21, $0x1C;
	[tilespmem:v16+s22+$0x0] =	vst.idx.msk $0xffff, v24;
	v16 =	vmul.f32 v32, v22  }
0x154: {  	v19 =	vmul.f32 v27, v19;
	v18 =	vmul.f32 v30, v18;
	[tilespmem:s28+$0xFFFFFEF0] =	vst v23  }
0x155: {  	v22 =	vperm.xlane v24, v7;
	v21 =	vmul.f32 v31, v21;
	v23 =	vld [tilespmem:s4+$0xFFFFFF70];
	[tilespmem:s28+$0xFFFFFF48] =	vst v16  }
0x156: {  	v16 =	vmul.f32 v26, v20;
	v30 =	vld [tilespmem:s4+$0xFFFFFFB8];
	v27 =	vpop (erf);
	[tilespmem:s28+$0xFFFFFF38] =	vst v19  }
0x157: {  	s2 =	sadd.s32 $0x2, s29;
	s16 =	sadd.s32 $0x4, s29;
	s17 =	sadd.s32 $0x6, s29;
	v32 =	vperm.xlane v24, v10;
	v20 =	vperm.xlane v24, v9;
	v19 =	vor.u32 s29, v4;
	v31 =	vld [tilespmem:s4+$0xFFFFFF80];
	[tilespmem:v15+s22+$0x0] =	vst.idx.msk $0xffff, v27;
	v33 =	vpop (erf)  }
0x158: {  	v43 =	vor.u32 s16, v4;
	v35 =	vshll.u32 v19, $0x4;
	v15 =	vor.u32 s2, v4;
	[tilespmem:v17+s22+$0x0] =	vst.idx.msk $0xffff, v33;
	v17 =	vld [tilespmem:s4+$0xFFFFFFC8]  }
0x159: {  	v38 =	vor.u32 s17, v4;
	v37 =	vmul.u32 $0x48, v43;
	v36 =	vmul.u32 $0x48, v15;
	v39 =	vld [tilespmem:s4+$0xFFFFFF90];
	[tilespmem:s28+$0xB0] =	vst v18  }
0x15a: {  	v40 =	vshll.u32 v43, $0x4;
	v41 =	vperm.xlane v33, v4;
	v18 =	vshll.u32 v15, $0x4;
	v42 =	vld [tilespmem:s4+$0xFFFFFFA0];
	v26 =	vpop (erf);
	[tilespmem:s28+$0xFFFFFF00] =	vst v16  }
0x15b: {  	v15 =	vadd.s32 v5, v37;
	v37 =	vperm.xlane v27, v11;
	v16 =	vadd.s32 v5, v36;
	v36 =	vld [tilespmem:s4+$0xFFFFFEE0];
	[tilespmem:s28+$0xFFFFFF10] =	vst v21;
	s28 =	smov.u32 s4;
	s4 =	smov.u32 s23  }
0x15c: {  	v40 =	vor.u32 v6, v40;
	v21 =	vor.u32 v6, v18;
	v18 =	vmul.f32 v31, v28;
	v28 =	vld [tilespmem:s28+$0x78]  }
0x15d: {  	v19 =	vmul.u32 $0x48, v19;
	v31 =	vor.u32 v6, v35;
	v20 =	vmul.f32 v17, v20;
	v35 =	vld [tilespmem:s28+$0xFFFFFFD8];
	[tilespmem:v14+s22+$0x0] =	vst.idx.msk $0xffff, v26  }
0x15e: {  	v22 =	vmul.f32 v30, v22;
	v14 =	vmul.u32 $0x48, v38;
	[tilespmem:s28+$0xFFFFFF80] =	vst v18;
	v30 =	vld [tilespmem:s28+$0x90];
	v18 =	vperm.xlane v26, v10  }
0x15f: {  	v17 =	vadd.s32 v5, v19;
	v19 =	vperm.xlane v33, v9;
	[tilespmem:s28+$0xFFFFFFC8] =	vst v20;
	v20 =	vld [tilespmem:s28+$0xFFFFFFE8];
	v34 =	vmul.f32 v42, v34  }
0x160: {  	v38 =	vshll.u32 v38, $0x4;
	v14 =	vadd.s32 v5, v14;
	v42 =	vld.idx.msk [tilespmem:v16+s22+$0x0], $0xffff;
	v36 =	vmul.f32 v36, v41  }
0x161: {  	v38 =	vor.u32 v6, v38;
	v40 =	vld.idx.msk [tilespmem:v40+s24+$0x0], $0xffff;
	[tilespmem:s28+$0xFFFFFFA0] =	vst v34  }
0x162: {  	v23 =	vmul.f32 v23, v25;
	v34 =	vld.idx.msk [tilespmem:v21+s24+$0x0], $0xffff;
	[tilespmem:s28+$0xFFFFFEE0] =	vst v36;
	v21 =	vperm.xlane v24, v11  }
0x163: {  	v24 =	vmul.f32 v39, v32;
	v25 =	vld [tilespmem:s28+$0x30]  }
0x164: {  	[tilespmem:s28+$0xFFFFFFB8] =	vst v22;
	v32 =	vmul.f32 v35, v21;
	v29 =	vmul.f32 v20, v29;
	v35 =	vld [tilespmem:s28+$0xC0]  }
0x165: {  	v20 =	vperm.xlane v33, v10;
	v21 =	vperm.xlane v33, v12;
	v36 =	vld.idx.msk [tilespmem:v15+s22+$0x0], $0xffff;
	[tilespmem:s28+$0xFFFFFF70] =	vst v23  }
0x166: {  	v39 =	vperm.xlane v27, v12;
	v22 =	vperm.xlane v33, v11;
	[tilespmem:s28+$0xFFFFFFD8] =	vst v32;
	v32 =	vld [tilespmem:s28+$0x68]  }
0x167: {  	v23 =	vperm.xlane v33, v8;
	v41 =	vld [tilespmem:s28+$0xFFFFFF58];
	[tilespmem:s28+$0xFFFFFFE8] =	vst v29;
	v29 =	vperm.xlane v26, v12  }
0x168: {  	v44 =	vperm.xlane v33, v7;
	v43 =	vld.idx.msk [tilespmem:v14+s22+$0x0], $0xffff;
	[tilespmem:s28+$0xFFFFFF90] =	vst v24;
	v24 =	vmul.f32 v25, v39  }
0x169: {  	v25 =	vperm.xlane v27, v4;
	v39 =	vld [tilespmem:s28+$0xF8];
	v29 =	vmul.f32 v35, v29  }
0x16a: {  	v33 =	vperm.xlane v33, v13;
	v34 =	vadd.f32 v34, v42;
	v42 =	vperm.xlane v27, v13;
	v35 =	vld.idx.msk [tilespmem:v17+s22+$0x0], $0xffff  }
0x16b: {  	v45 =	vperm.xlane v26, v4;
	v47 =	vperm.xlane v26, v11;
	v46 =	vld [tilespmem:s28+$0xD8];
	[tilespmem:s28+$0xC0] =	vst v29  }
0x16c: {  	v29 =	vld.idx.msk [tilespmem:v31+s24+$0x0], $0xffff;
	v31 =	vmul.f32 $2.000000030e-01, v34;
	v33 =	vmul.f32 v41, v33  }
0x16d: {  	v48 =	vperm.xlane v26, v9;
	vm0 =	vge.f32 v34, $0.0e+00;
	v41 =	vperm.xlane v27, v7;
	v38 =	vld.idx.msk [tilespmem:v38+s24+$0x0], $0xffff;
	[tilespmem:s28+$0x30] =	vst v24  }
0x16e: {  	v30 =	vmul.f32 v30, v45;
	v24 =	vsel vm0, v34, v31;
	[tilespmem:s28+$0xFFFFFF58] =	vst v33;
	v31 =	vperm.xlane v27, v9;
	v33 =	vld [tilespmem:s28+$0x20]  }
0x16f: {  	v34 =	vperm.xlane v26, v8;
	v24 =	vmul.f32 $1.442695020e+00, v24;
	v45 =	vld [tilespmem:s28+$0xA0]  }
0x170: {  	v50 =	vperm.xlane v27, v8;
	v51 =	vperm.xlane v26, v7;
	v49 =	vld [tilespmem:s28+$0x0];
	[tilespmem:s28+$0x90] =	vst v30  }
0x171: {  	v32 =	vmul.f32 v32, v37;
	v27 =	vperm.xlane v27, v10;
	v30 =	vld [tilespmem:s28+$0x48]  }
0x172: {  	v37 =	vmul.f32 v46, v51;
	(erf) = vpow2.f32 v24;
	v24 =	vld [tilespmem:s28+$0x10]  }
0x173: {  	v28 =	vmul.f32 v28, v42;
	v35 =	vadd.f32 v29, v35;
	v29 =	vadd.f32 v40, v36;
	v36 =	vld [tilespmem:s28+$0x58];
	[tilespmem:s28+$0x68] =	vst v32  }
0x174: {  	v32 =	vadd.f32 v38, v43;
	v33 =	vmul.f32 v33, v27;
	[tilespmem:s28+$0xD8] =	vst v37;
	v37 =	vld [tilespmem:s28+$0xE8];
	v27 =	vmul.f32 v45, v34  }
0x175: {  	vm0 =	vge.f32 v35, $0.0e+00;
	v34 =	vmul.f32 $2.000000030e-01, v29;
	v25 =	vmul.f32 v49, v25;
	[tilespmem:s28+$0x78] =	vst v28;
	v28 =	vld [tilespmem:s28+$0x108]  }
0x176: {  	v38 =	vmul.f32 $2.000000030e-01, v35;
	vm1 =	vge.f32 v29, $0.0e+00;
	v40 =	vld [tilespmem:s28+$0xFFFFFF28];
	v30 =	vmul.f32 v30, v41;
	[tilespmem:s28+$0xA0] =	vst v27  }
0x177: {  	v27 =	vsel vm1, v29, v34;
	v29 =	vld [tilespmem:s28+$0xFFFFFEF0];
	[tilespmem:s28+$0x0] =	vst v25;
	v24 =	vmul.f32 v24, v50;
	v25 =	vperm.xlane v26, v13  }
0x178: {  	v26 =	vsel vm0, v35, v38;
	v34 =	vmul.f32 $1.442695020e+00, v27;
	v27 =	vld [tilespmem:s28+$0xFFFFFF38];
	[tilespmem:s28+$0x48] =	vst v30;
	v31 =	vmul.f32 v36, v31  }
0x179: {  	v35 =	vmul.f32 $1.442695020e+00, v26;
	v36 =	vmul.f32 $2.000000030e-01, v32;
	[tilespmem:s28+$0x10] =	vst v24;
	v30 =	vld [tilespmem:s28+$0xB0]  }
.Ltmp14:
0x17a: {  	vm0 =	vge.f32 v32, $0.0e+00;
	(erf) = vpow2.f32 v34;
	v26 =	vld [tilespmem:s28+$0xFFFFFF00];
	[tilespmem:s28+$0x58] =	vst v31;
	v25 =	vmul.f32 v28, v25;
	(pc) =	sbr.rel @p1 .LBB2_17-.Ltmp14, $4  }
0x17b: {  	v28 =	vsel vm0, v32, v36;
	v34 =	vmul.f32 v37, v48;
	(erf) = vpow2.f32 v35;
	v24 =	vpop (erf);
	v32 =	vld [tilespmem:s28+$0xFFFFFF48];
	[tilespmem:s28+$0x20] =	vst v33  }
0x17c: {  	v36 =	vmul.f32 v39, v47;
	v35 =	vmul.f32 $1.442695020e+00, v28;
	v31 =	vld [tilespmem:s28+$0xFFFFFF10];
	[tilespmem:s28+$0x108] =	vst v25  }
0x17d: {  	v33 =	vmul.f32 v40, v44;
	v25 =	vperm.xlane v24, v4;
	[tilespmem:s28+$0xE8] =	vst v34  }
0x17e: {  	v28 =	vperm.xlane v24, v8;
	(erf) = vpow2.f32 v35;
	[tilespmem:s28+$0xF8] =	vst v36  }
0x17f: {  	_ =	sdelay $0x3  }
0x180: {  	[tilespmem:v16+s22+$0x0] =	vst.idx.msk $0xffff, v24;
	v61 =	vmul.f32 v29, v23  }
0x181: {  	[tilespmem:s28+$0xFFFFFF28] =	vst v33;
	v36 =	vmul.f32 v27, v19  }
0x182: {  	v18 =	vmul.f32 v30, v18;
	[tilespmem:s28+$0xFFFFFEF0] =	vst v61  }
0x183: {  	v20 =	vmul.f32 v26, v20;
	v63 =	vld [tilespmem:s4+$0xFFFFFF80];
	[tilespmem:s28+$0xFFFFFF38] =	vst v36  }
0x184: {  	v22 =	vmul.f32 v32, v22;
	v37 =	vld [tilespmem:s4+$0xFFFFFFC8];
	[tilespmem:s28+$0xB0] =	vst v18  }
0x185: {  	v38 =	vld [tilespmem:s4+$0xFFFFFFB8];
	v45 =	vmul.f32 v31, v21;
	[tilespmem:s28+$0xFFFFFF00] =	vst v20  }
0x186: {  	v47 =	vld [tilespmem:s4+$0xFFFFFFE8];
	[tilespmem:s28+$0xFFFFFF48] =	vst v22  }
0x187: {  	v40 =	vperm.xlane v24, v9;
	v27 =	vpop (erf);
	[tilespmem:s28+$0xFFFFFF10] =	vst v45  }
0x188: {  	v48 =	vperm.xlane v24, v7;
	v39 =	vld [tilespmem:s4+$0xFFFFFF90];
	v16 =	vpop (erf);
	[tilespmem:v15+s22+$0x0] =	vst.idx.msk $0xffff, v27;
	v28 =	vmul.f32 v63, v28  }
0x189: {  	v56 =	vperm.xlane v24, v13;
	v41 =	vld [tilespmem:s4+$0xFFFFFFA0];
	[tilespmem:v17+s22+$0x0] =	vst.idx.msk $0xffff, v16;
	v42 =	vmul.f32 v37, v40  }
0x18a: {  	v49 =	vld [tilespmem:s4+$0x30];
	v22 =	vmul.f32 v38, v48;
	[tilespmem:s4+$0xFFFFFF80] =	vst v28  }
0x18b: {  	v57 =	vperm.xlane v24, v10;
	v51 =	vld [tilespmem:s4+$0x78];
	v20 =	vmul.f32 v47, v56;
	[tilespmem:s4+$0xFFFFFFC8] =	vst v42  }
0x18c: {  	v44 =	vperm.xlane v24, v12;
	v15 =	vld [tilespmem:s4+$0xFFFFFEE0];
	[tilespmem:s4+$0xFFFFFFB8] =	vst v22  }
0x18d: {  	v53 =	vperm.xlane v27, v12;
	v61 =	vmul.f32 v39, v57;
	v35 =	vld [tilespmem:s4+$0x0];
	[tilespmem:s4+$0xFFFFFFE8] =	vst v20;
	v28 =	vpop (erf)  }
0x18e: {  	v62 =	vld [tilespmem:s4+$0xFFFFFF70];
	v36 =	vperm.xlane v27, v13;
	[tilespmem:v14+s22+$0x0] =	vst.idx.msk $0xffff, v28;
	v14 =	vmul.f32 v41, v44  }
0x18f: {  	v43 =	vld [tilespmem:s4+$0xFFFFFFD8];
	v46 =	vperm.xlane v16, v4;
	[tilespmem:s4+$0xFFFFFF90] =	vst v61;
	v17 =	vmul.f32 v49, v53  }
0x190: {  	v40 =	vperm.xlane v27, v4;
	v54 =	vld [tilespmem:s4+$0xFFFFFF58];
	v21 =	vmul.f32 v51, v36;
	[tilespmem:s4+$0xFFFFFFA0] =	vst v14  }
0x191: {  	v15 =	vmul.f32 v15, v46;
	v50 =	vld [tilespmem:s4+$0xC0];
	[tilespmem:s4+$0x30] =	vst v17  }
0x192: {  	v23 =	vmul.f32 v35, v40;
	v52 =	vld [tilespmem:s4+$0x90];
	v14 =	vperm.xlane v24, v11;
	[tilespmem:s4+$0x78] =	vst v21  }
0x193: {  	v60 =	vperm.xlane v16, v13;
	v58 =	vld [tilespmem:s4+$0xD8];
	[tilespmem:s4+$0xFFFFFEE0] =	vst v15;
	v15 =	vmul.f32 v62, v25  }
0x194: {  	v55 =	vperm.xlane v28, v12;
	v63 =	vld [tilespmem:s4+$0xA0];
	[tilespmem:s4+$0x0] =	vst v23;
	v14 =	vmul.f32 v43, v14  }
0x195: {  	v19 =	vmul.f32 v54, v60;
	v62 =	vperm.xlane v28, v4;
	[tilespmem:s4+$0xFFFFFF70] =	vst v15;
	v15 =	vld [tilespmem:s4+$0x68]  }
0x196: {  	v39 =	vld [tilespmem:s4+$0x10];
	v32 =	vperm.xlane v28, v7;
	[tilespmem:s4+$0xFFFFFFD8] =	vst v14;
	v14 =	vmul.f32 v50, v55  }
0x197: {  	v38 =	vperm.xlane v28, v8;
	v41 =	vld [tilespmem:s4+$0x58];
	[tilespmem:s4+$0xFFFFFF58] =	vst v19;
	v34 =	vmul.f32 v52, v62  }
0x198: {  	v33 =	vperm.xlane v27, v11;
	v44 =	vld [tilespmem:s4+$0x108];
	v18 =	vmul.f32 v58, v32;
	[tilespmem:s4+$0xC0] =	vst v14  }
0x199: {  	v57 =	vld [tilespmem:s4+$0xB0];
	v43 =	vperm.xlane v27, v8;
	v20 =	vmul.f32 v63, v38;
	[tilespmem:s4+$0x90] =	vst v34  }
0x19a: {  	v45 =	vperm.xlane v27, v9;
	v14 =	vld [tilespmem:s4+$0x20];
	[tilespmem:s4+$0xD8] =	vst v18;
	v15 =	vmul.f32 v15, v33  }
0x19b: {  	v37 =	vld [tilespmem:s4+$0x48];
	v49 =	vperm.xlane v28, v13;
	v17 =	vmul.f32 v39, v43;
	[tilespmem:s4+$0xA0] =	vst v20  }
0x19c: {  	v61 =	vperm.xlane v28, v10;
	v50 =	vmul.f32 v41, v45;
	[tilespmem:s4+$0x68] =	vst v15;
	v15 =	vld [tilespmem:s4+$0xE8]  }
0x19d: {  	v59 =	vld [tilespmem:s4+$0xF8];
	v46 =	vperm.xlane v27, v10;
	v54 =	vmul.f32 v44, v49;
	[tilespmem:s4+$0x10] =	vst v17  }
0x19e: {  	v47 =	vld [tilespmem:s4+$0xFFFFFF28];
	v42 =	vperm.xlane v27, v7;
	v63 =	vmul.f32 v57, v61;
	[tilespmem:s4+$0x58] =	vst v50  }
0x19f: {  	v48 =	vld [tilespmem:s4+$0xFFFFFEF0];
	v51 =	vperm.xlane v28, v9;
	[tilespmem:s4+$0x108] =	vst v54;
	v14 =	vmul.f32 v14, v46  }
0x1a0: {  	v53 =	vperm.xlane v28, v11;
	v52 =	vld [tilespmem:s4+$0xFFFFFF38];
	v18 =	vmul.f32 v37, v42;
	[tilespmem:s4+$0xB0] =	vst v63  }
0x1a1: {  	v56 =	vperm.xlane v16, v7;
	v55 =	vld [tilespmem:s4+$0xFFFFFF48];
	[tilespmem:s4+$0x20] =	vst v14;
	v14 =	vmul.f32 v15, v51  }
0x1a2: {  	v17 =	vmul.f32 v59, v53;
	v59 =	vld [tilespmem:s4+$0xFFFFFF00];
	[tilespmem:s4+$0x48] =	vst v18;
	v15 =	vperm.xlane v16, v8  }
0x1a3: {  	v60 =	vld [tilespmem:s4+$0xFFFFFF10];
	v20 =	vmul.f32 v47, v56;
	[tilespmem:s4+$0xE8] =	vst v14;
	v14 =	vperm.xlane v16, v9  }
0x1a4: {  	v58 =	vperm.xlane v16, v11;
	[tilespmem:s4+$0xF8] =	vst v17;
	v15 =	vmul.f32 v48, v15  }
0x1a5: {  	v62 =	vperm.xlane v16, v10;
	[tilespmem:s4+$0xFFFFFF28] =	vst v20;
	v14 =	vmul.f32 v52, v14  }
0x1a6: {  	v18 =	vmul.f32 v55, v58;
	[tilespmem:s4+$0xFFFFFEF0] =	vst v15;
	v15 =	vperm.xlane v16, v12  }
0x1a7: {  	[tilespmem:s4+$0xFFFFFF38] =	vst v14;
	v14 =	vmul.f32 v59, v62  }
0x1a8: {  	[tilespmem:s4+$0xFFFFFF48] =	vst v18;
	v15 =	vmul.f32 v60, v15  }
0x1a9: {  	[tilespmem:s4+$0xFFFFFF00] =	vst v14  }
0x1aa: {  	[tilespmem:s4+$0xFFFFFF10] =	vst v15  }
0x1ab: {  	[spmem:s3] =	stream.indirect.scatter.add.f32 [tilespmem:s22], [sflag:$0x3], $0x48, s31, s20, $0xb8;
	[tilespmem:$0x1F688] =	vst v63  }
0x1ac: {  	s2 =	sadd.s32 $0x2, s25;
	_ =	swait.ge [sflag:s14], $0x1200  }
0x1ad: {  	p1 =	sge.s32 s2, s15;
	[sflag:s14] =	ssyncset.done $0x0  }
0x1ae: {  	s2 =	sshll.u32 @!p1 s2, $0x6;
	[sflag:s14] =	ssyncadd.s32 $0xFFFFEE00  }
0x1af: {  	v14 =	vld @!p1 [tilespmem:s2+$0x1C508];
	_ =	sdelay $0x4  }
0x1b0: {  	[tilespmem:$0x1CA08] =	vst @!p1 v14;
	v14 =	vadd.s32 @!p1 v0, v14  }
0x1b1: {  	[tilespmem:$0x1C988] =	vst @!p1 v14  }
0x1b2: {  	v14 =	vld @!p1 [tilespmem:s2+$0x1C108];
	_ =	sdelay $0x4  }
0x1b3: {  	[tilespmem:$0x1C908] =	vst @!p1 v14  }
0x1b4: {  	v14 =	vld @!p1 [tilespmem:s2+$0x1C518];
	_ =	sdelay $0x4  }
0x1b5: {  	[tilespmem:$0x1CA18] =	vst @!p1 v14;
	v14 =	vadd.s32 @!p1 v0, v14  }
0x1b6: {  	[tilespmem:$0x1C998] =	vst @!p1 v14  }
0x1b7: {  	v14 =	vld @!p1 [tilespmem:s2+$0x1C118];
	_ =	sdelay $0x4  }
0x1b8: {  	[tilespmem:$0x1C918] =	vst @!p1 v14  }
0x1b9: {  	v14 =	vld @!p1 [tilespmem:s2+$0x1C528];
	_ =	sdelay $0x4  }
0x1ba: {  	[tilespmem:$0x1CA28] =	vst @!p1 v14;
	v14 =	vadd.s32 @!p1 v0, v14  }
0x1bb: {  	[tilespmem:$0x1C9A8] =	vst @!p1 v14  }
0x1bc: {  	v14 =	vld @!p1 [tilespmem:s2+$0x1C128];
	_ =	sdelay $0x4  }
0x1bd: {  	[tilespmem:$0x1C928] =	vst @!p1 v14  }
0x1be: {  	v14 =	vld @!p1 [tilespmem:s2+$0x1C538];
	_ =	sdelay $0x4  }
0x1bf: {  	[tilespmem:$0x1CA38] =	vst @!p1 v14;
	v14 =	vadd.s32 @!p1 v0, v14  }
0x1c0: {  	[tilespmem:$0x1C9B8] =	vst @!p1 v14  }
0x1c1: {  	v14 =	vld @!p1 [tilespmem:s2+$0x1C138];
	_ =	sdelay $0x4  }
0x1c2: {  	s16 =	simm.s32 @!p1 $0x1CA88;
	s4 =	simm.s32 @!p1 $0x1C908;
	s2 =	simm.s32 @!p1 $0x40;
	[tilespmem:$0x1C938] =	vst @!p1 v14  }
0x1c3: {  	[tilespmem:s16], [sflag:$0x1] =	stream.indirect.gather @!p1 [hbm4b:s6+s2], $0x48, s4, s2, $0xb8;
	[tilespmem:$0x1F688] =	vst v63  }
0x1c4: {  	s4 =	simm.s32 @!p1 $0x1C988;
	s16 =	simm.s32 @!p1 $0x1EE88  }
0x1c5: {  	[tilespmem:s16], [sflag:$0x1] =	stream.indirect.gather @!p1 [hbm4b:s7+s2], $0x10, s4, s2, $0xb8;
	[tilespmem:$0x1F688] =	vst v63  }
.LBB2_19:
0x1c6: {  	p1 =	sge.s32 s25, s13  }
.Ltmp15:
0x1c7: {  	_ = 	snop;
	(pc) =	sbr.rel @p1 .LBB2_23-.Ltmp15, $1  }
0x1c8: {  	_ =	sdelay $0x3  }
0x1c9: {  	s2 =	simm.s32 $0x42  }
0x1ca: {  	v14 =	vor.u32 s2, v4  }
0x1cb: {  	_ =	swait.ge [sflag:s0], $0x1200;
	v15 =	vmul.u32 $0x48, v14;
	v14 =	vshll.u32 v14, $0x4  }
0x1cc: {  	[sflag:s0] =	ssyncset.done $0x0;
	v14 =	vor.u32 v6, v14  }
0x1cd: {  	s23 =	simm.s32 $0x44;
	[sflag:s0] =	ssyncadd.s32 $0xFFFFEE00;
	v15 =	vadd.s32 v5, v15  }
0x1ce: {  	s4 =	simm.s32 $0x40;
	v16 =	vor.u32 s23, v4;
	_ =	swait.ge [sflag:s0], $0x400  }
0x1cf: {  	v17 =	vor.u32 s4, v4;
	v18 =	vmul.u32 $0x48, v16;
	v16 =	vshll.u32 v16, $0x4;
	[sflag:s0] =	ssyncset.done $0x0  }
0x1d0: {  	v19 =	vmul.u32 $0x48, v17;
	v17 =	vshll.u32 v17, $0x4;
	v16 =	vor.u32 v6, v16;
	[sflag:s0] =	ssyncadd.s32 $0xFFFFFC00  }
0x1d1: {  	s16 =	simm.s32 $0x46;
	v17 =	vor.u32 v6, v17;
	v14 =	vld.idx.msk [tilespmem:v14+s24+$0x0], $0xffff  }
0x1d2: {  	v20 =	vor.u32 s16, v4;
	v18 =	vadd.s32 v5, v18;
	v21 =	vld.idx.msk [tilespmem:v15+s22+$0x0], $0xffff  }
0x1d3: {  	v22 =	vmul.u32 $0x48, v20;
	v20 =	vshll.u32 v20, $0x4;
	v19 =	vadd.s32 v5, v19  }
0x1d4: {  	v20 =	vor.u32 v6, v20  }
0x1d5: {  	v22 =	vadd.s32 v5, v22;
	v16 =	vld.idx.msk [tilespmem:v16+s24+$0x0], $0xffff  }
0x1d6: {  	v17 =	vld.idx.msk [tilespmem:v17+s24+$0x0], $0xffff  }
0x1d7: {  	v23 =	vld.idx.msk [tilespmem:v18+s22+$0x0], $0xffff;
	v14 =	vadd.f32 v14, v21  }
0x1d8: {  	v24 =	vld.idx.msk [tilespmem:v19+s22+$0x0], $0xffff  }
0x1d9: {  	v20 =	vld.idx.msk [tilespmem:v20+s24+$0x0], $0xffff;
	v25 =	vmul.f32 $2.000000030e-01, v14  }
0x1da: {  	v21 =	vld.idx.msk [tilespmem:v22+s22+$0x0], $0xffff;
	vm0 =	vge.f32 v14, $0.0e+00  }
0x1db: {  	v14 =	vsel vm0, v14, v25  }
0x1dc: {  	v16 =	vadd.f32 v16, v23;
	v14 =	vmul.f32 $1.442695020e+00, v14  }
0x1dd: {  	v17 =	vadd.f32 v17, v24  }
0x1de: {  	(erf) = vpow2.f32 v14;
	v14 =	vmul.f32 $2.000000030e-01, v16  }
0x1df: {  	vm10 =	vge.f32 v16, $0.0e+00;
	v20 =	vadd.f32 v20, v21;
	v21 =	vmul.f32 $2.000000030e-01, v17  }
0x1e0: {  	vm1 =	vge.f32 v17, $0.0e+00;
	v14 =	vsel vm10, v16, v14  }
0x1e1: {  	v16 =	vsel vm1, v17, v21;
	v17 =	vmul.f32 $2.000000030e-01, v20;
	v14 =	vmul.f32 $1.442695020e+00, v14  }
0x1e2: {  	vm11 =	vge.f32 v20, $0.0e+00  }
0x1e3: {  	(erf) = vpow2.f32 v14;
	v14 =	vsel vm11, v20, v17  }
0x1e4: {  	v14 =	vmul.f32 $1.442695020e+00, v14  }
0x1e5: {  	v16 =	vmul.f32 $1.442695020e+00, v16;
	_ =	sdelay $0x1  }
0x1e6: {  	(erf) = vpow2.f32 v16  }
0x1e7: {  	s17 =	simm.s32 $0x4A;
	(erf) = vpow2.f32 v14;
	v14 =	vpop (erf)  }
0x1e8: {  	s28 =	simm.s32 $0x1DEB0;
	v25 =	vor.u32 s17, v4;
	[tilespmem:v15+s22+$0x0] =	vst.idx.msk $0xffff, v14  }
0x1e9: {  	v16 =	vmul.u32 $0x48, v25;
	v17 =	vld [tilespmem:s28+$0xFFFFFE68]  }
0x1ea: {  	v15 =	vld [tilespmem:s28+$0xFFFFFE78]  }
0x1eb: {  	v16 =	vadd.s32 v5, v16;
	v20 =	vld [tilespmem:s28+$0xFFFFFEC0]  }
0x1ec: {  	v23 =	vld [tilespmem:s28+$0xFFFFFEB0]  }
0x1ed: {  	v29 =	vld [tilespmem:s28+$0xFFFFFE88]  }
0x1ee: {  	v21 =	vperm.xlane v14, v4;
	v26 =	vperm.xlane v14, v8;
	v33 =	vld [tilespmem:s28+$0xFFFFFE98]  }
0x1ef: {  	v27 =	vperm.xlane v14, v12;
	v30 =	vperm.xlane v14, v13;
	v42 =	vld [tilespmem:s28+$0xFFFFFEE0];
	v24 =	vpop (erf)  }
0x1f0: {  	s21 =	simm.s32 $0x4C;
	v31 =	vperm.xlane v14, v9;
	v37 =	vperm.xlane v14, v10;
	v44 =	vld.idx.msk [tilespmem:v16+s22+$0x0], $0xffff;
	[tilespmem:v18+s22+$0x0] =	vst.idx.msk $0xffff, v24  }
0x1f1: {  	v32 =	vor.u32 s21, v4;
	v52 =	vperm.xlane v14, v11;
	v41 =	vperm.xlane v24, v11;
	v36 =	vld [tilespmem:s28+$0xFFFFFF70]  }
0x1f2: {  	v28 =	vpop (erf);
	v18 =	vshll.u32 v32, $0x4;
	v56 =	vperm.xlane v24, v12;
	v61 =	vperm.xlane v24, v9;
	v54 =	vld [tilespmem:s28+$0xFFFFFF28]  }
0x1f3: {  	[tilespmem:v19+s22+$0x0] =	vst.idx.msk $0xffff, v28;
	v19 =	vshll.u32 v25, $0x4;
	v40 =	vperm.xlane v28, v4;
	v48 =	vperm.xlane v28, v7;
	v62 =	vld [tilespmem:s28+$0xFFFFFF18]  }
0x1f4: {  	v25 =	vor.u32 v6, v18;
	v35 =	vld [tilespmem:s28+$0xFFFFFDD8];
	v15 =	vmul.f32 v15, v26;
	v18 =	vmul.f32 v20, v31  }
0x1f5: {  	v34 =	vpop (erf);
	v20 =	vld [tilespmem:s28+$0xFFFFFED0];
	v31 =	vor.u32 v6, v19;
	v19 =	vperm.xlane v28, v9;
	v27 =	vmul.f32 v33, v27  }
0x1f6: {  	s23 =	simm.s32 $0x4E;
	v53 =	vmul.f32 v17, v21;
	v29 =	vmul.f32 v29, v37;
	v46 =	vld [tilespmem:s28+$0xFFFFFE50];
	[tilespmem:v22+s22+$0x0] =	vst.idx.msk $0xffff, v34  }
0x1f7: {  	s29 =	simm.s32 $0x48;
	v39 =	vor.u32 s23, v4;
	v30 =	vmul.f32 v42, v30;
	v21 =	vperm.xlane v28, v12;
	v63 =	vld [tilespmem:s28+$0xFFFFFF88]  }
0x1f8: {  	v26 =	vor.u32 s29, v4;
	v22 =	vperm.xlane v14, v7;
	v47 =	vperm.xlane v34, v12;
	v55 =	vld [tilespmem:s28+$0xFFFFFFB8]  }
0x1f9: {  	v38 =	vshll.u32 v26, $0x4;
	v58 =	vperm.xlane v34, v4;
	v50 =	vperm.xlane v34, v11;
	[tilespmem:s28+$0xFFFFFE78] =	vst v15;
	v49 =	vld [tilespmem:s28+$0xFFFFFFD0]  }
0x1fa: {  	v15 =	vmul.u32 $0x48, v32;
	[tilespmem:s28+$0xFFFFFEC0] =	vst v18;
	v18 =	vperm.xlane v34, v10;
	v38 =	vor.u32 v6, v38;
	v25 =	vld.idx.msk [tilespmem:v25+s24+$0x0], $0xffff  }
0x1fb: {  	[tilespmem:s28+$0xFFFFFE98] =	vst v27;
	v43 =	vmul.f32 v23, v22;
	v22 =	vmul.u32 $0x48, v39;
	v23 =	vmul.u32 $0x48, v26;
	v31 =	vld.idx.msk [tilespmem:v31+s24+$0x0], $0xffff  }
0x1fc: {  	[tilespmem:s28+$0xFFFFFE88] =	vst v29;
	v15 =	vadd.s32 v5, v15;
	v37 =	vmul.f32 v54, v56;
	v56 =	vld [tilespmem:s28+$0xFFFFFF40];
	v26 =	vmul.f32 v35, v40  }
0x1fd: {  	v29 =	vperm.xlane v34, v8;
	v14 =	vadd.s32 v5, v22;
	v33 =	vmul.f32 v20, v52;
	[tilespmem:s28+$0xFFFFFEB0] =	vst v43;
	v43 =	vld [tilespmem:s28+$0xFFFFFFF0]  }
0x1fe: {  	v17 =	vadd.s32 v5, v23;
	v20 =	vperm.xlane v28, v10;
	v23 =	vshll.u32 v39, $0x4;
	[tilespmem:s28+$0xFFFFFDD8] =	vst v26;
	v26 =	vld [tilespmem:s28+$0xFFFFFF60]  }
0x1ff: {  	v22 =	vperm.xlane v28, v11;
	v39 =	vperm.xlane v24, v4;
	v45 =	vor.u32 v6, v23;
	v59 =	vld.idx.msk [tilespmem:v38+s24+$0x0], $0xffff  }
0x200: {  	[tilespmem:s28+$0xFFFFFE68] =	vst v53;
	v52 =	vperm.xlane v24, v8;
	v32 =	vmul.f32 v63, v58;
	v58 =	vld [tilespmem:s28+$0xFFFFFF50];
	v31 =	vadd.f32 v31, v44  }
0x201: {  	[tilespmem:s28+$0xFFFFFEE0] =	vst v30;
	v23 =	vperm.xlane v28, v8;
	v28 =	vperm.xlane v28, v13;
	v42 =	vld.idx.msk [tilespmem:v15+s22+$0x0], $0xffff  }
0x202: {  	[tilespmem:s28+$0xFFFFFF28] =	vst v37;
	v40 =	vmul.f32 v55, v47;
	v27 =	vld.idx.msk [tilespmem:v14+s22+$0x0], $0xffff;
	v60 =	vmul.f32 $2.000000030e-01, v31  }
0x203: {  	[tilespmem:s28+$0xFFFFFED0] =	vst v33;
	v63 =	vperm.xlane v34, v7;
	v28 =	vmul.f32 v46, v28;
	v57 =	vld.idx.msk [tilespmem:v17+s22+$0x0], $0xffff;
	vm12 =	vge.f32 v31, $0.0e+00  }
0x204: {  	v46 =	vperm.xlane v24, v7;
	v44 =	vperm.xlane v24, v13;
	v45 =	vld.idx.msk [tilespmem:v45+s24+$0x0], $0xffff;
	v31 =	vsel vm12, v31, v60  }
0x205: {  	[tilespmem:s28+$0xFFFFFE50] =	vst v28;
	v28 =	vmul.f32 v49, v63;
	v30 =	vmul.f32 $1.442695020e+00, v31;
	v31 =	vld [tilespmem:s28+$0xFFFFFF98]  }
0x206: {  	v51 =	vld [tilespmem:s28+$0xFFFFFEF8];
	[tilespmem:s28+$0xFFFFFFB8] =	vst v40;
	v24 =	vperm.xlane v24, v10;
	v35 =	vmul.f32 v56, v46  }
0x207: {  	[tilespmem:s28+$0xFFFFFF88] =	vst v32;
	v63 =	vmul.f32 v43, v50;
	v26 =	vmul.f32 v26, v41  }
0x208: {  	v36 =	vmul.f32 v36, v44;
	[tilespmem:s28+$0xFFFFFFD0] =	vst v28;
	v25 =	vadd.f32 v25, v42;
	(erf) = vpow2.f32 v30;
	v30 =	vld [tilespmem:s28+$0xFFFFFF08]  }
0x209: {  	v24 =	vmul.f32 v62, v24;
	[tilespmem:s28+$0xFFFFFF40] =	vst v35;
	v33 =	vmul.f32 v58, v61;
	v57 =	vadd.f32 v59, v57  }
0x20a: {  	[tilespmem:s28+$0xFFFFFF60] =	vst v26;
	v26 =	vadd.f32 v45, v27;
	v27 =	vmul.f32 v31, v29;
	v29 =	vmul.f32 $2.000000030e-01, v25  }
0x20b: {  	[tilespmem:s28+$0xFFFFFFF0] =	vst v63;
	v59 =	vld [tilespmem:s28+$0x0];
	vm14 =	vge.f32 v25, $0.0e+00;
	v60 =	vmul.f32 $2.000000030e-01, v57;
	v31 =	vmul.f32 v51, v39  }
0x20c: {  	v28 =	vld [tilespmem:s28+$0xFFFFFFE0];
	vm13 =	vge.f32 v57, $0.0e+00;
	v61 =	vmul.f32 $2.000000030e-01, v26;
	[tilespmem:s28+$0xFFFFFF98] =	vst v27;
	v25 =	vsel vm14, v25, v29  }
0x20d: {  	v32 =	vsel vm13, v57, v60;
	[tilespmem:s28+$0xFFFFFEF8] =	vst v31;
	v27 =	vmul.f32 v30, v52;
	v31 =	vld [tilespmem:s28+$0xFFFFFE20];
	v25 =	vmul.f32 $1.442695020e+00, v25  }
0x20e: {  	[tilespmem:s28+$0xFFFFFF70] =	vst v36;
	v32 =	vmul.f32 $1.442695020e+00, v32;
	v30 =	vperm.xlane v34, v13;
	v29 =	vld [tilespmem:s28+$0xFFFFFDE8]  }
0x20f: {  	v37 =	vperm.xlane v34, v9;
	vm15 =	vge.f32 v26, $0.0e+00;
	[tilespmem:s28+$0xFFFFFF08] =	vst v27;
	v27 =	vld [tilespmem:s28+$0xFFFFFE30];
	(erf) = vpow2.f32 v25  }
0x210: {  	[tilespmem:s28+$0xFFFFFF50] =	vst v33;
	v62 =	vsel vm15, v26, v61;
	v25 =	vmul.f32 v59, v30;
	(erf) = vpow2.f32 v32;
	v32 =	vld [tilespmem:s28+$0xFFFFFE40]  }
0x211: {  	[tilespmem:s28+$0xFFFFFF18] =	vst v24;
	v28 =	vmul.f32 v28, v37;
	v34 =	vmul.f32 $1.442695020e+00, v62;
	v30 =	vld [tilespmem:s28+$0xFFFFFFA8];
	v24 =	vpop (erf)  }
0x212: {  	[tilespmem:s28+$0x0] =	vst v25;
	v25 =	vperm.xlane v24, v4;
	v33 =	vmul.f32 v31, v48;
	v31 =	vld [tilespmem:s28+$0xFFFFFE08]  }
0x213: {  	s21 =	simm.s32 $0x4;
	s4 =	simm.s32 $0x1E0F0;
	s23 =	simm.s32 $0x1E0F0;
	[tilespmem:s28+$0xFFFFFFE0] =	vst v28;
	v26 =	vld [tilespmem:s28+$0xFFFFFDF8];
	v28 =	vperm.xlane v24, v8;
	(erf) = vpow2.f32 v34  }
.LBB2_21:
0x214: {  	s21 =	sadd.s32 $0x4, s21;
	v34 =	vperm.xlane v24, v12;
	s29 =	sadd.s32 $0x8, s29;
	s23 =	sadd.s32 $0x240, s23;
	[tilespmem:s28+$0xFFFFFE20] =	vst v33;
	v23 =	vmul.f32 v29, v23  }
0x215: {  	v29 =	vperm.xlane v24, v13;
	p1 =	slt.u32 s21, $0x1C;
	[tilespmem:v16+s22+$0x0] =	vst.idx.msk $0xffff, v24;
	v16 =	vmul.f32 v32, v22  }
0x216: {  	v19 =	vmul.f32 v27, v19;
	v18 =	vmul.f32 v30, v18;
	[tilespmem:s28+$0xFFFFFDE8] =	vst v23  }
0x217: {  	v21 =	vmul.f32 v31, v21;
	v22 =	vperm.xlane v24, v7;
	v23 =	vld [tilespmem:s4+$0xFFFFFE68];
	[tilespmem:s28+$0xFFFFFE40] =	vst v16  }
0x218: {  	v16 =	vmul.f32 v26, v20;
	v30 =	vld [tilespmem:s4+$0xFFFFFEB0];
	v27 =	vpop (erf);
	[tilespmem:s28+$0xFFFFFE30] =	vst v19  }
0x219: {  	s2 =	sadd.s32 $0x2, s29;
	s16 =	sadd.s32 $0x4, s29;
	s17 =	sadd.s32 $0x6, s29;
	v32 =	vperm.xlane v24, v10;
	v20 =	vperm.xlane v24, v9;
	v19 =	vor.u32 s29, v4;
	v31 =	vld [tilespmem:s4+$0xFFFFFE78];
	[tilespmem:v15+s22+$0x0] =	vst.idx.msk $0xffff, v27;
	v33 =	vpop (erf)  }
0x21a: {  	v43 =	vor.u32 s16, v4;
	v35 =	vshll.u32 v19, $0x4;
	v15 =	vor.u32 s2, v4;
	[tilespmem:v17+s22+$0x0] =	vst.idx.msk $0xffff, v33;
	v17 =	vld [tilespmem:s4+$0xFFFFFEC0]  }
0x21b: {  	v38 =	vor.u32 s17, v4;
	v37 =	vmul.u32 $0x48, v43;
	v36 =	vmul.u32 $0x48, v15;
	v39 =	vld [tilespmem:s4+$0xFFFFFE88];
	[tilespmem:s28+$0xFFFFFFA8] =	vst v18  }
0x21c: {  	v40 =	vshll.u32 v43, $0x4;
	v41 =	vperm.xlane v33, v4;
	v18 =	vshll.u32 v15, $0x4;
	v42 =	vld [tilespmem:s4+$0xFFFFFE98];
	v26 =	vpop (erf);
	[tilespmem:s28+$0xFFFFFDF8] =	vst v16  }
0x21d: {  	v15 =	vadd.s32 v5, v37;
	v37 =	vperm.xlane v27, v11;
	v16 =	vadd.s32 v5, v36;
	v36 =	vld [tilespmem:s4+$0xFFFFFDD8];
	[tilespmem:s28+$0xFFFFFE08] =	vst v21;
	s28 =	smov.u32 s4;
	s4 =	smov.u32 s23  }
0x21e: {  	v40 =	vor.u32 v6, v40;
	v21 =	vor.u32 v6, v18;
	v18 =	vmul.f32 v31, v28;
	v28 =	vld [tilespmem:s28+$0xFFFFFF70]  }
0x21f: {  	v19 =	vmul.u32 $0x48, v19;
	v31 =	vor.u32 v6, v35;
	v20 =	vmul.f32 v17, v20;
	v35 =	vld [tilespmem:s28+$0xFFFFFED0];
	[tilespmem:v14+s22+$0x0] =	vst.idx.msk $0xffff, v26  }
0x220: {  	v22 =	vmul.f32 v30, v22;
	v14 =	vmul.u32 $0x48, v38;
	[tilespmem:s28+$0xFFFFFE78] =	vst v18;
	v30 =	vld [tilespmem:s28+$0xFFFFFF88];
	v18 =	vperm.xlane v26, v10  }
0x221: {  	v17 =	vadd.s32 v5, v19;
	v19 =	vperm.xlane v33, v9;
	[tilespmem:s28+$0xFFFFFEC0] =	vst v20;
	v20 =	vld [tilespmem:s28+$0xFFFFFEE0];
	v34 =	vmul.f32 v42, v34  }
0x222: {  	v38 =	vshll.u32 v38, $0x4;
	v14 =	vadd.s32 v5, v14;
	v42 =	vld.idx.msk [tilespmem:v16+s22+$0x0], $0xffff;
	v36 =	vmul.f32 v36, v41  }
0x223: {  	v38 =	vor.u32 v6, v38;
	v40 =	vld.idx.msk [tilespmem:v40+s24+$0x0], $0xffff;
	[tilespmem:s28+$0xFFFFFE98] =	vst v34  }
0x224: {  	v23 =	vmul.f32 v23, v25;
	v34 =	vld.idx.msk [tilespmem:v21+s24+$0x0], $0xffff;
	[tilespmem:s28+$0xFFFFFDD8] =	vst v36;
	v21 =	vperm.xlane v24, v11  }
0x225: {  	v24 =	vmul.f32 v39, v32;
	v25 =	vld [tilespmem:s28+$0xFFFFFF28]  }
0x226: {  	[tilespmem:s28+$0xFFFFFEB0] =	vst v22;
	v32 =	vmul.f32 v35, v21;
	v29 =	vmul.f32 v20, v29;
	v35 =	vld [tilespmem:s28+$0xFFFFFFB8]  }
0x227: {  	v20 =	vperm.xlane v33, v10;
	v21 =	vperm.xlane v33, v12;
	v36 =	vld.idx.msk [tilespmem:v15+s22+$0x0], $0xffff;
	[tilespmem:s28+$0xFFFFFE68] =	vst v23  }
0x228: {  	v39 =	vperm.xlane v27, v12;
	v22 =	vperm.xlane v33, v11;
	[tilespmem:s28+$0xFFFFFED0] =	vst v32;
	v32 =	vld [tilespmem:s28+$0xFFFFFF60]  }
0x229: {  	v23 =	vperm.xlane v33, v8;
	v41 =	vld [tilespmem:s28+$0xFFFFFE50];
	[tilespmem:s28+$0xFFFFFEE0] =	vst v29;
	v29 =	vperm.xlane v26, v12  }
0x22a: {  	v44 =	vperm.xlane v33, v7;
	v43 =	vld.idx.msk [tilespmem:v14+s22+$0x0], $0xffff;
	[tilespmem:s28+$0xFFFFFE88] =	vst v24;
	v24 =	vmul.f32 v25, v39  }
0x22b: {  	v25 =	vperm.xlane v27, v4;
	v39 =	vld [tilespmem:s28+$0xFFFFFFF0];
	v29 =	vmul.f32 v35, v29  }
0x22c: {  	v33 =	vperm.xlane v33, v13;
	v34 =	vadd.f32 v34, v42;
	v42 =	vperm.xlane v27, v13;
	v35 =	vld.idx.msk [tilespmem:v17+s22+$0x0], $0xffff  }
0x22d: {  	v45 =	vperm.xlane v26, v4;
	v47 =	vperm.xlane v26, v11;
	v46 =	vld [tilespmem:s28+$0xFFFFFFD0];
	[tilespmem:s28+$0xFFFFFFB8] =	vst v29  }
0x22e: {  	v29 =	vld.idx.msk [tilespmem:v31+s24+$0x0], $0xffff;
	v31 =	vmul.f32 $2.000000030e-01, v34;
	v33 =	vmul.f32 v41, v33  }
0x22f: {  	v48 =	vperm.xlane v26, v9;
	vm0 =	vge.f32 v34, $0.0e+00;
	v41 =	vperm.xlane v27, v7;
	v38 =	vld.idx.msk [tilespmem:v38+s24+$0x0], $0xffff;
	[tilespmem:s28+$0xFFFFFF28] =	vst v24  }
0x230: {  	v30 =	vmul.f32 v30, v45;
	v24 =	vsel vm0, v34, v31;
	[tilespmem:s28+$0xFFFFFE50] =	vst v33;
	v31 =	vperm.xlane v27, v9;
	v33 =	vld [tilespmem:s28+$0xFFFFFF18]  }
0x231: {  	v34 =	vperm.xlane v26, v8;
	v24 =	vmul.f32 $1.442695020e+00, v24;
	v45 =	vld [tilespmem:s28+$0xFFFFFF98]  }
0x232: {  	v50 =	vperm.xlane v27, v8;
	v51 =	vperm.xlane v26, v7;
	v49 =	vld [tilespmem:s28+$0xFFFFFEF8];
	[tilespmem:s28+$0xFFFFFF88] =	vst v30  }
0x233: {  	v32 =	vmul.f32 v32, v37;
	v27 =	vperm.xlane v27, v10;
	v30 =	vld [tilespmem:s28+$0xFFFFFF40]  }
0x234: {  	v37 =	vmul.f32 v46, v51;
	(erf) = vpow2.f32 v24;
	v24 =	vld [tilespmem:s28+$0xFFFFFF08]  }
0x235: {  	v28 =	vmul.f32 v28, v42;
	v35 =	vadd.f32 v29, v35;
	v29 =	vadd.f32 v40, v36;
	v36 =	vld [tilespmem:s28+$0xFFFFFF50];
	[tilespmem:s28+$0xFFFFFF60] =	vst v32  }
0x236: {  	v32 =	vadd.f32 v38, v43;
	v33 =	vmul.f32 v33, v27;
	[tilespmem:s28+$0xFFFFFFD0] =	vst v37;
	v37 =	vld [tilespmem:s28+$0xFFFFFFE0];
	v27 =	vmul.f32 v45, v34  }
0x237: {  	vm0 =	vge.f32 v35, $0.0e+00;
	v34 =	vmul.f32 $2.000000030e-01, v29;
	v25 =	vmul.f32 v49, v25;
	[tilespmem:s28+$0xFFFFFF70] =	vst v28;
	v28 =	vld [tilespmem:s28+$0x0]  }
0x238: {  	v38 =	vmul.f32 $2.000000030e-01, v35;
	vm1 =	vge.f32 v29, $0.0e+00;
	v40 =	vld [tilespmem:s28+$0xFFFFFE20];
	v30 =	vmul.f32 v30, v41;
	[tilespmem:s28+$0xFFFFFF98] =	vst v27  }
0x239: {  	v27 =	vsel vm1, v29, v34;
	v29 =	vld [tilespmem:s28+$0xFFFFFDE8];
	[tilespmem:s28+$0xFFFFFEF8] =	vst v25;
	v24 =	vmul.f32 v24, v50;
	v25 =	vperm.xlane v26, v13  }
0x23a: {  	v26 =	vsel vm0, v35, v38;
	v34 =	vmul.f32 $1.442695020e+00, v27;
	v27 =	vld [tilespmem:s28+$0xFFFFFE30];
	[tilespmem:s28+$0xFFFFFF40] =	vst v30;
	v31 =	vmul.f32 v36, v31  }
0x23b: {  	v35 =	vmul.f32 $1.442695020e+00, v26;
	v36 =	vmul.f32 $2.000000030e-01, v32;
	[tilespmem:s28+$0xFFFFFF08] =	vst v24;
	v30 =	vld [tilespmem:s28+$0xFFFFFFA8]  }
.Ltmp16:
0x23c: {  	vm0 =	vge.f32 v32, $0.0e+00;
	(erf) = vpow2.f32 v34;
	v26 =	vld [tilespmem:s28+$0xFFFFFDF8];
	[tilespmem:s28+$0xFFFFFF50] =	vst v31;
	v25 =	vmul.f32 v28, v25;
	(pc) =	sbr.rel @p1 .LBB2_21-.Ltmp16, $4  }
0x23d: {  	v28 =	vsel vm0, v32, v36;
	v34 =	vmul.f32 v37, v48;
	(erf) = vpow2.f32 v35;
	v24 =	vpop (erf);
	v32 =	vld [tilespmem:s28+$0xFFFFFE40];
	[tilespmem:s28+$0xFFFFFF18] =	vst v33  }
0x23e: {  	v36 =	vmul.f32 v39, v47;
	v35 =	vmul.f32 $1.442695020e+00, v28;
	v31 =	vld [tilespmem:s28+$0xFFFFFE08];
	[tilespmem:s28+$0x0] =	vst v25  }
0x23f: {  	v33 =	vmul.f32 v40, v44;
	v25 =	vperm.xlane v24, v4;
	[tilespmem:s28+$0xFFFFFFE0] =	vst v34  }
0x240: {  	v28 =	vperm.xlane v24, v8;
	(erf) = vpow2.f32 v35;
	[tilespmem:s28+$0xFFFFFFF0] =	vst v36  }
.Ltmp17:
0x241: {  	_ = 	snop;
	(pc) =	sbr.rel .LBB2_22-.Ltmp17, $1  }
0x242: {  	_ =	sdelay $0x3  }
.LBB2_26:
0x243: {  	_ =	sfence.sel $0x180000  }
0x244: {  	[bflag:$0x0] =	sbarrier.arrive $0xFFFF  }
0x245: {  	_ =	strace $0x90000047  }
0x246: {  	s0 =	stileid.u32;
	[bflag:$0x2] =	sbarrier.arrive $0xFFFF  }
0x247: {  	p0 =	sne.s32 s0, $0x0;
	s0 =	rddreg [dreg:$0x3]  }
0x248: {  	s0 =	sadd.s32 @!p0 $0x100000, s0  }
0x249: {  	[sflag:s0] =	ssyncadd.tile.s32 @!p0 $0x1;
	_ =	shalt  }
.Lfunc_end2:
_tile_overlayer_lowered:
.L_overlay_start_2:
0x24a: {  	(tag) =	ssettag $0x2  }
0x24b: {  	s0 =	rddreg [dreg:$0x0];
	s2 =	stileid.u32  }
0x24c: {  	s1 =	rddreg [dreg:$0x1];
	p0 =	sne.s32 s2, $0x0  }
0x24d: {  	s3 =	rddreg [dreg:$0x2];
	[bflag:$0x3] =	sbarrier.arrive $0xFFFF;
	s2 =	simm.s32 @!p0 $0x1C03  }
0x24e: {  	[timem:s3], [sflag:s2] =	dma.local @!p0 [hbm:s0], s1  }
0x24f: {  	s0 =	simm.s32 @!p0 $0x3  }
0x250: {  	_ =	swait.ge @!p0 [sflag:s0], s1  }
0x251: {  	s1 =	ssub.s32 @!p0 $0x0, s1;
	[sflag:s0] =	ssyncset.done @!p0 $0x0  }
0x252: {  	[sflag:s0] =	ssyncadd.s32 @!p0 s1  }
0x253: {  	[bflag:$0x3] =	sbarrier.arrive $0xFFFF  }
0x254: {  	_ =	shalt  }

</sc_bundles>
